<compile_context>
chip_gen: v7x
topology: tpu7x:2x2x1
jax: 0.10.2.dev20260603
libtpu: 0.0.44.dev20260713+nightly
codegen_flags: <defaults>
</compile_context>

<pallas_src>
import functools

import jax
import jax.numpy as jnp
from jax import lax
from jax.experimental import pallas as pl
from jax.experimental.pallas import tpu as pltpu
from jax.experimental.pallas import tpu_sc as plsc

B, N, K = 2, 2048, 16
IN_CH, CH, NB, NCLS = 6, 64, 3, 40

_HI = jax.lax.Precision.HIGHEST
_BIG = 3.0e38


_KT = 512


def _knn_body(tile_ref, full_ref, idx_ref):
    b = pl.program_id(0)
    pt = tile_ref[0]
    pf = full_ref[0]
    sqt = jnp.sum(pt * pt, axis=1, keepdims=True)
    sqf = jnp.sum(pf * pf, axis=1, keepdims=True)
    cross = lax.dot_general(pt, pf, (((1,), (1,)), ((), ())),
                            preferred_element_type=jnp.float32)
    d = sqt - 2.0 * cross + jnp.transpose(sqf)
    colid = lax.broadcasted_iota(jnp.int32, (_KT, N), 1)
    cols = []
    for _ in range(K):
        m = jnp.min(d, axis=1, keepdims=True)
        cand = jnp.where(d == m, colid, N)
        a = jnp.min(cand, axis=1, keepdims=True)
        cols.append(a)
        d = jnp.where(colid == a, _BIG, d)
    idx_ref[0] = jnp.concatenate(cols, axis=1) + b * N


def _knn_topk(pts):
    grid = (pts.shape[0], N // _KT)
    return pl.pallas_call(
        _knn_body,
        grid=grid,
        in_specs=[
            pl.BlockSpec((1, _KT, 3), lambda b, t: (b, t, 0)),
            pl.BlockSpec((1, N, 3), lambda b, t: (b, 0, 0)),
        ],
        out_specs=pl.BlockSpec((1, _KT, K), lambda b, t: (b, t, 0)),
        out_shape=jax.ShapeDtypeStruct((pts.shape[0], N, K), jnp.int32),
    )(pts, pts)



_GCH = 128
_GNB = 4
_GD = 2
_GPAD = 128


def _pad_cols(w):
    r, c = w.shape
    return jnp.concatenate([w, jnp.zeros((r, _GPAD - c), w.dtype)], axis=1)


def _sc_gather(table, idx, c):
    info = plsc.get_sparse_core_info()
    nw = info.num_cores * info.num_subcores
    e = idx.shape[0]
    per_w = e // nw
    nch = per_w // _GCH
    mesh = plsc.VectorSubcoreMesh(core_axis_name="c", subcore_axis_name="s")

    @functools.partial(
        pl.kernel,
        mesh=mesh,
        out_type=jax.ShapeDtypeStruct((e, c), jnp.float32),
        scratch_types=[
            pltpu.VMEM((per_w,), jnp.int32),
            pltpu.VMEM((_GNB, _GCH, c), jnp.float32),
        ] + [pltpu.SemaphoreType.DMA] * (2 * _GNB),
    )
    def gk(table_hbm, idx_hbm, out_hbm, idx_v, rows_v, *sems):
        wid = lax.axis_index("s") * info.num_cores + lax.axis_index("c")
        base = wid * per_w
        gsem, wsem = sems[:_GNB], sems[_GNB:]
        pltpu.sync_copy(idx_hbm.at[pl.ds(base, per_w)], idx_v)
        gh = [None] * _GNB
        wh = [None] * _GNB

        def writeback(t):
            pb = t % _GNB
            gh[pb].wait()
            wh[pb] = pltpu.async_copy(
                rows_v.at[pb],
                out_hbm.at[pl.ds(base + t * _GCH, _GCH)], wsem[pb])

        for j in range(nch):
            b = j % _GNB
            if wh[b] is not None:
                wh[b].wait()
            gh[b] = pltpu.async_copy(
                table_hbm.at[idx_v.at[pl.ds(j * _GCH, _GCH)]],
                rows_v.at[b], gsem[b])
            if j >= _GD:
                writeback(j - _GD)
        for t in range(max(nch - _GD, 0), nch):
            writeback(t)
        for b in range(_GNB):
            if wh[b] is not None:
                wh[b].wait()

    return gk(table, idx)



_MT = 512


def _head_body(x_ref, xg_ref, w1T_ref, e1b_ref, w2T_ref, e2b_ref,
               n1T_ref, n1b_ref, n2T_ref, n2b_ref,
               e_ref, h_ref):
    xt = x_ref[0]
    xj = xg_ref[0][:, :, :IN_CH]
    xn = jnp.broadcast_to(xt[:, None, :], (_MT, K, IN_CH))
    cat = jnp.concatenate([xn, xn - xj, xn, xj], axis=2).reshape(_MT * K, 4 * IN_CH)
    e1 = jax.nn.relu(
        jnp.dot(cat, w1T_ref[...], preferred_element_type=jnp.float32)
        + e1b_ref[...])
    e2 = jax.nn.relu(
        jnp.dot(e1, w2T_ref[...], preferred_element_type=jnp.float32)
        + e2b_ref[...])
    out = e2.shape[-1]
    e_ref[0] = e2.reshape(_MT, K, out)
    msum = jnp.sum(e2.reshape(_MT, K, out), axis=1)
    zcat = jnp.concatenate([xt, msum], axis=1)
    z = jax.nn.relu(
        jnp.dot(zcat, n1T_ref[...], preferred_element_type=jnp.float32)
        + n1b_ref[...])
    h_ref[0] = jax.nn.relu(
        jnp.dot(z, n2T_ref[...], preferred_element_type=jnp.float32)
        + n2b_ref[...])


def _block_body(h_ref, e_ref, vg_ref, w1T_ref, e1b_ref, w2T_ref, e2b_ref,
                n1T_ref, n1b_ref, n2T_ref, n2b_ref, *out_refs, emit_edges):
    h = h_ref[0]
    c_in = h.shape[-1]
    hj = vg_ref[0][:, :, :c_in]
    hn = jnp.broadcast_to(h[:, None, :], (_MT, K, c_in))
    cat = jnp.concatenate([e_ref[0], hn, hj], axis=2).reshape(_MT * K, 3 * c_in)
    e1 = jax.nn.relu(
        jnp.dot(cat, w1T_ref[...], preferred_element_type=jnp.float32)
        + e1b_ref[...])
    e2 = jax.nn.relu(
        jnp.dot(e1, w2T_ref[...], preferred_element_type=jnp.float32)
        + e2b_ref[...])
    out = e2.shape[-1]
    msum = jnp.sum(e2.reshape(_MT, K, out), axis=1)
    zcat = jnp.concatenate([h, msum], axis=1)
    z = jax.nn.relu(
        jnp.dot(zcat, n1T_ref[...], preferred_element_type=jnp.float32)
        + n1b_ref[...])
    hnew = jax.nn.relu(
        jnp.dot(z, n2T_ref[...], preferred_element_type=jnp.float32)
        + n2b_ref[...])
    if emit_edges:
        e_out_ref, h_out_ref = out_refs
        e_out_ref[0] = e2.reshape(_MT, K, out)
    else:
        (h_out_ref,) = out_refs
    h_out_ref[0] = hnew


def _full_spec(shape):
    return pl.BlockSpec(shape, lambda b, t: tuple(0 for _ in shape))


def _run_head(x, xg, w):
    nb = x.shape[0]
    grid = (nb, N // _MT)
    out = w["w2T"].shape[1]
    return pl.pallas_call(
        _head_body,
        grid=grid,
        in_specs=[
            pl.BlockSpec((1, _MT, IN_CH), lambda b, t: (b, t, 0)),
            pl.BlockSpec((1, _MT, K, _GPAD), lambda b, t: (b, t, 0, 0)),
            _full_spec(w["w1T"].shape), _full_spec(w["e1b"].shape),
            _full_spec(w["w2T"].shape), _full_spec(w["e2b"].shape),
            _full_spec(w["n1T"].shape), _full_spec(w["n1b"].shape),
            _full_spec(w["n2T"].shape), _full_spec(w["n2b"].shape),
        ],
        out_specs=[
            pl.BlockSpec((1, _MT, K, out), lambda b, t: (b, t, 0, 0)),
            pl.BlockSpec((1, _MT, out), lambda b, t: (b, t, 0)),
        ],
        out_shape=[
            jax.ShapeDtypeStruct((nb, N, K, out), jnp.float32),
            jax.ShapeDtypeStruct((nb, N, out), jnp.float32),
        ],
    )(x, xg, w["w1T"], w["e1b"], w["w2T"], w["e2b"], w["n1T"], w["n1b"],
      w["n2T"], w["n2b"])


def _run_block(h, e, hg, w, emit_edges):
    nb = h.shape[0]
    grid = (nb, N // _MT)
    c_in = h.shape[-1]
    out = w["w2T"].shape[1]
    out_specs = [pl.BlockSpec((1, _MT, out), lambda b, t: (b, t, 0))]
    out_shape = [jax.ShapeDtypeStruct((nb, N, out), jnp.float32)]
    if emit_edges:
        out_specs = [
            pl.BlockSpec((1, _MT, K, out), lambda b, t: (b, t, 0, 0)),
            out_specs[0],
        ]
        out_shape = [
            jax.ShapeDtypeStruct((nb, N, K, out), jnp.float32),
            out_shape[0],
        ]
    return pl.pallas_call(
        functools.partial(_block_body, emit_edges=emit_edges),
        grid=grid,
        in_specs=[
            pl.BlockSpec((1, _MT, c_in), lambda b, t: (b, t, 0)),
            pl.BlockSpec((1, _MT, K, c_in), lambda b, t: (b, t, 0, 0)),
            pl.BlockSpec((1, _MT, K, _GPAD), lambda b, t: (b, t, 0, 0)),
            _full_spec(w["w1T"].shape), _full_spec(w["e1b"].shape),
            _full_spec(w["w2T"].shape), _full_spec(w["e2b"].shape),
            _full_spec(w["n1T"].shape), _full_spec(w["n1b"].shape),
            _full_spec(w["n2T"].shape), _full_spec(w["n2b"].shape),
        ],
        out_specs=out_specs,
        out_shape=out_shape,
    )(h, e, hg, w["w1T"], w["e1b"], w["w2T"], w["e2b"], w["n1T"], w["n1b"],
      w["n2T"], w["n2b"])



def _fusion_body(h1_ref, h2_ref, h3_ref, fT_ref, fb_ref,
                 p0T_ref, p0b_ref, p1T_ref, p1b_ref, p2T_ref, p2b_ref,
                 out_ref):
    cat = jnp.concatenate([h1_ref[0], h2_ref[0], h3_ref[0]], axis=1)
    f = jax.nn.relu(
        jnp.dot(cat, fT_ref[...], preferred_element_type=jnp.float32)
        + fb_ref[...])
    g = jnp.max(f, axis=0, keepdims=True)
    g = jax.nn.relu(
        jnp.dot(g, p0T_ref[...], preferred_element_type=jnp.float32) + p0b_ref[...])
    g = jax.nn.relu(
        jnp.dot(g, p1T_ref[...], preferred_element_type=jnp.float32) + p1b_ref[...])
    out_ref[0] = (
        jnp.dot(g, p2T_ref[...], preferred_element_type=jnp.float32) + p2b_ref[...])


def _run_fusion(h1, h2, h3, w):
    return pl.pallas_call(
        _fusion_body,
        grid=(h1.shape[0],),
        in_specs=[
            pl.BlockSpec((1, N, h1.shape[-1]), lambda b: (b, 0, 0)),
            pl.BlockSpec((1, N, h2.shape[-1]), lambda b: (b, 0, 0)),
            pl.BlockSpec((1, N, h3.shape[-1]), lambda b: (b, 0, 0)),
            pl.BlockSpec(w["fT"].shape, lambda b: (0, 0)),
            pl.BlockSpec(w["fb"].shape, lambda b: (0, 0)),
            pl.BlockSpec(w["p0T"].shape, lambda b: (0, 0)),
            pl.BlockSpec(w["p0b"].shape, lambda b: (0, 0)),
            pl.BlockSpec(w["p1T"].shape, lambda b: (0, 0)),
            pl.BlockSpec(w["p1b"].shape, lambda b: (0, 0)),
            pl.BlockSpec(w["p2T"].shape, lambda b: (0, 0)),
            pl.BlockSpec(w["p2b"].shape, lambda b: (0, 0)),
        ],
        out_specs=pl.BlockSpec((1, 1, NCLS), lambda b: (b, 0, 0)),
        out_shape=jax.ShapeDtypeStruct((h1.shape[0], 1, NCLS), jnp.float32),
    )(h1, h2, h3, w["fT"], w["fb"], w["p0T"], w["p0b"],
      w["p1T"], w["p1b"], w["p2T"], w["p2b"])



def _row(v):
    return v.reshape(1, -1)


def _prep_mp(p):
    return {
        "w1T": p["we1"].T, "e1b": _row(p["be1"]),
        "w2T": p["we2"].T, "e2b": _row(p["be2"]),
        "n1T": p["wn1"].T, "n1b": _row(p["bn1"]),
        "n2T": p["wn2"].T, "n2b": _row(p["bn2"]),
    }



def kernel(inputs, params):
    x = jnp.transpose(inputs[:, :, :, 0], (0, 2, 1))

    hw = _prep_mp(params["head"])
    b0 = _prep_mp(params["blocks"][0])
    b1 = _prep_mp(params["blocks"][1])
    fw = {
        "fT": params["fusion_w"].T, "fb": _row(params["fusion_b"]),
        "p0T": params["pred"][0]["w"].T, "p0b": _row(params["pred"][0]["b"]),
        "p1T": params["pred"][1]["w"].T, "p1b": _row(params["pred"][1]["b"]),
        "p2T": params["pred"][2]["w"].T, "p2b": _row(params["pred"][2]["b"]),
    }

    idx_flat = _knn_topk(x[:, :, 0:3]).reshape(B * N * K)

    xg = _sc_gather(_pad_cols(x.reshape(B * N, IN_CH)), idx_flat,
                    _GPAD).reshape(B, N, K, _GPAD)
    e_h, h1 = _run_head(x, xg, hw)

    h1g = _sc_gather(_pad_cols(h1.reshape(B * N, CH)), idx_flat,
                     _GPAD).reshape(B, N, K, _GPAD)
    e0, h2 = _run_block(h1, e_h, h1g, b0, emit_edges=True)

    h2g = _sc_gather(h2.reshape(B * N, 2 * CH), idx_flat,
                     2 * CH).reshape(B, N, K, 2 * CH)
    (h3,) = _run_block(h2, e0, h2g, b1, emit_edges=False)

    out = _run_fusion(h1, h2, h3, fw)
    return jnp.transpose(out, (0, 2, 1)), inputs

# --- scband reference (transcript-rebuilt; emitter-appended) ---
"""Pipeline reference for scband-classification-graph-nn-44332652429896 (READ-ONLY COPY).

The authoritative reference and input builder live on the scoring server;
editing this copy changes nothing except your own understanding.
"""

import jax, jax.numpy as jnp
import numpy as np

B, N, K = 2, 2048, 16
IN_CH, CH, NB, NCLS = 6, 64, 3, 40


def _mk(key, shape, fan_in):
    return (jax.random.normal(key, shape) * (2.0 / fan_in) ** 0.5).astype(jnp.float32)


def _mp_params(key, in_node, in_edge, m, out):
    ks = jax.random.split(key, 4)
    ce = in_edge + 2 * in_node
    cn = in_node + out
    return {
        'we1': _mk(ks[0], (m, ce), ce), 'be1': jnp.zeros((m,), jnp.float32),
        'we2': _mk(ks[1], (out, m), m), 'be2': jnp.zeros((out,), jnp.float32),
        'wn1': _mk(ks[2], (m, cn), cn), 'bn1': jnp.zeros((m,), jnp.float32),
        'wn2': _mk(ks[3], (out, m), m), 'bn2': jnp.zeros((out,), jnp.float32),
    }


def setup_inputs(seed: int = 0):
    key = jax.random.key(seed)
    ks = jax.random.split(key, 16)
    inputs = jax.random.normal(ks[0], (B, IN_CH, N, 1), dtype=jnp.float32)
    blocks = [_mp_params(ks[2 + i], CH * (i + 1), CH * (i + 1), int(0.75 * CH * (i + 1)), CH * (i + 2)) for i in range(NB - 1)]
    fusion_dims = int(sum(CH * (i + 1) for i in range(NB)))
    pred_dims = [(512, 256), (256, 128), (128, NCLS)]
    params = {
        'head': _mp_params(ks[1], IN_CH, 2 * IN_CH, CH // 2, CH),
        'blocks': blocks,
        'fusion_w': _mk(ks[6], (512, fusion_dims), fusion_dims),
        'fusion_b': jnp.zeros((512,), jnp.float32),
        'pred': [{'w': _mk(ks[7 + j], (o, c), c), 'b': jnp.zeros((o,), jnp.float32)} for j, (c, o) in enumerate(pred_dims)],
    }
    return {'inputs': inputs, 'params': params}


def conv(x, w, b):
    # 1x1 Conv2d: x [B,Cin,N,K], w [Cout,Cin], b [Cout]
    return jnp.einsum('oc,bcnk->bonk', w, x) + b[None, :, None, None]


def bis(x, idx):
    # batched_index_select: x [B,C,N,1], idx [B,N,k] -> [B,C,N,k]
    xs = x[:, :, :, 0]
    return jax.vmap(lambda xb, ib: xb[:, ib])(xs, idx)


def dense_knn(x, k):
    # DenseKnnGraph on xyz coords: x [B,C,N,1] -> edge_index [2,B,N,k]
    pts = jnp.transpose(x[:, 0:3, :, 0], (0, 2, 1))  # [B,N,3]
    sq = jnp.sum(pts * pts, axis=-1)
    dist = sq[:, :, None] - 2.0 * jnp.einsum('bnc,bmc->bnm', pts, pts) + sq[:, None, :]
    _, nn_idx = jax.lax.top_k(-dist, k)  # [B,N,k]
    center = jnp.broadcast_to(jnp.arange(pts.shape[1])[None, :, None], nn_idx.shape)
    return jnp.stack([nn_idx, center], axis=0)


def mp_block(node_feat, e_ij, edge_index, p):
    h_i = bis(node_feat, edge_index[1])
    h_j = bis(node_feat, edge_index[0])
    e = jax.nn.relu(conv(jnp.concatenate([e_ij, h_i, h_j], axis=1), p['we1'], p['be1']))
    e = jax.nn.relu(conv(e, p['we2'], p['be2']))
    m = jnp.sum(e, axis=3, keepdims=True)
    m = jnp.broadcast_to(m, (e.shape[0], e.shape[1], e.shape[2], h_i.shape[-1]))
    h = jax.nn.relu(conv(jnp.concatenate([h_i, m], axis=1), p['wn1'], p['bn1']))
    h = jax.nn.relu(conv(h, p['wn2'], p['bn2']))
    return h[:, :, :, 0:1], e


def _forward(inputs, params):
    edge_index = dense_knn(inputs, K)  # knn_criterion == 'xyz'
    gh_i = bis(inputs, edge_index[1])
    gh_j = bis(inputs, edge_index[0])
    e_ij = jnp.concatenate([gh_i, gh_i - gh_j], axis=1)
    h, e = mp_block(inputs, e_ij, edge_index, params['head'])
    feats = [h]
    for i in range(NB - 1):
        h, e = mp_block(h, e, edge_index, params['blocks'][i])
        feats.append(h)
    f = jnp.concatenate(feats, axis=1)
    f = jax.nn.relu(conv(f, params['fusion_w'], params['fusion_b']))
    f = jnp.max(f, axis=(2, 3), keepdims=True)  # max_pool2d over [N,1]
    n_pred = len(params['pred'])
    for j, pr in enumerate(params['pred']):
        f = conv(f, pr['w'], pr['b'])
        if j < n_pred - 1:
            f = jax.nn.relu(f)
    return f[:, :, :, 0]  # squeeze(-1) -> [B, n_classes, 1]


def reference(inputs, params):
    out = _forward(inputs, params)
    edge_features = inputs  # knn_criterion == 'xyz' path
    return (out, edge_features)

if __name__ == "__main__":
    import jax
    _d = setup_inputs()
    print(jax.jit(kernel)(*tuple(_d.values())))

</pallas_src>

<mosaic_0001>
#map = affine_map<(d0, d1) -> (0, 0)>
#map1 = affine_map<(d0, d1) -> (0)>
module attributes {stable_mosaic.version = 14 : i64} {
  func.func @gk(%arg0: i32, %arg1: i32, %arg2: memref<4096x128xf32, #tpu.memory_space<hbm>>, %arg3: memref<65536xi32, #tpu.memory_space<hbm>>, %arg4: memref<65536x128xf32, #tpu.memory_space<hbm>>, %arg5: memref<2048xi32, #tpu.memory_space<vmem>>, %arg6: memref<4x128x128xf32, #tpu.memory_space<vmem>>, %arg7: memref<!tpu.dma_semaphore, #tpu.memory_space<semaphore_mem>>, %arg8: memref<!tpu.dma_semaphore, #tpu.memory_space<semaphore_mem>>, %arg9: memref<!tpu.dma_semaphore, #tpu.memory_space<semaphore_mem>>, %arg10: memref<!tpu.dma_semaphore, #tpu.memory_space<semaphore_mem>>, %arg11: memref<!tpu.dma_semaphore, #tpu.memory_space<semaphore_mem>>, %arg12: memref<!tpu.dma_semaphore, #tpu.memory_space<semaphore_mem>>, %arg13: memref<!tpu.dma_semaphore, #tpu.memory_space<semaphore_mem>>, %arg14: memref<!tpu.dma_semaphore, #tpu.memory_space<semaphore_mem>>) attributes {dimension_semantics = [#tpu.dimension_semantics<core_parallel>, #tpu.dimension_semantics<subcore_parallel>], iteration_bounds = array<i64: 2, 16>, scalar_prefetch = 0 : i64, scratch_operands = 10 : i64, tpu.core_type = #tpu.core_type<sc_vector_subcore>, window_params = [{transform_indices = #map}, {transform_indices = #map1}, {transform_indices = #map}]} {
    %mul3A = arith.constant 2 : i32
    %mul3A_0 = arith.muli %arg1, %mul3A : i32
    %add3A = arith.addi %mul3A_0, %arg0 : i32
    %mul3A_1 = arith.constant 2048 : i32
    %mul3A_2 = arith.muli %add3A, %mul3A_1 : i32
    "tpu.region"() ({
      %run_scoped3A = tpu.sem_alloc : memref<!tpu.dma_semaphore, #tpu.memory_space<semaphore_mem>>
      %dma_start3A_769 = tpu.memref_slice %arg3[%mul3A_2] : memref<65536xi32, #tpu.memory_space<hbm>> -> memref<2048xi32, #tpu.memory_space<hbm>>
      %dma_start3A_770 = tpu.memref_slice %arg3[%mul3A_2] : memref<65536xi32, #tpu.memory_space<hbm>> -> memref<2048xi32, #tpu.memory_space<hbm>>
      tpu.enqueue_dma source(%dma_start3A_770 : memref<2048xi32, #tpu.memory_space<hbm>>) target(%arg5 : memref<2048xi32, #tpu.memory_space<vmem>>) target_semaphore(%run_scoped3A : memref<!tpu.dma_semaphore, #tpu.memory_space<semaphore_mem>>)
      %dma_wait3A_771 = tpu.memref_slice %arg3[%mul3A_2] : memref<65536xi32, #tpu.memory_space<hbm>> -> memref<2048xi32, #tpu.memory_space<hbm>>
      %dma_wait3A_772 = tpu.memref_slice %arg3[%mul3A_2] : memref<65536xi32, #tpu.memory_space<hbm>> -> memref<2048xi32, #tpu.memory_space<hbm>>
      tpu.wait_dma2 semaphore(%run_scoped3A : memref<!tpu.dma_semaphore, #tpu.memory_space<semaphore_mem>>) src(%dma_wait3A_772 : memref<2048xi32, #tpu.memory_space<hbm>>) dst(%arg5 : memref<2048xi32, #tpu.memory_space<vmem>>)
      tpu.yield
    }) : () -> ()
    %dma_start3A = arith.constant 0 : i32
    %dma_start3A_3 = arith.constant 0 : i32
    %dma_start3A_4 = arith.constant 0 : i32
    %dma_start3A_5 = tpu.memref_slice %arg6[%dma_start3A, %dma_start3A_3, %dma_start3A_4] : memref<4x128x128xf32, #tpu.memory_space<vmem>> -> memref<1x128x128xf32, #tpu.memory_space<vmem>>
    %dma_start3A_6 = tpu.memref_squeeze %dma_start3A_5 : memref<1x128x128xf32, #tpu.memory_space<vmem>> -> memref<128x128xf32, #tpu.memory_space<vmem>>
    %dma_start3A_7 = arith.constant 0 : i32
    %dma_start3A_8 = tpu.memref_slice %arg5[%dma_start3A_7] : memref<2048xi32, #tpu.memory_space<vmem>> -> memref<128xi32, #tpu.memory_space<vmem>>
    %dma_start3A_9 = arith.constant 0 : i32
    %dma_start3A_10 = arith.constant 0 : i32
    %dma_start3A_11 = tpu.memref_slice %arg2[%dma_start3A_9, %dma_start3A_10] : memref<4096x128xf32, #tpu.memory_space<hbm>> -> memref<4096x128xf32, #tpu.memory_space<hbm>>
    tpu.enqueue_indirect_dma source(%dma_start3A_11 : memref<4096x128xf32, #tpu.memory_space<hbm>>) target(%dma_start3A_6 : memref<128x128xf32, #tpu.memory_space<vmem>>) offsets(%dma_start3A_8 : memref<128xi32, #tpu.memory_space<vmem>>) semaphore(%arg7 : memref<!tpu.dma_semaphore, #tpu.memory_space<semaphore_mem>>)
    %dma_start3A_12 = arith.constant 1 : i32
    %dma_start3A_13 = arith.constant 0 : i32
    %dma_start3A_14 = arith.constant 0 : i32
    %dma_start3A_15 = tpu.memref_slice %arg6[%dma_start3A_12, %dma_start3A_13, %dma_start3A_14] : memref<4x128x128xf32, #tpu.memory_space<vmem>> -> memref<1x128x128xf32, #tpu.memory_space<vmem>>
    %dma_start3A_16 = tpu.memref_squeeze %dma_start3A_15 : memref<1x128x128xf32, #tpu.memory_space<vmem>> -> memref<128x128xf32, #tpu.memory_space<vmem>>
    %dma_start3A_17 = arith.constant 128 : i32
    %dma_start3A_18 = tpu.memref_slice %arg5[%dma_start3A_17] : memref<2048xi32, #tpu.memory_space<vmem>> -> memref<128xi32, #tpu.memory_space<vmem>>
    %dma_start3A_19 = arith.constant 0 : i32
    %dma_start3A_20 = arith.constant 0 : i32
    %dma_start3A_21 = tpu.memref_slice %arg2[%dma_start3A_19, %dma_start3A_20] : memref<4096x128xf32, #tpu.memory_space<hbm>> -> memref<4096x128xf32, #tpu.memory_space<hbm>>
    tpu.enqueue_indirect_dma source(%dma_start3A_21 : memref<4096x128xf32, #tpu.memory_space<hbm>>) target(%dma_start3A_16 : memref<128x128xf32, #tpu.memory_space<vmem>>) offsets(%dma_start3A_18 : memref<128xi32, #tpu.memory_space<vmem>>) semaphore(%arg8 : memref<!tpu.dma_semaphore, #tpu.memory_space<semaphore_mem>>)
    %dma_start3A_22 = arith.constant 2 : i32
    %dma_start3A_23 = arith.constant 0 : i32
    %dma_start3A_24 = arith.constant 0 : i32
    %dma_start3A_25 = tpu.memref_slice %arg6[%dma_start3A_22, %dma_start3A_23, %dma_start3A_24] : memref<4x128x128xf32, #tpu.memory_space<vmem>> -> memref<1x128x128xf32, #tpu.memory_space<vmem>>
    %dma_start3A_26 = tpu.memref_squeeze %dma_start3A_25 : memref<1x128x128xf32, #tpu.memory_space<vmem>> -> memref<128x128xf32, #tpu.memory_space<vmem>>
    %dma_start3A_27 = arith.constant 256 : i32
    %dma_start3A_28 = tpu.memref_slice %arg5[%dma_start3A_27] : memref<2048xi32, #tpu.memory_space<vmem>> -> memref<128xi32, #tpu.memory_space<vmem>>
    %dma_start3A_29 = arith.constant 0 : i32
    %dma_start3A_30 = arith.constant 0 : i32
    %dma_start3A_31 = tpu.memref_slice %arg2[%dma_start3A_29, %dma_start3A_30] : memref<4096x128xf32, #tpu.memory_space<hbm>> -> memref<4096x128xf32, #tpu.memory_space<hbm>>
    tpu.enqueue_indirect_dma source(%dma_start3A_31 : memref<4096x128xf32, #tpu.memory_space<hbm>>) target(%dma_start3A_26 : memref<128x128xf32, #tpu.memory_space<vmem>>) offsets(%dma_start3A_28 : memref<128xi32, #tpu.memory_space<vmem>>) semaphore(%arg9 : memref<!tpu.dma_semaphore, #tpu.memory_space<semaphore_mem>>)
    %dma_wait3A = arith.constant 0 : i32
    %dma_wait3A_32 = arith.constant 0 : i32
    %dma_wait3A_33 = arith.constant 0 : i32
    %dma_wait3A_34 = tpu.memref_slice %arg6[%dma_wait3A, %dma_wait3A_32, %dma_wait3A_33] : memref<4x128x128xf32, #tpu.memory_space<vmem>> -> memref<1x128x128xf32, #tpu.memory_space<vmem>>
    %dma_wait3A_35 = tpu.memref_squeeze %dma_wait3A_34 : memref<1x128x128xf32, #tpu.memory_space<vmem>> -> memref<128x128xf32, #tpu.memory_space<vmem>>
    %dma_wait3A_36 = arith.constant 0 : i32
    %dma_wait3A_37 = tpu.memref_slice %arg5[%dma_wait3A_36] : memref<2048xi32, #tpu.memory_space<vmem>> -> memref<128xi32, #tpu.memory_space<vmem>>
    %dma_wait3A_38 = arith.constant 0 : i32
    %dma_wait3A_39 = arith.constant 0 : i32
    %dma_wait3A_40 = tpu.memref_slice %arg2[%dma_wait3A_38, %dma_wait3A_39] : memref<4096x128xf32, #tpu.memory_space<hbm>> -> memref<4096x128xf32, #tpu.memory_space<hbm>>
    tpu.wait_indirect_dma semaphore(%arg7 : memref<!tpu.dma_semaphore, #tpu.memory_space<semaphore_mem>>) src(%dma_wait3A_40 : memref<4096x128xf32, #tpu.memory_space<hbm>>) dst(%dma_wait3A_35 : memref<128x128xf32, #tpu.memory_space<vmem>>)
    %add3A_41 = arith.constant 0 : i32
    %add3A_42 = arith.addi %mul3A_2, %add3A_41 : i32
    %dma_start3A_43 = arith.constant 0 : i32
    %dma_start3A_44 = arith.constant 0 : i32
    %dma_start3A_45 = arith.constant 0 : i32
    %dma_start3A_46 = tpu.memref_slice %arg6[%dma_start3A_43, %dma_start3A_44, %dma_start3A_45] : memref<4x128x128xf32, #tpu.memory_space<vmem>> -> memref<1x128x128xf32, #tpu.memory_space<vmem>>
    %dma_start3A_47 = tpu.memref_squeeze %dma_start3A_46 : memref<1x128x128xf32, #tpu.memory_space<vmem>> -> memref<128x128xf32, #tpu.memory_space<vmem>>
    %dma_start3A_48 = arith.constant 0 : i32
    %dma_start3A_49 = tpu.memref_slice %arg4[%add3A_42, %dma_start3A_48] : memref<65536x128xf32, #tpu.memory_space<hbm>> -> memref<128x128xf32, #tpu.memory_space<hbm>>
    %dma_start3A_50 = arith.constant 0 : i32
    %dma_start3A_51 = tpu.memref_slice %arg4[%add3A_42, %dma_start3A_50] : memref<65536x128xf32, #tpu.memory_space<hbm>> -> memref<128x128xf32, #tpu.memory_space<hbm>>
    %dma_start3A_52 = arith.constant 0 : i32
    %dma_start3A_53 = arith.constant 0 : i32
    %dma_start3A_54 = tpu.memref_slice %arg6[%dma_start3A_43, %dma_start3A_52, %dma_start3A_53] : memref<4x128x128xf32, #tpu.memory_space<vmem>> -> memref<1x128x128xf32, #tpu.memory_space<vmem>>
    %dma_start3A_55 = tpu.memref_squeeze %dma_start3A_54 : memref<1x128x128xf32, #tpu.memory_space<vmem>> -> memref<128x128xf32, #tpu.memory_space<vmem>>
    tpu.enqueue_dma source(%dma_start3A_55 : memref<128x128xf32, #tpu.memory_space<vmem>>) target(%dma_start3A_51 : memref<128x128xf32, #tpu.memory_space<hbm>>) target_semaphore(%arg11 : memref<!tpu.dma_semaphore, #tpu.memory_space<semaphore_mem>>)
    %dma_start3A_56 = arith.constant 3 : i32
    %dma_start3A_57 = arith.constant 0 : i32
    %dma_start3A_58 = arith.constant 0 : i32
    %dma_start3A_59 = tpu.memref_slice %arg6[%dma_start3A_56, %dma_start3A_57, %dma_start3A_58] : memref<4x128x128xf32, #tpu.memory_space<vmem>> -> memref<1x128x128xf32, #tpu.memory_space<vmem>>
    %dma_start3A_60 = tpu.memref_squeeze %dma_start3A_59 : memref<1x128x128xf32, #tpu.memory_space<vmem>> -> memref<128x128xf32, #tpu.memory_space<vmem>>
    %dma_start3A_61 = arith.constant 384 : i32
    %dma_start3A_62 = tpu.memref_slice %arg5[%dma_start3A_61] : memref<2048xi32, #tpu.memory_space<vmem>> -> memref<128xi32, #tpu.memory_space<vmem>>
    %dma_start3A_63 = arith.constant 0 : i32
    %dma_start3A_64 = arith.constant 0 : i32
    %dma_start3A_65 = tpu.memref_slice %arg2[%dma_start3A_63, %dma_start3A_64] : memref<4096x128xf32, #tpu.memory_space<hbm>> -> memref<4096x128xf32, #tpu.memory_space<hbm>>
    tpu.enqueue_indirect_dma source(%dma_start3A_65 : memref<4096x128xf32, #tpu.memory_space<hbm>>) target(%dma_start3A_60 : memref<128x128xf32, #tpu.memory_space<vmem>>) offsets(%dma_start3A_62 : memref<128xi32, #tpu.memory_space<vmem>>) semaphore(%arg10 : memref<!tpu.dma_semaphore, #tpu.memory_space<semaphore_mem>>)
    %dma_wait3A_66 = arith.constant 1 : i32
    %dma_wait3A_67 = arith.constant 0 : i32
    %dma_wait3A_68 = arith.constant 0 : i32
    %dma_wait3A_69 = tpu.memref_slice %arg6[%dma_wait3A_66, %dma_wait3A_67, %dma_wait3A_68] : memref<4x128x128xf32, #tpu.memory_space<vmem>> -> memref<1x128x128xf32, #tpu.memory_space<vmem>>
    %dma_wait3A_70 = tpu.memref_squeeze %dma_wait3A_69 : memref<1x128x128xf32, #tpu.memory_space<vmem>> -> memref<128x128xf32, #tpu.memory_space<vmem>>
    %dma_wait3A_71 = arith.constant 128 : i32
    %dma_wait3A_72 = tpu.memref_slice %arg5[%dma_wait3A_71] : memref<2048xi32, #tpu.memory_space<vmem>> -> memref<128xi32, #tpu.memory_space<vmem>>
    %dma_wait3A_73 = arith.constant 0 : i32
    %dma_wait3A_74 = arith.constant 0 : i32
    %dma_wait3A_75 = tpu.memref_slice %arg2[%dma_wait3A_73, %dma_wait3A_74] : memref<4096x128xf32, #tpu.memory_space<hbm>> -> memref<4096x128xf32, #tpu.memory_space<hbm>>
    tpu.wait_indirect_dma semaphore(%arg8 : memref<!tpu.dma_semaphore, #tpu.memory_space<semaphore_mem>>) src(%dma_wait3A_75 : memref<4096x128xf32, #tpu.memory_space<hbm>>) dst(%dma_wait3A_70 : memref<128x128xf32, #tpu.memory_space<vmem>>)
    %add3A_76 = arith.constant 128 : i32
    %add3A_77 = arith.addi %mul3A_2, %add3A_76 : i32
    %dma_start3A_78 = arith.constant 1 : i32
    %dma_start3A_79 = arith.constant 0 : i32
    %dma_start3A_80 = arith.constant 0 : i32
    %dma_start3A_81 = tpu.memref_slice %arg6[%dma_start3A_78, %dma_start3A_79, %dma_start3A_80] : memref<4x128x128xf32, #tpu.memory_space<vmem>> -> memref<1x128x128xf32, #tpu.memory_space<vmem>>
    %dma_start3A_82 = tpu.memref_squeeze %dma_start3A_81 : memref<1x128x128xf32, #tpu.memory_space<vmem>> -> memref<128x128xf32, #tpu.memory_space<vmem>>
    %dma_start3A_83 = arith.constant 0 : i32
    %dma_start3A_84 = tpu.memref_slice %arg4[%add3A_77, %dma_start3A_83] : memref<65536x128xf32, #tpu.memory_space<hbm>> -> memref<128x128xf32, #tpu.memory_space<hbm>>
    %dma_start3A_85 = arith.constant 0 : i32
    %dma_start3A_86 = tpu.memref_slice %arg4[%add3A_77, %dma_start3A_85] : memref<65536x128xf32, #tpu.memory_space<hbm>> -> memref<128x128xf32, #tpu.memory_space<hbm>>
    %dma_start3A_87 = arith.constant 0 : i32
    %dma_start3A_88 = arith.constant 0 : i32
    %dma_start3A_89 = tpu.memref_slice %arg6[%dma_start3A_78, %dma_start3A_87, %dma_start3A_88] : memref<4x128x128xf32, #tpu.memory_space<vmem>> -> memref<1x128x128xf32, #tpu.memory_space<vmem>>
    %dma_start3A_90 = tpu.memref_squeeze %dma_start3A_89 : memref<1x128x128xf32, #tpu.memory_space<vmem>> -> memref<128x128xf32, #tpu.memory_space<vmem>>
    tpu.enqueue_dma source(%dma_start3A_90 : memref<128x128xf32, #tpu.memory_space<vmem>>) target(%dma_start3A_86 : memref<128x128xf32, #tpu.memory_space<hbm>>) target_semaphore(%arg12 : memref<!tpu.dma_semaphore, #tpu.memory_space<semaphore_mem>>)
    %dma_wait3A_91 = arith.constant 0 : i32
    %dma_wait3A_92 = arith.constant 0 : i32
    %dma_wait3A_93 = arith.constant 0 : i32
    %dma_wait3A_94 = tpu.memref_slice %arg6[%dma_wait3A_91, %dma_wait3A_92, %dma_wait3A_93] : memref<4x128x128xf32, #tpu.memory_space<vmem>> -> memref<1x128x128xf32, #tpu.memory_space<vmem>>
    %dma_wait3A_95 = tpu.memref_squeeze %dma_wait3A_94 : memref<1x128x128xf32, #tpu.memory_space<vmem>> -> memref<128x128xf32, #tpu.memory_space<vmem>>
    %dma_wait3A_96 = arith.constant 0 : i32
    %dma_wait3A_97 = tpu.memref_slice %arg4[%add3A_42, %dma_wait3A_96] : memref<65536x128xf32, #tpu.memory_space<hbm>> -> memref<128x128xf32, #tpu.memory_space<hbm>>
    %dma_wait3A_98 = arith.constant 0 : i32
    %dma_wait3A_99 = tpu.memref_slice %arg4[%add3A_42, %dma_wait3A_98] : memref<65536x128xf32, #tpu.memory_space<hbm>> -> memref<128x128xf32, #tpu.memory_space<hbm>>
    %dma_wait3A_100 = arith.constant 0 : i32
    %dma_wait3A_101 = arith.constant 0 : i32
    %dma_wait3A_102 = tpu.memref_slice %arg6[%dma_wait3A_91, %dma_wait3A_100, %dma_wait3A_101] : memref<4x128x128xf32, #tpu.memory_space<vmem>> -> memref<1x128x128xf32, #tpu.memory_space<vmem>>
    %dma_wait3A_103 = tpu.memref_squeeze %dma_wait3A_102 : memref<1x128x128xf32, #tpu.memory_space<vmem>> -> memref<128x128xf32, #tpu.memory_space<vmem>>
    tpu.wait_dma2 semaphore(%arg11 : memref<!tpu.dma_semaphore, #tpu.memory_space<semaphore_mem>>) src(%dma_wait3A_103 : memref<128x128xf32, #tpu.memory_space<vmem>>) dst(%dma_wait3A_99 : memref<128x128xf32, #tpu.memory_space<hbm>>)
    %dma_start3A_104 = arith.constant 0 : i32
    %dma_start3A_105 = arith.constant 0 : i32
    %dma_start3A_106 = arith.constant 0 : i32
    %dma_start3A_107 = tpu.memref_slice %arg6[%dma_start3A_104, %dma_start3A_105, %dma_start3A_106] : memref<4x128x128xf32, #tpu.memory_space<vmem>> -> memref<1x128x128xf32, #tpu.memory_space<vmem>>
    %dma_start3A_108 = tpu.memref_squeeze %dma_start3A_107 : memref<1x128x128xf32, #tpu.memory_space<vmem>> -> memref<128x128xf32, #tpu.memory_space<vmem>>
    %dma_start3A_109 = arith.constant 512 : i32
    %dma_start3A_110 = tpu.memref_slice %arg5[%dma_start3A_109] : memref<2048xi32, #tpu.memory_space<vmem>> -> memref<128xi32, #tpu.memory_space<vmem>>
    %dma_start3A_111 = arith.constant 0 : i32
    %dma_start3A_112 = arith.constant 0 : i32
    %dma_start3A_113 = tpu.memref_slice %arg2[%dma_start3A_111, %dma_start3A_112] : memref<4096x128xf32, #tpu.memory_space<hbm>> -> memref<4096x128xf32, #tpu.memory_space<hbm>>
    tpu.enqueue_indirect_dma source(%dma_start3A_113 : memref<4096x128xf32, #tpu.memory_space<hbm>>) target(%dma_start3A_108 : memref<128x128xf32, #tpu.memory_space<vmem>>) offsets(%dma_start3A_110 : memref<128xi32, #tpu.memory_space<vmem>>) semaphore(%arg7 : memref<!tpu.dma_semaphore, #tpu.memory_space<semaphore_mem>>)
    %dma_wait3A_114 = arith.constant 2 : i32
    %dma_wait3A_115 = arith.constant 0 : i32
    %dma_wait3A_116 = arith.constant 0 : i32
    %dma_wait3A_117 = tpu.memref_slice %arg6[%dma_wait3A_114, %dma_wait3A_115, %dma_wait3A_116] : memref<4x128x128xf32, #tpu.memory_space<vmem>> -> memref<1x128x128xf32, #tpu.memory_space<vmem>>
    %dma_wait3A_118 = tpu.memref_squeeze %dma_wait3A_117 : memref<1x128x128xf32, #tpu.memory_space<vmem>> -> memref<128x128xf32, #tpu.memory_space<vmem>>
    %dma_wait3A_119 = arith.constant 256 : i32
    %dma_wait3A_120 = tpu.memref_slice %arg5[%dma_wait3A_119] : memref<2048xi32, #tpu.memory_space<vmem>> -> memref<128xi32, #tpu.memory_space<vmem>>
    %dma_wait3A_121 = arith.constant 0 : i32
    %dma_wait3A_122 = arith.constant 0 : i32
    %dma_wait3A_123 = tpu.memref_slice %arg2[%dma_wait3A_121, %dma_wait3A_122] : memref<4096x128xf32, #tpu.memory_space<hbm>> -> memref<4096x128xf32, #tpu.memory_space<hbm>>
    tpu.wait_indirect_dma semaphore(%arg9 : memref<!tpu.dma_semaphore, #tpu.memory_space<semaphore_mem>>) src(%dma_wait3A_123 : memref<4096x128xf32, #tpu.memory_space<hbm>>) dst(%dma_wait3A_118 : memref<128x128xf32, #tpu.memory_space<vmem>>)
    %add3A_124 = arith.constant 256 : i32
    %add3A_125 = arith.addi %mul3A_2, %add3A_124 : i32
    %dma_start3A_126 = arith.constant 2 : i32
    %dma_start3A_127 = arith.constant 0 : i32
    %dma_start3A_128 = arith.constant 0 : i32
    %dma_start3A_129 = tpu.memref_slice %arg6[%dma_start3A_126, %dma_start3A_127, %dma_start3A_128] : memref<4x128x128xf32, #tpu.memory_space<vmem>> -> memref<1x128x128xf32, #tpu.memory_space<vmem>>
    %dma_start3A_130 = tpu.memref_squeeze %dma_start3A_129 : memref<1x128x128xf32, #tpu.memory_space<vmem>> -> memref<128x128xf32, #tpu.memory_space<vmem>>
    %dma_start3A_131 = arith.constant 0 : i32
    %dma_start3A_132 = tpu.memref_slice %arg4[%add3A_125, %dma_start3A_131] : memref<65536x128xf32, #tpu.memory_space<hbm>> -> memref<128x128xf32, #tpu.memory_space<hbm>>
    %dma_start3A_133 = arith.constant 0 : i32
    %dma_start3A_134 = tpu.memref_slice %arg4[%add3A_125, %dma_start3A_133] : memref<65536x128xf32, #tpu.memory_space<hbm>> -> memref<128x128xf32, #tpu.memory_space<hbm>>
    %dma_start3A_135 = arith.constant 0 : i32
    %dma_start3A_136 = arith.constant 0 : i32
    %dma_start3A_137 = tpu.memref_slice %arg6[%dma_start3A_126, %dma_start3A_135, %dma_start3A_136] : memref<4x128x128xf32, #tpu.memory_space<vmem>> -> memref<1x128x128xf32, #tpu.memory_space<vmem>>
    %dma_start3A_138 = tpu.memref_squeeze %dma_start3A_137 : memref<1x128x128xf32, #tpu.memory_space<vmem>> -> memref<128x128xf32, #tpu.memory_space<vmem>>
    tpu.enqueue_dma source(%dma_start3A_138 : memref<128x128xf32, #tpu.memory_space<vmem>>) target(%dma_start3A_134 : memref<128x128xf32, #tpu.memory_space<hbm>>) target_semaphore(%arg13 : memref<!tpu.dma_semaphore, #tpu.memory_space<semaphore_mem>>)
    %dma_wait3A_139 = arith.constant 1 : i32
    %dma_wait3A_140 = arith.constant 0 : i32
    %dma_wait3A_141 = arith.constant 0 : i32
    %dma_wait3A_142 = tpu.memref_slice %arg6[%dma_wait3A_139, %dma_wait3A_140, %dma_wait3A_141] : memref<4x128x128xf32, #tpu.memory_space<vmem>> -> memref<1x128x128xf32, #tpu.memory_space<vmem>>
    %dma_wait3A_143 = tpu.memref_squeeze %dma_wait3A_142 : memref<1x128x128xf32, #tpu.memory_space<vmem>> -> memref<128x128xf32, #tpu.memory_space<vmem>>
    %dma_wait3A_144 = arith.constant 0 : i32
    %dma_wait3A_145 = tpu.memref_slice %arg4[%add3A_77, %dma_wait3A_144] : memref<65536x128xf32, #tpu.memory_space<hbm>> -> memref<128x128xf32, #tpu.memory_space<hbm>>
    %dma_wait3A_146 = arith.constant 0 : i32
    %dma_wait3A_147 = tpu.memref_slice %arg4[%add3A_77, %dma_wait3A_146] : memref<65536x128xf32, #tpu.memory_space<hbm>> -> memref<128x128xf32, #tpu.memory_space<hbm>>
    %dma_wait3A_148 = arith.constant 0 : i32
    %dma_wait3A_149 = arith.constant 0 : i32
    %dma_wait3A_150 = tpu.memref_slice %arg6[%dma_wait3A_139, %dma_wait3A_148, %dma_wait3A_149] : memref<4x128x128xf32, #tpu.memory_space<vmem>> -> memref<1x128x128xf32, #tpu.memory_space<vmem>>
    %dma_wait3A_151 = tpu.memref_squeeze %dma_wait3A_150 : memref<1x128x128xf32, #tpu.memory_space<vmem>> -> memref<128x128xf32, #tpu.memory_space<vmem>>
    tpu.wait_dma2 semaphore(%arg12 : memref<!tpu.dma_semaphore, #tpu.memory_space<semaphore_mem>>) src(%dma_wait3A_151 : memref<128x128xf32, #tpu.memory_space<vmem>>) dst(%dma_wait3A_147 : memref<128x128xf32, #tpu.memory_space<hbm>>)
    %dma_start3A_152 = arith.constant 1 : i32
    %dma_start3A_153 = arith.constant 0 : i32
    %dma_start3A_154 = arith.constant 0 : i32
    %dma_start3A_155 = tpu.memref_slice %arg6[%dma_start3A_152, %dma_start3A_153, %dma_start3A_154] : memref<4x128x128xf32, #tpu.memory_space<vmem>> -> memref<1x128x128xf32, #tpu.memory_space<vmem>>
    %dma_start3A_156 = tpu.memref_squeeze %dma_start3A_155 : memref<1x128x128xf32, #tpu.memory_space<vmem>> -> memref<128x128xf32, #tpu.memory_space<vmem>>
    %dma_start3A_157 = arith.constant 640 : i32
    %dma_start3A_158 = tpu.memref_slice %arg5[%dma_start3A_157] : memref<2048xi32, #tpu.memory_space<vmem>> -> memref<128xi32, #tpu.memory_space<vmem>>
    %dma_start3A_159 = arith.constant 0 : i32
    %dma_start3A_160 = arith.constant 0 : i32
    %dma_start3A_161 = tpu.memref_slice %arg2[%dma_start3A_159, %dma_start3A_160] : memref<4096x128xf32, #tpu.memory_space<hbm>> -> memref<4096x128xf32, #tpu.memory_space<hbm>>
    tpu.enqueue_indirect_dma source(%dma_start3A_161 : memref<4096x128xf32, #tpu.memory_space<hbm>>) target(%dma_start3A_156 : memref<128x128xf32, #tpu.memory_space<vmem>>) offsets(%dma_start3A_158 : memref<128xi32, #tpu.memory_space<vmem>>) semaphore(%arg8 : memref<!tpu.dma_semaphore, #tpu.memory_space<semaphore_mem>>)
    %dma_wait3A_162 = arith.constant 3 : i32
    %dma_wait3A_163 = arith.constant 0 : i32
    %dma_wait3A_164 = arith.constant 0 : i32
    %dma_wait3A_165 = tpu.memref_slice %arg6[%dma_wait3A_162, %dma_wait3A_163, %dma_wait3A_164] : memref<4x128x128xf32, #tpu.memory_space<vmem>> -> memref<1x128x128xf32, #tpu.memory_space<vmem>>
    %dma_wait3A_166 = tpu.memref_squeeze %dma_wait3A_165 : memref<1x128x128xf32, #tpu.memory_space<vmem>> -> memref<128x128xf32, #tpu.memory_space<vmem>>
    %dma_wait3A_167 = arith.constant 384 : i32
    %dma_wait3A_168 = tpu.memref_slice %arg5[%dma_wait3A_167] : memref<2048xi32, #tpu.memory_space<vmem>> -> memref<128xi32, #tpu.memory_space<vmem>>
    %dma_wait3A_169 = arith.constant 0 : i32
    %dma_wait3A_170 = arith.constant 0 : i32
    %dma_wait3A_171 = tpu.memref_slice %arg2[%dma_wait3A_169, %dma_wait3A_170] : memref<4096x128xf32, #tpu.memory_space<hbm>> -> memref<4096x128xf32, #tpu.memory_space<hbm>>
    tpu.wait_indirect_dma semaphore(%arg10 : memref<!tpu.dma_semaphore, #tpu.memory_space<semaphore_mem>>) src(%dma_wait3A_171 : memref<4096x128xf32, #tpu.memory_space<hbm>>) dst(%dma_wait3A_166 : memref<128x128xf32, #tpu.memory_space<vmem>>)
    %add3A_172 = arith.constant 384 : i32
    %add3A_173 = arith.addi %mul3A_2, %add3A_172 : i32
    %dma_start3A_174 = arith.constant 3 : i32
    %dma_start3A_175 = arith.constant 0 : i32
    %dma_start3A_176 = arith.constant 0 : i32
    %dma_start3A_177 = tpu.memref_slice %arg6[%dma_start3A_174, %dma_start3A_175, %dma_start3A_176] : memref<4x128x128xf32, #tpu.memory_space<vmem>> -> memref<1x128x128xf32, #tpu.memory_space<vmem>>
    %dma_start3A_178 = tpu.memref_squeeze %dma_start3A_177 : memref<1x128x128xf32, #tpu.memory_space<vmem>> -> memref<128x128xf32, #tpu.memory_space<vmem>>
    %dma_start3A_179 = arith.constant 0 : i32
    %dma_start3A_180 = tpu.memref_slice %arg4[%add3A_173, %dma_start3A_179] : memref<65536x128xf32, #tpu.memory_space<hbm>> -> memref<128x128xf32, #tpu.memory_space<hbm>>
    %dma_start3A_181 = arith.constant 0 : i32
    %dma_start3A_182 = tpu.memref_slice %arg4[%add3A_173, %dma_start3A_181] : memref<65536x128xf32, #tpu.memory_space<hbm>> -> memref<128x128xf32, #tpu.memory_space<hbm>>
    %dma_start3A_183 = arith.constant 0 : i32
    %dma_start3A_184 = arith.constant 0 : i32
    %dma_start3A_185 = tpu.memref_slice %arg6[%dma_start3A_174, %dma_start3A_183, %dma_start3A_184] : memref<4x128x128xf32, #tpu.memory_space<vmem>> -> memref<1x128x128xf32, #tpu.memory_space<vmem>>
    %dma_start3A_186 = tpu.memref_squeeze %dma_start3A_185 : memref<1x128x128xf32, #tpu.memory_space<vmem>> -> memref<128x128xf32, #tpu.memory_space<vmem>>
    tpu.enqueue_dma source(%dma_start3A_186 : memref<128x128xf32, #tpu.memory_space<vmem>>) target(%dma_start3A_182 : memref<128x128xf32, #tpu.memory_space<hbm>>) target_semaphore(%arg14 : memref<!tpu.dma_semaphore, #tpu.memory_space<semaphore_mem>>)
    %dma_wait3A_187 = arith.constant 2 : i32
    %dma_wait3A_188 = arith.constant 0 : i32
    %dma_wait3A_189 = arith.constant 0 : i32
    %dma_wait3A_190 = tpu.memref_slice %arg6[%dma_wait3A_187, %dma_wait3A_188, %dma_wait3A_189] : memref<4x128x128xf32, #tpu.memory_space<vmem>> -> memref<1x128x128xf32, #tpu.memory_space<vmem>>
    %dma_wait3A_191 = tpu.memref_squeeze %dma_wait3A_190 : memref<1x128x128xf32, #tpu.memory_space<vmem>> -> memref<128x128xf32, #tpu.memory_space<vmem>>
    %dma_wait3A_192 = arith.constant 0 : i32
    %dma_wait3A_193 = tpu.memref_slice %arg4[%add3A_125, %dma_wait3A_192] : memref<65536x128xf32, #tpu.memory_space<hbm>> -> memref<128x128xf32, #tpu.memory_space<hbm>>
    %dma_wait3A_194 = arith.constant 0 : i32
    %dma_wait3A_195 = tpu.memref_slice %arg4[%add3A_125, %dma_wait3A_194] : memref<65536x128xf32, #tpu.memory_space<hbm>> -> memref<128x128xf32, #tpu.memory_space<hbm>>
    %dma_wait3A_196 = arith.constant 0 : i32
    %dma_wait3A_197 = arith.constant 0 : i32
    %dma_wait3A_198 = tpu.memref_slice %arg6[%dma_wait3A_187, %dma_wait3A_196, %dma_wait3A_197] : memref<4x128x128xf32, #tpu.memory_space<vmem>> -> memref<1x128x128xf32, #tpu.memory_space<vmem>>
    %dma_wait3A_199 = tpu.memref_squeeze %dma_wait3A_198 : memref<1x128x128xf32, #tpu.memory_space<vmem>> -> memref<128x128xf32, #tpu.memory_space<vmem>>
    tpu.wait_dma2 semaphore(%arg13 : memref<!tpu.dma_semaphore, #tpu.memory_space<semaphore_mem>>) src(%dma_wait3A_199 : memref<128x128xf32, #tpu.memory_space<vmem>>) dst(%dma_wait3A_195 : memref<128x128xf32, #tpu.memory_space<hbm>>)
    %dma_start3A_200 = arith.constant 2 : i32
    %dma_start3A_201 = arith.constant 0 : i32
    %dma_start3A_202 = arith.constant 0 : i32
    %dma_start3A_203 = tpu.memref_slice %arg6[%dma_start3A_200, %dma_start3A_201, %dma_start3A_202] : memref<4x128x128xf32, #tpu.memory_space<vmem>> -> memref<1x128x128xf32, #tpu.memory_space<vmem>>
    %dma_start3A_204 = tpu.memref_squeeze %dma_start3A_203 : memref<1x128x128xf32, #tpu.memory_space<vmem>> -> memref<128x128xf32, #tpu.memory_space<vmem>>
    %dma_start3A_205 = arith.constant 768 : i32
    %dma_start3A_206 = tpu.memref_slice %arg5[%dma_start3A_205] : memref<2048xi32, #tpu.memory_space<vmem>> -> memref<128xi32, #tpu.memory_space<vmem>>
    %dma_start3A_207 = arith.constant 0 : i32
    %dma_start3A_208 = arith.constant 0 : i32
    %dma_start3A_209 = tpu.memref_slice %arg2[%dma_start3A_207, %dma_start3A_208] : memref<4096x128xf32, #tpu.memory_space<hbm>> -> memref<4096x128xf32, #tpu.memory_space<hbm>>
    tpu.enqueue_indirect_dma source(%dma_start3A_209 : memref<4096x128xf32, #tpu.memory_space<hbm>>) target(%dma_start3A_204 : memref<128x128xf32, #tpu.memory_space<vmem>>) offsets(%dma_start3A_206 : memref<128xi32, #tpu.memory_space<vmem>>) semaphore(%arg9 : memref<!tpu.dma_semaphore, #tpu.memory_space<semaphore_mem>>)
    %dma_wait3A_210 = arith.constant 0 : i32
    %dma_wait3A_211 = arith.constant 0 : i32
    %dma_wait3A_212 = arith.constant 0 : i32
    %dma_wait3A_213 = tpu.memref_slice %arg6[%dma_wait3A_210, %dma_wait3A_211, %dma_wait3A_212] : memref<4x128x128xf32, #tpu.memory_space<vmem>> -> memref<1x128x128xf32, #tpu.memory_space<vmem>>
    %dma_wait3A_214 = tpu.memref_squeeze %dma_wait3A_213 : memref<1x128x128xf32, #tpu.memory_space<vmem>> -> memref<128x128xf32, #tpu.memory_space<vmem>>
    %dma_wait3A_215 = arith.constant 512 : i32
    %dma_wait3A_216 = tpu.memref_slice %arg5[%dma_wait3A_215] : memref<2048xi32, #tpu.memory_space<vmem>> -> memref<128xi32, #tpu.memory_space<vmem>>
    %dma_wait3A_217 = arith.constant 0 : i32
    %dma_wait3A_218 = arith.constant 0 : i32
    %dma_wait3A_219 = tpu.memref_slice %arg2[%dma_wait3A_217, %dma_wait3A_218] : memref<4096x128xf32, #tpu.memory_space<hbm>> -> memref<4096x128xf32, #tpu.memory_space<hbm>>
    tpu.wait_indirect_dma semaphore(%arg7 : memref<!tpu.dma_semaphore, #tpu.memory_space<semaphore_mem>>) src(%dma_wait3A_219 : memref<4096x128xf32, #tpu.memory_space<hbm>>) dst(%dma_wait3A_214 : memref<128x128xf32, #tpu.memory_space<vmem>>)
    %add3A_220 = arith.constant 512 : i32
    %add3A_221 = arith.addi %mul3A_2, %add3A_220 : i32
    %dma_start3A_222 = arith.constant 0 : i32
    %dma_start3A_223 = arith.constant 0 : i32
    %dma_start3A_224 = arith.constant 0 : i32
    %dma_start3A_225 = tpu.memref_slice %arg6[%dma_start3A_222, %dma_start3A_223, %dma_start3A_224] : memref<4x128x128xf32, #tpu.memory_space<vmem>> -> memref<1x128x128xf32, #tpu.memory_space<vmem>>
    %dma_start3A_226 = tpu.memref_squeeze %dma_start3A_225 : memref<1x128x128xf32, #tpu.memory_space<vmem>> -> memref<128x128xf32, #tpu.memory_space<vmem>>
    %dma_start3A_227 = arith.constant 0 : i32
    %dma_start3A_228 = tpu.memref_slice %arg4[%add3A_221, %dma_start3A_227] : memref<65536x128xf32, #tpu.memory_space<hbm>> -> memref<128x128xf32, #tpu.memory_space<hbm>>
    %dma_start3A_229 = arith.constant 0 : i32
    %dma_start3A_230 = tpu.memref_slice %arg4[%add3A_221, %dma_start3A_229] : memref<65536x128xf32, #tpu.memory_space<hbm>> -> memref<128x128xf32, #tpu.memory_space<hbm>>
    %dma_start3A_231 = arith.constant 0 : i32
    %dma_start3A_232 = arith.constant 0 : i32
    %dma_start3A_233 = tpu.memref_slice %arg6[%dma_start3A_222, %dma_start3A_231, %dma_start3A_232] : memref<4x128x128xf32, #tpu.memory_space<vmem>> -> memref<1x128x128xf32, #tpu.memory_space<vmem>>
    %dma_start3A_234 = tpu.memref_squeeze %dma_start3A_233 : memref<1x128x128xf32, #tpu.memory_space<vmem>> -> memref<128x128xf32, #tpu.memory_space<vmem>>
    tpu.enqueue_dma source(%dma_start3A_234 : memref<128x128xf32, #tpu.memory_space<vmem>>) target(%dma_start3A_230 : memref<128x128xf32, #tpu.memory_space<hbm>>) target_semaphore(%arg11 : memref<!tpu.dma_semaphore, #tpu.memory_space<semaphore_mem>>)
    %dma_wait3A_235 = arith.constant 3 : i32
    %dma_wait3A_236 = arith.constant 0 : i32
    %dma_wait3A_237 = arith.constant 0 : i32
    %dma_wait3A_238 = tpu.memref_slice %arg6[%dma_wait3A_235, %dma_wait3A_236, %dma_wait3A_237] : memref<4x128x128xf32, #tpu.memory_space<vmem>> -> memref<1x128x128xf32, #tpu.memory_space<vmem>>
    %dma_wait3A_239 = tpu.memref_squeeze %dma_wait3A_238 : memref<1x128x128xf32, #tpu.memory_space<vmem>> -> memref<128x128xf32, #tpu.memory_space<vmem>>
    %dma_wait3A_240 = arith.constant 0 : i32
    %dma_wait3A_241 = tpu.memref_slice %arg4[%add3A_173, %dma_wait3A_240] : memref<65536x128xf32, #tpu.memory_space<hbm>> -> memref<128x128xf32, #tpu.memory_space<hbm>>
    %dma_wait3A_242 = arith.constant 0 : i32
    %dma_wait3A_243 = tpu.memref_slice %arg4[%add3A_173, %dma_wait3A_242] : memref<65536x128xf32, #tpu.memory_space<hbm>> -> memref<128x128xf32, #tpu.memory_space<hbm>>
    %dma_wait3A_244 = arith.constant 0 : i32
    %dma_wait3A_245 = arith.constant 0 : i32
    %dma_wait3A_246 = tpu.memref_slice %arg6[%dma_wait3A_235, %dma_wait3A_244, %dma_wait3A_245] : memref<4x128x128xf32, #tpu.memory_space<vmem>> -> memref<1x128x128xf32, #tpu.memory_space<vmem>>
    %dma_wait3A_247 = tpu.memref_squeeze %dma_wait3A_246 : memref<1x128x128xf32, #tpu.memory_space<vmem>> -> memref<128x128xf32, #tpu.memory_space<vmem>>
    tpu.wait_dma2 semaphore(%arg14 : memref<!tpu.dma_semaphore, #tpu.memory_space<semaphore_mem>>) src(%dma_wait3A_247 : memref<128x128xf32, #tpu.memory_space<vmem>>) dst(%dma_wait3A_243 : memref<128x128xf32, #tpu.memory_space<hbm>>)
    %dma_start3A_248 = arith.constant 3 : i32
    %dma_start3A_249 = arith.constant 0 : i32
    %dma_start3A_250 = arith.constant 0 : i32
    %dma_start3A_251 = tpu.memref_slice %arg6[%dma_start3A_248, %dma_start3A_249, %dma_start3A_250] : memref<4x128x128xf32, #tpu.memory_space<vmem>> -> memref<1x128x128xf32, #tpu.memory_space<vmem>>
    %dma_start3A_252 = tpu.memref_squeeze %dma_start3A_251 : memref<1x128x128xf32, #tpu.memory_space<vmem>> -> memref<128x128xf32, #tpu.memory_space<vmem>>
    %dma_start3A_253 = arith.constant 896 : i32
    %dma_start3A_254 = tpu.memref_slice %arg5[%dma_start3A_253] : memref<2048xi32, #tpu.memory_space<vmem>> -> memref<128xi32, #tpu.memory_space<vmem>>
    %dma_start3A_255 = arith.constant 0 : i32
    %dma_start3A_256 = arith.constant 0 : i32
    %dma_start3A_257 = tpu.memref_slice %arg2[%dma_start3A_255, %dma_start3A_256] : memref<4096x128xf32, #tpu.memory_space<hbm>> -> memref<4096x128xf32, #tpu.memory_space<hbm>>
    tpu.enqueue_indirect_dma source(%dma_start3A_257 : memref<4096x128xf32, #tpu.memory_space<hbm>>) target(%dma_start3A_252 : memref<128x128xf32, #tpu.memory_space<vmem>>) offsets(%dma_start3A_254 : memref<128xi32, #tpu.memory_space<vmem>>) semaphore(%arg10 : memref<!tpu.dma_semaphore, #tpu.memory_space<semaphore_mem>>)
    %dma_wait3A_258 = arith.constant 1 : i32
    %dma_wait3A_259 = arith.constant 0 : i32
    %dma_wait3A_260 = arith.constant 0 : i32
    %dma_wait3A_261 = tpu.memref_slice %arg6[%dma_wait3A_258, %dma_wait3A_259, %dma_wait3A_260] : memref<4x128x128xf32, #tpu.memory_space<vmem>> -> memref<1x128x128xf32, #tpu.memory_space<vmem>>
    %dma_wait3A_262 = tpu.memref_squeeze %dma_wait3A_261 : memref<1x128x128xf32, #tpu.memory_space<vmem>> -> memref<128x128xf32, #tpu.memory_space<vmem>>
    %dma_wait3A_263 = arith.constant 640 : i32
    %dma_wait3A_264 = tpu.memref_slice %arg5[%dma_wait3A_263] : memref<2048xi32, #tpu.memory_space<vmem>> -> memref<128xi32, #tpu.memory_space<vmem>>
    %dma_wait3A_265 = arith.constant 0 : i32
    %dma_wait3A_266 = arith.constant 0 : i32
    %dma_wait3A_267 = tpu.memref_slice %arg2[%dma_wait3A_265, %dma_wait3A_266] : memref<4096x128xf32, #tpu.memory_space<hbm>> -> memref<4096x128xf32, #tpu.memory_space<hbm>>
    tpu.wait_indirect_dma semaphore(%arg8 : memref<!tpu.dma_semaphore, #tpu.memory_space<semaphore_mem>>) src(%dma_wait3A_267 : memref<4096x128xf32, #tpu.memory_space<hbm>>) dst(%dma_wait3A_262 : memref<128x128xf32, #tpu.memory_space<vmem>>)
    %add3A_268 = arith.constant 640 : i32
    %add3A_269 = arith.addi %mul3A_2, %add3A_268 : i32
    %dma_start3A_270 = arith.constant 1 : i32
    %dma_start3A_271 = arith.constant 0 : i32
    %dma_start3A_272 = arith.constant 0 : i32
    %dma_start3A_273 = tpu.memref_slice %arg6[%dma_start3A_270, %dma_start3A_271, %dma_start3A_272] : memref<4x128x128xf32, #tpu.memory_space<vmem>> -> memref<1x128x128xf32, #tpu.memory_space<vmem>>
    %dma_start3A_274 = tpu.memref_squeeze %dma_start3A_273 : memref<1x128x128xf32, #tpu.memory_space<vmem>> -> memref<128x128xf32, #tpu.memory_space<vmem>>
    %dma_start3A_275 = arith.constant 0 : i32
    %dma_start3A_276 = tpu.memref_slice %arg4[%add3A_269, %dma_start3A_275] : memref<65536x128xf32, #tpu.memory_space<hbm>> -> memref<128x128xf32, #tpu.memory_space<hbm>>
    %dma_start3A_277 = arith.constant 0 : i32
    %dma_start3A_278 = tpu.memref_slice %arg4[%add3A_269, %dma_start3A_277] : memref<65536x128xf32, #tpu.memory_space<hbm>> -> memref<128x128xf32, #tpu.memory_space<hbm>>
    %dma_start3A_279 = arith.constant 0 : i32
    %dma_start3A_280 = arith.constant 0 : i32
    %dma_start3A_281 = tpu.memref_slice %arg6[%dma_start3A_270, %dma_start3A_279, %dma_start3A_280] : memref<4x128x128xf32, #tpu.memory_space<vmem>> -> memref<1x128x128xf32, #tpu.memory_space<vmem>>
    %dma_start3A_282 = tpu.memref_squeeze %dma_start3A_281 : memref<1x128x128xf32, #tpu.memory_space<vmem>> -> memref<128x128xf32, #tpu.memory_space<vmem>>
    tpu.enqueue_dma source(%dma_start3A_282 : memref<128x128xf32, #tpu.memory_space<vmem>>) target(%dma_start3A_278 : memref<128x128xf32, #tpu.memory_space<hbm>>) target_semaphore(%arg12 : memref<!tpu.dma_semaphore, #tpu.memory_space<semaphore_mem>>)
    %dma_wait3A_283 = arith.constant 0 : i32
    %dma_wait3A_284 = arith.constant 0 : i32
    %dma_wait3A_285 = arith.constant 0 : i32
    %dma_wait3A_286 = tpu.memref_slice %arg6[%dma_wait3A_283, %dma_wait3A_284, %dma_wait3A_285] : memref<4x128x128xf32, #tpu.memory_space<vmem>> -> memref<1x128x128xf32, #tpu.memory_space<vmem>>
    %dma_wait3A_287 = tpu.memref_squeeze %dma_wait3A_286 : memref<1x128x128xf32, #tpu.memory_space<vmem>> -> memref<128x128xf32, #tpu.memory_space<vmem>>
    %dma_wait3A_288 = arith.constant 0 : i32
    %dma_wait3A_289 = tpu.memref_slice %arg4[%add3A_221, %dma_wait3A_288] : memref<65536x128xf32, #tpu.memory_space<hbm>> -> memref<128x128xf32, #tpu.memory_space<hbm>>
    %dma_wait3A_290 = arith.constant 0 : i32
    %dma_wait3A_291 = tpu.memref_slice %arg4[%add3A_221, %dma_wait3A_290] : memref<65536x128xf32, #tpu.memory_space<hbm>> -> memref<128x128xf32, #tpu.memory_space<hbm>>
    %dma_wait3A_292 = arith.constant 0 : i32
    %dma_wait3A_293 = arith.constant 0 : i32
    %dma_wait3A_294 = tpu.memref_slice %arg6[%dma_wait3A_283, %dma_wait3A_292, %dma_wait3A_293] : memref<4x128x128xf32, #tpu.memory_space<vmem>> -> memref<1x128x128xf32, #tpu.memory_space<vmem>>
    %dma_wait3A_295 = tpu.memref_squeeze %dma_wait3A_294 : memref<1x128x128xf32, #tpu.memory_space<vmem>> -> memref<128x128xf32, #tpu.memory_space<vmem>>
    tpu.wait_dma2 semaphore(%arg11 : memref<!tpu.dma_semaphore, #tpu.memory_space<semaphore_mem>>) src(%dma_wait3A_295 : memref<128x128xf32, #tpu.memory_space<vmem>>) dst(%dma_wait3A_291 : memref<128x128xf32, #tpu.memory_space<hbm>>)
    %dma_start3A_296 = arith.constant 0 : i32
    %dma_start3A_297 = arith.constant 0 : i32
    %dma_start3A_298 = arith.constant 0 : i32
    %dma_start3A_299 = tpu.memref_slice %arg6[%dma_start3A_296, %dma_start3A_297, %dma_start3A_298] : memref<4x128x128xf32, #tpu.memory_space<vmem>> -> memref<1x128x128xf32, #tpu.memory_space<vmem>>
    %dma_start3A_300 = tpu.memref_squeeze %dma_start3A_299 : memref<1x128x128xf32, #tpu.memory_space<vmem>> -> memref<128x128xf32, #tpu.memory_space<vmem>>
    %dma_start3A_301 = arith.constant 1024 : i32
    %dma_start3A_302 = tpu.memref_slice %arg5[%dma_start3A_301] : memref<2048xi32, #tpu.memory_space<vmem>> -> memref<128xi32, #tpu.memory_space<vmem>>
    %dma_start3A_303 = arith.constant 0 : i32
    %dma_start3A_304 = arith.constant 0 : i32
    %dma_start3A_305 = tpu.memref_slice %arg2[%dma_start3A_303, %dma_start3A_304] : memref<4096x128xf32, #tpu.memory_space<hbm>> -> memref<4096x128xf32, #tpu.memory_space<hbm>>
    tpu.enqueue_indirect_dma source(%dma_start3A_305 : memref<4096x128xf32, #tpu.memory_space<hbm>>) target(%dma_start3A_300 : memref<128x128xf32, #tpu.memory_space<vmem>>) offsets(%dma_start3A_302 : memref<128xi32, #tpu.memory_space<vmem>>) semaphore(%arg7 : memref<!tpu.dma_semaphore, #tpu.memory_space<semaphore_mem>>)
    %dma_wait3A_306 = arith.constant 2 : i32
    %dma_wait3A_307 = arith.constant 0 : i32
    %dma_wait3A_308 = arith.constant 0 : i32
    %dma_wait3A_309 = tpu.memref_slice %arg6[%dma_wait3A_306, %dma_wait3A_307, %dma_wait3A_308] : memref<4x128x128xf32, #tpu.memory_space<vmem>> -> memref<1x128x128xf32, #tpu.memory_space<vmem>>
    %dma_wait3A_310 = tpu.memref_squeeze %dma_wait3A_309 : memref<1x128x128xf32, #tpu.memory_space<vmem>> -> memref<128x128xf32, #tpu.memory_space<vmem>>
    %dma_wait3A_311 = arith.constant 768 : i32
    %dma_wait3A_312 = tpu.memref_slice %arg5[%dma_wait3A_311] : memref<2048xi32, #tpu.memory_space<vmem>> -> memref<128xi32, #tpu.memory_space<vmem>>
    %dma_wait3A_313 = arith.constant 0 : i32
    %dma_wait3A_314 = arith.constant 0 : i32
    %dma_wait3A_315 = tpu.memref_slice %arg2[%dma_wait3A_313, %dma_wait3A_314] : memref<4096x128xf32, #tpu.memory_space<hbm>> -> memref<4096x128xf32, #tpu.memory_space<hbm>>
    tpu.wait_indirect_dma semaphore(%arg9 : memref<!tpu.dma_semaphore, #tpu.memory_space<semaphore_mem>>) src(%dma_wait3A_315 : memref<4096x128xf32, #tpu.memory_space<hbm>>) dst(%dma_wait3A_310 : memref<128x128xf32, #tpu.memory_space<vmem>>)
    %add3A_316 = arith.constant 768 : i32
    %add3A_317 = arith.addi %mul3A_2, %add3A_316 : i32
    %dma_start3A_318 = arith.constant 2 : i32
    %dma_start3A_319 = arith.constant 0 : i32
    %dma_start3A_320 = arith.constant 0 : i32
    %dma_start3A_321 = tpu.memref_slice %arg6[%dma_start3A_318, %dma_start3A_319, %dma_start3A_320] : memref<4x128x128xf32, #tpu.memory_space<vmem>> -> memref<1x128x128xf32, #tpu.memory_space<vmem>>
    %dma_start3A_322 = tpu.memref_squeeze %dma_start3A_321 : memref<1x128x128xf32, #tpu.memory_space<vmem>> -> memref<128x128xf32, #tpu.memory_space<vmem>>
    %dma_start3A_323 = arith.constant 0 : i32
    %dma_start3A_324 = tpu.memref_slice %arg4[%add3A_317, %dma_start3A_323] : memref<65536x128xf32, #tpu.memory_space<hbm>> -> memref<128x128xf32, #tpu.memory_space<hbm>>
    %dma_start3A_325 = arith.constant 0 : i32
    %dma_start3A_326 = tpu.memref_slice %arg4[%add3A_317, %dma_start3A_325] : memref<65536x128xf32, #tpu.memory_space<hbm>> -> memref<128x128xf32, #tpu.memory_space<hbm>>
    %dma_start3A_327 = arith.constant 0 : i32
    %dma_start3A_328 = arith.constant 0 : i32
    %dma_start3A_329 = tpu.memref_slice %arg6[%dma_start3A_318, %dma_start3A_327, %dma_start3A_328] : memref<4x128x128xf32, #tpu.memory_space<vmem>> -> memref<1x128x128xf32, #tpu.memory_space<vmem>>
    %dma_start3A_330 = tpu.memref_squeeze %dma_start3A_329 : memref<1x128x128xf32, #tpu.memory_space<vmem>> -> memref<128x128xf32, #tpu.memory_space<vmem>>
    tpu.enqueue_dma source(%dma_start3A_330 : memref<128x128xf32, #tpu.memory_space<vmem>>) target(%dma_start3A_326 : memref<128x128xf32, #tpu.memory_space<hbm>>) target_semaphore(%arg13 : memref<!tpu.dma_semaphore, #tpu.memory_space<semaphore_mem>>)
    %dma_wait3A_331 = arith.constant 1 : i32
    %dma_wait3A_332 = arith.constant 0 : i32
    %dma_wait3A_333 = arith.constant 0 : i32
    %dma_wait3A_334 = tpu.memref_slice %arg6[%dma_wait3A_331, %dma_wait3A_332, %dma_wait3A_333] : memref<4x128x128xf32, #tpu.memory_space<vmem>> -> memref<1x128x128xf32, #tpu.memory_space<vmem>>
    %dma_wait3A_335 = tpu.memref_squeeze %dma_wait3A_334 : memref<1x128x128xf32, #tpu.memory_space<vmem>> -> memref<128x128xf32, #tpu.memory_space<vmem>>
    %dma_wait3A_336 = arith.constant 0 : i32
    %dma_wait3A_337 = tpu.memref_slice %arg4[%add3A_269, %dma_wait3A_336] : memref<65536x128xf32, #tpu.memory_space<hbm>> -> memref<128x128xf32, #tpu.memory_space<hbm>>
    %dma_wait3A_338 = arith.constant 0 : i32
    %dma_wait3A_339 = tpu.memref_slice %arg4[%add3A_269, %dma_wait3A_338] : memref<65536x128xf32, #tpu.memory_space<hbm>> -> memref<128x128xf32, #tpu.memory_space<hbm>>
    %dma_wait3A_340 = arith.constant 0 : i32
    %dma_wait3A_341 = arith.constant 0 : i32
    %dma_wait3A_342 = tpu.memref_slice %arg6[%dma_wait3A_331, %dma_wait3A_340, %dma_wait3A_341] : memref<4x128x128xf32, #tpu.memory_space<vmem>> -> memref<1x128x128xf32, #tpu.memory_space<vmem>>
    %dma_wait3A_343 = tpu.memref_squeeze %dma_wait3A_342 : memref<1x128x128xf32, #tpu.memory_space<vmem>> -> memref<128x128xf32, #tpu.memory_space<vmem>>
    tpu.wait_dma2 semaphore(%arg12 : memref<!tpu.dma_semaphore, #tpu.memory_space<semaphore_mem>>) src(%dma_wait3A_343 : memref<128x128xf32, #tpu.memory_space<vmem>>) dst(%dma_wait3A_339 : memref<128x128xf32, #tpu.memory_space<hbm>>)
    %dma_start3A_344 = arith.constant 1 : i32
    %dma_start3A_345 = arith.constant 0 : i32
    %dma_start3A_346 = arith.constant 0 : i32
    %dma_start3A_347 = tpu.memref_slice %arg6[%dma_start3A_344, %dma_start3A_345, %dma_start3A_346] : memref<4x128x128xf32, #tpu.memory_space<vmem>> -> memref<1x128x128xf32, #tpu.memory_space<vmem>>
    %dma_start3A_348 = tpu.memref_squeeze %dma_start3A_347 : memref<1x128x128xf32, #tpu.memory_space<vmem>> -> memref<128x128xf32, #tpu.memory_space<vmem>>
    %dma_start3A_349 = arith.constant 1152 : i32
    %dma_start3A_350 = tpu.memref_slice %arg5[%dma_start3A_349] : memref<2048xi32, #tpu.memory_space<vmem>> -> memref<128xi32, #tpu.memory_space<vmem>>
    %dma_start3A_351 = arith.constant 0 : i32
    %dma_start3A_352 = arith.constant 0 : i32
    %dma_start3A_353 = tpu.memref_slice %arg2[%dma_start3A_351, %dma_start3A_352] : memref<4096x128xf32, #tpu.memory_space<hbm>> -> memref<4096x128xf32, #tpu.memory_space<hbm>>
    tpu.enqueue_indirect_dma source(%dma_start3A_353 : memref<4096x128xf32, #tpu.memory_space<hbm>>) target(%dma_start3A_348 : memref<128x128xf32, #tpu.memory_space<vmem>>) offsets(%dma_start3A_350 : memref<128xi32, #tpu.memory_space<vmem>>) semaphore(%arg8 : memref<!tpu.dma_semaphore, #tpu.memory_space<semaphore_mem>>)
    %dma_wait3A_354 = arith.constant 3 : i32
    %dma_wait3A_355 = arith.constant 0 : i32
    %dma_wait3A_356 = arith.constant 0 : i32
    %dma_wait3A_357 = tpu.memref_slice %arg6[%dma_wait3A_354, %dma_wait3A_355, %dma_wait3A_356] : memref<4x128x128xf32, #tpu.memory_space<vmem>> -> memref<1x128x128xf32, #tpu.memory_space<vmem>>
    %dma_wait3A_358 = tpu.memref_squeeze %dma_wait3A_357 : memref<1x128x128xf32, #tpu.memory_space<vmem>> -> memref<128x128xf32, #tpu.memory_space<vmem>>
    %dma_wait3A_359 = arith.constant 896 : i32
    %dma_wait3A_360 = tpu.memref_slice %arg5[%dma_wait3A_359] : memref<2048xi32, #tpu.memory_space<vmem>> -> memref<128xi32, #tpu.memory_space<vmem>>
    %dma_wait3A_361 = arith.constant 0 : i32
    %dma_wait3A_362 = arith.constant 0 : i32
    %dma_wait3A_363 = tpu.memref_slice %arg2[%dma_wait3A_361, %dma_wait3A_362] : memref<4096x128xf32, #tpu.memory_space<hbm>> -> memref<4096x128xf32, #tpu.memory_space<hbm>>
    tpu.wait_indirect_dma semaphore(%arg10 : memref<!tpu.dma_semaphore, #tpu.memory_space<semaphore_mem>>) src(%dma_wait3A_363 : memref<4096x128xf32, #tpu.memory_space<hbm>>) dst(%dma_wait3A_358 : memref<128x128xf32, #tpu.memory_space<vmem>>)
    %add3A_364 = arith.constant 896 : i32
    %add3A_365 = arith.addi %mul3A_2, %add3A_364 : i32
    %dma_start3A_366 = arith.constant 3 : i32
    %dma_start3A_367 = arith.constant 0 : i32
    %dma_start3A_368 = arith.constant 0 : i32
    %dma_start3A_369 = tpu.memref_slice %arg6[%dma_start3A_366, %dma_start3A_367, %dma_start3A_368] : memref<4x128x128xf32, #tpu.memory_space<vmem>> -> memref<1x128x128xf32, #tpu.memory_space<vmem>>
    %dma_start3A_370 = tpu.memref_squeeze %dma_start3A_369 : memref<1x128x128xf32, #tpu.memory_space<vmem>> -> memref<128x128xf32, #tpu.memory_space<vmem>>
    %dma_start3A_371 = arith.constant 0 : i32
    %dma_start3A_372 = tpu.memref_slice %arg4[%add3A_365, %dma_start3A_371] : memref<65536x128xf32, #tpu.memory_space<hbm>> -> memref<128x128xf32, #tpu.memory_space<hbm>>
    %dma_start3A_373 = arith.constant 0 : i32
    %dma_start3A_374 = tpu.memref_slice %arg4[%add3A_365, %dma_start3A_373] : memref<65536x128xf32, #tpu.memory_space<hbm>> -> memref<128x128xf32, #tpu.memory_space<hbm>>
    %dma_start3A_375 = arith.constant 0 : i32
    %dma_start3A_376 = arith.constant 0 : i32
    %dma_start3A_377 = tpu.memref_slice %arg6[%dma_start3A_366, %dma_start3A_375, %dma_start3A_376] : memref<4x128x128xf32, #tpu.memory_space<vmem>> -> memref<1x128x128xf32, #tpu.memory_space<vmem>>
    %dma_start3A_378 = tpu.memref_squeeze %dma_start3A_377 : memref<1x128x128xf32, #tpu.memory_space<vmem>> -> memref<128x128xf32, #tpu.memory_space<vmem>>
    tpu.enqueue_dma source(%dma_start3A_378 : memref<128x128xf32, #tpu.memory_space<vmem>>) target(%dma_start3A_374 : memref<128x128xf32, #tpu.memory_space<hbm>>) target_semaphore(%arg14 : memref<!tpu.dma_semaphore, #tpu.memory_space<semaphore_mem>>)
    %dma_wait3A_379 = arith.constant 2 : i32
    %dma_wait3A_380 = arith.constant 0 : i32
    %dma_wait3A_381 = arith.constant 0 : i32
    %dma_wait3A_382 = tpu.memref_slice %arg6[%dma_wait3A_379, %dma_wait3A_380, %dma_wait3A_381] : memref<4x128x128xf32, #tpu.memory_space<vmem>> -> memref<1x128x128xf32, #tpu.memory_space<vmem>>
    %dma_wait3A_383 = tpu.memref_squeeze %dma_wait3A_382 : memref<1x128x128xf32, #tpu.memory_space<vmem>> -> memref<128x128xf32, #tpu.memory_space<vmem>>
    %dma_wait3A_384 = arith.constant 0 : i32
    %dma_wait3A_385 = tpu.memref_slice %arg4[%add3A_317, %dma_wait3A_384] : memref<65536x128xf32, #tpu.memory_space<hbm>> -> memref<128x128xf32, #tpu.memory_space<hbm>>
    %dma_wait3A_386 = arith.constant 0 : i32
    %dma_wait3A_387 = tpu.memref_slice %arg4[%add3A_317, %dma_wait3A_386] : memref<65536x128xf32, #tpu.memory_space<hbm>> -> memref<128x128xf32, #tpu.memory_space<hbm>>
    %dma_wait3A_388 = arith.constant 0 : i32
    %dma_wait3A_389 = arith.constant 0 : i32
    %dma_wait3A_390 = tpu.memref_slice %arg6[%dma_wait3A_379, %dma_wait3A_388, %dma_wait3A_389] : memref<4x128x128xf32, #tpu.memory_space<vmem>> -> memref<1x128x128xf32, #tpu.memory_space<vmem>>
    %dma_wait3A_391 = tpu.memref_squeeze %dma_wait3A_390 : memref<1x128x128xf32, #tpu.memory_space<vmem>> -> memref<128x128xf32, #tpu.memory_space<vmem>>
    tpu.wait_dma2 semaphore(%arg13 : memref<!tpu.dma_semaphore, #tpu.memory_space<semaphore_mem>>) src(%dma_wait3A_391 : memref<128x128xf32, #tpu.memory_space<vmem>>) dst(%dma_wait3A_387 : memref<128x128xf32, #tpu.memory_space<hbm>>)
    %dma_start3A_392 = arith.constant 2 : i32
    %dma_start3A_393 = arith.constant 0 : i32
    %dma_start3A_394 = arith.constant 0 : i32
    %dma_start3A_395 = tpu.memref_slice %arg6[%dma_start3A_392, %dma_start3A_393, %dma_start3A_394] : memref<4x128x128xf32, #tpu.memory_space<vmem>> -> memref<1x128x128xf32, #tpu.memory_space<vmem>>
    %dma_start3A_396 = tpu.memref_squeeze %dma_start3A_395 : memref<1x128x128xf32, #tpu.memory_space<vmem>> -> memref<128x128xf32, #tpu.memory_space<vmem>>
    %dma_start3A_397 = arith.constant 1280 : i32
    %dma_start3A_398 = tpu.memref_slice %arg5[%dma_start3A_397] : memref<2048xi32, #tpu.memory_space<vmem>> -> memref<128xi32, #tpu.memory_space<vmem>>
    %dma_start3A_399 = arith.constant 0 : i32
    %dma_start3A_400 = arith.constant 0 : i32
    %dma_start3A_401 = tpu.memref_slice %arg2[%dma_start3A_399, %dma_start3A_400] : memref<4096x128xf32, #tpu.memory_space<hbm>> -> memref<4096x128xf32, #tpu.memory_space<hbm>>
    tpu.enqueue_indirect_dma source(%dma_start3A_401 : memref<4096x128xf32, #tpu.memory_space<hbm>>) target(%dma_start3A_396 : memref<128x128xf32, #tpu.memory_space<vmem>>) offsets(%dma_start3A_398 : memref<128xi32, #tpu.memory_space<vmem>>) semaphore(%arg9 : memref<!tpu.dma_semaphore, #tpu.memory_space<semaphore_mem>>)
    %dma_wait3A_402 = arith.constant 0 : i32
    %dma_wait3A_403 = arith.constant 0 : i32
    %dma_wait3A_404 = arith.constant 0 : i32
    %dma_wait3A_405 = tpu.memref_slice %arg6[%dma_wait3A_402, %dma_wait3A_403, %dma_wait3A_404] : memref<4x128x128xf32, #tpu.memory_space<vmem>> -> memref<1x128x128xf32, #tpu.memory_space<vmem>>
    %dma_wait3A_406 = tpu.memref_squeeze %dma_wait3A_405 : memref<1x128x128xf32, #tpu.memory_space<vmem>> -> memref<128x128xf32, #tpu.memory_space<vmem>>
    %dma_wait3A_407 = arith.constant 1024 : i32
    %dma_wait3A_408 = tpu.memref_slice %arg5[%dma_wait3A_407] : memref<2048xi32, #tpu.memory_space<vmem>> -> memref<128xi32, #tpu.memory_space<vmem>>
    %dma_wait3A_409 = arith.constant 0 : i32
    %dma_wait3A_410 = arith.constant 0 : i32
    %dma_wait3A_411 = tpu.memref_slice %arg2[%dma_wait3A_409, %dma_wait3A_410] : memref<4096x128xf32, #tpu.memory_space<hbm>> -> memref<4096x128xf32, #tpu.memory_space<hbm>>
    tpu.wait_indirect_dma semaphore(%arg7 : memref<!tpu.dma_semaphore, #tpu.memory_space<semaphore_mem>>) src(%dma_wait3A_411 : memref<4096x128xf32, #tpu.memory_space<hbm>>) dst(%dma_wait3A_406 : memref<128x128xf32, #tpu.memory_space<vmem>>)
    %add3A_412 = arith.constant 1024 : i32
    %add3A_413 = arith.addi %mul3A_2, %add3A_412 : i32
    %dma_start3A_414 = arith.constant 0 : i32
    %dma_start3A_415 = arith.constant 0 : i32
    %dma_start3A_416 = arith.constant 0 : i32
    %dma_start3A_417 = tpu.memref_slice %arg6[%dma_start3A_414, %dma_start3A_415, %dma_start3A_416] : memref<4x128x128xf32, #tpu.memory_space<vmem>> -> memref<1x128x128xf32, #tpu.memory_space<vmem>>
    %dma_start3A_418 = tpu.memref_squeeze %dma_start3A_417 : memref<1x128x128xf32, #tpu.memory_space<vmem>> -> memref<128x128xf32, #tpu.memory_space<vmem>>
    %dma_start3A_419 = arith.constant 0 : i32
    %dma_start3A_420 = tpu.memref_slice %arg4[%add3A_413, %dma_start3A_419] : memref<65536x128xf32, #tpu.memory_space<hbm>> -> memref<128x128xf32, #tpu.memory_space<hbm>>
    %dma_start3A_421 = arith.constant 0 : i32
    %dma_start3A_422 = tpu.memref_slice %arg4[%add3A_413, %dma_start3A_421] : memref<65536x128xf32, #tpu.memory_space<hbm>> -> memref<128x128xf32, #tpu.memory_space<hbm>>
    %dma_start3A_423 = arith.constant 0 : i32
    %dma_start3A_424 = arith.constant 0 : i32
    %dma_start3A_425 = tpu.memref_slice %arg6[%dma_start3A_414, %dma_start3A_423, %dma_start3A_424] : memref<4x128x128xf32, #tpu.memory_space<vmem>> -> memref<1x128x128xf32, #tpu.memory_space<vmem>>
    %dma_start3A_426 = tpu.memref_squeeze %dma_start3A_425 : memref<1x128x128xf32, #tpu.memory_space<vmem>> -> memref<128x128xf32, #tpu.memory_space<vmem>>
    tpu.enqueue_dma source(%dma_start3A_426 : memref<128x128xf32, #tpu.memory_space<vmem>>) target(%dma_start3A_422 : memref<128x128xf32, #tpu.memory_space<hbm>>) target_semaphore(%arg11 : memref<!tpu.dma_semaphore, #tpu.memory_space<semaphore_mem>>)
    %dma_wait3A_427 = arith.constant 3 : i32
    %dma_wait3A_428 = arith.constant 0 : i32
    %dma_wait3A_429 = arith.constant 0 : i32
    %dma_wait3A_430 = tpu.memref_slice %arg6[%dma_wait3A_427, %dma_wait3A_428, %dma_wait3A_429] : memref<4x128x128xf32, #tpu.memory_space<vmem>> -> memref<1x128x128xf32, #tpu.memory_space<vmem>>
    %dma_wait3A_431 = tpu.memref_squeeze %dma_wait3A_430 : memref<1x128x128xf32, #tpu.memory_space<vmem>> -> memref<128x128xf32, #tpu.memory_space<vmem>>
    %dma_wait3A_432 = arith.constant 0 : i32
    %dma_wait3A_433 = tpu.memref_slice %arg4[%add3A_365, %dma_wait3A_432] : memref<65536x128xf32, #tpu.memory_space<hbm>> -> memref<128x128xf32, #tpu.memory_space<hbm>>
    %dma_wait3A_434 = arith.constant 0 : i32
    %dma_wait3A_435 = tpu.memref_slice %arg4[%add3A_365, %dma_wait3A_434] : memref<65536x128xf32, #tpu.memory_space<hbm>> -> memref<128x128xf32, #tpu.memory_space<hbm>>
    %dma_wait3A_436 = arith.constant 0 : i32
    %dma_wait3A_437 = arith.constant 0 : i32
    %dma_wait3A_438 = tpu.memref_slice %arg6[%dma_wait3A_427, %dma_wait3A_436, %dma_wait3A_437] : memref<4x128x128xf32, #tpu.memory_space<vmem>> -> memref<1x128x128xf32, #tpu.memory_space<vmem>>
    %dma_wait3A_439 = tpu.memref_squeeze %dma_wait3A_438 : memref<1x128x128xf32, #tpu.memory_space<vmem>> -> memref<128x128xf32, #tpu.memory_space<vmem>>
    tpu.wait_dma2 semaphore(%arg14 : memref<!tpu.dma_semaphore, #tpu.memory_space<semaphore_mem>>) src(%dma_wait3A_439 : memref<128x128xf32, #tpu.memory_space<vmem>>) dst(%dma_wait3A_435 : memref<128x128xf32, #tpu.memory_space<hbm>>)
    %dma_start3A_440 = arith.constant 3 : i32
    %dma_start3A_441 = arith.constant 0 : i32
    %dma_start3A_442 = arith.constant 0 : i32
    %dma_start3A_443 = tpu.memref_slice %arg6[%dma_start3A_440, %dma_start3A_441, %dma_start3A_442] : memref<4x128x128xf32, #tpu.memory_space<vmem>> -> memref<1x128x128xf32, #tpu.memory_space<vmem>>
    %dma_start3A_444 = tpu.memref_squeeze %dma_start3A_443 : memref<1x128x128xf32, #tpu.memory_space<vmem>> -> memref<128x128xf32, #tpu.memory_space<vmem>>
    %dma_start3A_445 = arith.constant 1408 : i32
    %dma_start3A_446 = tpu.memref_slice %arg5[%dma_start3A_445] : memref<2048xi32, #tpu.memory_space<vmem>> -> memref<128xi32, #tpu.memory_space<vmem>>
    %dma_start3A_447 = arith.constant 0 : i32
    %dma_start3A_448 = arith.constant 0 : i32
    %dma_start3A_449 = tpu.memref_slice %arg2[%dma_start3A_447, %dma_start3A_448] : memref<4096x128xf32, #tpu.memory_space<hbm>> -> memref<4096x128xf32, #tpu.memory_space<hbm>>
    tpu.enqueue_indirect_dma source(%dma_start3A_449 : memref<4096x128xf32, #tpu.memory_space<hbm>>) target(%dma_start3A_444 : memref<128x128xf32, #tpu.memory_space<vmem>>) offsets(%dma_start3A_446 : memref<128xi32, #tpu.memory_space<vmem>>) semaphore(%arg10 : memref<!tpu.dma_semaphore, #tpu.memory_space<semaphore_mem>>)
    %dma_wait3A_450 = arith.constant 1 : i32
    %dma_wait3A_451 = arith.constant 0 : i32
    %dma_wait3A_452 = arith.constant 0 : i32
    %dma_wait3A_453 = tpu.memref_slice %arg6[%dma_wait3A_450, %dma_wait3A_451, %dma_wait3A_452] : memref<4x128x128xf32, #tpu.memory_space<vmem>> -> memref<1x128x128xf32, #tpu.memory_space<vmem>>
    %dma_wait3A_454 = tpu.memref_squeeze %dma_wait3A_453 : memref<1x128x128xf32, #tpu.memory_space<vmem>> -> memref<128x128xf32, #tpu.memory_space<vmem>>
    %dma_wait3A_455 = arith.constant 1152 : i32
    %dma_wait3A_456 = tpu.memref_slice %arg5[%dma_wait3A_455] : memref<2048xi32, #tpu.memory_space<vmem>> -> memref<128xi32, #tpu.memory_space<vmem>>
    %dma_wait3A_457 = arith.constant 0 : i32
    %dma_wait3A_458 = arith.constant 0 : i32
    %dma_wait3A_459 = tpu.memref_slice %arg2[%dma_wait3A_457, %dma_wait3A_458] : memref<4096x128xf32, #tpu.memory_space<hbm>> -> memref<4096x128xf32, #tpu.memory_space<hbm>>
    tpu.wait_indirect_dma semaphore(%arg8 : memref<!tpu.dma_semaphore, #tpu.memory_space<semaphore_mem>>) src(%dma_wait3A_459 : memref<4096x128xf32, #tpu.memory_space<hbm>>) dst(%dma_wait3A_454 : memref<128x128xf32, #tpu.memory_space<vmem>>)
    %add3A_460 = arith.constant 1152 : i32
    %add3A_461 = arith.addi %mul3A_2, %add3A_460 : i32
    %dma_start3A_462 = arith.constant 1 : i32
    %dma_start3A_463 = arith.constant 0 : i32
    %dma_start3A_464 = arith.constant 0 : i32
    %dma_start3A_465 = tpu.memref_slice %arg6[%dma_start3A_462, %dma_start3A_463, %dma_start3A_464] : memref<4x128x128xf32, #tpu.memory_space<vmem>> -> memref<1x128x128xf32, #tpu.memory_space<vmem>>
    %dma_start3A_466 = tpu.memref_squeeze %dma_start3A_465 : memref<1x128x128xf32, #tpu.memory_space<vmem>> -> memref<128x128xf32, #tpu.memory_space<vmem>>
    %dma_start3A_467 = arith.constant 0 : i32
    %dma_start3A_468 = tpu.memref_slice %arg4[%add3A_461, %dma_start3A_467] : memref<65536x128xf32, #tpu.memory_space<hbm>> -> memref<128x128xf32, #tpu.memory_space<hbm>>
    %dma_start3A_469 = arith.constant 0 : i32
    %dma_start3A_470 = tpu.memref_slice %arg4[%add3A_461, %dma_start3A_469] : memref<65536x128xf32, #tpu.memory_space<hbm>> -> memref<128x128xf32, #tpu.memory_space<hbm>>
    %dma_start3A_471 = arith.constant 0 : i32
    %dma_start3A_472 = arith.constant 0 : i32
    %dma_start3A_473 = tpu.memref_slice %arg6[%dma_start3A_462, %dma_start3A_471, %dma_start3A_472] : memref<4x128x128xf32, #tpu.memory_space<vmem>> -> memref<1x128x128xf32, #tpu.memory_space<vmem>>
    %dma_start3A_474 = tpu.memref_squeeze %dma_start3A_473 : memref<1x128x128xf32, #tpu.memory_space<vmem>> -> memref<128x128xf32, #tpu.memory_space<vmem>>
    tpu.enqueue_dma source(%dma_start3A_474 : memref<128x128xf32, #tpu.memory_space<vmem>>) target(%dma_start3A_470 : memref<128x128xf32, #tpu.memory_space<hbm>>) target_semaphore(%arg12 : memref<!tpu.dma_semaphore, #tpu.memory_space<semaphore_mem>>)
    %dma_wait3A_475 = arith.constant 0 : i32
    %dma_wait3A_476 = arith.constant 0 : i32
    %dma_wait3A_477 = arith.constant 0 : i32
    %dma_wait3A_478 = tpu.memref_slice %arg6[%dma_wait3A_475, %dma_wait3A_476, %dma_wait3A_477] : memref<4x128x128xf32, #tpu.memory_space<vmem>> -> memref<1x128x128xf32, #tpu.memory_space<vmem>>
    %dma_wait3A_479 = tpu.memref_squeeze %dma_wait3A_478 : memref<1x128x128xf32, #tpu.memory_space<vmem>> -> memref<128x128xf32, #tpu.memory_space<vmem>>
    %dma_wait3A_480 = arith.constant 0 : i32
    %dma_wait3A_481 = tpu.memref_slice %arg4[%add3A_413, %dma_wait3A_480] : memref<65536x128xf32, #tpu.memory_space<hbm>> -> memref<128x128xf32, #tpu.memory_space<hbm>>
    %dma_wait3A_482 = arith.constant 0 : i32
    %dma_wait3A_483 = tpu.memref_slice %arg4[%add3A_413, %dma_wait3A_482] : memref<65536x128xf32, #tpu.memory_space<hbm>> -> memref<128x128xf32, #tpu.memory_space<hbm>>
    %dma_wait3A_484 = arith.constant 0 : i32
    %dma_wait3A_485 = arith.constant 0 : i32
    %dma_wait3A_486 = tpu.memref_slice %arg6[%dma_wait3A_475, %dma_wait3A_484, %dma_wait3A_485] : memref<4x128x128xf32, #tpu.memory_space<vmem>> -> memref<1x128x128xf32, #tpu.memory_space<vmem>>
    %dma_wait3A_487 = tpu.memref_squeeze %dma_wait3A_486 : memref<1x128x128xf32, #tpu.memory_space<vmem>> -> memref<128x128xf32, #tpu.memory_space<vmem>>
    tpu.wait_dma2 semaphore(%arg11 : memref<!tpu.dma_semaphore, #tpu.memory_space<semaphore_mem>>) src(%dma_wait3A_487 : memref<128x128xf32, #tpu.memory_space<vmem>>) dst(%dma_wait3A_483 : memref<128x128xf32, #tpu.memory_space<hbm>>)
    %dma_start3A_488 = arith.constant 0 : i32
    %dma_start3A_489 = arith.constant 0 : i32
    %dma_start3A_490 = arith.constant 0 : i32
    %dma_start3A_491 = tpu.memref_slice %arg6[%dma_start3A_488, %dma_start3A_489, %dma_start3A_490] : memref<4x128x128xf32, #tpu.memory_space<vmem>> -> memref<1x128x128xf32, #tpu.memory_space<vmem>>
    %dma_start3A_492 = tpu.memref_squeeze %dma_start3A_491 : memref<1x128x128xf32, #tpu.memory_space<vmem>> -> memref<128x128xf32, #tpu.memory_space<vmem>>
    %dma_start3A_493 = arith.constant 1536 : i32
    %dma_start3A_494 = tpu.memref_slice %arg5[%dma_start3A_493] : memref<2048xi32, #tpu.memory_space<vmem>> -> memref<128xi32, #tpu.memory_space<vmem>>
    %dma_start3A_495 = arith.constant 0 : i32
    %dma_start3A_496 = arith.constant 0 : i32
    %dma_start3A_497 = tpu.memref_slice %arg2[%dma_start3A_495, %dma_start3A_496] : memref<4096x128xf32, #tpu.memory_space<hbm>> -> memref<4096x128xf32, #tpu.memory_space<hbm>>
    tpu.enqueue_indirect_dma source(%dma_start3A_497 : memref<4096x128xf32, #tpu.memory_space<hbm>>) target(%dma_start3A_492 : memref<128x128xf32, #tpu.memory_space<vmem>>) offsets(%dma_start3A_494 : memref<128xi32, #tpu.memory_space<vmem>>) semaphore(%arg7 : memref<!tpu.dma_semaphore, #tpu.memory_space<semaphore_mem>>)
    %dma_wait3A_498 = arith.constant 2 : i32
    %dma_wait3A_499 = arith.constant 0 : i32
    %dma_wait3A_500 = arith.constant 0 : i32
    %dma_wait3A_501 = tpu.memref_slice %arg6[%dma_wait3A_498, %dma_wait3A_499, %dma_wait3A_500] : memref<4x128x128xf32, #tpu.memory_space<vmem>> -> memref<1x128x128xf32, #tpu.memory_space<vmem>>
    %dma_wait3A_502 = tpu.memref_squeeze %dma_wait3A_501 : memref<1x128x128xf32, #tpu.memory_space<vmem>> -> memref<128x128xf32, #tpu.memory_space<vmem>>
    %dma_wait3A_503 = arith.constant 1280 : i32
    %dma_wait3A_504 = tpu.memref_slice %arg5[%dma_wait3A_503] : memref<2048xi32, #tpu.memory_space<vmem>> -> memref<128xi32, #tpu.memory_space<vmem>>
    %dma_wait3A_505 = arith.constant 0 : i32
    %dma_wait3A_506 = arith.constant 0 : i32
    %dma_wait3A_507 = tpu.memref_slice %arg2[%dma_wait3A_505, %dma_wait3A_506] : memref<4096x128xf32, #tpu.memory_space<hbm>> -> memref<4096x128xf32, #tpu.memory_space<hbm>>
    tpu.wait_indirect_dma semaphore(%arg9 : memref<!tpu.dma_semaphore, #tpu.memory_space<semaphore_mem>>) src(%dma_wait3A_507 : memref<4096x128xf32, #tpu.memory_space<hbm>>) dst(%dma_wait3A_502 : memref<128x128xf32, #tpu.memory_space<vmem>>)
    %add3A_508 = arith.constant 1280 : i32
    %add3A_509 = arith.addi %mul3A_2, %add3A_508 : i32
    %dma_start3A_510 = arith.constant 2 : i32
    %dma_start3A_511 = arith.constant 0 : i32
    %dma_start3A_512 = arith.constant 0 : i32
    %dma_start3A_513 = tpu.memref_slice %arg6[%dma_start3A_510, %dma_start3A_511, %dma_start3A_512] : memref<4x128x128xf32, #tpu.memory_space<vmem>> -> memref<1x128x128xf32, #tpu.memory_space<vmem>>
    %dma_start3A_514 = tpu.memref_squeeze %dma_start3A_513 : memref<1x128x128xf32, #tpu.memory_space<vmem>> -> memref<128x128xf32, #tpu.memory_space<vmem>>
    %dma_start3A_515 = arith.constant 0 : i32
    %dma_start3A_516 = tpu.memref_slice %arg4[%add3A_509, %dma_start3A_515] : memref<65536x128xf32, #tpu.memory_space<hbm>> -> memref<128x128xf32, #tpu.memory_space<hbm>>
    %dma_start3A_517 = arith.constant 0 : i32
    %dma_start3A_518 = tpu.memref_slice %arg4[%add3A_509, %dma_start3A_517] : memref<65536x128xf32, #tpu.memory_space<hbm>> -> memref<128x128xf32, #tpu.memory_space<hbm>>
    %dma_start3A_519 = arith.constant 0 : i32
    %dma_start3A_520 = arith.constant 0 : i32
    %dma_start3A_521 = tpu.memref_slice %arg6[%dma_start3A_510, %dma_start3A_519, %dma_start3A_520] : memref<4x128x128xf32, #tpu.memory_space<vmem>> -> memref<1x128x128xf32, #tpu.memory_space<vmem>>
    %dma_start3A_522 = tpu.memref_squeeze %dma_start3A_521 : memref<1x128x128xf32, #tpu.memory_space<vmem>> -> memref<128x128xf32, #tpu.memory_space<vmem>>
    tpu.enqueue_dma source(%dma_start3A_522 : memref<128x128xf32, #tpu.memory_space<vmem>>) target(%dma_start3A_518 : memref<128x128xf32, #tpu.memory_space<hbm>>) target_semaphore(%arg13 : memref<!tpu.dma_semaphore, #tpu.memory_space<semaphore_mem>>)
    %dma_wait3A_523 = arith.constant 1 : i32
    %dma_wait3A_524 = arith.constant 0 : i32
    %dma_wait3A_525 = arith.constant 0 : i32
    %dma_wait3A_526 = tpu.memref_slice %arg6[%dma_wait3A_523, %dma_wait3A_524, %dma_wait3A_525] : memref<4x128x128xf32, #tpu.memory_space<vmem>> -> memref<1x128x128xf32, #tpu.memory_space<vmem>>
    %dma_wait3A_527 = tpu.memref_squeeze %dma_wait3A_526 : memref<1x128x128xf32, #tpu.memory_space<vmem>> -> memref<128x128xf32, #tpu.memory_space<vmem>>
    %dma_wait3A_528 = arith.constant 0 : i32
    %dma_wait3A_529 = tpu.memref_slice %arg4[%add3A_461, %dma_wait3A_528] : memref<65536x128xf32, #tpu.memory_space<hbm>> -> memref<128x128xf32, #tpu.memory_space<hbm>>
    %dma_wait3A_530 = arith.constant 0 : i32
    %dma_wait3A_531 = tpu.memref_slice %arg4[%add3A_461, %dma_wait3A_530] : memref<65536x128xf32, #tpu.memory_space<hbm>> -> memref<128x128xf32, #tpu.memory_space<hbm>>
    %dma_wait3A_532 = arith.constant 0 : i32
    %dma_wait3A_533 = arith.constant 0 : i32
    %dma_wait3A_534 = tpu.memref_slice %arg6[%dma_wait3A_523, %dma_wait3A_532, %dma_wait3A_533] : memref<4x128x128xf32, #tpu.memory_space<vmem>> -> memref<1x128x128xf32, #tpu.memory_space<vmem>>
    %dma_wait3A_535 = tpu.memref_squeeze %dma_wait3A_534 : memref<1x128x128xf32, #tpu.memory_space<vmem>> -> memref<128x128xf32, #tpu.memory_space<vmem>>
    tpu.wait_dma2 semaphore(%arg12 : memref<!tpu.dma_semaphore, #tpu.memory_space<semaphore_mem>>) src(%dma_wait3A_535 : memref<128x128xf32, #tpu.memory_space<vmem>>) dst(%dma_wait3A_531 : memref<128x128xf32, #tpu.memory_space<hbm>>)
    %dma_start3A_536 = arith.constant 1 : i32
    %dma_start3A_537 = arith.constant 0 : i32
    %dma_start3A_538 = arith.constant 0 : i32
    %dma_start3A_539 = tpu.memref_slice %arg6[%dma_start3A_536, %dma_start3A_537, %dma_start3A_538] : memref<4x128x128xf32, #tpu.memory_space<vmem>> -> memref<1x128x128xf32, #tpu.memory_space<vmem>>
    %dma_start3A_540 = tpu.memref_squeeze %dma_start3A_539 : memref<1x128x128xf32, #tpu.memory_space<vmem>> -> memref<128x128xf32, #tpu.memory_space<vmem>>
    %dma_start3A_541 = arith.constant 1664 : i32
    %dma_start3A_542 = tpu.memref_slice %arg5[%dma_start3A_541] : memref<2048xi32, #tpu.memory_space<vmem>> -> memref<128xi32, #tpu.memory_space<vmem>>
    %dma_start3A_543 = arith.constant 0 : i32
    %dma_start3A_544 = arith.constant 0 : i32
    %dma_start3A_545 = tpu.memref_slice %arg2[%dma_start3A_543, %dma_start3A_544] : memref<4096x128xf32, #tpu.memory_space<hbm>> -> memref<4096x128xf32, #tpu.memory_space<hbm>>
    tpu.enqueue_indirect_dma source(%dma_start3A_545 : memref<4096x128xf32, #tpu.memory_space<hbm>>) target(%dma_start3A_540 : memref<128x128xf32, #tpu.memory_space<vmem>>) offsets(%dma_start3A_542 : memref<128xi32, #tpu.memory_space<vmem>>) semaphore(%arg8 : memref<!tpu.dma_semaphore, #tpu.memory_space<semaphore_mem>>)
    %dma_wait3A_546 = arith.constant 3 : i32
    %dma_wait3A_547 = arith.constant 0 : i32
    %dma_wait3A_548 = arith.constant 0 : i32
    %dma_wait3A_549 = tpu.memref_slice %arg6[%dma_wait3A_546, %dma_wait3A_547, %dma_wait3A_548] : memref<4x128x128xf32, #tpu.memory_space<vmem>> -> memref<1x128x128xf32, #tpu.memory_space<vmem>>
    %dma_wait3A_550 = tpu.memref_squeeze %dma_wait3A_549 : memref<1x128x128xf32, #tpu.memory_space<vmem>> -> memref<128x128xf32, #tpu.memory_space<vmem>>
    %dma_wait3A_551 = arith.constant 1408 : i32
    %dma_wait3A_552 = tpu.memref_slice %arg5[%dma_wait3A_551] : memref<2048xi32, #tpu.memory_space<vmem>> -> memref<128xi32, #tpu.memory_space<vmem>>
    %dma_wait3A_553 = arith.constant 0 : i32
    %dma_wait3A_554 = arith.constant 0 : i32
    %dma_wait3A_555 = tpu.memref_slice %arg2[%dma_wait3A_553, %dma_wait3A_554] : memref<4096x128xf32, #tpu.memory_space<hbm>> -> memref<4096x128xf32, #tpu.memory_space<hbm>>
    tpu.wait_indirect_dma semaphore(%arg10 : memref<!tpu.dma_semaphore, #tpu.memory_space<semaphore_mem>>) src(%dma_wait3A_555 : memref<4096x128xf32, #tpu.memory_space<hbm>>) dst(%dma_wait3A_550 : memref<128x128xf32, #tpu.memory_space<vmem>>)
    %add3A_556 = arith.constant 1408 : i32
    %add3A_557 = arith.addi %mul3A_2, %add3A_556 : i32
    %dma_start3A_558 = arith.constant 3 : i32
    %dma_start3A_559 = arith.constant 0 : i32
    %dma_start3A_560 = arith.constant 0 : i32
    %dma_start3A_561 = tpu.memref_slice %arg6[%dma_start3A_558, %dma_start3A_559, %dma_start3A_560] : memref<4x128x128xf32, #tpu.memory_space<vmem>> -> memref<1x128x128xf32, #tpu.memory_space<vmem>>
    %dma_start3A_562 = tpu.memref_squeeze %dma_start3A_561 : memref<1x128x128xf32, #tpu.memory_space<vmem>> -> memref<128x128xf32, #tpu.memory_space<vmem>>
    %dma_start3A_563 = arith.constant 0 : i32
    %dma_start3A_564 = tpu.memref_slice %arg4[%add3A_557, %dma_start3A_563] : memref<65536x128xf32, #tpu.memory_space<hbm>> -> memref<128x128xf32, #tpu.memory_space<hbm>>
    %dma_start3A_565 = arith.constant 0 : i32
    %dma_start3A_566 = tpu.memref_slice %arg4[%add3A_557, %dma_start3A_565] : memref<65536x128xf32, #tpu.memory_space<hbm>> -> memref<128x128xf32, #tpu.memory_space<hbm>>
    %dma_start3A_567 = arith.constant 0 : i32
    %dma_start3A_568 = arith.constant 0 : i32
    %dma_start3A_569 = tpu.memref_slice %arg6[%dma_start3A_558, %dma_start3A_567, %dma_start3A_568] : memref<4x128x128xf32, #tpu.memory_space<vmem>> -> memref<1x128x128xf32, #tpu.memory_space<vmem>>
    %dma_start3A_570 = tpu.memref_squeeze %dma_start3A_569 : memref<1x128x128xf32, #tpu.memory_space<vmem>> -> memref<128x128xf32, #tpu.memory_space<vmem>>
    tpu.enqueue_dma source(%dma_start3A_570 : memref<128x128xf32, #tpu.memory_space<vmem>>) target(%dma_start3A_566 : memref<128x128xf32, #tpu.memory_space<hbm>>) target_semaphore(%arg14 : memref<!tpu.dma_semaphore, #tpu.memory_space<semaphore_mem>>)
    %dma_wait3A_571 = arith.constant 2 : i32
    %dma_wait3A_572 = arith.constant 0 : i32
    %dma_wait3A_573 = arith.constant 0 : i32
    %dma_wait3A_574 = tpu.memref_slice %arg6[%dma_wait3A_571, %dma_wait3A_572, %dma_wait3A_573] : memref<4x128x128xf32, #tpu.memory_space<vmem>> -> memref<1x128x128xf32, #tpu.memory_space<vmem>>
    %dma_wait3A_575 = tpu.memref_squeeze %dma_wait3A_574 : memref<1x128x128xf32, #tpu.memory_space<vmem>> -> memref<128x128xf32, #tpu.memory_space<vmem>>
    %dma_wait3A_576 = arith.constant 0 : i32
    %dma_wait3A_577 = tpu.memref_slice %arg4[%add3A_509, %dma_wait3A_576] : memref<65536x128xf32, #tpu.memory_space<hbm>> -> memref<128x128xf32, #tpu.memory_space<hbm>>
    %dma_wait3A_578 = arith.constant 0 : i32
    %dma_wait3A_579 = tpu.memref_slice %arg4[%add3A_509, %dma_wait3A_578] : memref<65536x128xf32, #tpu.memory_space<hbm>> -> memref<128x128xf32, #tpu.memory_space<hbm>>
    %dma_wait3A_580 = arith.constant 0 : i32
    %dma_wait3A_581 = arith.constant 0 : i32
    %dma_wait3A_582 = tpu.memref_slice %arg6[%dma_wait3A_571, %dma_wait3A_580, %dma_wait3A_581] : memref<4x128x128xf32, #tpu.memory_space<vmem>> -> memref<1x128x128xf32, #tpu.memory_space<vmem>>
    %dma_wait3A_583 = tpu.memref_squeeze %dma_wait3A_582 : memref<1x128x128xf32, #tpu.memory_space<vmem>> -> memref<128x128xf32, #tpu.memory_space<vmem>>
    tpu.wait_dma2 semaphore(%arg13 : memref<!tpu.dma_semaphore, #tpu.memory_space<semaphore_mem>>) src(%dma_wait3A_583 : memref<128x128xf32, #tpu.memory_space<vmem>>) dst(%dma_wait3A_579 : memref<128x128xf32, #tpu.memory_space<hbm>>)
    %dma_start3A_584 = arith.constant 2 : i32
    %dma_start3A_585 = arith.constant 0 : i32
    %dma_start3A_586 = arith.constant 0 : i32
    %dma_start3A_587 = tpu.memref_slice %arg6[%dma_start3A_584, %dma_start3A_585, %dma_start3A_586] : memref<4x128x128xf32, #tpu.memory_space<vmem>> -> memref<1x128x128xf32, #tpu.memory_space<vmem>>
    %dma_start3A_588 = tpu.memref_squeeze %dma_start3A_587 : memref<1x128x128xf32, #tpu.memory_space<vmem>> -> memref<128x128xf32, #tpu.memory_space<vmem>>
    %dma_start3A_589 = arith.constant 1792 : i32
    %dma_start3A_590 = tpu.memref_slice %arg5[%dma_start3A_589] : memref<2048xi32, #tpu.memory_space<vmem>> -> memref<128xi32, #tpu.memory_space<vmem>>
    %dma_start3A_591 = arith.constant 0 : i32
    %dma_start3A_592 = arith.constant 0 : i32
    %dma_start3A_593 = tpu.memref_slice %arg2[%dma_start3A_591, %dma_start3A_592] : memref<4096x128xf32, #tpu.memory_space<hbm>> -> memref<4096x128xf32, #tpu.memory_space<hbm>>
    tpu.enqueue_indirect_dma source(%dma_start3A_593 : memref<4096x128xf32, #tpu.memory_space<hbm>>) target(%dma_start3A_588 : memref<128x128xf32, #tpu.memory_space<vmem>>) offsets(%dma_start3A_590 : memref<128xi32, #tpu.memory_space<vmem>>) semaphore(%arg9 : memref<!tpu.dma_semaphore, #tpu.memory_space<semaphore_mem>>)
    %dma_wait3A_594 = arith.constant 0 : i32
    %dma_wait3A_595 = arith.constant 0 : i32
    %dma_wait3A_596 = arith.constant 0 : i32
    %dma_wait3A_597 = tpu.memref_slice %arg6[%dma_wait3A_594, %dma_wait3A_595, %dma_wait3A_596] : memref<4x128x128xf32, #tpu.memory_space<vmem>> -> memref<1x128x128xf32, #tpu.memory_space<vmem>>
    %dma_wait3A_598 = tpu.memref_squeeze %dma_wait3A_597 : memref<1x128x128xf32, #tpu.memory_space<vmem>> -> memref<128x128xf32, #tpu.memory_space<vmem>>
    %dma_wait3A_599 = arith.constant 1536 : i32
    %dma_wait3A_600 = tpu.memref_slice %arg5[%dma_wait3A_599] : memref<2048xi32, #tpu.memory_space<vmem>> -> memref<128xi32, #tpu.memory_space<vmem>>
    %dma_wait3A_601 = arith.constant 0 : i32
    %dma_wait3A_602 = arith.constant 0 : i32
    %dma_wait3A_603 = tpu.memref_slice %arg2[%dma_wait3A_601, %dma_wait3A_602] : memref<4096x128xf32, #tpu.memory_space<hbm>> -> memref<4096x128xf32, #tpu.memory_space<hbm>>
    tpu.wait_indirect_dma semaphore(%arg7 : memref<!tpu.dma_semaphore, #tpu.memory_space<semaphore_mem>>) src(%dma_wait3A_603 : memref<4096x128xf32, #tpu.memory_space<hbm>>) dst(%dma_wait3A_598 : memref<128x128xf32, #tpu.memory_space<vmem>>)
    %add3A_604 = arith.constant 1536 : i32
    %add3A_605 = arith.addi %mul3A_2, %add3A_604 : i32
    %dma_start3A_606 = arith.constant 0 : i32
    %dma_start3A_607 = arith.constant 0 : i32
    %dma_start3A_608 = arith.constant 0 : i32
    %dma_start3A_609 = tpu.memref_slice %arg6[%dma_start3A_606, %dma_start3A_607, %dma_start3A_608] : memref<4x128x128xf32, #tpu.memory_space<vmem>> -> memref<1x128x128xf32, #tpu.memory_space<vmem>>
    %dma_start3A_610 = tpu.memref_squeeze %dma_start3A_609 : memref<1x128x128xf32, #tpu.memory_space<vmem>> -> memref<128x128xf32, #tpu.memory_space<vmem>>
    %dma_start3A_611 = arith.constant 0 : i32
    %dma_start3A_612 = tpu.memref_slice %arg4[%add3A_605, %dma_start3A_611] : memref<65536x128xf32, #tpu.memory_space<hbm>> -> memref<128x128xf32, #tpu.memory_space<hbm>>
    %dma_start3A_613 = arith.constant 0 : i32
    %dma_start3A_614 = tpu.memref_slice %arg4[%add3A_605, %dma_start3A_613] : memref<65536x128xf32, #tpu.memory_space<hbm>> -> memref<128x128xf32, #tpu.memory_space<hbm>>
    %dma_start3A_615 = arith.constant 0 : i32
    %dma_start3A_616 = arith.constant 0 : i32
    %dma_start3A_617 = tpu.memref_slice %arg6[%dma_start3A_606, %dma_start3A_615, %dma_start3A_616] : memref<4x128x128xf32, #tpu.memory_space<vmem>> -> memref<1x128x128xf32, #tpu.memory_space<vmem>>
    %dma_start3A_618 = tpu.memref_squeeze %dma_start3A_617 : memref<1x128x128xf32, #tpu.memory_space<vmem>> -> memref<128x128xf32, #tpu.memory_space<vmem>>
    tpu.enqueue_dma source(%dma_start3A_618 : memref<128x128xf32, #tpu.memory_space<vmem>>) target(%dma_start3A_614 : memref<128x128xf32, #tpu.memory_space<hbm>>) target_semaphore(%arg11 : memref<!tpu.dma_semaphore, #tpu.memory_space<semaphore_mem>>)
    %dma_wait3A_619 = arith.constant 3 : i32
    %dma_wait3A_620 = arith.constant 0 : i32
    %dma_wait3A_621 = arith.constant 0 : i32
    %dma_wait3A_622 = tpu.memref_slice %arg6[%dma_wait3A_619, %dma_wait3A_620, %dma_wait3A_621] : memref<4x128x128xf32, #tpu.memory_space<vmem>> -> memref<1x128x128xf32, #tpu.memory_space<vmem>>
    %dma_wait3A_623 = tpu.memref_squeeze %dma_wait3A_622 : memref<1x128x128xf32, #tpu.memory_space<vmem>> -> memref<128x128xf32, #tpu.memory_space<vmem>>
    %dma_wait3A_624 = arith.constant 0 : i32
    %dma_wait3A_625 = tpu.memref_slice %arg4[%add3A_557, %dma_wait3A_624] : memref<65536x128xf32, #tpu.memory_space<hbm>> -> memref<128x128xf32, #tpu.memory_space<hbm>>
    %dma_wait3A_626 = arith.constant 0 : i32
    %dma_wait3A_627 = tpu.memref_slice %arg4[%add3A_557, %dma_wait3A_626] : memref<65536x128xf32, #tpu.memory_space<hbm>> -> memref<128x128xf32, #tpu.memory_space<hbm>>
    %dma_wait3A_628 = arith.constant 0 : i32
    %dma_wait3A_629 = arith.constant 0 : i32
    %dma_wait3A_630 = tpu.memref_slice %arg6[%dma_wait3A_619, %dma_wait3A_628, %dma_wait3A_629] : memref<4x128x128xf32, #tpu.memory_space<vmem>> -> memref<1x128x128xf32, #tpu.memory_space<vmem>>
    %dma_wait3A_631 = tpu.memref_squeeze %dma_wait3A_630 : memref<1x128x128xf32, #tpu.memory_space<vmem>> -> memref<128x128xf32, #tpu.memory_space<vmem>>
    tpu.wait_dma2 semaphore(%arg14 : memref<!tpu.dma_semaphore, #tpu.memory_space<semaphore_mem>>) src(%dma_wait3A_631 : memref<128x128xf32, #tpu.memory_space<vmem>>) dst(%dma_wait3A_627 : memref<128x128xf32, #tpu.memory_space<hbm>>)
    %dma_start3A_632 = arith.constant 3 : i32
    %dma_start3A_633 = arith.constant 0 : i32
    %dma_start3A_634 = arith.constant 0 : i32
    %dma_start3A_635 = tpu.memref_slice %arg6[%dma_start3A_632, %dma_start3A_633, %dma_start3A_634] : memref<4x128x128xf32, #tpu.memory_space<vmem>> -> memref<1x128x128xf32, #tpu.memory_space<vmem>>
    %dma_start3A_636 = tpu.memref_squeeze %dma_start3A_635 : memref<1x128x128xf32, #tpu.memory_space<vmem>> -> memref<128x128xf32, #tpu.memory_space<vmem>>
    %dma_start3A_637 = arith.constant 1920 : i32
    %dma_start3A_638 = tpu.memref_slice %arg5[%dma_start3A_637] : memref<2048xi32, #tpu.memory_space<vmem>> -> memref<128xi32, #tpu.memory_space<vmem>>
    %dma_start3A_639 = arith.constant 0 : i32
    %dma_start3A_640 = arith.constant 0 : i32
    %dma_start3A_641 = tpu.memref_slice %arg2[%dma_start3A_639, %dma_start3A_640] : memref<4096x128xf32, #tpu.memory_space<hbm>> -> memref<4096x128xf32, #tpu.memory_space<hbm>>
    tpu.enqueue_indirect_dma source(%dma_start3A_641 : memref<4096x128xf32, #tpu.memory_space<hbm>>) target(%dma_start3A_636 : memref<128x128xf32, #tpu.memory_space<vmem>>) offsets(%dma_start3A_638 : memref<128xi32, #tpu.memory_space<vmem>>) semaphore(%arg10 : memref<!tpu.dma_semaphore, #tpu.memory_space<semaphore_mem>>)
    %dma_wait3A_642 = arith.constant 1 : i32
    %dma_wait3A_643 = arith.constant 0 : i32
    %dma_wait3A_644 = arith.constant 0 : i32
    %dma_wait3A_645 = tpu.memref_slice %arg6[%dma_wait3A_642, %dma_wait3A_643, %dma_wait3A_644] : memref<4x128x128xf32, #tpu.memory_space<vmem>> -> memref<1x128x128xf32, #tpu.memory_space<vmem>>
    %dma_wait3A_646 = tpu.memref_squeeze %dma_wait3A_645 : memref<1x128x128xf32, #tpu.memory_space<vmem>> -> memref<128x128xf32, #tpu.memory_space<vmem>>
    %dma_wait3A_647 = arith.constant 1664 : i32
    %dma_wait3A_648 = tpu.memref_slice %arg5[%dma_wait3A_647] : memref<2048xi32, #tpu.memory_space<vmem>> -> memref<128xi32, #tpu.memory_space<vmem>>
    %dma_wait3A_649 = arith.constant 0 : i32
    %dma_wait3A_650 = arith.constant 0 : i32
    %dma_wait3A_651 = tpu.memref_slice %arg2[%dma_wait3A_649, %dma_wait3A_650] : memref<4096x128xf32, #tpu.memory_space<hbm>> -> memref<4096x128xf32, #tpu.memory_space<hbm>>
    tpu.wait_indirect_dma semaphore(%arg8 : memref<!tpu.dma_semaphore, #tpu.memory_space<semaphore_mem>>) src(%dma_wait3A_651 : memref<4096x128xf32, #tpu.memory_space<hbm>>) dst(%dma_wait3A_646 : memref<128x128xf32, #tpu.memory_space<vmem>>)
    %add3A_652 = arith.constant 1664 : i32
    %add3A_653 = arith.addi %mul3A_2, %add3A_652 : i32
    %dma_start3A_654 = arith.constant 1 : i32
    %dma_start3A_655 = arith.constant 0 : i32
    %dma_start3A_656 = arith.constant 0 : i32
    %dma_start3A_657 = tpu.memref_slice %arg6[%dma_start3A_654, %dma_start3A_655, %dma_start3A_656] : memref<4x128x128xf32, #tpu.memory_space<vmem>> -> memref<1x128x128xf32, #tpu.memory_space<vmem>>
    %dma_start3A_658 = tpu.memref_squeeze %dma_start3A_657 : memref<1x128x128xf32, #tpu.memory_space<vmem>> -> memref<128x128xf32, #tpu.memory_space<vmem>>
    %dma_start3A_659 = arith.constant 0 : i32
    %dma_start3A_660 = tpu.memref_slice %arg4[%add3A_653, %dma_start3A_659] : memref<65536x128xf32, #tpu.memory_space<hbm>> -> memref<128x128xf32, #tpu.memory_space<hbm>>
    %dma_start3A_661 = arith.constant 0 : i32
    %dma_start3A_662 = tpu.memref_slice %arg4[%add3A_653, %dma_start3A_661] : memref<65536x128xf32, #tpu.memory_space<hbm>> -> memref<128x128xf32, #tpu.memory_space<hbm>>
    %dma_start3A_663 = arith.constant 0 : i32
    %dma_start3A_664 = arith.constant 0 : i32
    %dma_start3A_665 = tpu.memref_slice %arg6[%dma_start3A_654, %dma_start3A_663, %dma_start3A_664] : memref<4x128x128xf32, #tpu.memory_space<vmem>> -> memref<1x128x128xf32, #tpu.memory_space<vmem>>
    %dma_start3A_666 = tpu.memref_squeeze %dma_start3A_665 : memref<1x128x128xf32, #tpu.memory_space<vmem>> -> memref<128x128xf32, #tpu.memory_space<vmem>>
    tpu.enqueue_dma source(%dma_start3A_666 : memref<128x128xf32, #tpu.memory_space<vmem>>) target(%dma_start3A_662 : memref<128x128xf32, #tpu.memory_space<hbm>>) target_semaphore(%arg12 : memref<!tpu.dma_semaphore, #tpu.memory_space<semaphore_mem>>)
    %dma_wait3A_667 = arith.constant 2 : i32
    %dma_wait3A_668 = arith.constant 0 : i32
    %dma_wait3A_669 = arith.constant 0 : i32
    %dma_wait3A_670 = tpu.memref_slice %arg6[%dma_wait3A_667, %dma_wait3A_668, %dma_wait3A_669] : memref<4x128x128xf32, #tpu.memory_space<vmem>> -> memref<1x128x128xf32, #tpu.memory_space<vmem>>
    %dma_wait3A_671 = tpu.memref_squeeze %dma_wait3A_670 : memref<1x128x128xf32, #tpu.memory_space<vmem>> -> memref<128x128xf32, #tpu.memory_space<vmem>>
    %dma_wait3A_672 = arith.constant 1792 : i32
    %dma_wait3A_673 = tpu.memref_slice %arg5[%dma_wait3A_672] : memref<2048xi32, #tpu.memory_space<vmem>> -> memref<128xi32, #tpu.memory_space<vmem>>
    %dma_wait3A_674 = arith.constant 0 : i32
    %dma_wait3A_675 = arith.constant 0 : i32
    %dma_wait3A_676 = tpu.memref_slice %arg2[%dma_wait3A_674, %dma_wait3A_675] : memref<4096x128xf32, #tpu.memory_space<hbm>> -> memref<4096x128xf32, #tpu.memory_space<hbm>>
    tpu.wait_indirect_dma semaphore(%arg9 : memref<!tpu.dma_semaphore, #tpu.memory_space<semaphore_mem>>) src(%dma_wait3A_676 : memref<4096x128xf32, #tpu.memory_space<hbm>>) dst(%dma_wait3A_671 : memref<128x128xf32, #tpu.memory_space<vmem>>)
    %add3A_677 = arith.constant 1792 : i32
    %add3A_678 = arith.addi %mul3A_2, %add3A_677 : i32
    %dma_start3A_679 = arith.constant 2 : i32
    %dma_start3A_680 = arith.constant 0 : i32
    %dma_start3A_681 = arith.constant 0 : i32
    %dma_start3A_682 = tpu.memref_slice %arg6[%dma_start3A_679, %dma_start3A_680, %dma_start3A_681] : memref<4x128x128xf32, #tpu.memory_space<vmem>> -> memref<1x128x128xf32, #tpu.memory_space<vmem>>
    %dma_start3A_683 = tpu.memref_squeeze %dma_start3A_682 : memref<1x128x128xf32, #tpu.memory_space<vmem>> -> memref<128x128xf32, #tpu.memory_space<vmem>>
    %dma_start3A_684 = arith.constant 0 : i32
    %dma_start3A_685 = tpu.memref_slice %arg4[%add3A_678, %dma_start3A_684] : memref<65536x128xf32, #tpu.memory_space<hbm>> -> memref<128x128xf32, #tpu.memory_space<hbm>>
    %dma_start3A_686 = arith.constant 0 : i32
    %dma_start3A_687 = tpu.memref_slice %arg4[%add3A_678, %dma_start3A_686] : memref<65536x128xf32, #tpu.memory_space<hbm>> -> memref<128x128xf32, #tpu.memory_space<hbm>>
    %dma_start3A_688 = arith.constant 0 : i32
    %dma_start3A_689 = arith.constant 0 : i32
    %dma_start3A_690 = tpu.memref_slice %arg6[%dma_start3A_679, %dma_start3A_688, %dma_start3A_689] : memref<4x128x128xf32, #tpu.memory_space<vmem>> -> memref<1x128x128xf32, #tpu.memory_space<vmem>>
    %dma_start3A_691 = tpu.memref_squeeze %dma_start3A_690 : memref<1x128x128xf32, #tpu.memory_space<vmem>> -> memref<128x128xf32, #tpu.memory_space<vmem>>
    tpu.enqueue_dma source(%dma_start3A_691 : memref<128x128xf32, #tpu.memory_space<vmem>>) target(%dma_start3A_687 : memref<128x128xf32, #tpu.memory_space<hbm>>) target_semaphore(%arg13 : memref<!tpu.dma_semaphore, #tpu.memory_space<semaphore_mem>>)
    %dma_wait3A_692 = arith.constant 3 : i32
    %dma_wait3A_693 = arith.constant 0 : i32
    %dma_wait3A_694 = arith.constant 0 : i32
    %dma_wait3A_695 = tpu.memref_slice %arg6[%dma_wait3A_692, %dma_wait3A_693, %dma_wait3A_694] : memref<4x128x128xf32, #tpu.memory_space<vmem>> -> memref<1x128x128xf32, #tpu.memory_space<vmem>>
    %dma_wait3A_696 = tpu.memref_squeeze %dma_wait3A_695 : memref<1x128x128xf32, #tpu.memory_space<vmem>> -> memref<128x128xf32, #tpu.memory_space<vmem>>
    %dma_wait3A_697 = arith.constant 1920 : i32
    %dma_wait3A_698 = tpu.memref_slice %arg5[%dma_wait3A_697] : memref<2048xi32, #tpu.memory_space<vmem>> -> memref<128xi32, #tpu.memory_space<vmem>>
    %dma_wait3A_699 = arith.constant 0 : i32
    %dma_wait3A_700 = arith.constant 0 : i32
    %dma_wait3A_701 = tpu.memref_slice %arg2[%dma_wait3A_699, %dma_wait3A_700] : memref<4096x128xf32, #tpu.memory_space<hbm>> -> memref<4096x128xf32, #tpu.memory_space<hbm>>
    tpu.wait_indirect_dma semaphore(%arg10 : memref<!tpu.dma_semaphore, #tpu.memory_space<semaphore_mem>>) src(%dma_wait3A_701 : memref<4096x128xf32, #tpu.memory_space<hbm>>) dst(%dma_wait3A_696 : memref<128x128xf32, #tpu.memory_space<vmem>>)
    %add3A_702 = arith.constant 1920 : i32
    %add3A_703 = arith.addi %mul3A_2, %add3A_702 : i32
    %dma_start3A_704 = arith.constant 3 : i32
    %dma_start3A_705 = arith.constant 0 : i32
    %dma_start3A_706 = arith.constant 0 : i32
    %dma_start3A_707 = tpu.memref_slice %arg6[%dma_start3A_704, %dma_start3A_705, %dma_start3A_706] : memref<4x128x128xf32, #tpu.memory_space<vmem>> -> memref<1x128x128xf32, #tpu.memory_space<vmem>>
    %dma_start3A_708 = tpu.memref_squeeze %dma_start3A_707 : memref<1x128x128xf32, #tpu.memory_space<vmem>> -> memref<128x128xf32, #tpu.memory_space<vmem>>
    %dma_start3A_709 = arith.constant 0 : i32
    %dma_start3A_710 = tpu.memref_slice %arg4[%add3A_703, %dma_start3A_709] : memref<65536x128xf32, #tpu.memory_space<hbm>> -> memref<128x128xf32, #tpu.memory_space<hbm>>
    %dma_start3A_711 = arith.constant 0 : i32
    %dma_start3A_712 = tpu.memref_slice %arg4[%add3A_703, %dma_start3A_711] : memref<65536x128xf32, #tpu.memory_space<hbm>> -> memref<128x128xf32, #tpu.memory_space<hbm>>
    %dma_start3A_713 = arith.constant 0 : i32
    %dma_start3A_714 = arith.constant 0 : i32
    %dma_start3A_715 = tpu.memref_slice %arg6[%dma_start3A_704, %dma_start3A_713, %dma_start3A_714] : memref<4x128x128xf32, #tpu.memory_space<vmem>> -> memref<1x128x128xf32, #tpu.memory_space<vmem>>
    %dma_start3A_716 = tpu.memref_squeeze %dma_start3A_715 : memref<1x128x128xf32, #tpu.memory_space<vmem>> -> memref<128x128xf32, #tpu.memory_space<vmem>>
    tpu.enqueue_dma source(%dma_start3A_716 : memref<128x128xf32, #tpu.memory_space<vmem>>) target(%dma_start3A_712 : memref<128x128xf32, #tpu.memory_space<hbm>>) target_semaphore(%arg14 : memref<!tpu.dma_semaphore, #tpu.memory_space<semaphore_mem>>)
    %dma_wait3A_717 = arith.constant 0 : i32
    %dma_wait3A_718 = arith.constant 0 : i32
    %dma_wait3A_719 = arith.constant 0 : i32
    %dma_wait3A_720 = tpu.memref_slice %arg6[%dma_wait3A_717, %dma_wait3A_718, %dma_wait3A_719] : memref<4x128x128xf32, #tpu.memory_space<vmem>> -> memref<1x128x128xf32, #tpu.memory_space<vmem>>
    %dma_wait3A_721 = tpu.memref_squeeze %dma_wait3A_720 : memref<1x128x128xf32, #tpu.memory_space<vmem>> -> memref<128x128xf32, #tpu.memory_space<vmem>>
    %dma_wait3A_722 = arith.constant 0 : i32
    %dma_wait3A_723 = tpu.memref_slice %arg4[%add3A_605, %dma_wait3A_722] : memref<65536x128xf32, #tpu.memory_space<hbm>> -> memref<128x128xf32, #tpu.memory_space<hbm>>
    %dma_wait3A_724 = arith.constant 0 : i32
    %dma_wait3A_725 = tpu.memref_slice %arg4[%add3A_605, %dma_wait3A_724] : memref<65536x128xf32, #tpu.memory_space<hbm>> -> memref<128x128xf32, #tpu.memory_space<hbm>>
    %dma_wait3A_726 = arith.constant 0 : i32
    %dma_wait3A_727 = arith.constant 0 : i32
    %dma_wait3A_728 = tpu.memref_slice %arg6[%dma_wait3A_717, %dma_wait3A_726, %dma_wait3A_727] : memref<4x128x128xf32, #tpu.memory_space<vmem>> -> memref<1x128x128xf32, #tpu.memory_space<vmem>>
    %dma_wait3A_729 = tpu.memref_squeeze %dma_wait3A_728 : memref<1x128x128xf32, #tpu.memory_space<vmem>> -> memref<128x128xf32, #tpu.memory_space<vmem>>
    tpu.wait_dma2 semaphore(%arg11 : memref<!tpu.dma_semaphore, #tpu.memory_space<semaphore_mem>>) src(%dma_wait3A_729 : memref<128x128xf32, #tpu.memory_space<vmem>>) dst(%dma_wait3A_725 : memref<128x128xf32, #tpu.memory_space<hbm>>)
    %dma_wait3A_730 = arith.constant 1 : i32
    %dma_wait3A_731 = arith.constant 0 : i32
    %dma_wait3A_732 = arith.constant 0 : i32
    %dma_wait3A_733 = tpu.memref_slice %arg6[%dma_wait3A_730, %dma_wait3A_731, %dma_wait3A_732] : memref<4x128x128xf32, #tpu.memory_space<vmem>> -> memref<1x128x128xf32, #tpu.memory_space<vmem>>
    %dma_wait3A_734 = tpu.memref_squeeze %dma_wait3A_733 : memref<1x128x128xf32, #tpu.memory_space<vmem>> -> memref<128x128xf32, #tpu.memory_space<vmem>>
    %dma_wait3A_735 = arith.constant 0 : i32
    %dma_wait3A_736 = tpu.memref_slice %arg4[%add3A_653, %dma_wait3A_735] : memref<65536x128xf32, #tpu.memory_space<hbm>> -> memref<128x128xf32, #tpu.memory_space<hbm>>
    %dma_wait3A_737 = arith.constant 0 : i32
    %dma_wait3A_738 = tpu.memref_slice %arg4[%add3A_653, %dma_wait3A_737] : memref<65536x128xf32, #tpu.memory_space<hbm>> -> memref<128x128xf32, #tpu.memory_space<hbm>>
    %dma_wait3A_739 = arith.constant 0 : i32
    %dma_wait3A_740 = arith.constant 0 : i32
    %dma_wait3A_741 = tpu.memref_slice %arg6[%dma_wait3A_730, %dma_wait3A_739, %dma_wait3A_740] : memref<4x128x128xf32, #tpu.memory_space<vmem>> -> memref<1x128x128xf32, #tpu.memory_space<vmem>>
    %dma_wait3A_742 = tpu.memref_squeeze %dma_wait3A_741 : memref<1x128x128xf32, #tpu.memory_space<vmem>> -> memref<128x128xf32, #tpu.memory_space<vmem>>
    tpu.wait_dma2 semaphore(%arg12 : memref<!tpu.dma_semaphore, #tpu.memory_space<semaphore_mem>>) src(%dma_wait3A_742 : memref<128x128xf32, #tpu.memory_space<vmem>>) dst(%dma_wait3A_738 : memref<128x128xf32, #tpu.memory_space<hbm>>)
    %dma_wait3A_743 = arith.constant 2 : i32
    %dma_wait3A_744 = arith.constant 0 : i32
    %dma_wait3A_745 = arith.constant 0 : i32
    %dma_wait3A_746 = tpu.memref_slice %arg6[%dma_wait3A_743, %dma_wait3A_744, %dma_wait3A_745] : memref<4x128x128xf32, #tpu.memory_space<vmem>> -> memref<1x128x128xf32, #tpu.memory_space<vmem>>
    %dma_wait3A_747 = tpu.memref_squeeze %dma_wait3A_746 : memref<1x128x128xf32, #tpu.memory_space<vmem>> -> memref<128x128xf32, #tpu.memory_space<vmem>>
    %dma_wait3A_748 = arith.constant 0 : i32
    %dma_wait3A_749 = tpu.memref_slice %arg4[%add3A_678, %dma_wait3A_748] : memref<65536x128xf32, #tpu.memory_space<hbm>> -> memref<128x128xf32, #tpu.memory_space<hbm>>
    %dma_wait3A_750 = arith.constant 0 : i32
    %dma_wait3A_751 = tpu.memref_slice %arg4[%add3A_678, %dma_wait3A_750] : memref<65536x128xf32, #tpu.memory_space<hbm>> -> memref<128x128xf32, #tpu.memory_space<hbm>>
    %dma_wait3A_752 = arith.constant 0 : i32
    %dma_wait3A_753 = arith.constant 0 : i32
    %dma_wait3A_754 = tpu.memref_slice %arg6[%dma_wait3A_743, %dma_wait3A_752, %dma_wait3A_753] : memref<4x128x128xf32, #tpu.memory_space<vmem>> -> memref<1x128x128xf32, #tpu.memory_space<vmem>>
    %dma_wait3A_755 = tpu.memref_squeeze %dma_wait3A_754 : memref<1x128x128xf32, #tpu.memory_space<vmem>> -> memref<128x128xf32, #tpu.memory_space<vmem>>
    tpu.wait_dma2 semaphore(%arg13 : memref<!tpu.dma_semaphore, #tpu.memory_space<semaphore_mem>>) src(%dma_wait3A_755 : memref<128x128xf32, #tpu.memory_space<vmem>>) dst(%dma_wait3A_751 : memref<128x128xf32, #tpu.memory_space<hbm>>)
    %dma_wait3A_756 = arith.constant 3 : i32
    %dma_wait3A_757 = arith.constant 0 : i32
    %dma_wait3A_758 = arith.constant 0 : i32
    %dma_wait3A_759 = tpu.memref_slice %arg6[%dma_wait3A_756, %dma_wait3A_757, %dma_wait3A_758] : memref<4x128x128xf32, #tpu.memory_space<vmem>> -> memref<1x128x128xf32, #tpu.memory_space<vmem>>
    %dma_wait3A_760 = tpu.memref_squeeze %dma_wait3A_759 : memref<1x128x128xf32, #tpu.memory_space<vmem>> -> memref<128x128xf32, #tpu.memory_space<vmem>>
    %dma_wait3A_761 = arith.constant 0 : i32
    %dma_wait3A_762 = tpu.memref_slice %arg4[%add3A_703, %dma_wait3A_761] : memref<65536x128xf32, #tpu.memory_space<hbm>> -> memref<128x128xf32, #tpu.memory_space<hbm>>
    %dma_wait3A_763 = arith.constant 0 : i32
    %dma_wait3A_764 = tpu.memref_slice %arg4[%add3A_703, %dma_wait3A_763] : memref<65536x128xf32, #tpu.memory_space<hbm>> -> memref<128x128xf32, #tpu.memory_space<hbm>>
    %dma_wait3A_765 = arith.constant 0 : i32
    %dma_wait3A_766 = arith.constant 0 : i32
    %dma_wait3A_767 = tpu.memref_slice %arg6[%dma_wait3A_756, %dma_wait3A_765, %dma_wait3A_766] : memref<4x128x128xf32, #tpu.memory_space<vmem>> -> memref<1x128x128xf32, #tpu.memory_space<vmem>>
    %dma_wait3A_768 = tpu.memref_squeeze %dma_wait3A_767 : memref<1x128x128xf32, #tpu.memory_space<vmem>> -> memref<128x128xf32, #tpu.memory_space<vmem>>
    tpu.wait_dma2 semaphore(%arg14 : memref<!tpu.dma_semaphore, #tpu.memory_space<semaphore_mem>>) src(%dma_wait3A_768 : memref<128x128xf32, #tpu.memory_space<vmem>>) dst(%dma_wait3A_764 : memref<128x128xf32, #tpu.memory_space<hbm>>)
    return
  }
}

#map = affine_map<(d0, d1) -> (0, 0)>
#map1 = affine_map<(d0, d1) -> (0)>
module attributes {stable_mosaic.version = 14 : i64} {
  func.func @gk(%arg0: i32, %arg1: i32, %arg2: memref<4096x128xf32, #tpu.memory_space<hbm>>, %arg3: memref<65536xi32, #tpu.memory_space<hbm>>, %arg4: memref<65536x128xf32, #tpu.memory_space<hbm>>, %arg5: memref<2048xi32, #tpu.memory_space<vmem>>, %arg6: memref<4x128x128xf32, #tpu.memory_space<vmem>>, %arg7: memref<!tpu.dma_semaphore, #tpu.memory_space<semaphore_mem>>, %arg8: memref<!tpu.dma_semaphore, #tpu.memory_space<semaphore_mem>>, %arg9: memref<!tpu.dma_semaphore, #tpu.memory_space<semaphore_mem>>, %arg10: memref<!tpu.dma_semaphore, #tpu.memory_space<semaphore_mem>>, %arg11: memref<!tpu.dma_semaphore, #tpu.memory_space<semaphore_mem>>, %arg12: memref<!tpu.dma_semaphore, #tpu.memory_space<semaphore_mem>>, %arg13: memref<!tpu.dma_semaphore, #tpu.memory_space<semaphore_mem>>, %arg14: memref<!tpu.dma_semaphore, #tpu.memory_space<semaphore_mem>>) attributes {dimension_semantics = [#tpu.dimension_semantics<core_parallel>, #tpu.dimension_semantics<subcore_parallel>], iteration_bounds = array<i64: 2, 16>, scalar_prefetch = 0 : i64, scratch_operands = 10 : i64, tpu.core_type = #tpu.core_type<sc_vector_subcore>, window_params = [{transform_indices = #map}, {transform_indices = #map1}, {transform_indices = #map}]} {
    %mul3A = arith.constant 2 : i32
    %mul3A_0 = arith.muli %arg1, %mul3A : i32
    %add3A = arith.addi %mul3A_0, %arg0 : i32
    %mul3A_1 = arith.constant 2048 : i32
    %mul3A_2 = arith.muli %add3A, %mul3A_1 : i32
    "tpu.region"() ({
      %run_scoped3A = tpu.sem_alloc : memref<!tpu.dma_semaphore, #tpu.memory_space<semaphore_mem>>
      %dma_start3A_769 = tpu.memref_slice %arg3[%mul3A_2] : memref<65536xi32, #tpu.memory_space<hbm>> -> memref<2048xi32, #tpu.memory_space<hbm>>
      %dma_start3A_770 = tpu.memref_slice %arg3[%mul3A_2] : memref<65536xi32, #tpu.memory_space<hbm>> -> memref<2048xi32, #tpu.memory_space<hbm>>
      tpu.enqueue_dma source(%dma_start3A_770 : memref<2048xi32, #tpu.memory_space<hbm>>) target(%arg5 : memref<2048xi32, #tpu.memory_space<vmem>>) target_semaphore(%run_scoped3A : memref<!tpu.dma_semaphore, #tpu.memory_space<semaphore_mem>>)
      %dma_wait3A_771 = tpu.memref_slice %arg3[%mul3A_2] : memref<65536xi32, #tpu.memory_space<hbm>> -> memref<2048xi32, #tpu.memory_space<hbm>>
      %dma_wait3A_772 = tpu.memref_slice %arg3[%mul3A_2] : memref<65536xi32, #tpu.memory_space<hbm>> -> memref<2048xi32, #tpu.memory_space<hbm>>
      tpu.wait_dma2 semaphore(%run_scoped3A : memref<!tpu.dma_semaphore, #tpu.memory_space<semaphore_mem>>) src(%dma_wait3A_772 : memref<2048xi32, #tpu.memory_space<hbm>>) dst(%arg5 : memref<2048xi32, #tpu.memory_space<vmem>>)
      tpu.yield
    }) : () -> ()
    %dma_start3A = arith.constant 0 : i32
    %dma_start3A_3 = arith.constant 0 : i32
    %dma_start3A_4 = arith.constant 0 : i32
    %dma_start3A_5 = tpu.memref_slice %arg6[%dma_start3A, %dma_start3A_3, %dma_start3A_4] : memref<4x128x128xf32, #tpu.memory_space<vmem>> -> memref<1x128x128xf32, #tpu.memory_space<vmem>>
    %dma_start3A_6 = tpu.memref_squeeze %dma_start3A_5 : memref<1x128x128xf32, #tpu.memory_space<vmem>> -> memref<128x128xf32, #tpu.memory_space<vmem>>
    %dma_start3A_7 = arith.constant 0 : i32
    %dma_start3A_8 = tpu.memref_slice %arg5[%dma_start3A_7] : memref<2048xi32, #tpu.memory_space<vmem>> -> memref<128xi32, #tpu.memory_space<vmem>>
    %dma_start3A_9 = arith.constant 0 : i32
    %dma_start3A_10 = arith.constant 0 : i32
    %dma_start3A_11 = tpu.memref_slice %arg2[%dma_start3A_9, %dma_start3A_10] : memref<4096x128xf32, #tpu.memory_space<hbm>> -> memref<4096x128xf32, #tpu.memory_space<hbm>>
    tpu.enqueue_indirect_dma source(%dma_start3A_11 : memref<4096x128xf32, #tpu.memory_space<hbm>>) target(%dma_start3A_6 : memref<128x128xf32, #tpu.memory_space<vmem>>) offsets(%dma_start3A_8 : memref<128xi32, #tpu.memory_space<vmem>>) semaphore(%arg7 : memref<!tpu.dma_semaphore, #tpu.memory_space<semaphore_mem>>)
    %dma_start3A_12 = arith.constant 1 : i32
    %dma_start3A_13 = arith.constant 0 : i32
    %dma_start3A_14 = arith.constant 0 : i32
    %dma_start3A_15 = tpu.memref_slice %arg6[%dma_start3A_12, %dma_start3A_13, %dma_start3A_14] : memref<4x128x128xf32, #tpu.memory_space<vmem>> -> memref<1x128x128xf32, #tpu.memory_space<vmem>>
    %dma_start3A_16 = tpu.memref_squeeze %dma_start3A_15 : memref<1x128x128xf32, #tpu.memory_space<vmem>> -> memref<128x128xf32, #tpu.memory_space<vmem>>
    %dma_start3A_17 = arith.constant 128 : i32
    %dma_start3A_18 = tpu.memref_slice %arg5[%dma_start3A_17] : memref<2048xi32, #tpu.memory_space<vmem>> -> memref<128xi32, #tpu.memory_space<vmem>>
    %dma_start3A_19 = arith.constant 0 : i32
    %dma_start3A_20 = arith.constant 0 : i32
    %dma_start3A_21 = tpu.memref_slice %arg2[%dma_start3A_19, %dma_start3A_20] : memref<4096x128xf32, #tpu.memory_space<hbm>> -> memref<4096x128xf32, #tpu.memory_space<hbm>>
    tpu.enqueue_indirect_dma source(%dma_start3A_21 : memref<4096x128xf32, #tpu.memory_space<hbm>>) target(%dma_start3A_16 : memref<128x128xf32, #tpu.memory_space<vmem>>) offsets(%dma_start3A_18 : memref<128xi32, #tpu.memory_space<vmem>>) semaphore(%arg8 : memref<!tpu.dma_semaphore, #tpu.memory_space<semaphore_mem>>)
    %dma_start3A_22 = arith.constant 2 : i32
    %dma_start3A_23 = arith.constant 0 : i32
    %dma_start3A_24 = arith.constant 0 : i32
    %dma_start3A_25 = tpu.memref_slice %arg6[%dma_start3A_22, %dma_start3A_23, %dma_start3A_24] : memref<4x128x128xf32, #tpu.memory_space<vmem>> -> memref<1x128x128xf32, #tpu.memory_space<vmem>>
    %dma_start3A_26 = tpu.memref_squeeze %dma_start3A_25 : memref<1x128x128xf32, #tpu.memory_space<vmem>> -> memref<128x128xf32, #tpu.memory_space<vmem>>
    %dma_start3A_27 = arith.constant 256 : i32
    %dma_start3A_28 = tpu.memref_slice %arg5[%dma_start3A_27] : memref<2048xi32, #tpu.memory_space<vmem>> -> memref<128xi32, #tpu.memory_space<vmem>>
    %dma_start3A_29 = arith.constant 0 : i32
    %dma_start3A_30 = arith.constant 0 : i32
    %dma_start3A_31 = tpu.memref_slice %arg2[%dma_start3A_29, %dma_start3A_30] : memref<4096x128xf32, #tpu.memory_space<hbm>> -> memref<4096x128xf32, #tpu.memory_space<hbm>>
    tpu.enqueue_indirect_dma source(%dma_start3A_31 : memref<4096x128xf32, #tpu.memory_space<hbm>>) target(%dma_start3A_26 : memref<128x128xf32, #tpu.memory_space<vmem>>) offsets(%dma_start3A_28 : memref<128xi32, #tpu.memory_space<vmem>>) semaphore(%arg9 : memref<!tpu.dma_semaphore, #tpu.memory_space<semaphore_mem>>)
    %dma_wait3A = arith.constant 0 : i32
    %dma_wait3A_32 = arith.constant 0 : i32
    %dma_wait3A_33 = arith.constant 0 : i32
    %dma_wait3A_34 = tpu.memref_slice %arg6[%dma_wait3A, %dma_wait3A_32, %dma_wait3A_33] : memref<4x128x128xf32, #tpu.memory_space<vmem>> -> memref<1x128x128xf32, #tpu.memory_space<vmem>>
    %dma_wait3A_35 = tpu.memref_squeeze %dma_wait3A_34 : memref<1x128x128xf32, #tpu.memory_space<vmem>> -> memref<128x128xf32, #tpu.memory_space<vmem>>
    %dma_wait3A_36 = arith.constant 0 : i32
    %dma_wait3A_37 = tpu.memref_slice %arg5[%dma_wait3A_36] : memref<2048xi32, #tpu.memory_space<vmem>> -> memref<128xi32, #tpu.memory_space<vmem>>
    %dma_wait3A_38 = arith.constant 0 : i32
    %dma_wait3A_39 = arith.constant 0 : i32
    %dma_wait3A_40 = tpu.memref_slice %arg2[%dma_wait3A_38, %dma_wait3A_39] : memref<4096x128xf32, #tpu.memory_space<hbm>> -> memref<4096x128xf32, #tpu.memory_space<hbm>>
    tpu.wait_indirect_dma semaphore(%arg7 : memref<!tpu.dma_semaphore, #tpu.memory_space<semaphore_mem>>) src(%dma_wait3A_40 : memref<4096x128xf32, #tpu.memory_space<hbm>>) dst(%dma_wait3A_35 : memref<128x128xf32, #tpu.memory_space<vmem>>)
    %add3A_41 = arith.constant 0 : i32
    %add3A_42 = arith.addi %mul3A_2, %add3A_41 : i32
    %dma_start3A_43 = arith.constant 0 : i32
    %dma_start3A_44 = arith.constant 0 : i32
    %dma_start3A_45 = arith.constant 0 : i32
    %dma_start3A_46 = tpu.memref_slice %arg6[%dma_start3A_43, %dma_start3A_44, %dma_start3A_45] : memref<4x128x128xf32, #tpu.memory_space<vmem>> -> memref<1x128x128xf32, #tpu.memory_space<vmem>>
    %dma_start3A_47 = tpu.memref_squeeze %dma_start3A_46 : memref<1x128x128xf32, #tpu.memory_space<vmem>> -> memref<128x128xf32, #tpu.memory_space<vmem>>
    %dma_start3A_48 = arith.constant 0 : i32
    %dma_start3A_49 = tpu.memref_slice %arg4[%add3A_42, %dma_start3A_48] : memref<65536x128xf32, #tpu.memory_space<hbm>> -> memref<128x128xf32, #tpu.memory_space<hbm>>
    %dma_start3A_50 = arith.constant 0 : i32
    %dma_start3A_51 = tpu.memref_slice %arg4[%add3A_42, %dma_start3A_50] : memref<65536x128xf32, #tpu.memory_space<hbm>> -> memref<128x128xf32, #tpu.memory_space<hbm>>
    %dma_start3A_52 = arith.constant 0 : i32
    %dma_start3A_53 = arith.constant 0 : i32
    %dma_start3A_54 = tpu.memref_slice %arg6[%dma_start3A_43, %dma_start3A_52, %dma_start3A_53] : memref<4x128x128xf32, #tpu.memory_space<vmem>> -> memref<1x128x128xf32, #tpu.memory_space<vmem>>
    %dma_start3A_55 = tpu.memref_squeeze %dma_start3A_54 : memref<1x128x128xf32, #tpu.memory_space<vmem>> -> memref<128x128xf32, #tpu.memory_space<vmem>>
    tpu.enqueue_dma source(%dma_start3A_55 : memref<128x128xf32, #tpu.memory_space<vmem>>) target(%dma_start3A_51 : memref<128x128xf32, #tpu.memory_space<hbm>>) target_semaphore(%arg11 : memref<!tpu.dma_semaphore, #tpu.memory_space<semaphore_mem>>)
    %dma_start3A_56 = arith.constant 3 : i32
    %dma_start3A_57 = arith.constant 0 : i32
    %dma_start3A_58 = arith.constant 0 : i32
    %dma_start3A_59 = tpu.memref_slice %arg6[%dma_start3A_56, %dma_start3A_57, %dma_start3A_58] : memref<4x128x128xf32, #tpu.memory_space<vmem>> -> memref<1x128x128xf32, #tpu.memory_space<vmem>>
    %dma_start3A_60 = tpu.memref_squeeze %dma_start3A_59 : memref<1x128x128xf32, #tpu.memory_space<vmem>> -> memref<128x128xf32, #tpu.memory_space<vmem>>
    %dma_start3A_61 = arith.constant 384 : i32
    %dma_start3A_62 = tpu.memref_slice %arg5[%dma_start3A_61] : memref<2048xi32, #tpu.memory_space<vmem>> -> memref<128xi32, #tpu.memory_space<vmem>>
    %dma_start3A_63 = arith.constant 0 : i32
    %dma_start3A_64 = arith.constant 0 : i32
    %dma_start3A_65 = tpu.memref_slice %arg2[%dma_start3A_63, %dma_start3A_64] : memref<4096x128xf32, #tpu.memory_space<hbm>> -> memref<4096x128xf32, #tpu.memory_space<hbm>>
    tpu.enqueue_indirect_dma source(%dma_start3A_65 : memref<4096x128xf32, #tpu.memory_space<hbm>>) target(%dma_start3A_60 : memref<128x128xf32, #tpu.memory_space<vmem>>) offsets(%dma_start3A_62 : memref<128xi32, #tpu.memory_space<vmem>>) semaphore(%arg10 : memref<!tpu.dma_semaphore, #tpu.memory_space<semaphore_mem>>)
    %dma_wait3A_66 = arith.constant 1 : i32
    %dma_wait3A_67 = arith.constant 0 : i32
    %dma_wait3A_68 = arith.constant 0 : i32
    %dma_wait3A_69 = tpu.memref_slice %arg6[%dma_wait3A_66, %dma_wait3A_67, %dma_wait3A_68] : memref<4x128x128xf32, #tpu.memory_space<vmem>> -> memref<1x128x128xf32, #tpu.memory_space<vmem>>
    %dma_wait3A_70 = tpu.memref_squeeze %dma_wait3A_69 : memref<1x128x128xf32, #tpu.memory_space<vmem>> -> memref<128x128xf32, #tpu.memory_space<vmem>>
    %dma_wait3A_71 = arith.constant 128 : i32
    %dma_wait3A_72 = tpu.memref_slice %arg5[%dma_wait3A_71] : memref<2048xi32, #tpu.memory_space<vmem>> -> memref<128xi32, #tpu.memory_space<vmem>>
    %dma_wait3A_73 = arith.constant 0 : i32
    %dma_wait3A_74 = arith.constant 0 : i32
    %dma_wait3A_75 = tpu.memref_slice %arg2[%dma_wait3A_73, %dma_wait3A_74] : memref<4096x128xf32, #tpu.memory_space<hbm>> -> memref<4096x128xf32, #tpu.memory_space<hbm>>
    tpu.wait_indirect_dma semaphore(%arg8 : memref<!tpu.dma_semaphore, #tpu.memory_space<semaphore_mem>>) src(%dma_wait3A_75 : memref<4096x128xf32, #tpu.memory_space<hbm>>) dst(%dma_wait3A_70 : memref<128x128xf32, #tpu.memory_space<vmem>>)
    %add3A_76 = arith.constant 128 : i32
    %add3A_77 = arith.addi %mul3A_2, %add3A_76 : i32
    %dma_start3A_78 = arith.constant 1 : i32
    %dma_start3A_79 = arith.constant 0 : i32
    %dma_start3A_80 = arith.constant 0 : i32
    %dma_start3A_81 = tpu.memref_slice %arg6[%dma_start3A_78, %dma_start3A_79, %dma_start3A_80] : memref<4x128x128xf32, #tpu.memory_space<vmem>> -> memref<1x128x128xf32, #tpu.memory_space<vmem>>
    %dma_start3A_82 = tpu.memref_squeeze %dma_start3A_81 : memref<1x128x128xf32, #tpu.memory_space<vmem>> -> memref<128x128xf32, #tpu.memory_space<vmem>>
    %dma_start3A_83 = arith.constant 0 : i32
    %dma_start3A_84 = tpu.memref_slice %arg4[%add3A_77, %dma_start3A_83] : memref<65536x128xf32, #tpu.memory_space<hbm>> -> memref<128x128xf32, #tpu.memory_space<hbm>>
    %dma_start3A_85 = arith.constant 0 : i32
    %dma_start3A_86 = tpu.memref_slice %arg4[%add3A_77, %dma_start3A_85] : memref<65536x128xf32, #tpu.memory_space<hbm>> -> memref<128x128xf32, #tpu.memory_space<hbm>>
    %dma_start3A_87 = arith.constant 0 : i32
    %dma_start3A_88 = arith.constant 0 : i32
    %dma_start3A_89 = tpu.memref_slice %arg6[%dma_start3A_78, %dma_start3A_87, %dma_start3A_88] : memref<4x128x128xf32, #tpu.memory_space<vmem>> -> memref<1x128x128xf32, #tpu.memory_space<vmem>>
    %dma_start3A_90 = tpu.memref_squeeze %dma_start3A_89 : memref<1x128x128xf32, #tpu.memory_space<vmem>> -> memref<128x128xf32, #tpu.memory_space<vmem>>
    tpu.enqueue_dma source(%dma_start3A_90 : memref<128x128xf32, #tpu.memory_space<vmem>>) target(%dma_start3A_86 : memref<128x128xf32, #tpu.memory_space<hbm>>) target_semaphore(%arg12 : memref<!tpu.dma_semaphore, #tpu.memory_space<semaphore_mem>>)
    %dma_wait3A_91 = arith.constant 0 : i32
    %dma_wait3A_92 = arith.constant 0 : i32
    %dma_wait3A_93 = arith.constant 0 : i32
    %dma_wait3A_94 = tpu.memref_slice %arg6[%dma_wait3A_91, %dma_wait3A_92, %dma_wait3A_93] : memref<4x128x128xf32, #tpu.memory_space<vmem>> -> memref<1x128x128xf32, #tpu.memory_space<vmem>>
    %dma_wait3A_95 = tpu.memref_squeeze %dma_wait3A_94 : memref<1x128x128xf32, #tpu.memory_space<vmem>> -> memref<128x128xf32, #tpu.memory_space<vmem>>
    %dma_wait3A_96 = arith.constant 0 : i32
    %dma_wait3A_97 = tpu.memref_slice %arg4[%add3A_42, %dma_wait3A_96] : memref<65536x128xf32, #tpu.memory_space<hbm>> -> memref<128x128xf32, #tpu.memory_space<hbm>>
    %dma_wait3A_98 = arith.constant 0 : i32
    %dma_wait3A_99 = tpu.memref_slice %arg4[%add3A_42, %dma_wait3A_98] : memref<65536x128xf32, #tpu.memory_space<hbm>> -> memref<128x128xf32, #tpu.memory_space<hbm>>
    %dma_wait3A_100 = arith.constant 0 : i32
    %dma_wait3A_101 = arith.constant 0 : i32
    %dma_wait3A_102 = tpu.memref_slice %arg6[%dma_wait3A_91, %dma_wait3A_100, %dma_wait3A_101] : memref<4x128x128xf32, #tpu.memory_space<vmem>> -> memref<1x128x128xf32, #tpu.memory_space<vmem>>
    %dma_wait3A_103 = tpu.memref_squeeze %dma_wait3A_102 : memref<1x128x128xf32, #tpu.memory_space<vmem>> -> memref<128x128xf32, #tpu.memory_space<vmem>>
    tpu.wait_dma2 semaphore(%arg11 : memref<!tpu.dma_semaphore, #tpu.memory_space<semaphore_mem>>) src(%dma_wait3A_103 : memref<128x128xf32, #tpu.memory_space<vmem>>) dst(%dma_wait3A_99 : memref<128x128xf32, #tpu.memory_space<hbm>>)
    %dma_start3A_104 = arith.constant 0 : i32
    %dma_start3A_105 = arith.constant 0 : i32
    %dma_start3A_106 = arith.constant 0 : i32
    %dma_start3A_107 = tpu.memref_slice %arg6[%dma_start3A_104, %dma_start3A_105, %dma_start3A_106] : memref<4x128x128xf32, #tpu.memory_space<vmem>> -> memref<1x128x128xf32, #tpu.memory_space<vmem>>
    %dma_start3A_108 = tpu.memref_squeeze %dma_start3A_107 : memref<1x128x128xf32, #tpu.memory_space<vmem>> -> memref<128x128xf32, #tpu.memory_space<vmem>>
    %dma_start3A_109 = arith.constant 512 : i32
    %dma_start3A_110 = tpu.memref_slice %arg5[%dma_start3A_109] : memref<2048xi32, #tpu.memory_space<vmem>> -> memref<128xi32, #tpu.memory_space<vmem>>
    %dma_start3A_111 = arith.constant 0 : i32
    %dma_start3A_112 = arith.constant 0 : i32
    %dma_start3A_113 = tpu.memref_slice %arg2[%dma_start3A_111, %dma_start3A_112] : memref<4096x128xf32, #tpu.memory_space<hbm>> -> memref<4096x128xf32, #tpu.memory_space<hbm>>
    tpu.enqueue_indirect_dma source(%dma_start3A_113 : memref<4096x128xf32, #tpu.memory_space<hbm>>) target(%dma_start3A_108 : memref<128x128xf32, #tpu.memory_space<vmem>>) offsets(%dma_start3A_110 : memref<128xi32, #tpu.memory_space<vmem>>) semaphore(%arg7 : memref<!tpu.dma_semaphore, #tpu.memory_space<semaphore_mem>>)
    %dma_wait3A_114 = arith.constant 2 : i32
    %dma_wait3A_115 = arith.constant 0 : i32
    %dma_wait3A_116 = arith.constant 0 : i32
    %dma_wait3A_117 = tpu.memref_slice %arg6[%dma_wait3A_114, %dma_wait3A_115, %dma_wait3A_116] : memref<4x128x128xf32, #tpu.memory_space<vmem>> -> memref<1x128x128xf32, #tpu.memory_space<vmem>>
    %dma_wait3A_118 = tpu.memref_squeeze %dma_wait3A_117 : memref<1x128x128xf32, #tpu.memory_space<vmem>> -> memref<128x128xf32, #tpu.memory_space<vmem>>
    %dma_wait3A_119 = arith.constant 256 : i32
    %dma_wait3A_120 = tpu.memref_slice %arg5[%dma_wait3A_119] : memref<2048xi32, #tpu.memory_space<vmem>> -> memref<128xi32, #tpu.memory_space<vmem>>
    %dma_wait3A_121 = arith.constant 0 : i32
    %dma_wait3A_122 = arith.constant 0 : i32
    %dma_wait3A_123 = tpu.memref_slice %arg2[%dma_wait3A_121, %dma_wait3A_122] : memref<4096x128xf32, #tpu.memory_space<hbm>> -> memref<4096x128xf32, #tpu.memory_space<hbm>>
    tpu.wait_indirect_dma semaphore(%arg9 : memref<!tpu.dma_semaphore, #tpu.memory_space<semaphore_mem>>) src(%dma_wait3A_123 : memref<4096x128xf32, #tpu.memory_space<hbm>>) dst(%dma_wait3A_118 : memref<128x128xf32, #tpu.memory_space<vmem>>)
    %add3A_124 = arith.constant 256 : i32
    %add3A_125 = arith.addi %mul3A_2, %add3A_124 : i32
    %dma_start3A_126 = arith.constant 2 : i32
    %dma_start3A_127 = arith.constant 0 : i32
    %dma_start3A_128 = arith.constant 0 : i32
    %dma_start3A_129 = tpu.memref_slice %arg6[%dma_start3A_126, %dma_start3A_127, %dma_start3A_128] : memref<4x128x128xf32, #tpu.memory_space<vmem>> -> memref<1x128x128xf32, #tpu.memory_space<vmem>>
    %dma_start3A_130 = tpu.memref_squeeze %dma_start3A_129 : memref<1x128x128xf32, #tpu.memory_space<vmem>> -> memref<128x128xf32, #tpu.memory_space<vmem>>
    %dma_start3A_131 = arith.constant 0 : i32
    %dma_start3A_132 = tpu.memref_slice %arg4[%add3A_125, %dma_start3A_131] : memref<65536x128xf32, #tpu.memory_space<hbm>> -> memref<128x128xf32, #tpu.memory_space<hbm>>
    %dma_start3A_133 = arith.constant 0 : i32
    %dma_start3A_134 = tpu.memref_slice %arg4[%add3A_125, %dma_start3A_133] : memref<65536x128xf32, #tpu.memory_space<hbm>> -> memref<128x128xf32, #tpu.memory_space<hbm>>
    %dma_start3A_135 = arith.constant 0 : i32
    %dma_start3A_136 = arith.constant 0 : i32
    %dma_start3A_137 = tpu.memref_slice %arg6[%dma_start3A_126, %dma_start3A_135, %dma_start3A_136] : memref<4x128x128xf32, #tpu.memory_space<vmem>> -> memref<1x128x128xf32, #tpu.memory_space<vmem>>
    %dma_start3A_138 = tpu.memref_squeeze %dma_start3A_137 : memref<1x128x128xf32, #tpu.memory_space<vmem>> -> memref<128x128xf32, #tpu.memory_space<vmem>>
    tpu.enqueue_dma source(%dma_start3A_138 : memref<128x128xf32, #tpu.memory_space<vmem>>) target(%dma_start3A_134 : memref<128x128xf32, #tpu.memory_space<hbm>>) target_semaphore(%arg13 : memref<!tpu.dma_semaphore, #tpu.memory_space<semaphore_mem>>)
    %dma_wait3A_139 = arith.constant 1 : i32
    %dma_wait3A_140 = arith.constant 0 : i32
    %dma_wait3A_141 = arith.constant 0 : i32
    %dma_wait3A_142 = tpu.memref_slice %arg6[%dma_wait3A_139, %dma_wait3A_140, %dma_wait3A_141] : memref<4x128x128xf32, #tpu.memory_space<vmem>> -> memref<1x128x128xf32, #tpu.memory_space<vmem>>
    %dma_wait3A_143 = tpu.memref_squeeze %dma_wait3A_142 : memref<1x128x128xf32, #tpu.memory_space<vmem>> -> memref<128x128xf32, #tpu.memory_space<vmem>>
    %dma_wait3A_144 = arith.constant 0 : i32
    %dma_wait3A_145 = tpu.memref_slice %arg4[%add3A_77, %dma_wait3A_144] : memref<65536x128xf32, #tpu.memory_space<hbm>> -> memref<128x128xf32, #tpu.memory_space<hbm>>
    %dma_wait3A_146 = arith.constant 0 : i32
    %dma_wait3A_147 = tpu.memref_slice %arg4[%add3A_77, %dma_wait3A_146] : memref<65536x128xf32, #tpu.memory_space<hbm>> -> memref<128x128xf32, #tpu.memory_space<hbm>>
    %dma_wait3A_148 = arith.constant 0 : i32
    %dma_wait3A_149 = arith.constant 0 : i32
    %dma_wait3A_150 = tpu.memref_slice %arg6[%dma_wait3A_139, %dma_wait3A_148, %dma_wait3A_149] : memref<4x128x128xf32, #tpu.memory_space<vmem>> -> memref<1x128x128xf32, #tpu.memory_space<vmem>>
    %dma_wait3A_151 = tpu.memref_squeeze %dma_wait3A_150 : memref<1x128x128xf32, #tpu.memory_space<vmem>> -> memref<128x128xf32, #tpu.memory_space<vmem>>
    tpu.wait_dma2 semaphore(%arg12 : memref<!tpu.dma_semaphore, #tpu.memory_space<semaphore_mem>>) src(%dma_wait3A_151 : memref<128x128xf32, #tpu.memory_space<vmem>>) dst(%dma_wait3A_147 : memref<128x128xf32, #tpu.memory_space<hbm>>)
    %dma_start3A_152 = arith.constant 1 : i32
    %dma_start3A_153 = arith.constant 0 : i32
    %dma_start3A_154 = arith.constant 0 : i32
    %dma_start3A_155 = tpu.memref_slice %arg6[%dma_start3A_152, %dma_start3A_153, %dma_start3A_154] : memref<4x128x128xf32, #tpu.memory_space<vmem>> -> memref<1x128x128xf32, #tpu.memory_space<vmem>>
    %dma_start3A_156 = tpu.memref_squeeze %dma_start3A_155 : memref<1x128x128xf32, #tpu.memory_space<vmem>> -> memref<128x128xf32, #tpu.memory_space<vmem>>
    %dma_start3A_157 = arith.constant 640 : i32
    %dma_start3A_158 = tpu.memref_slice %arg5[%dma_start3A_157] : memref<2048xi32, #tpu.memory_space<vmem>> -> memref<128xi32, #tpu.memory_space<vmem>>
    %dma_start3A_159 = arith.constant 0 : i32
    %dma_start3A_160 = arith.constant 0 : i32
    %dma_start3A_161 = tpu.memref_slice %arg2[%dma_start3A_159, %dma_start3A_160] : memref<4096x128xf32, #tpu.memory_space<hbm>> -> memref<4096x128xf32, #tpu.memory_space<hbm>>
    tpu.enqueue_indirect_dma source(%dma_start3A_161 : memref<4096x128xf32, #tpu.memory_space<hbm>>) target(%dma_start3A_156 : memref<128x128xf32, #tpu.memory_space<vmem>>) offsets(%dma_start3A_158 : memref<128xi32, #tpu.memory_space<vmem>>) semaphore(%arg8 : memref<!tpu.dma_semaphore, #tpu.memory_space<semaphore_mem>>)
    %dma_wait3A_162 = arith.constant 3 : i32
    %dma_wait3A_163 = arith.constant 0 : i32
    %dma_wait3A_164 = arith.constant 0 : i32
    %dma_wait3A_165 = tpu.memref_slice %arg6[%dma_wait3A_162, %dma_wait3A_163, %dma_wait3A_164] : memref<4x128x128xf32, #tpu.memory_space<vmem>> -> memref<1x128x128xf32, #tpu.memory_space<vmem>>
    %dma_wait3A_166 = tpu.memref_squeeze %dma_wait3A_165 : memref<1x128x128xf32, #tpu.memory_space<vmem>> -> memref<128x128xf32, #tpu.memory_space<vmem>>
    %dma_wait3A_167 = arith.constant 384 : i32
    %dma_wait3A_168 = tpu.memref_slice %arg5[%dma_wait3A_167] : memref<2048xi32, #tpu.memory_space<vmem>> -> memref<128xi32, #tpu.memory_space<vmem>>
    %dma_wait3A_169 = arith.constant 0 : i32
    %dma_wait3A_170 = arith.constant 0 : i32
    %dma_wait3A_171 = tpu.memref_slice %arg2[%dma_wait3A_169, %dma_wait3A_170] : memref<4096x128xf32, #tpu.memory_space<hbm>> -> memref<4096x128xf32, #tpu.memory_space<hbm>>
    tpu.wait_indirect_dma semaphore(%arg10 : memref<!tpu.dma_semaphore, #tpu.memory_space<semaphore_mem>>) src(%dma_wait3A_171 : memref<4096x128xf32, #tpu.memory_space<hbm>>) dst(%dma_wait3A_166 : memref<128x128xf32, #tpu.memory_space<vmem>>)
    %add3A_172 = arith.constant 384 : i32
    %add3A_173 = arith.addi %mul3A_2, %add3A_172 : i32
    %dma_start3A_174 = arith.constant 3 : i32
    %dma_start3A_175 = arith.constant 0 : i32
    %dma_start3A_176 = arith.constant 0 : i32
    %dma_start3A_177 = tpu.memref_slice %arg6[%dma_start3A_174, %dma_start3A_175, %dma_start3A_176] : memref<4x128x128xf32, #tpu.memory_space<vmem>> -> memref<1x128x128xf32, #tpu.memory_space<vmem>>
    %dma_start3A_178 = tpu.memref_squeeze %dma_start3A_177 : memref<1x128x128xf32, #tpu.memory_space<vmem>> -> memref<128x128xf32, #tpu.memory_space<vmem>>
    %dma_start3A_179 = arith.constant 0 : i32
    %dma_start3A_180 = tpu.memref_slice %arg4[%add3A_173, %dma_start3A_179] : memref<65536x128xf32, #tpu.memory_space<hbm>> -> memref<128x128xf32, #tpu.memory_space<hbm>>
    %dma_start3A_181 = arith.constant 0 : i32
    %dma_start3A_182 = tpu.memref_slice %arg4[%add3A_173, %dma_start3A_181] : memref<65536x128xf32, #tpu.memory_space<hbm>> -> memref<128x128xf32, #tpu.memory_space<hbm>>
    %dma_start3A_183 = arith.constant 0 : i32
    %dma_start3A_184 = arith.constant 0 : i32
    %dma_start3A_185 = tpu.memref_slice %arg6[%dma_start3A_174, %dma_start3A_183, %dma_start3A_184] : memref<4x128x128xf32, #tpu.memory_space<vmem>> -> memref<1x128x128xf32, #tpu.memory_space<vmem>>
    %dma_start3A_186 = tpu.memref_squeeze %dma_start3A_185 : memref<1x128x128xf32, #tpu.memory_space<vmem>> -> memref<128x128xf32, #tpu.memory_space<vmem>>
    tpu.enqueue_dma source(%dma_start3A_186 : memref<128x128xf32, #tpu.memory_space<vmem>>) target(%dma_start3A_182 : memref<128x128xf32, #tpu.memory_space<hbm>>) target_semaphore(%arg14 : memref<!tpu.dma_semaphore, #tpu.memory_space<semaphore_mem>>)
    %dma_wait3A_187 = arith.constant 2 : i32
    %dma_wait3A_188 = arith.constant 0 : i32
    %dma_wait3A_189 = arith.constant 0 : i32
    %dma_wait3A_190 = tpu.memref_slice %arg6[%dma_wait3A_187, %dma_wait3A_188, %dma_wait3A_189] : memref<4x128x128xf32, #tpu.memory_space<vmem>> -> memref<1x128x128xf32, #tpu.memory_space<vmem>>
    %dma_wait3A_191 = tpu.memref_squeeze %dma_wait3A_190 : memref<1x128x128xf32, #tpu.memory_space<vmem>> -> memref<128x128xf32, #tpu.memory_space<vmem>>
    %dma_wait3A_192 = arith.constant 0 : i32
    %dma_wait3A_193 = tpu.memref_slice %arg4[%add3A_125, %dma_wait3A_192] : memref<65536x128xf32, #tpu.memory_space<hbm>> -> memref<128x128xf32, #tpu.memory_space<hbm>>
    %dma_wait3A_194 = arith.constant 0 : i32
    %dma_wait3A_195 = tpu.memref_slice %arg4[%add3A_125, %dma_wait3A_194] : memref<65536x128xf32, #tpu.memory_space<hbm>> -> memref<128x128xf32, #tpu.memory_space<hbm>>
    %dma_wait3A_196 = arith.constant 0 : i32
    %dma_wait3A_197 = arith.constant 0 : i32
    %dma_wait3A_198 = tpu.memref_slice %arg6[%dma_wait3A_187, %dma_wait3A_196, %dma_wait3A_197] : memref<4x128x128xf32, #tpu.memory_space<vmem>> -> memref<1x128x128xf32, #tpu.memory_space<vmem>>
    %dma_wait3A_199 = tpu.memref_squeeze %dma_wait3A_198 : memref<1x128x128xf32, #tpu.memory_space<vmem>> -> memref<128x128xf32, #tpu.memory_space<vmem>>
    tpu.wait_dma2 semaphore(%arg13 : memref<!tpu.dma_semaphore, #tpu.memory_space<semaphore_mem>>) src(%dma_wait3A_199 : memref<128x128xf32, #tpu.memory_space<vmem>>) dst(%dma_wait3A_195 : memref<128x128xf32, #tpu.memory_space<hbm>>)
    %dma_start3A_200 = arith.constant 2 : i32
    %dma_start3A_201 = arith.constant 0 : i32
    %dma_start3A_202 = arith.constant 0 : i32
    %dma_start3A_203 = tpu.memref_slice %arg6[%dma_start3A_200, %dma_start3A_201, %dma_start3A_202] : memref<4x128x128xf32, #tpu.memory_space<vmem>> -> memref<1x128x128xf32, #tpu.memory_space<vmem>>
    %dma_start3A_204 = tpu.memref_squeeze %dma_start3A_203 : memref<1x128x128xf32, #tpu.memory_space<vmem>> -> memref<128x128xf32, #tpu.memory_space<vmem>>
    %dma_start3A_205 = arith.constant 768 : i32
    %dma_start3A_206 = tpu.memref_slice %arg5[%dma_start3A_205] : memref<2048xi32, #tpu.memory_space<vmem>> -> memref<128xi32, #tpu.memory_space<vmem>>
    %dma_start3A_207 = arith.constant 0 : i32
    %dma_start3A_208 = arith.constant 0 : i32
    %dma_start3A_209 = tpu.memref_slice %arg2[%dma_start3A_207, %dma_start3A_208] : memref<4096x128xf32, #tpu.memory_space<hbm>> -> memref<4096x128xf32, #tpu.memory_space<hbm>>
    tpu.enqueue_indirect_dma source(%dma_start3A_209 : memref<4096x128xf32, #tpu.memory_space<hbm>>) target(%dma_start3A_204 : memref<128x128xf32, #tpu.memory_space<vmem>>) offsets(%dma_start3A_206 : memref<128xi32, #tpu.memory_space<vmem>>) semaphore(%arg9 : memref<!tpu.dma_semaphore, #tpu.memory_space<semaphore_mem>>)
    %dma_wait3A_210 = arith.constant 0 : i32
    %dma_wait3A_211 = arith.constant 0 : i32
    %dma_wait3A_212 = arith.constant 0 : i32
    %dma_wait3A_213 = tpu.memref_slice %arg6[%dma_wait3A_210, %dma_wait3A_211, %dma_wait3A_212] : memref<4x128x128xf32, #tpu.memory_space<vmem>> -> memref<1x128x128xf32, #tpu.memory_space<vmem>>
    %dma_wait3A_214 = tpu.memref_squeeze %dma_wait3A_213 : memref<1x128x128xf32, #tpu.memory_space<vmem>> -> memref<128x128xf32, #tpu.memory_space<vmem>>
    %dma_wait3A_215 = arith.constant 512 : i32
    %dma_wait3A_216 = tpu.memref_slice %arg5[%dma_wait3A_215] : memref<2048xi32, #tpu.memory_space<vmem>> -> memref<128xi32, #tpu.memory_space<vmem>>
    %dma_wait3A_217 = arith.constant 0 : i32
    %dma_wait3A_218 = arith.constant 0 : i32
    %dma_wait3A_219 = tpu.memref_slice %arg2[%dma_wait3A_217, %dma_wait3A_218] : memref<4096x128xf32, #tpu.memory_space<hbm>> -> memref<4096x128xf32, #tpu.memory_space<hbm>>
    tpu.wait_indirect_dma semaphore(%arg7 : memref<!tpu.dma_semaphore, #tpu.memory_space<semaphore_mem>>) src(%dma_wait3A_219 : memref<4096x128xf32, #tpu.memory_space<hbm>>) dst(%dma_wait3A_214 : memref<128x128xf32, #tpu.memory_space<vmem>>)
    %add3A_220 = arith.constant 512 : i32
    %add3A_221 = arith.addi %mul3A_2, %add3A_220 : i32
    %dma_start3A_222 = arith.constant 0 : i32
    %dma_start3A_223 = arith.constant 0 : i32
    %dma_start3A_224 = arith.constant 0 : i32
    %dma_start3A_225 = tpu.memref_slice %arg6[%dma_start3A_222, %dma_start3A_223, %dma_start3A_224] : memref<4x128x128xf32, #tpu.memory_space<vmem>> -> memref<1x128x128xf32, #tpu.memory_space<vmem>>
    %dma_start3A_226 = tpu.memref_squeeze %dma_start3A_225 : memref<1x128x128xf32, #tpu.memory_space<vmem>> -> memref<128x128xf32, #tpu.memory_space<vmem>>
    %dma_start3A_227 = arith.constant 0 : i32
    %dma_start3A_228 = tpu.memref_slice %arg4[%add3A_221, %dma_start3A_227] : memref<65536x128xf32, #tpu.memory_space<hbm>> -> memref<128x128xf32, #tpu.memory_space<hbm>>
    %dma_start3A_229 = arith.constant 0 : i32
    %dma_start3A_230 = tpu.memref_slice %arg4[%add3A_221, %dma_start3A_229] : memref<65536x128xf32, #tpu.memory_space<hbm>> -> memref<128x128xf32, #tpu.memory_space<hbm>>
    %dma_start3A_231 = arith.constant 0 : i32
    %dma_start3A_232 = arith.constant 0 : i32
    %dma_start3A_233 = tpu.memref_slice %arg6[%dma_start3A_222, %dma_start3A_231, %dma_start3A_232] : memref<4x128x128xf32, #tpu.memory_space<vmem>> -> memref<1x128x128xf32, #tpu.memory_space<vmem>>
    %dma_start3A_234 = tpu.memref_squeeze %dma_start3A_233 : memref<1x128x128xf32, #tpu.memory_space<vmem>> -> memref<128x128xf32, #tpu.memory_space<vmem>>
    tpu.enqueue_dma source(%dma_start3A_234 : memref<128x128xf32, #tpu.memory_space<vmem>>) target(%dma_start3A_230 : memref<128x128xf32, #tpu.memory_space<hbm>>) target_semaphore(%arg11 : memref<!tpu.dma_semaphore, #tpu.memory_space<semaphore_mem>>)
    %dma_wait3A_235 = arith.constant 3 : i32
    %dma_wait3A_236 = arith.constant 0 : i32
    %dma_wait3A_237 = arith.constant 0 : i32
    %dma_wait3A_238 = tpu.memref_slice %arg6[%dma_wait3A_235, %dma_wait3A_236, %dma_wait3A_237] : memref<4x128x128xf32, #tpu.memory_space<vmem>> -> memref<1x128x128xf32, #tpu.memory_space<vmem>>
    %dma_wait3A_239 = tpu.memref_squeeze %dma_wait3A_238 : memref<1x128x128xf32, #tpu.memory_space<vmem>> -> memref<128x128xf32, #tpu.memory_space<vmem>>
    %dma_wait3A_240 = arith.constant 0 : i32
    %dma_wait3A_241 = tpu.memref_slice %arg4[%add3A_173, %dma_wait3A_240] : memref<65536x128xf32, #tpu.memory_space<hbm>> -> memref<128x128xf32, #tpu.memory_space<hbm>>
    %dma_wait3A_242 = arith.constant 0 : i32
    %dma_wait3A_243 = tpu.memref_slice %arg4[%add3A_173, %dma_wait3A_242] : memref<65536x128xf32, #tpu.memory_space<hbm>> -> memref<128x128xf32, #tpu.memory_space<hbm>>
    %dma_wait3A_244 = arith.constant 0 : i32
    %dma_wait3A_245 = arith.constant 0 : i32
    %dma_wait3A_246 = tpu.memref_slice %arg6[%dma_wait3A_235, %dma_wait3A_244, %dma_wait3A_245] : memref<4x128x128xf32, #tpu.memory_space<vmem>> -> memref<1x128x128xf32, #tpu.memory_space<vmem>>
    %dma_wait3A_247 = tpu.memref_squeeze %dma_wait3A_246 : memref<1x128x128xf32, #tpu.memory_space<vmem>> -> memref<128x128xf32, #tpu.memory_space<vmem>>
    tpu.wait_dma2 semaphore(%arg14 : memref<!tpu.dma_semaphore, #tpu.memory_space<semaphore_mem>>) src(%dma_wait3A_247 : memref<128x128xf32, #tpu.memory_space<vmem>>) dst(%dma_wait3A_243 : memref<128x128xf32, #tpu.memory_space<hbm>>)
    %dma_start3A_248 = arith.constant 3 : i32
    %dma_start3A_249 = arith.constant 0 : i32
    %dma_start3A_250 = arith.constant 0 : i32
    %dma_start3A_251 = tpu.memref_slice %arg6[%dma_start3A_248, %dma_start3A_249, %dma_start3A_250] : memref<4x128x128xf32, #tpu.memory_space<vmem>> -> memref<1x128x128xf32, #tpu.memory_space<vmem>>
    %dma_start3A_252 = tpu.memref_squeeze %dma_start3A_251 : memref<1x128x128xf32, #tpu.memory_space<vmem>> -> memref<128x128xf32, #tpu.memory_space<vmem>>
    %dma_start3A_253 = arith.constant 896 : i32
    %dma_start3A_254 = tpu.memref_slice %arg5[%dma_start3A_253] : memref<2048xi32, #tpu.memory_space<vmem>> -> memref<128xi32, #tpu.memory_space<vmem>>
    %dma_start3A_255 = arith.constant 0 : i32
    %dma_start3A_256 = arith.constant 0 : i32
    %dma_start3A_257 = tpu.memref_slice %arg2[%dma_start3A_255, %dma_start3A_256] : memref<4096x128xf32, #tpu.memory_space<hbm>> -> memref<4096x128xf32, #tpu.memory_space<hbm>>
    tpu.enqueue_indirect_dma source(%dma_start3A_257 : memref<4096x128xf32, #tpu.memory_space<hbm>>) target(%dma_start3A_252 : memref<128x128xf32, #tpu.memory_space<vmem>>) offsets(%dma_start3A_254 : memref<128xi32, #tpu.memory_space<vmem>>) semaphore(%arg10 : memref<!tpu.dma_semaphore, #tpu.memory_space<semaphore_mem>>)
    %dma_wait3A_258 = arith.constant 1 : i32
    %dma_wait3A_259 = arith.constant 0 : i32
    %dma_wait3A_260 = arith.constant 0 : i32
    %dma_wait3A_261 = tpu.memref_slice %arg6[%dma_wait3A_258, %dma_wait3A_259, %dma_wait3A_260] : memref<4x128x128xf32, #tpu.memory_space<vmem>> -> memref<1x128x128xf32, #tpu.memory_space<vmem>>
    %dma_wait3A_262 = tpu.memref_squeeze %dma_wait3A_261 : memref<1x128x128xf32, #tpu.memory_space<vmem>> -> memref<128x128xf32, #tpu.memory_space<vmem>>
    %dma_wait3A_263 = arith.constant 640 : i32
    %dma_wait3A_264 = tpu.memref_slice %arg5[%dma_wait3A_263] : memref<2048xi32, #tpu.memory_space<vmem>> -> memref<128xi32, #tpu.memory_space<vmem>>
    %dma_wait3A_265 = arith.constant 0 : i32
    %dma_wait3A_266 = arith.constant 0 : i32
    %dma_wait3A_267 = tpu.memref_slice %arg2[%dma_wait3A_265, %dma_wait3A_266] : memref<4096x128xf32, #tpu.memory_space<hbm>> -> memref<4096x128xf32, #tpu.memory_space<hbm>>
    tpu.wait_indirect_dma semaphore(%arg8 : memref<!tpu.dma_semaphore, #tpu.memory_space<semaphore_mem>>) src(%dma_wait3A_267 : memref<4096x128xf32, #tpu.memory_space<hbm>>) dst(%dma_wait3A_262 : memref<128x128xf32, #tpu.memory_space<vmem>>)
    %add3A_268 = arith.constant 640 : i32
    %add3A_269 = arith.addi %mul3A_2, %add3A_268 : i32
    %dma_start3A_270 = arith.constant 1 : i32
    %dma_start3A_271 = arith.constant 0 : i32
    %dma_start3A_272 = arith.constant 0 : i32
    %dma_start3A_273 = tpu.memref_slice %arg6[%dma_start3A_270, %dma_start3A_271, %dma_start3A_272] : memref<4x128x128xf32, #tpu.memory_space<vmem>> -> memref<1x128x128xf32, #tpu.memory_space<vmem>>
    %dma_start3A_274 = tpu.memref_squeeze %dma_start3A_273 : memref<1x128x128xf32, #tpu.memory_space<vmem>> -> memref<128x128xf32, #tpu.memory_space<vmem>>
    %dma_start3A_275 = arith.constant 0 : i32
    %dma_start3A_276 = tpu.memref_slice %arg4[%add3A_269, %dma_start3A_275] : memref<65536x128xf32, #tpu.memory_space<hbm>> -> memref<128x128xf32, #tpu.memory_space<hbm>>
    %dma_start3A_277 = arith.constant 0 : i32
    %dma_start3A_278 = tpu.memref_slice %arg4[%add3A_269, %dma_start3A_277] : memref<65536x128xf32, #tpu.memory_space<hbm>> -> memref<128x128xf32, #tpu.memory_space<hbm>>
    %dma_start3A_279 = arith.constant 0 : i32
    %dma_start3A_280 = arith.constant 0 : i32
    %dma_start3A_281 = tpu.memref_slice %arg6[%dma_start3A_270, %dma_start3A_279, %dma_start3A_280] : memref<4x128x128xf32, #tpu.memory_space<vmem>> -> memref<1x128x128xf32, #tpu.memory_space<vmem>>
    %dma_start3A_282 = tpu.memref_squeeze %dma_start3A_281 : memref<1x128x128xf32, #tpu.memory_space<vmem>> -> memref<128x128xf32, #tpu.memory_space<vmem>>
    tpu.enqueue_dma source(%dma_start3A_282 : memref<128x128xf32, #tpu.memory_space<vmem>>) target(%dma_start3A_278 : memref<128x128xf32, #tpu.memory_space<hbm>>) target_semaphore(%arg12 : memref<!tpu.dma_semaphore, #tpu.memory_space<semaphore_mem>>)
    %dma_wait3A_283 = arith.constant 0 : i32
    %dma_wait3A_284 = arith.constant 0 : i32
    %dma_wait3A_285 = arith.constant 0 : i32
    %dma_wait3A_286 = tpu.memref_slice %arg6[%dma_wait3A_283, %dma_wait3A_284, %dma_wait3A_285] : memref<4x128x128xf32, #tpu.memory_space<vmem>> -> memref<1x128x128xf32, #tpu.memory_space<vmem>>
    %dma_wait3A_287 = tpu.memref_squeeze %dma_wait3A_286 : memref<1x128x128xf32, #tpu.memory_space<vmem>> -> memref<128x128xf32, #tpu.memory_space<vmem>>
    %dma_wait3A_288 = arith.constant 0 : i32
    %dma_wait3A_289 = tpu.memref_slice %arg4[%add3A_221, %dma_wait3A_288] : memref<65536x128xf32, #tpu.memory_space<hbm>> -> memref<128x128xf32, #tpu.memory_space<hbm>>
    %dma_wait3A_290 = arith.constant 0 : i32
    %dma_wait3A_291 = tpu.memref_slice %arg4[%add3A_221, %dma_wait3A_290] : memref<65536x128xf32, #tpu.memory_space<hbm>> -> memref<128x128xf32, #tpu.memory_space<hbm>>
    %dma_wait3A_292 = arith.constant 0 : i32
    %dma_wait3A_293 = arith.constant 0 : i32
    %dma_wait3A_294 = tpu.memref_slice %arg6[%dma_wait3A_283, %dma_wait3A_292, %dma_wait3A_293] : memref<4x128x128xf32, #tpu.memory_space<vmem>> -> memref<1x128x128xf32, #tpu.memory_space<vmem>>
    %dma_wait3A_295 = tpu.memref_squeeze %dma_wait3A_294 : memref<1x128x128xf32, #tpu.memory_space<vmem>> -> memref<128x128xf32, #tpu.memory_space<vmem>>
    tpu.wait_dma2 semaphore(%arg11 : memref<!tpu.dma_semaphore, #tpu.memory_space<semaphore_mem>>) src(%dma_wait3A_295 : memref<128x128xf32, #tpu.memory_space<vmem>>) dst(%dma_wait3A_291 : memref<128x128xf32, #tpu.memory_space<hbm>>)
    %dma_start3A_296 = arith.constant 0 : i32
    %dma_start3A_297 = arith.constant 0 : i32
    %dma_start3A_298 = arith.constant 0 : i32
    %dma_start3A_299 = tpu.memref_slice %arg6[%dma_start3A_296, %dma_start3A_297, %dma_start3A_298] : memref<4x128x128xf32, #tpu.memory_space<vmem>> -> memref<1x128x128xf32, #tpu.memory_space<vmem>>
    %dma_start3A_300 = tpu.memref_squeeze %dma_start3A_299 : memref<1x128x128xf32, #tpu.memory_space<vmem>> -> memref<128x128xf32, #tpu.memory_space<vmem>>
    %dma_start3A_301 = arith.constant 1024 : i32
    %dma_start3A_302 = tpu.memref_slice %arg5[%dma_start3A_301] : memref<2048xi32, #tpu.memory_space<vmem>> -> memref<128xi32, #tpu.memory_space<vmem>>
    %dma_start3A_303 = arith.constant 0 : i32
    %dma_start3A_304 = arith.constant 0 : i32
    %dma_start3A_305 = tpu.memref_slice %arg2[%dma_start3A_303, %dma_start3A_304] : memref<4096x128xf32, #tpu.memory_space<hbm>> -> memref<4096x128xf32, #tpu.memory_space<hbm>>
    tpu.enqueue_indirect_dma source(%dma_start3A_305 : memref<4096x128xf32, #tpu.memory_space<hbm>>) target(%dma_start3A_300 : memref<128x128xf32, #tpu.memory_space<vmem>>) offsets(%dma_start3A_302 : memref<128xi32, #tpu.memory_space<vmem>>) semaphore(%arg7 : memref<!tpu.dma_semaphore, #tpu.memory_space<semaphore_mem>>)
    %dma_wait3A_306 = arith.constant 2 : i32
    %dma_wait3A_307 = arith.constant 0 : i32
    %dma_wait3A_308 = arith.constant 0 : i32
    %dma_wait3A_309 = tpu.memref_slice %arg6[%dma_wait3A_306, %dma_wait3A_307, %dma_wait3A_308] : memref<4x128x128xf32, #tpu.memory_space<vmem>> -> memref<1x128x128xf32, #tpu.memory_space<vmem>>
    %dma_wait3A_310 = tpu.memref_squeeze %dma_wait3A_309 : memref<1x128x128xf32, #tpu.memory_space<vmem>> -> memref<128x128xf32, #tpu.memory_space<vmem>>
    %dma_wait3A_311 = arith.constant 768 : i32
    %dma_wait3A_312 = tpu.memref_slice %arg5[%dma_wait3A_311] : memref<2048xi32, #tpu.memory_space<vmem>> -> memref<128xi32, #tpu.memory_space<vmem>>
    %dma_wait3A_313 = arith.constant 0 : i32
    %dma_wait3A_314 = arith.constant 0 : i32
    %dma_wait3A_315 = tpu.memref_slice %arg2[%dma_wait3A_313, %dma_wait3A_314] : memref<4096x128xf32, #tpu.memory_space<hbm>> -> memref<4096x128xf32, #tpu.memory_space<hbm>>
    tpu.wait_indirect_dma semaphore(%arg9 : memref<!tpu.dma_semaphore, #tpu.memory_space<semaphore_mem>>) src(%dma_wait3A_315 : memref<4096x128xf32, #tpu.memory_space<hbm>>) dst(%dma_wait3A_310 : memref<128x128xf32, #tpu.memory_space<vmem>>)
    %add3A_316 = arith.constant 768 : i32
    %add3A_317 = arith.addi %mul3A_2, %add3A_316 : i32
    %dma_start3A_318 = arith.constant 2 : i32
    %dma_start3A_319 = arith.constant 0 : i32
    %dma_start3A_320 = arith.constant 0 : i32
    %dma_start3A_321 = tpu.memref_slice %arg6[%dma_start3A_318, %dma_start3A_319, %dma_start3A_320] : memref<4x128x128xf32, #tpu.memory_space<vmem>> -> memref<1x128x128xf32, #tpu.memory_space<vmem>>
    %dma_start3A_322 = tpu.memref_squeeze %dma_start3A_321 : memref<1x128x128xf32, #tpu.memory_space<vmem>> -> memref<128x128xf32, #tpu.memory_space<vmem>>
    %dma_start3A_323 = arith.constant 0 : i32
    %dma_start3A_324 = tpu.memref_slice %arg4[%add3A_317, %dma_start3A_323] : memref<65536x128xf32, #tpu.memory_space<hbm>> -> memref<128x128xf32, #tpu.memory_space<hbm>>
    %dma_start3A_325 = arith.constant 0 : i32
    %dma_start3A_326 = tpu.memref_slice %arg4[%add3A_317, %dma_start3A_325] : memref<65536x128xf32, #tpu.memory_space<hbm>> -> memref<128x128xf32, #tpu.memory_space<hbm>>
    %dma_start3A_327 = arith.constant 0 : i32
    %dma_start3A_328 = arith.constant 0 : i32
    %dma_start3A_329 = tpu.memref_slice %arg6[%dma_start3A_318, %dma_start3A_327, %dma_start3A_328] : memref<4x128x128xf32, #tpu.memory_space<vmem>> -> memref<1x128x128xf32, #tpu.memory_space<vmem>>
    %dma_start3A_330 = tpu.memref_squeeze %dma_start3A_329 : memref<1x128x128xf32, #tpu.memory_space<vmem>> -> memref<128x128xf32, #tpu.memory_space<vmem>>
    tpu.enqueue_dma source(%dma_start3A_330 : memref<128x128xf32, #tpu.memory_space<vmem>>) target(%dma_start3A_326 : memref<128x128xf32, #tpu.memory_space<hbm>>) target_semaphore(%arg13 : memref<!tpu.dma_semaphore, #tpu.memory_space<semaphore_mem>>)
    %dma_wait3A_331 = arith.constant 1 : i32
    %dma_wait3A_332 = arith.constant 0 : i32
    %dma_wait3A_333 = arith.constant 0 : i32
    %dma_wait3A_334 = tpu.memref_slice %arg6[%dma_wait3A_331, %dma_wait3A_332, %dma_wait3A_333] : memref<4x128x128xf32, #tpu.memory_space<vmem>> -> memref<1x128x128xf32, #tpu.memory_space<vmem>>
    %dma_wait3A_335 = tpu.memref_squeeze %dma_wait3A_334 : memref<1x128x128xf32, #tpu.memory_space<vmem>> -> memref<128x128xf32, #tpu.memory_space<vmem>>
    %dma_wait3A_336 = arith.constant 0 : i32
    %dma_wait3A_337 = tpu.memref_slice %arg4[%add3A_269, %dma_wait3A_336] : memref<65536x128xf32, #tpu.memory_space<hbm>> -> memref<128x128xf32, #tpu.memory_space<hbm>>
    %dma_wait3A_338 = arith.constant 0 : i32
    %dma_wait3A_339 = tpu.memref_slice %arg4[%add3A_269, %dma_wait3A_338] : memref<65536x128xf32, #tpu.memory_space<hbm>> -> memref<128x128xf32, #tpu.memory_space<hbm>>
    %dma_wait3A_340 = arith.constant 0 : i32
    %dma_wait3A_341 = arith.constant 0 : i32
    %dma_wait3A_342 = tpu.memref_slice %arg6[%dma_wait3A_331, %dma_wait3A_340, %dma_wait3A_341] : memref<4x128x128xf32, #tpu.memory_space<vmem>> -> memref<1x128x128xf32, #tpu.memory_space<vmem>>
    %dma_wait3A_343 = tpu.memref_squeeze %dma_wait3A_342 : memref<1x128x128xf32, #tpu.memory_space<vmem>> -> memref<128x128xf32, #tpu.memory_space<vmem>>
    tpu.wait_dma2 semaphore(%arg12 : memref<!tpu.dma_semaphore, #tpu.memory_space<semaphore_mem>>) src(%dma_wait3A_343 : memref<128x128xf32, #tpu.memory_space<vmem>>) dst(%dma_wait3A_339 : memref<128x128xf32, #tpu.memory_space<hbm>>)
    %dma_start3A_344 = arith.constant 1 : i32
    %dma_start3A_345 = arith.constant 0 : i32
    %dma_start3A_346 = arith.constant 0 : i32
    %dma_start3A_347 = tpu.memref_slice %arg6[%dma_start3A_344, %dma_start3A_345, %dma_start3A_346] : memref<4x128x128xf32, #tpu.memory_space<vmem>> -> memref<1x128x128xf32, #tpu.memory_space<vmem>>
    %dma_start3A_348 = tpu.memref_squeeze %dma_start3A_347 : memref<1x128x128xf32, #tpu.memory_space<vmem>> -> memref<128x128xf32, #tpu.memory_space<vmem>>
    %dma_start3A_349 = arith.constant 1152 : i32
    %dma_start3A_350 = tpu.memref_slice %arg5[%dma_start3A_349] : memref<2048xi32, #tpu.memory_space<vmem>> -> memref<128xi32, #tpu.memory_space<vmem>>
    %dma_start3A_351 = arith.constant 0 : i32
    %dma_start3A_352 = arith.constant 0 : i32
    %dma_start3A_353 = tpu.memref_slice %arg2[%dma_start3A_351, %dma_start3A_352] : memref<4096x128xf32, #tpu.memory_space<hbm>> -> memref<4096x128xf32, #tpu.memory_space<hbm>>
    tpu.enqueue_indirect_dma source(%dma_start3A_353 : memref<4096x128xf32, #tpu.memory_space<hbm>>) target(%dma_start3A_348 : memref<128x128xf32, #tpu.memory_space<vmem>>) offsets(%dma_start3A_350 : memref<128xi32, #tpu.memory_space<vmem>>) semaphore(%arg8 : memref<!tpu.dma_semaphore, #tpu.memory_space<semaphore_mem>>)
    %dma_wait3A_354 = arith.constant 3 : i32
    %dma_wait3A_355 = arith.constant 0 : i32
    %dma_wait3A_356 = arith.constant 0 : i32
    %dma_wait3A_357 = tpu.memref_slice %arg6[%dma_wait3A_354, %dma_wait3A_355, %dma_wait3A_356] : memref<4x128x128xf32, #tpu.memory_space<vmem>> -> memref<1x128x128xf32, #tpu.memory_space<vmem>>
    %dma_wait3A_358 = tpu.memref_squeeze %dma_wait3A_357 : memref<1x128x128xf32, #tpu.memory_space<vmem>> -> memref<128x128xf32, #tpu.memory_space<vmem>>
    %dma_wait3A_359 = arith.constant 896 : i32
    %dma_wait3A_360 = tpu.memref_slice %arg5[%dma_wait3A_359] : memref<2048xi32, #tpu.memory_space<vmem>> -> memref<128xi32, #tpu.memory_space<vmem>>
    %dma_wait3A_361 = arith.constant 0 : i32
    %dma_wait3A_362 = arith.constant 0 : i32
    %dma_wait3A_363 = tpu.memref_slice %arg2[%dma_wait3A_361, %dma_wait3A_362] : memref<4096x128xf32, #tpu.memory_space<hbm>> -> memref<4096x128xf32, #tpu.memory_space<hbm>>
    tpu.wait_indirect_dma semaphore(%arg10 : memref<!tpu.dma_semaphore, #tpu.memory_space<semaphore_mem>>) src(%dma_wait3A_363 : memref<4096x128xf32, #tpu.memory_space<hbm>>) dst(%dma_wait3A_358 : memref<128x128xf32, #tpu.memory_space<vmem>>)
    %add3A_364 = arith.constant 896 : i32
    %add3A_365 = arith.addi %mul3A_2, %add3A_364 : i32
    %dma_start3A_366 = arith.constant 3 : i32
    %dma_start3A_367 = arith.constant 0 : i32
    %dma_start3A_368 = arith.constant 0 : i32
    %dma_start3A_369 = tpu.memref_slice %arg6[%dma_start3A_366, %dma_start3A_367, %dma_start3A_368] : memref<4x128x128xf32, #tpu.memory_space<vmem>> -> memref<1x128x128xf32, #tpu.memory_space<vmem>>
    %dma_start3A_370 = tpu.memref_squeeze %dma_start3A_369 : memref<1x128x128xf32, #tpu.memory_space<vmem>> -> memref<128x128xf32, #tpu.memory_space<vmem>>
    %dma_start3A_371 = arith.constant 0 : i32
    %dma_start3A_372 = tpu.memref_slice %arg4[%add3A_365, %dma_start3A_371] : memref<65536x128xf32, #tpu.memory_space<hbm>> -> memref<128x128xf32, #tpu.memory_space<hbm>>
    %dma_start3A_373 = arith.constant 0 : i32
    %dma_start3A_374 = tpu.memref_slice %arg4[%add3A_365, %dma_start3A_373] : memref<65536x128xf32, #tpu.memory_space<hbm>> -> memref<128x128xf32, #tpu.memory_space<hbm>>
    %dma_start3A_375 = arith.constant 0 : i32
    %dma_start3A_376 = arith.constant 0 : i32
    %dma_start3A_377 = tpu.memref_slice %arg6[%dma_start3A_366, %dma_start3A_375, %dma_start3A_376] : memref<4x128x128xf32, #tpu.memory_space<vmem>> -> memref<1x128x128xf32, #tpu.memory_space<vmem>>
    %dma_start3A_378 = tpu.memref_squeeze %dma_start3A_377 : memref<1x128x128xf32, #tpu.memory_space<vmem>> -> memref<128x128xf32, #tpu.memory_space<vmem>>
    tpu.enqueue_dma source(%dma_start3A_378 : memref<128x128xf32, #tpu.memory_space<vmem>>) target(%dma_start3A_374 : memref<128x128xf32, #tpu.memory_space<hbm>>) target_semaphore(%arg14 : memref<!tpu.dma_semaphore, #tpu.memory_space<semaphore_mem>>)
    %dma_wait3A_379 = arith.constant 2 : i32
    %dma_wait3A_380 = arith.constant 0 : i32
    %dma_wait3A_381 = arith.constant 0 : i32
    %dma_wait3A_382 = tpu.memref_slice %arg6[%dma_wait3A_379, %dma_wait3A_380, %dma_wait3A_381] : memref<4x128x128xf32, #tpu.memory_space<vmem>> -> memref<1x128x128xf32, #tpu.memory_space<vmem>>
    %dma_wait3A_383 = tpu.memref_squeeze %dma_wait3A_382 : memref<1x128x128xf32, #tpu.memory_space<vmem>> -> memref<128x128xf32, #tpu.memory_space<vmem>>
    %dma_wait3A_384 = arith.constant 0 : i32
    %dma_wait3A_385 = tpu.memref_slice %arg4[%add3A_317, %dma_wait3A_384] : memref<65536x128xf32, #tpu.memory_space<hbm>> -> memref<128x128xf32, #tpu.memory_space<hbm>>
    %dma_wait3A_386 = arith.constant 0 : i32
    %dma_wait3A_387 = tpu.memref_slice %arg4[%add3A_317, %dma_wait3A_386] : memref<65536x128xf32, #tpu.memory_space<hbm>> -> memref<128x128xf32, #tpu.memory_space<hbm>>
    %dma_wait3A_388 = arith.constant 0 : i32
    %dma_wait3A_389 = arith.constant 0 : i32
    %dma_wait3A_390 = tpu.memref_slice %arg6[%dma_wait3A_379, %dma_wait3A_388, %dma_wait3A_389] : memref<4x128x128xf32, #tpu.memory_space<vmem>> -> memref<1x128x128xf32, #tpu.memory_space<vmem>>
    %dma_wait3A_391 = tpu.memref_squeeze %dma_wait3A_390 : memref<1x128x128xf32, #tpu.memory_space<vmem>> -> memref<128x128xf32, #tpu.memory_space<vmem>>
    tpu.wait_dma2 semaphore(%arg13 : memref<!tpu.dma_semaphore, #tpu.memory_space<semaphore_mem>>) src(%dma_wait3A_391 : memref<128x128xf32, #tpu.memory_space<vmem>>) dst(%dma_wait3A_387 : memref<128x128xf32, #tpu.memory_space<hbm>>)
    %dma_start3A_392 = arith.constant 2 : i32
    %dma_start3A_393 = arith.constant 0 : i32
    %dma_start3A_394 = arith.constant 0 : i32
    %dma_start3A_395 = tpu.memref_slice %arg6[%dma_start3A_392, %dma_start3A_393, %dma_start3A_394] : memref<4x128x128xf32, #tpu.memory_space<vmem>> -> memref<1x128x128xf32, #tpu.memory_space<vmem>>
    %dma_start3A_396 = tpu.memref_squeeze %dma_start3A_395 : memref<1x128x128xf32, #tpu.memory_space<vmem>> -> memref<128x128xf32, #tpu.memory_space<vmem>>
    %dma_start3A_397 = arith.constant 1280 : i32
    %dma_start3A_398 = tpu.memref_slice %arg5[%dma_start3A_397] : memref<2048xi32, #tpu.memory_space<vmem>> -> memref<128xi32, #tpu.memory_space<vmem>>
    %dma_start3A_399 = arith.constant 0 : i32
    %dma_start3A_400 = arith.constant 0 : i32
    %dma_start3A_401 = tpu.memref_slice %arg2[%dma_start3A_399, %dma_start3A_400] : memref<4096x128xf32, #tpu.memory_space<hbm>> -> memref<4096x128xf32, #tpu.memory_space<hbm>>
    tpu.enqueue_indirect_dma source(%dma_start3A_401 : memref<4096x128xf32, #tpu.memory_space<hbm>>) target(%dma_start3A_396 : memref<128x128xf32, #tpu.memory_space<vmem>>) offsets(%dma_start3A_398 : memref<128xi32, #tpu.memory_space<vmem>>) semaphore(%arg9 : memref<!tpu.dma_semaphore, #tpu.memory_space<semaphore_mem>>)
    %dma_wait3A_402 = arith.constant 0 : i32
    %dma_wait3A_403 = arith.constant 0 : i32
    %dma_wait3A_404 = arith.constant 0 : i32
    %dma_wait3A_405 = tpu.memref_slice %arg6[%dma_wait3A_402, %dma_wait3A_403, %dma_wait3A_404] : memref<4x128x128xf32, #tpu.memory_space<vmem>> -> memref<1x128x128xf32, #tpu.memory_space<vmem>>
    %dma_wait3A_406 = tpu.memref_squeeze %dma_wait3A_405 : memref<1x128x128xf32, #tpu.memory_space<vmem>> -> memref<128x128xf32, #tpu.memory_space<vmem>>
    %dma_wait3A_407 = arith.constant 1024 : i32
    %dma_wait3A_408 = tpu.memref_slice %arg5[%dma_wait3A_407] : memref<2048xi32, #tpu.memory_space<vmem>> -> memref<128xi32, #tpu.memory_space<vmem>>
    %dma_wait3A_409 = arith.constant 0 : i32
    %dma_wait3A_410 = arith.constant 0 : i32
    %dma_wait3A_411 = tpu.memref_slice %arg2[%dma_wait3A_409, %dma_wait3A_410] : memref<4096x128xf32, #tpu.memory_space<hbm>> -> memref<4096x128xf32, #tpu.memory_space<hbm>>
    tpu.wait_indirect_dma semaphore(%arg7 : memref<!tpu.dma_semaphore, #tpu.memory_space<semaphore_mem>>) src(%dma_wait3A_411 : memref<4096x128xf32, #tpu.memory_space<hbm>>) dst(%dma_wait3A_406 : memref<128x128xf32, #tpu.memory_space<vmem>>)
    %add3A_412 = arith.constant 1024 : i32
    %add3A_413 = arith.addi %mul3A_2, %add3A_412 : i32
    %dma_start3A_414 = arith.constant 0 : i32
    %dma_start3A_415 = arith.constant 0 : i32
    %dma_start3A_416 = arith.constant 0 : i32
    %dma_start3A_417 = tpu.memref_slice %arg6[%dma_start3A_414, %dma_start3A_415, %dma_start3A_416] : memref<4x128x128xf32, #tpu.memory_space<vmem>> -> memref<1x128x128xf32, #tpu.memory_space<vmem>>
    %dma_start3A_418 = tpu.memref_squeeze %dma_start3A_417 : memref<1x128x128xf32, #tpu.memory_space<vmem>> -> memref<128x128xf32, #tpu.memory_space<vmem>>
    %dma_start3A_419 = arith.constant 0 : i32
    %dma_start3A_420 = tpu.memref_slice %arg4[%add3A_413, %dma_start3A_419] : memref<65536x128xf32, #tpu.memory_space<hbm>> -> memref<128x128xf32, #tpu.memory_space<hbm>>
    %dma_start3A_421 = arith.constant 0 : i32
    %dma_start3A_422 = tpu.memref_slice %arg4[%add3A_413, %dma_start3A_421] : memref<65536x128xf32, #tpu.memory_space<hbm>> -> memref<128x128xf32, #tpu.memory_space<hbm>>
    %dma_start3A_423 = arith.constant 0 : i32
    %dma_start3A_424 = arith.constant 0 : i32
    %dma_start3A_425 = tpu.memref_slice %arg6[%dma_start3A_414, %dma_start3A_423, %dma_start3A_424] : memref<4x128x128xf32, #tpu.memory_space<vmem>> -> memref<1x128x128xf32, #tpu.memory_space<vmem>>
    %dma_start3A_426 = tpu.memref_squeeze %dma_start3A_425 : memref<1x128x128xf32, #tpu.memory_space<vmem>> -> memref<128x128xf32, #tpu.memory_space<vmem>>
    tpu.enqueue_dma source(%dma_start3A_426 : memref<128x128xf32, #tpu.memory_space<vmem>>) target(%dma_start3A_422 : memref<128x128xf32, #tpu.memory_space<hbm>>) target_semaphore(%arg11 : memref<!tpu.dma_semaphore, #tpu.memory_space<semaphore_mem>>)
    %dma_wait3A_427 = arith.constant 3 : i32
    %dma_wait3A_428 = arith.constant 0 : i32
    %dma_wait3A_429 = arith.constant 0 : i32
    %dma_wait3A_430 = tpu.memref_slice %arg6[%dma_wait3A_427, %dma_wait3A_428, %dma_wait3A_429] : memref<4x128x128xf32, #tpu.memory_space<vmem>> -> memref<1x128x128xf32, #tpu.memory_space<vmem>>
    %dma_wait3A_431 = tpu.memref_squeeze %dma_wait3A_430 : memref<1x128x128xf32, #tpu.memory_space<vmem>> -> memref<128x128xf32, #tpu.memory_space<vmem>>
    %dma_wait3A_432 = arith.constant 0 : i32
    %dma_wait3A_433 = tpu.memref_slice %arg4[%add3A_365, %dma_wait3A_432] : memref<65536x128xf32, #tpu.memory_space<hbm>> -> memref<128x128xf32, #tpu.memory_space<hbm>>
    %dma_wait3A_434 = arith.constant 0 : i32
    %dma_wait3A_435 = tpu.memref_slice %arg4[%add3A_365, %dma_wait3A_434] : memref<65536x128xf32, #tpu.memory_space<hbm>> -> memref<128x128xf32, #tpu.memory_space<hbm>>
    %dma_wait3A_436 = arith.constant 0 : i32
    %dma_wait3A_437 = arith.constant 0 : i32
    %dma_wait3A_438 = tpu.memref_slice %arg6[%dma_wait3A_427, %dma_wait3A_436, %dma_wait3A_437] : memref<4x128x128xf32, #tpu.memory_space<vmem>> -> memref<1x128x128xf32, #tpu.memory_space<vmem>>
    %dma_wait3A_439 = tpu.memref_squeeze %dma_wait3A_438 : memref<1x128x128xf32, #tpu.memory_space<vmem>> -> memref<128x128xf32, #tpu.memory_space<vmem>>
    tpu.wait_dma2 semaphore(%arg14 : memref<!tpu.dma_semaphore, #tpu.memory_space<semaphore_mem>>) src(%dma_wait3A_439 : memref<128x128xf32, #tpu.memory_space<vmem>>) dst(%dma_wait3A_435 : memref<128x128xf32, #tpu.memory_space<hbm>>)
    %dma_start3A_440 = arith.constant 3 : i32
    %dma_start3A_441 = arith.constant 0 : i32
    %dma_start3A_442 = arith.constant 0 : i32
    %dma_start3A_443 = tpu.memref_slice %arg6[%dma_start3A_440, %dma_start3A_441, %dma_start3A_442] : memref<4x128x128xf32, #tpu.memory_space<vmem>> -> memref<1x128x128xf32, #tpu.memory_space<vmem>>
    %dma_start3A_444 = tpu.memref_squeeze %dma_start3A_443 : memref<1x128x128xf32, #tpu.memory_space<vmem>> -> memref<128x128xf32, #tpu.memory_space<vmem>>
    %dma_start3A_445 = arith.constant 1408 : i32
    %dma_start3A_446 = tpu.memref_slice %arg5[%dma_start3A_445] : memref<2048xi32, #tpu.memory_space<vmem>> -> memref<128xi32, #tpu.memory_space<vmem>>
    %dma_start3A_447 = arith.constant 0 : i32
    %dma_start3A_448 = arith.constant 0 : i32
    %dma_start3A_449 = tpu.memref_slice %arg2[%dma_start3A_447, %dma_start3A_448] : memref<4096x128xf32, #tpu.memory_space<hbm>> -> memref<4096x128xf32, #tpu.memory_space<hbm>>
    tpu.enqueue_indirect_dma source(%dma_start3A_449 : memref<4096x128xf32, #tpu.memory_space<hbm>>) target(%dma_start3A_444 : memref<128x128xf32, #tpu.memory_space<vmem>>) offsets(%dma_start3A_446 : memref<128xi32, #tpu.memory_space<vmem>>) semaphore(%arg10 : memref<!tpu.dma_semaphore, #tpu.memory_space<semaphore_mem>>)
    %dma_wait3A_450 = arith.constant 1 : i32
    %dma_wait3A_451 = arith.constant 0 : i32
    %dma_wait3A_452 = arith.constant 0 : i32
    %dma_wait3A_453 = tpu.memref_slice %arg6[%dma_wait3A_450, %dma_wait3A_451, %dma_wait3A_452] : memref<4x128x128xf32, #tpu.memory_space<vmem>> -> memref<1x128x128xf32, #tpu.memory_space<vmem>>
    %dma_wait3A_454 = tpu.memref_squeeze %dma_wait3A_453 : memref<1x128x128xf32, #tpu.memory_space<vmem>> -> memref<128x128xf32, #tpu.memory_space<vmem>>
    %dma_wait3A_455 = arith.constant 1152 : i32
    %dma_wait3A_456 = tpu.memref_slice %arg5[%dma_wait3A_455] : memref<2048xi32, #tpu.memory_space<vmem>> -> memref<128xi32, #tpu.memory_space<vmem>>
    %dma_wait3A_457 = arith.constant 0 : i32
    %dma_wait3A_458 = arith.constant 0 : i32
    %dma_wait3A_459 = tpu.memref_slice %arg2[%dma_wait3A_457, %dma_wait3A_458] : memref<4096x128xf32, #tpu.memory_space<hbm>> -> memref<4096x128xf32, #tpu.memory_space<hbm>>
    tpu.wait_indirect_dma semaphore(%arg8 : memref<!tpu.dma_semaphore, #tpu.memory_space<semaphore_mem>>) src(%dma_wait3A_459 : memref<4096x128xf32, #tpu.memory_space<hbm>>) dst(%dma_wait3A_454 : memref<128x128xf32, #tpu.memory_space<vmem>>)
    %add3A_460 = arith.constant 1152 : i32
    %add3A_461 = arith.addi %mul3A_2, %add3A_460 : i32
    %dma_start3A_462 = arith.constant 1 : i32
    %dma_start3A_463 = arith.constant 0 : i32
    %dma_start3A_464 = arith.constant 0 : i32
    %dma_start3A_465 = tpu.memref_slice %arg6[%dma_start3A_462, %dma_start3A_463, %dma_start3A_464] : memref<4x128x128xf32, #tpu.memory_space<vmem>> -> memref<1x128x128xf32, #tpu.memory_space<vmem>>
    %dma_start3A_466 = tpu.memref_squeeze %dma_start3A_465 : memref<1x128x128xf32, #tpu.memory_space<vmem>> -> memref<128x128xf32, #tpu.memory_space<vmem>>
    %dma_start3A_467 = arith.constant 0 : i32
    %dma_start3A_468 = tpu.memref_slice %arg4[%add3A_461, %dma_start3A_467] : memref<65536x128xf32, #tpu.memory_space<hbm>> -> memref<128x128xf32, #tpu.memory_space<hbm>>
    %dma_start3A_469 = arith.constant 0 : i32
    %dma_start3A_470 = tpu.memref_slice %arg4[%add3A_461, %dma_start3A_469] : memref<65536x128xf32, #tpu.memory_space<hbm>> -> memref<128x128xf32, #tpu.memory_space<hbm>>
    %dma_start3A_471 = arith.constant 0 : i32
    %dma_start3A_472 = arith.constant 0 : i32
    %dma_start3A_473 = tpu.memref_slice %arg6[%dma_start3A_462, %dma_start3A_471, %dma_start3A_472] : memref<4x128x128xf32, #tpu.memory_space<vmem>> -> memref<1x128x128xf32, #tpu.memory_space<vmem>>
    %dma_start3A_474 = tpu.memref_squeeze %dma_start3A_473 : memref<1x128x128xf32, #tpu.memory_space<vmem>> -> memref<128x128xf32, #tpu.memory_space<vmem>>
    tpu.enqueue_dma source(%dma_start3A_474 : memref<128x128xf32, #tpu.memory_space<vmem>>) target(%dma_start3A_470 : memref<128x128xf32, #tpu.memory_space<hbm>>) target_semaphore(%arg12 : memref<!tpu.dma_semaphore, #tpu.memory_space<semaphore_mem>>)
    %dma_wait3A_475 = arith.constant 0 : i32
    %dma_wait3A_476 = arith.constant 0 : i32
    %dma_wait3A_477 = arith.constant 0 : i32
    %dma_wait3A_478 = tpu.memref_slice %arg6[%dma_wait3A_475, %dma_wait3A_476, %dma_wait3A_477] : memref<4x128x128xf32, #tpu.memory_space<vmem>> -> memref<1x128x128xf32, #tpu.memory_space<vmem>>
    %dma_wait3A_479 = tpu.memref_squeeze %dma_wait3A_478 : memref<1x128x128xf32, #tpu.memory_space<vmem>> -> memref<128x128xf32, #tpu.memory_space<vmem>>
    %dma_wait3A_480 = arith.constant 0 : i32
    %dma_wait3A_481 = tpu.memref_slice %arg4[%add3A_413, %dma_wait3A_480] : memref<65536x128xf32, #tpu.memory_space<hbm>> -> memref<128x128xf32, #tpu.memory_space<hbm>>
    %dma_wait3A_482 = arith.constant 0 : i32
    %dma_wait3A_483 = tpu.memref_slice %arg4[%add3A_413, %dma_wait3A_482] : memref<65536x128xf32, #tpu.memory_space<hbm>> -> memref<128x128xf32, #tpu.memory_space<hbm>>
    %dma_wait3A_484 = arith.constant 0 : i32
    %dma_wait3A_485 = arith.constant 0 : i32
    %dma_wait3A_486 = tpu.memref_slice %arg6[%dma_wait3A_475, %dma_wait3A_484, %dma_wait3A_485] : memref<4x128x128xf32, #tpu.memory_space<vmem>> -> memref<1x128x128xf32, #tpu.memory_space<vmem>>
    %dma_wait3A_487 = tpu.memref_squeeze %dma_wait3A_486 : memref<1x128x128xf32, #tpu.memory_space<vmem>> -> memref<128x128xf32, #tpu.memory_space<vmem>>
    tpu.wait_dma2 semaphore(%arg11 : memref<!tpu.dma_semaphore, #tpu.memory_space<semaphore_mem>>) src(%dma_wait3A_487 : memref<128x128xf32, #tpu.memory_space<vmem>>) dst(%dma_wait3A_483 : memref<128x128xf32, #tpu.memory_space<hbm>>)
    %dma_start3A_488 = arith.constant 0 : i32
    %dma_start3A_489 = arith.constant 0 : i32
    %dma_start3A_490 = arith.constant 0 : i32
    %dma_start3A_491 = tpu.memref_slice %arg6[%dma_start3A_488, %dma_start3A_489, %dma_start3A_490] : memref<4x128x128xf32, #tpu.memory_space<vmem>> -> memref<1x128x128xf32, #tpu.memory_space<vmem>>
    %dma_start3A_492 = tpu.memref_squeeze %dma_start3A_491 : memref<1x128x128xf32, #tpu.memory_space<vmem>> -> memref<128x128xf32, #tpu.memory_space<vmem>>
    %dma_start3A_493 = arith.constant 1536 : i32
    %dma_start3A_494 = tpu.memref_slice %arg5[%dma_start3A_493] : memref<2048xi32, #tpu.memory_space<vmem>> -> memref<128xi32, #tpu.memory_space<vmem>>
    %dma_start3A_495 = arith.constant 0 : i32
    %dma_start3A_496 = arith.constant 0 : i32
    %dma_start3A_497 = tpu.memref_slice %arg2[%dma_start3A_495, %dma_start3A_496] : memref<4096x128xf32, #tpu.memory_space<hbm>> -> memref<4096x128xf32, #tpu.memory_space<hbm>>
    tpu.enqueue_indirect_dma source(%dma_start3A_497 : memref<4096x128xf32, #tpu.memory_space<hbm>>) target(%dma_start3A_492 : memref<128x128xf32, #tpu.memory_space<vmem>>) offsets(%dma_start3A_494 : memref<128xi32, #tpu.memory_space<vmem>>) semaphore(%arg7 : memref<!tpu.dma_semaphore, #tpu.memory_space<semaphore_mem>>)
    %dma_wait3A_498 = arith.constant 2 : i32
    %dma_wait3A_499 = arith.constant 0 : i32
    %dma_wait3A_500 = arith.constant 0 : i32
    %dma_wait3A_501 = tpu.memref_slice %arg6[%dma_wait3A_498, %dma_wait3A_499, %dma_wait3A_500] : memref<4x128x128xf32, #tpu.memory_space<vmem>> -> memref<1x128x128xf32, #tpu.memory_space<vmem>>
    %dma_wait3A_502 = tpu.memref_squeeze %dma_wait3A_501 : memref<1x128x128xf32, #tpu.memory_space<vmem>> -> memref<128x128xf32, #tpu.memory_space<vmem>>
    %dma_wait3A_503 = arith.constant 1280 : i32
    %dma_wait3A_504 = tpu.memref_slice %arg5[%dma_wait3A_503] : memref<2048xi32, #tpu.memory_space<vmem>> -> memref<128xi32, #tpu.memory_space<vmem>>
    %dma_wait3A_505 = arith.constant 0 : i32
    %dma_wait3A_506 = arith.constant 0 : i32
    %dma_wait3A_507 = tpu.memref_slice %arg2[%dma_wait3A_505, %dma_wait3A_506] : memref<4096x128xf32, #tpu.memory_space<hbm>> -> memref<4096x128xf32, #tpu.memory_space<hbm>>
    tpu.wait_indirect_dma semaphore(%arg9 : memref<!tpu.dma_semaphore, #tpu.memory_space<semaphore_mem>>) src(%dma_wait3A_507 : memref<4096x128xf32, #tpu.memory_space<hbm>>) dst(%dma_wait3A_502 : memref<128x128xf32, #tpu.memory_space<vmem>>)
    %add3A_508 = arith.constant 1280 : i32
    %add3A_509 = arith.addi %mul3A_2, %add3A_508 : i32
    %dma_start3A_510 = arith.constant 2 : i32
    %dma_start3A_511 = arith.constant 0 : i32
    %dma_start3A_512 = arith.constant 0 : i32
    %dma_start3A_513 = tpu.memref_slice %arg6[%dma_start3A_510, %dma_start3A_511, %dma_start3A_512] : memref<4x128x128xf32, #tpu.memory_space<vmem>> -> memref<1x128x128xf32, #tpu.memory_space<vmem>>
    %dma_start3A_514 = tpu.memref_squeeze %dma_start3A_513 : memref<1x128x128xf32, #tpu.memory_space<vmem>> -> memref<128x128xf32, #tpu.memory_space<vmem>>
    %dma_start3A_515 = arith.constant 0 : i32
    %dma_start3A_516 = tpu.memref_slice %arg4[%add3A_509, %dma_start3A_515] : memref<65536x128xf32, #tpu.memory_space<hbm>> -> memref<128x128xf32, #tpu.memory_space<hbm>>
    %dma_start3A_517 = arith.constant 0 : i32
    %dma_start3A_518 = tpu.memref_slice %arg4[%add3A_509, %dma_start3A_517] : memref<65536x128xf32, #tpu.memory_space<hbm>> -> memref<128x128xf32, #tpu.memory_space<hbm>>
    %dma_start3A_519 = arith.constant 0 : i32
    %dma_start3A_520 = arith.constant 0 : i32
    %dma_start3A_521 = tpu.memref_slice %arg6[%dma_start3A_510, %dma_start3A_519, %dma_start3A_520] : memref<4x128x128xf32, #tpu.memory_space<vmem>> -> memref<1x128x128xf32, #tpu.memory_space<vmem>>
    %dma_start3A_522 = tpu.memref_squeeze %dma_start3A_521 : memref<1x128x128xf32, #tpu.memory_space<vmem>> -> memref<128x128xf32, #tpu.memory_space<vmem>>
    tpu.enqueue_dma source(%dma_start3A_522 : memref<128x128xf32, #tpu.memory_space<vmem>>) target(%dma_start3A_518 : memref<128x128xf32, #tpu.memory_space<hbm>>) target_semaphore(%arg13 : memref<!tpu.dma_semaphore, #tpu.memory_space<semaphore_mem>>)
    %dma_wait3A_523 = arith.constant 1 : i32
    %dma_wait3A_524 = arith.constant 0 : i32
    %dma_wait3A_525 = arith.constant 0 : i32
    %dma_wait3A_526 = tpu.memref_slice %arg6[%dma_wait3A_523, %dma_wait3A_524, %dma_wait3A_525] : memref<4x128x128xf32, #tpu.memory_space<vmem>> -> memref<1x128x128xf32, #tpu.memory_space<vmem>>
    %dma_wait3A_527 = tpu.memref_squeeze %dma_wait3A_526 : memref<1x128x128xf32, #tpu.memory_space<vmem>> -> memref<128x128xf32, #tpu.memory_space<vmem>>
    %dma_wait3A_528 = arith.constant 0 : i32
    %dma_wait3A_529 = tpu.memref_slice %arg4[%add3A_461, %dma_wait3A_528] : memref<65536x128xf32, #tpu.memory_space<hbm>> -> memref<128x128xf32, #tpu.memory_space<hbm>>
    %dma_wait3A_530 = arith.constant 0 : i32
    %dma_wait3A_531 = tpu.memref_slice %arg4[%add3A_461, %dma_wait3A_530] : memref<65536x128xf32, #tpu.memory_space<hbm>> -> memref<128x128xf32, #tpu.memory_space<hbm>>
    %dma_wait3A_532 = arith.constant 0 : i32
    %dma_wait3A_533 = arith.constant 0 : i32
    %dma_wait3A_534 = tpu.memref_slice %arg6[%dma_wait3A_523, %dma_wait3A_532, %dma_wait3A_533] : memref<4x128x128xf32, #tpu.memory_space<vmem>> -> memref<1x128x128xf32, #tpu.memory_space<vmem>>
    %dma_wait3A_535 = tpu.memref_squeeze %dma_wait3A_534 : memref<1x128x128xf32, #tpu.memory_space<vmem>> -> memref<128x128xf32, #tpu.memory_space<vmem>>
    tpu.wait_dma2 semaphore(%arg12 : memref<!tpu.dma_semaphore, #tpu.memory_space<semaphore_mem>>) src(%dma_wait3A_535 : memref<128x128xf32, #tpu.memory_space<vmem>>) dst(%dma_wait3A_531 : memref<128x128xf32, #tpu.memory_space<hbm>>)
    %dma_start3A_536 = arith.constant 1 : i32
    %dma_start3A_537 = arith.constant 0 : i32
    %dma_start3A_538 = arith.constant 0 : i32
    %dma_start3A_539 = tpu.memref_slice %arg6[%dma_start3A_536, %dma_start3A_537, %dma_start3A_538] : memref<4x128x128xf32, #tpu.memory_space<vmem>> -> memref<1x128x128xf32, #tpu.memory_space<vmem>>
    %dma_start3A_540 = tpu.memref_squeeze %dma_start3A_539 : memref<1x128x128xf32, #tpu.memory_space<vmem>> -> memref<128x128xf32, #tpu.memory_space<vmem>>
    %dma_start3A_541 = arith.constant 1664 : i32
    %dma_start3A_542 = tpu.memref_slice %arg5[%dma_start3A_541] : memref<2048xi32, #tpu.memory_space<vmem>> -> memref<128xi32, #tpu.memory_space<vmem>>
    %dma_start3A_543 = arith.constant 0 : i32
    %dma_start3A_544 = arith.constant 0 : i32
    %dma_start3A_545 = tpu.memref_slice %arg2[%dma_start3A_543, %dma_start3A_544] : memref<4096x128xf32, #tpu.memory_space<hbm>> -> memref<4096x128xf32, #tpu.memory_space<hbm>>
    tpu.enqueue_indirect_dma source(%dma_start3A_545 : memref<4096x128xf32, #tpu.memory_space<hbm>>) target(%dma_start3A_540 : memref<128x128xf32, #tpu.memory_space<vmem>>) offsets(%dma_start3A_542 : memref<128xi32, #tpu.memory_space<vmem>>) semaphore(%arg8 : memref<!tpu.dma_semaphore, #tpu.memory_space<semaphore_mem>>)
    %dma_wait3A_546 = arith.constant 3 : i32
    %dma_wait3A_547 = arith.constant 0 : i32
    %dma_wait3A_548 = arith.constant 0 : i32
    %dma_wait3A_549 = tpu.memref_slice %arg6[%dma_wait3A_546, %dma_wait3A_547, %dma_wait3A_548] : memref<4x128x128xf32, #tpu.memory_space<vmem>> -> memref<1x128x128xf32, #tpu.memory_space<vmem>>
    %dma_wait3A_550 = tpu.memref_squeeze %dma_wait3A_549 : memref<1x128x128xf32, #tpu.memory_space<vmem>> -> memref<128x128xf32, #tpu.memory_space<vmem>>
    %dma_wait3A_551 = arith.constant 1408 : i32
    %dma_wait3A_552 = tpu.memref_slice %arg5[%dma_wait3A_551] : memref<2048xi32, #tpu.memory_space<vmem>> -> memref<128xi32, #tpu.memory_space<vmem>>
    %dma_wait3A_553 = arith.constant 0 : i32
    %dma_wait3A_554 = arith.constant 0 : i32
    %dma_wait3A_555 = tpu.memref_slice %arg2[%dma_wait3A_553, %dma_wait3A_554] : memref<4096x128xf32, #tpu.memory_space<hbm>> -> memref<4096x128xf32, #tpu.memory_space<hbm>>
    tpu.wait_indirect_dma semaphore(%arg10 : memref<!tpu.dma_semaphore, #tpu.memory_space<semaphore_mem>>) src(%dma_wait3A_555 : memref<4096x128xf32, #tpu.memory_space<hbm>>) dst(%dma_wait3A_550 : memref<128x128xf32, #tpu.memory_space<vmem>>)
    %add3A_556 = arith.constant 1408 : i32
    %add3A_557 = arith.addi %mul3A_2, %add3A_556 : i32
    %dma_start3A_558 = arith.constant 3 : i32
    %dma_start3A_559 = arith.constant 0 : i32
    %dma_start3A_560 = arith.constant 0 : i32
    %dma_start3A_561 = tpu.memref_slice %arg6[%dma_start3A_558, %dma_start3A_559, %dma_start3A_560] : memref<4x128x128xf32, #tpu.memory_space<vmem>> -> memref<1x128x128xf32, #tpu.memory_space<vmem>>
    %dma_start3A_562 = tpu.memref_squeeze %dma_start3A_561 : memref<1x128x128xf32, #tpu.memory_space<vmem>> -> memref<128x128xf32, #tpu.memory_space<vmem>>
    %dma_start3A_563 = arith.constant 0 : i32
    %dma_start3A_564 = tpu.memref_slice %arg4[%add3A_557, %dma_start3A_563] : memref<65536x128xf32, #tpu.memory_space<hbm>> -> memref<128x128xf32, #tpu.memory_space<hbm>>
    %dma_start3A_565 = arith.constant 0 : i32
    %dma_start3A_566 = tpu.memref_slice %arg4[%add3A_557, %dma_start3A_565] : memref<65536x128xf32, #tpu.memory_space<hbm>> -> memref<128x128xf32, #tpu.memory_space<hbm>>
    %dma_start3A_567 = arith.constant 0 : i32
    %dma_start3A_568 = arith.constant 0 : i32
    %dma_start3A_569 = tpu.memref_slice %arg6[%dma_start3A_558, %dma_start3A_567, %dma_start3A_568] : memref<4x128x128xf32, #tpu.memory_space<vmem>> -> memref<1x128x128xf32, #tpu.memory_space<vmem>>
    %dma_start3A_570 = tpu.memref_squeeze %dma_start3A_569 : memref<1x128x128xf32, #tpu.memory_space<vmem>> -> memref<128x128xf32, #tpu.memory_space<vmem>>
    tpu.enqueue_dma source(%dma_start3A_570 : memref<128x128xf32, #tpu.memory_space<vmem>>) target(%dma_start3A_566 : memref<128x128xf32, #tpu.memory_space<hbm>>) target_semaphore(%arg14 : memref<!tpu.dma_semaphore, #tpu.memory_space<semaphore_mem>>)
    %dma_wait3A_571 = arith.constant 2 : i32
    %dma_wait3A_572 = arith.constant 0 : i32
    %dma_wait3A_573 = arith.constant 0 : i32
    %dma_wait3A_574 = tpu.memref_slice %arg6[%dma_wait3A_571, %dma_wait3A_572, %dma_wait3A_573] : memref<4x128x128xf32, #tpu.memory_space<vmem>> -> memref<1x128x128xf32, #tpu.memory_space<vmem>>
    %dma_wait3A_575 = tpu.memref_squeeze %dma_wait3A_574 : memref<1x128x128xf32, #tpu.memory_space<vmem>> -> memref<128x128xf32, #tpu.memory_space<vmem>>
    %dma_wait3A_576 = arith.constant 0 : i32
    %dma_wait3A_577 = tpu.memref_slice %arg4[%add3A_509, %dma_wait3A_576] : memref<65536x128xf32, #tpu.memory_space<hbm>> -> memref<128x128xf32, #tpu.memory_space<hbm>>
    %dma_wait3A_578 = arith.constant 0 : i32
    %dma_wait3A_579 = tpu.memref_slice %arg4[%add3A_509, %dma_wait3A_578] : memref<65536x128xf32, #tpu.memory_space<hbm>> -> memref<128x128xf32, #tpu.memory_space<hbm>>
    %dma_wait3A_580 = arith.constant 0 : i32
    %dma_wait3A_581 = arith.constant 0 : i32
    %dma_wait3A_582 = tpu.memref_slice %arg6[%dma_wait3A_571, %dma_wait3A_580, %dma_wait3A_581] : memref<4x128x128xf32, #tpu.memory_space<vmem>> -> memref<1x128x128xf32, #tpu.memory_space<vmem>>
    %dma_wait3A_583 = tpu.memref_squeeze %dma_wait3A_582 : memref<1x128x128xf32, #tpu.memory_space<vmem>> -> memref<128x128xf32, #tpu.memory_space<vmem>>
    tpu.wait_dma2 semaphore(%arg13 : memref<!tpu.dma_semaphore, #tpu.memory_space<semaphore_mem>>) src(%dma_wait3A_583 : memref<128x128xf32, #tpu.memory_space<vmem>>) dst(%dma_wait3A_579 : memref<128x128xf32, #tpu.memory_space<hbm>>)
    %dma_start3A_584 = arith.constant 2 : i32
    %dma_start3A_585 = arith.constant 0 : i32
    %dma_start3A_586 = arith.constant 0 : i32
    %dma_start3A_587 = tpu.memref_slice %arg6[%dma_start3A_584, %dma_start3A_585, %dma_start3A_586] : memref<4x128x128xf32, #tpu.memory_space<vmem>> -> memref<1x128x128xf32, #tpu.memory_space<vmem>>
    %dma_start3A_588 = tpu.memref_squeeze %dma_start3A_587 : memref<1x128x128xf32, #tpu.memory_space<vmem>> -> memref<128x128xf32, #tpu.memory_space<vmem>>
    %dma_start3A_589 = arith.constant 1792 : i32
    %dma_start3A_590 = tpu.memref_slice %arg5[%dma_start3A_589] : memref<2048xi32, #tpu.memory_space<vmem>> -> memref<128xi32, #tpu.memory_space<vmem>>
    %dma_start3A_591 = arith.constant 0 : i32
    %dma_start3A_592 = arith.constant 0 : i32
    %dma_start3A_593 = tpu.memref_slice %arg2[%dma_start3A_591, %dma_start3A_592] : memref<4096x128xf32, #tpu.memory_space<hbm>> -> memref<4096x128xf32, #tpu.memory_space<hbm>>
    tpu.enqueue_indirect_dma source(%dma_start3A_593 : memref<4096x128xf32, #tpu.memory_space<hbm>>) target(%dma_start3A_588 : memref<128x128xf32, #tpu.memory_space<vmem>>) offsets(%dma_start3A_590 : memref<128xi32, #tpu.memory_space<vmem>>) semaphore(%arg9 : memref<!tpu.dma_semaphore, #tpu.memory_space<semaphore_mem>>)
    %dma_wait3A_594 = arith.constant 0 : i32
    %dma_wait3A_595 = arith.constant 0 : i32
    %dma_wait3A_596 = arith.constant 0 : i32
    %dma_wait3A_597 = tpu.memref_slice %arg6[%dma_wait3A_594, %dma_wait3A_595, %dma_wait3A_596] : memref<4x128x128xf32, #tpu.memory_space<vmem>> -> memref<1x128x128xf32, #tpu.memory_space<vmem>>
    %dma_wait3A_598 = tpu.memref_squeeze %dma_wait3A_597 : memref<1x128x128xf32, #tpu.memory_space<vmem>> -> memref<128x128xf32, #tpu.memory_space<vmem>>
    %dma_wait3A_599 = arith.constant 1536 : i32
    %dma_wait3A_600 = tpu.memref_slice %arg5[%dma_wait3A_599] : memref<2048xi32, #tpu.memory_space<vmem>> -> memref<128xi32, #tpu.memory_space<vmem>>
    %dma_wait3A_601 = arith.constant 0 : i32
    %dma_wait3A_602 = arith.constant 0 : i32
    %dma_wait3A_603 = tpu.memref_slice %arg2[%dma_wait3A_601, %dma_wait3A_602] : memref<4096x128xf32, #tpu.memory_space<hbm>> -> memref<4096x128xf32, #tpu.memory_space<hbm>>
    tpu.wait_indirect_dma semaphore(%arg7 : memref<!tpu.dma_semaphore, #tpu.memory_space<semaphore_mem>>) src(%dma_wait3A_603 : memref<4096x128xf32, #tpu.memory_space<hbm>>) dst(%dma_wait3A_598 : memref<128x128xf32, #tpu.memory_space<vmem>>)
    %add3A_604 = arith.constant 1536 : i32
    %add3A_605 = arith.addi %mul3A_2, %add3A_604 : i32
    %dma_start3A_606 = arith.constant 0 : i32
    %dma_start3A_607 = arith.constant 0 : i32
    %dma_start3A_608 = arith.constant 0 : i32
    %dma_start3A_609 = tpu.memref_slice %arg6[%dma_start3A_606, %dma_start3A_607, %dma_start3A_608] : memref<4x128x128xf32, #tpu.memory_space<vmem>> -> memref<1x128x128xf32, #tpu.memory_space<vmem>>
    %dma_start3A_610 = tpu.memref_squeeze %dma_start3A_609 : memref<1x128x128xf32, #tpu.memory_space<vmem>> -> memref<128x128xf32, #tpu.memory_space<vmem>>
    %dma_start3A_611 = arith.constant 0 : i32
    %dma_start3A_612 = tpu.memref_slice %arg4[%add3A_605, %dma_start3A_611] : memref<65536x128xf32, #tpu.memory_space<hbm>> -> memref<128x128xf32, #tpu.memory_space<hbm>>
    %dma_start3A_613 = arith.constant 0 : i32
    %dma_start3A_614 = tpu.memref_slice %arg4[%add3A_605, %dma_start3A_613] : memref<65536x128xf32, #tpu.memory_space<hbm>> -> memref<128x128xf32, #tpu.memory_space<hbm>>
    %dma_start3A_615 = arith.constant 0 : i32
    %dma_start3A_616 = arith.constant 0 : i32
    %dma_start3A_617 = tpu.memref_slice %arg6[%dma_start3A_606, %dma_start3A_615, %dma_start3A_616] : memref<4x128x128xf32, #tpu.memory_space<vmem>> -> memref<1x128x128xf32, #tpu.memory_space<vmem>>
    %dma_start3A_618 = tpu.memref_squeeze %dma_start3A_617 : memref<1x128x128xf32, #tpu.memory_space<vmem>> -> memref<128x128xf32, #tpu.memory_space<vmem>>
    tpu.enqueue_dma source(%dma_start3A_618 : memref<128x128xf32, #tpu.memory_space<vmem>>) target(%dma_start3A_614 : memref<128x128xf32, #tpu.memory_space<hbm>>) target_semaphore(%arg11 : memref<!tpu.dma_semaphore, #tpu.memory_space<semaphore_mem>>)
    %dma_wait3A_619 = arith.constant 3 : i32
    %dma_wait3A_620 = arith.constant 0 : i32
    %dma_wait3A_621 = arith.constant 0 : i32
    %dma_wait3A_622 = tpu.memref_slice %arg6[%dma_wait3A_619, %dma_wait3A_620, %dma_wait3A_621] : memref<4x128x128xf32, #tpu.memory_space<vmem>> -> memref<1x128x128xf32, #tpu.memory_space<vmem>>
    %dma_wait3A_623 = tpu.memref_squeeze %dma_wait3A_622 : memref<1x128x128xf32, #tpu.memory_space<vmem>> -> memref<128x128xf32, #tpu.memory_space<vmem>>
    %dma_wait3A_624 = arith.constant 0 : i32
    %dma_wait3A_625 = tpu.memref_slice %arg4[%add3A_557, %dma_wait3A_624] : memref<65536x128xf32, #tpu.memory_space<hbm>> -> memref<128x128xf32, #tpu.memory_space<hbm>>
    %dma_wait3A_626 = arith.constant 0 : i32
    %dma_wait3A_627 = tpu.memref_slice %arg4[%add3A_557, %dma_wait3A_626] : memref<65536x128xf32, #tpu.memory_space<hbm>> -> memref<128x128xf32, #tpu.memory_space<hbm>>
    %dma_wait3A_628 = arith.constant 0 : i32
    %dma_wait3A_629 = arith.constant 0 : i32
    %dma_wait3A_630 = tpu.memref_slice %arg6[%dma_wait3A_619, %dma_wait3A_628, %dma_wait3A_629] : memref<4x128x128xf32, #tpu.memory_space<vmem>> -> memref<1x128x128xf32, #tpu.memory_space<vmem>>
    %dma_wait3A_631 = tpu.memref_squeeze %dma_wait3A_630 : memref<1x128x128xf32, #tpu.memory_space<vmem>> -> memref<128x128xf32, #tpu.memory_space<vmem>>
    tpu.wait_dma2 semaphore(%arg14 : memref<!tpu.dma_semaphore, #tpu.memory_space<semaphore_mem>>) src(%dma_wait3A_631 : memref<128x128xf32, #tpu.memory_space<vmem>>) dst(%dma_wait3A_627 : memref<128x128xf32, #tpu.memory_space<hbm>>)
    %dma_start3A_632 = arith.constant 3 : i32
    %dma_start3A_633 = arith.constant 0 : i32
    %dma_start3A_634 = arith.constant 0 : i32
    %dma_start3A_635 = tpu.memref_slice %arg6[%dma_start3A_632, %dma_start3A_633, %dma_start3A_634] : memref<4x128x128xf32, #tpu.memory_space<vmem>> -> memref<1x128x128xf32, #tpu.memory_space<vmem>>
    %dma_start3A_636 = tpu.memref_squeeze %dma_start3A_635 : memref<1x128x128xf32, #tpu.memory_space<vmem>> -> memref<128x128xf32, #tpu.memory_space<vmem>>
    %dma_start3A_637 = arith.constant 1920 : i32
    %dma_start3A_638 = tpu.memref_slice %arg5[%dma_start3A_637] : memref<2048xi32, #tpu.memory_space<vmem>> -> memref<128xi32, #tpu.memory_space<vmem>>
    %dma_start3A_639 = arith.constant 0 : i32
    %dma_start3A_640 = arith.constant 0 : i32
    %dma_start3A_641 = tpu.memref_slice %arg2[%dma_start3A_639, %dma_start3A_640] : memref<4096x128xf32, #tpu.memory_space<hbm>> -> memref<4096x128xf32, #tpu.memory_space<hbm>>
    tpu.enqueue_indirect_dma source(%dma_start3A_641 : memref<4096x128xf32, #tpu.memory_space<hbm>>) target(%dma_start3A_636 : memref<128x128xf32, #tpu.memory_space<vmem>>) offsets(%dma_start3A_638 : memref<128xi32, #tpu.memory_space<vmem>>) semaphore(%arg10 : memref<!tpu.dma_semaphore, #tpu.memory_space<semaphore_mem>>)
    %dma_wait3A_642 = arith.constant 1 : i32
    %dma_wait3A_643 = arith.constant 0 : i32
    %dma_wait3A_644 = arith.constant 0 : i32
    %dma_wait3A_645 = tpu.memref_slice %arg6[%dma_wait3A_642, %dma_wait3A_643, %dma_wait3A_644] : memref<4x128x128xf32, #tpu.memory_space<vmem>> -> memref<1x128x128xf32, #tpu.memory_space<vmem>>
    %dma_wait3A_646 = tpu.memref_squeeze %dma_wait3A_645 : memref<1x128x128xf32, #tpu.memory_space<vmem>> -> memref<128x128xf32, #tpu.memory_space<vmem>>
    %dma_wait3A_647 = arith.constant 1664 : i32
    %dma_wait3A_648 = tpu.memref_slice %arg5[%dma_wait3A_647] : memref<2048xi32, #tpu.memory_space<vmem>> -> memref<128xi32, #tpu.memory_space<vmem>>
    %dma_wait3A_649 = arith.constant 0 : i32
    %dma_wait3A_650 = arith.constant 0 : i32
    %dma_wait3A_651 = tpu.memref_slice %arg2[%dma_wait3A_649, %dma_wait3A_650] : memref<4096x128xf32, #tpu.memory_space<hbm>> -> memref<4096x128xf32, #tpu.memory_space<hbm>>
    tpu.wait_indirect_dma semaphore(%arg8 : memref<!tpu.dma_semaphore, #tpu.memory_space<semaphore_mem>>) src(%dma_wait3A_651 : memref<4096x128xf32, #tpu.memory_space<hbm>>) dst(%dma_wait3A_646 : memref<128x128xf32, #tpu.memory_space<vmem>>)
    %add3A_652 = arith.constant 1664 : i32
    %add3A_653 = arith.addi %mul3A_2, %add3A_652 : i32
    %dma_start3A_654 = arith.constant 1 : i32
    %dma_start3A_655 = arith.constant 0 : i32
    %dma_start3A_656 = arith.constant 0 : i32
    %dma_start3A_657 = tpu.memref_slice %arg6[%dma_start3A_654, %dma_start3A_655, %dma_start3A_656] : memref<4x128x128xf32, #tpu.memory_space<vmem>> -> memref<1x128x128xf32, #tpu.memory_space<vmem>>
    %dma_start3A_658 = tpu.memref_squeeze %dma_start3A_657 : memref<1x128x128xf32, #tpu.memory_space<vmem>> -> memref<128x128xf32, #tpu.memory_space<vmem>>
    %dma_start3A_659 = arith.constant 0 : i32
    %dma_start3A_660 = tpu.memref_slice %arg4[%add3A_653, %dma_start3A_659] : memref<65536x128xf32, #tpu.memory_space<hbm>> -> memref<128x128xf32, #tpu.memory_space<hbm>>
    %dma_start3A_661 = arith.constant 0 : i32
    %dma_start3A_662 = tpu.memref_slice %arg4[%add3A_653, %dma_start3A_661] : memref<65536x128xf32, #tpu.memory_space<hbm>> -> memref<128x128xf32, #tpu.memory_space<hbm>>
    %dma_start3A_663 = arith.constant 0 : i32
    %dma_start3A_664 = arith.constant 0 : i32
    %dma_start3A_665 = tpu.memref_slice %arg6[%dma_start3A_654, %dma_start3A_663, %dma_start3A_664] : memref<4x128x128xf32, #tpu.memory_space<vmem>> -> memref<1x128x128xf32, #tpu.memory_space<vmem>>
    %dma_start3A_666 = tpu.memref_squeeze %dma_start3A_665 : memref<1x128x128xf32, #tpu.memory_space<vmem>> -> memref<128x128xf32, #tpu.memory_space<vmem>>
    tpu.enqueue_dma source(%dma_start3A_666 : memref<128x128xf32, #tpu.memory_space<vmem>>) target(%dma_start3A_662 : memref<128x128xf32, #tpu.memory_space<hbm>>) target_semaphore(%arg12 : memref<!tpu.dma_semaphore, #tpu.memory_space<semaphore_mem>>)
    %dma_wait3A_667 = arith.constant 2 : i32
    %dma_wait3A_668 = arith.constant 0 : i32
    %dma_wait3A_669 = arith.constant 0 : i32
    %dma_wait3A_670 = tpu.memref_slice %arg6[%dma_wait3A_667, %dma_wait3A_668, %dma_wait3A_669] : memref<4x128x128xf32, #tpu.memory_space<vmem>> -> memref<1x128x128xf32, #tpu.memory_space<vmem>>
    %dma_wait3A_671 = tpu.memref_squeeze %dma_wait3A_670 : memref<1x128x128xf32, #tpu.memory_space<vmem>> -> memref<128x128xf32, #tpu.memory_space<vmem>>
    %dma_wait3A_672 = arith.constant 1792 : i32
    %dma_wait3A_673 = tpu.memref_slice %arg5[%dma_wait3A_672] : memref<2048xi32, #tpu.memory_space<vmem>> -> memref<128xi32, #tpu.memory_space<vmem>>
    %dma_wait3A_674 = arith.constant 0 : i32
    %dma_wait3A_675 = arith.constant 0 : i32
    %dma_wait3A_676 = tpu.memref_slice %arg2[%dma_wait3A_674, %dma_wait3A_675] : memref<4096x128xf32, #tpu.memory_space<hbm>> -> memref<4096x128xf32, #tpu.memory_space<hbm>>
    tpu.wait_indirect_dma semaphore(%arg9 : memref<!tpu.dma_semaphore, #tpu.memory_space<semaphore_mem>>) src(%dma_wait3A_676 : memref<4096x128xf32, #tpu.memory_space<hbm>>) dst(%dma_wait3A_671 : memref<128x128xf32, #tpu.memory_space<vmem>>)
    %add3A_677 = arith.constant 1792 : i32
    %add3A_678 = arith.addi %mul3A_2, %add3A_677 : i32
    %dma_start3A_679 = arith.constant 2 : i32
    %dma_start3A_680 = arith.constant 0 : i32
    %dma_start3A_681 = arith.constant 0 : i32
    %dma_start3A_682 = tpu.memref_slice %arg6[%dma_start3A_679, %dma_start3A_680, %dma_start3A_681] : memref<4x128x128xf32, #tpu.memory_space<vmem>> -> memref<1x128x128xf32, #tpu.memory_space<vmem>>
    %dma_start3A_683 = tpu.memref_squeeze %dma_start3A_682 : memref<1x128x128xf32, #tpu.memory_space<vmem>> -> memref<128x128xf32, #tpu.memory_space<vmem>>
    %dma_start3A_684 = arith.constant 0 : i32
    %dma_start3A_685 = tpu.memref_slice %arg4[%add3A_678, %dma_start3A_684] : memref<65536x128xf32, #tpu.memory_space<hbm>> -> memref<128x128xf32, #tpu.memory_space<hbm>>
    %dma_start3A_686 = arith.constant 0 : i32
    %dma_start3A_687 = tpu.memref_slice %arg4[%add3A_678, %dma_start3A_686] : memref<65536x128xf32, #tpu.memory_space<hbm>> -> memref<128x128xf32, #tpu.memory_space<hbm>>
    %dma_start3A_688 = arith.constant 0 : i32
    %dma_start3A_689 = arith.constant 0 : i32
    %dma_start3A_690 = tpu.memref_slice %arg6[%dma_start3A_679, %dma_start3A_688, %dma_start3A_689] : memref<4x128x128xf32, #tpu.memory_space<vmem>> -> memref<1x128x128xf32, #tpu.memory_space<vmem>>
    %dma_start3A_691 = tpu.memref_squeeze %dma_start3A_690 : memref<1x128x128xf32, #tpu.memory_space<vmem>> -> memref<128x128xf32, #tpu.memory_space<vmem>>
    tpu.enqueue_dma source(%dma_start3A_691 : memref<128x128xf32, #tpu.memory_space<vmem>>) target(%dma_start3A_687 : memref<128x128xf32, #tpu.memory_space<hbm>>) target_semaphore(%arg13 : memref<!tpu.dma_semaphore, #tpu.memory_space<semaphore_mem>>)
    %dma_wait3A_692 = arith.constant 3 : i32
    %dma_wait3A_693 = arith.constant 0 : i32
    %dma_wait3A_694 = arith.constant 0 : i32
    %dma_wait3A_695 = tpu.memref_slice %arg6[%dma_wait3A_692, %dma_wait3A_693, %dma_wait3A_694] : memref<4x128x128xf32, #tpu.memory_space<vmem>> -> memref<1x128x128xf32, #tpu.memory_space<vmem>>
    %dma_wait3A_696 = tpu.memref_squeeze %dma_wait3A_695 : memref<1x128x128xf32, #tpu.memory_space<vmem>> -> memref<128x128xf32, #tpu.memory_space<vmem>>
    %dma_wait3A_697 = arith.constant 1920 : i32
    %dma_wait3A_698 = tpu.memref_slice %arg5[%dma_wait3A_697] : memref<2048xi32, #tpu.memory_space<vmem>> -> memref<128xi32, #tpu.memory_space<vmem>>
    %dma_wait3A_699 = arith.constant 0 : i32
    %dma_wait3A_700 = arith.constant 0 : i32
    %dma_wait3A_701 = tpu.memref_slice %arg2[%dma_wait3A_699, %dma_wait3A_700] : memref<4096x128xf32, #tpu.memory_space<hbm>> -> memref<4096x128xf32, #tpu.memory_space<hbm>>
    tpu.wait_indirect_dma semaphore(%arg10 : memref<!tpu.dma_semaphore, #tpu.memory_space<semaphore_mem>>) src(%dma_wait3A_701 : memref<4096x128xf32, #tpu.memory_space<hbm>>) dst(%dma_wait3A_696 : memref<128x128xf32, #tpu.memory_space<vmem>>)
    %add3A_702 = arith.constant 1920 : i32
    %add3A_703 = arith.addi %mul3A_2, %add3A_702 : i32
    %dma_start3A_704 = arith.constant 3 : i32
    %dma_start3A_705 = arith.constant 0 : i32
    %dma_start3A_706 = arith.constant 0 : i32
    %dma_start3A_707 = tpu.memref_slice %arg6[%dma_start3A_704, %dma_start3A_705, %dma_start3A_706] : memref<4x128x128xf32, #tpu.memory_space<vmem>> -> memref<1x128x128xf32, #tpu.memory_space<vmem>>
    %dma_start3A_708 = tpu.memref_squeeze %dma_start3A_707 : memref<1x128x128xf32, #tpu.memory_space<vmem>> -> memref<128x128xf32, #tpu.memory_space<vmem>>
    %dma_start3A_709 = arith.constant 0 : i32
    %dma_start3A_710 = tpu.memref_slice %arg4[%add3A_703, %dma_start3A_709] : memref<65536x128xf32, #tpu.memory_space<hbm>> -> memref<128x128xf32, #tpu.memory_space<hbm>>
    %dma_start3A_711 = arith.constant 0 : i32
    %dma_start3A_712 = tpu.memref_slice %arg4[%add3A_703, %dma_start3A_711] : memref<65536x128xf32, #tpu.memory_space<hbm>> -> memref<128x128xf32, #tpu.memory_space<hbm>>
    %dma_start3A_713 = arith.constant 0 : i32
    %dma_start3A_714 = arith.constant 0 : i32
    %dma_start3A_715 = tpu.memref_slice %arg6[%dma_start3A_704, %dma_start3A_713, %dma_start3A_714] : memref<4x128x128xf32, #tpu.memory_space<vmem>> -> memref<1x128x128xf32, #tpu.memory_space<vmem>>
    %dma_start3A_716 = tpu.memref_squeeze %dma_start3A_715 : memref<1x128x128xf32, #tpu.memory_space<vmem>> -> memref<128x128xf32, #tpu.memory_space<vmem>>
    tpu.enqueue_dma source(%dma_start3A_716 : memref<128x128xf32, #tpu.memory_space<vmem>>) target(%dma_start3A_712 : memref<128x128xf32, #tpu.memory_space<hbm>>) target_semaphore(%arg14 : memref<!tpu.dma_semaphore, #tpu.memory_space<semaphore_mem>>)
    %dma_wait3A_717 = arith.constant 0 : i32
    %dma_wait3A_718 = arith.constant 0 : i32
    %dma_wait3A_719 = arith.constant 0 : i32
    %dma_wait3A_720 = tpu.memref_slice %arg6[%dma_wait3A_717, %dma_wait3A_718, %dma_wait3A_719] : memref<4x128x128xf32, #tpu.memory_space<vmem>> -> memref<1x128x128xf32, #tpu.memory_space<vmem>>
    %dma_wait3A_721 = tpu.memref_squeeze %dma_wait3A_720 : memref<1x128x128xf32, #tpu.memory_space<vmem>> -> memref<128x128xf32, #tpu.memory_space<vmem>>
    %dma_wait3A_722 = arith.constant 0 : i32
    %dma_wait3A_723 = tpu.memref_slice %arg4[%add3A_605, %dma_wait3A_722] : memref<65536x128xf32, #tpu.memory_space<hbm>> -> memref<128x128xf32, #tpu.memory_space<hbm>>
    %dma_wait3A_724 = arith.constant 0 : i32
    %dma_wait3A_725 = tpu.memref_slice %arg4[%add3A_605, %dma_wait3A_724] : memref<65536x128xf32, #tpu.memory_space<hbm>> -> memref<128x128xf32, #tpu.memory_space<hbm>>
    %dma_wait3A_726 = arith.constant 0 : i32
    %dma_wait3A_727 = arith.constant 0 : i32
    %dma_wait3A_728 = tpu.memref_slice %arg6[%dma_wait3A_717, %dma_wait3A_726, %dma_wait3A_727] : memref<4x128x128xf32, #tpu.memory_space<vmem>> -> memref<1x128x128xf32, #tpu.memory_space<vmem>>
    %dma_wait3A_729 = tpu.memref_squeeze %dma_wait3A_728 : memref<1x128x128xf32, #tpu.memory_space<vmem>> -> memref<128x128xf32, #tpu.memory_space<vmem>>
    tpu.wait_dma2 semaphore(%arg11 : memref<!tpu.dma_semaphore, #tpu.memory_space<semaphore_mem>>) src(%dma_wait3A_729 : memref<128x128xf32, #tpu.memory_space<vmem>>) dst(%dma_wait3A_725 : memref<128x128xf32, #tpu.memory_space<hbm>>)
    %dma_wait3A_730 = arith.constant 1 : i32
    %dma_wait3A_731 = arith.constant 0 : i32
    %dma_wait3A_732 = arith.constant 0 : i32
    %dma_wait3A_733 = tpu.memref_slice %arg6[%dma_wait3A_730, %dma_wait3A_731, %dma_wait3A_732] : memref<4x128x128xf32, #tpu.memory_space<vmem>> -> memref<1x128x128xf32, #tpu.memory_space<vmem>>
    %dma_wait3A_734 = tpu.memref_squeeze %dma_wait3A_733 : memref<1x128x128xf32, #tpu.memory_space<vmem>> -> memref<128x128xf32, #tpu.memory_space<vmem>>
    %dma_wait3A_735 = arith.constant 0 : i32
    %dma_wait3A_736 = tpu.memref_slice %arg4[%add3A_653, %dma_wait3A_735] : memref<65536x128xf32, #tpu.memory_space<hbm>> -> memref<128x128xf32, #tpu.memory_space<hbm>>
    %dma_wait3A_737 = arith.constant 0 : i32
    %dma_wait3A_738 = tpu.memref_slice %arg4[%add3A_653, %dma_wait3A_737] : memref<65536x128xf32, #tpu.memory_space<hbm>> -> memref<128x128xf32, #tpu.memory_space<hbm>>
    %dma_wait3A_739 = arith.constant 0 : i32
    %dma_wait3A_740 = arith.constant 0 : i32
    %dma_wait3A_741 = tpu.memref_slice %arg6[%dma_wait3A_730, %dma_wait3A_739, %dma_wait3A_740] : memref<4x128x128xf32, #tpu.memory_space<vmem>> -> memref<1x128x128xf32, #tpu.memory_space<vmem>>
    %dma_wait3A_742 = tpu.memref_squeeze %dma_wait3A_741 : memref<1x128x128xf32, #tpu.memory_space<vmem>> -> memref<128x128xf32, #tpu.memory_space<vmem>>
    tpu.wait_dma2 semaphore(%arg12 : memref<!tpu.dma_semaphore, #tpu.memory_space<semaphore_mem>>) src(%dma_wait3A_742 : memref<128x128xf32, #tpu.memory_space<vmem>>) dst(%dma_wait3A_738 : memref<128x128xf32, #tpu.memory_space<hbm>>)
    %dma_wait3A_743 = arith.constant 2 : i32
    %dma_wait3A_744 = arith.constant 0 : i32
    %dma_wait3A_745 = arith.constant 0 : i32
    %dma_wait3A_746 = tpu.memref_slice %arg6[%dma_wait3A_743, %dma_wait3A_744, %dma_wait3A_745] : memref<4x128x128xf32, #tpu.memory_space<vmem>> -> memref<1x128x128xf32, #tpu.memory_space<vmem>>
    %dma_wait3A_747 = tpu.memref_squeeze %dma_wait3A_746 : memref<1x128x128xf32, #tpu.memory_space<vmem>> -> memref<128x128xf32, #tpu.memory_space<vmem>>
    %dma_wait3A_748 = arith.constant 0 : i32
    %dma_wait3A_749 = tpu.memref_slice %arg4[%add3A_678, %dma_wait3A_748] : memref<65536x128xf32, #tpu.memory_space<hbm>> -> memref<128x128xf32, #tpu.memory_space<hbm>>
    %dma_wait3A_750 = arith.constant 0 : i32
    %dma_wait3A_751 = tpu.memref_slice %arg4[%add3A_678, %dma_wait3A_750] : memref<65536x128xf32, #tpu.memory_space<hbm>> -> memref<128x128xf32, #tpu.memory_space<hbm>>
    %dma_wait3A_752 = arith.constant 0 : i32
    %dma_wait3A_753 = arith.constant 0 : i32
    %dma_wait3A_754 = tpu.memref_slice %arg6[%dma_wait3A_743, %dma_wait3A_752, %dma_wait3A_753] : memref<4x128x128xf32, #tpu.memory_space<vmem>> -> memref<1x128x128xf32, #tpu.memory_space<vmem>>
    %dma_wait3A_755 = tpu.memref_squeeze %dma_wait3A_754 : memref<1x128x128xf32, #tpu.memory_space<vmem>> -> memref<128x128xf32, #tpu.memory_space<vmem>>
    tpu.wait_dma2 semaphore(%arg13 : memref<!tpu.dma_semaphore, #tpu.memory_space<semaphore_mem>>) src(%dma_wait3A_755 : memref<128x128xf32, #tpu.memory_space<vmem>>) dst(%dma_wait3A_751 : memref<128x128xf32, #tpu.memory_space<hbm>>)
    %dma_wait3A_756 = arith.constant 3 : i32
    %dma_wait3A_757 = arith.constant 0 : i32
    %dma_wait3A_758 = arith.constant 0 : i32
    %dma_wait3A_759 = tpu.memref_slice %arg6[%dma_wait3A_756, %dma_wait3A_757, %dma_wait3A_758] : memref<4x128x128xf32, #tpu.memory_space<vmem>> -> memref<1x128x128xf32, #tpu.memory_space<vmem>>
    %dma_wait3A_760 = tpu.memref_squeeze %dma_wait3A_759 : memref<1x128x128xf32, #tpu.memory_space<vmem>> -> memref<128x128xf32, #tpu.memory_space<vmem>>
    %dma_wait3A_761 = arith.constant 0 : i32
    %dma_wait3A_762 = tpu.memref_slice %arg4[%add3A_703, %dma_wait3A_761] : memref<65536x128xf32, #tpu.memory_space<hbm>> -> memref<128x128xf32, #tpu.memory_space<hbm>>
    %dma_wait3A_763 = arith.constant 0 : i32
    %dma_wait3A_764 = tpu.memref_slice %arg4[%add3A_703, %dma_wait3A_763] : memref<65536x128xf32, #tpu.memory_space<hbm>> -> memref<128x128xf32, #tpu.memory_space<hbm>>
    %dma_wait3A_765 = arith.constant 0 : i32
    %dma_wait3A_766 = arith.constant 0 : i32
    %dma_wait3A_767 = tpu.memref_slice %arg6[%dma_wait3A_756, %dma_wait3A_765, %dma_wait3A_766] : memref<4x128x128xf32, #tpu.memory_space<vmem>> -> memref<1x128x128xf32, #tpu.memory_space<vmem>>
    %dma_wait3A_768 = tpu.memref_squeeze %dma_wait3A_767 : memref<1x128x128xf32, #tpu.memory_space<vmem>> -> memref<128x128xf32, #tpu.memory_space<vmem>>
    tpu.wait_dma2 semaphore(%arg14 : memref<!tpu.dma_semaphore, #tpu.memory_space<semaphore_mem>>) src(%dma_wait3A_768 : memref<128x128xf32, #tpu.memory_space<vmem>>) dst(%dma_wait3A_764 : memref<128x128xf32, #tpu.memory_space<hbm>>)
    return
  }
}

#map = affine_map<(d0, d1) -> (0, 0)>
#map1 = affine_map<(d0, d1) -> (0)>
module attributes {stable_mosaic.version = 14 : i64} {
  func.func @gk(%arg0: i32, %arg1: i32, %arg2: memref<4096x128xf32, #tpu.memory_space<hbm>>, %arg3: memref<65536xi32, #tpu.memory_space<hbm>>, %arg4: memref<65536x128xf32, #tpu.memory_space<hbm>>, %arg5: memref<2048xi32, #tpu.memory_space<vmem>>, %arg6: memref<4x128x128xf32, #tpu.memory_space<vmem>>, %arg7: memref<!tpu.dma_semaphore, #tpu.memory_space<semaphore_mem>>, %arg8: memref<!tpu.dma_semaphore, #tpu.memory_space<semaphore_mem>>, %arg9: memref<!tpu.dma_semaphore, #tpu.memory_space<semaphore_mem>>, %arg10: memref<!tpu.dma_semaphore, #tpu.memory_space<semaphore_mem>>, %arg11: memref<!tpu.dma_semaphore, #tpu.memory_space<semaphore_mem>>, %arg12: memref<!tpu.dma_semaphore, #tpu.memory_space<semaphore_mem>>, %arg13: memref<!tpu.dma_semaphore, #tpu.memory_space<semaphore_mem>>, %arg14: memref<!tpu.dma_semaphore, #tpu.memory_space<semaphore_mem>>) attributes {dimension_semantics = [#tpu.dimension_semantics<core_parallel>, #tpu.dimension_semantics<subcore_parallel>], iteration_bounds = array<i64: 2, 16>, scalar_prefetch = 0 : i64, scratch_operands = 10 : i64, tpu.core_type = #tpu.core_type<sc_vector_subcore>, window_params = [{transform_indices = #map}, {transform_indices = #map1}, {transform_indices = #map}]} {
    %mul3A = arith.constant 2 : i32
    %mul3A_0 = arith.muli %arg1, %mul3A : i32
    %add3A = arith.addi %mul3A_0, %arg0 : i32
    %mul3A_1 = arith.constant 2048 : i32
    %mul3A_2 = arith.muli %add3A, %mul3A_1 : i32
    "tpu.region"() ({
      %run_scoped3A = tpu.sem_alloc : memref<!tpu.dma_semaphore, #tpu.memory_space<semaphore_mem>>
      %dma_start3A_769 = tpu.memref_slice %arg3[%mul3A_2] : memref<65536xi32, #tpu.memory_space<hbm>> -> memref<2048xi32, #tpu.memory_space<hbm>>
      %dma_start3A_770 = tpu.memref_slice %arg3[%mul3A_2] : memref<65536xi32, #tpu.memory_space<hbm>> -> memref<2048xi32, #tpu.memory_space<hbm>>
      tpu.enqueue_dma source(%dma_start3A_770 : memref<2048xi32, #tpu.memory_space<hbm>>) target(%arg5 : memref<2048xi32, #tpu.memory_space<vmem>>) target_semaphore(%run_scoped3A : memref<!tpu.dma_semaphore, #tpu.memory_space<semaphore_mem>>)
      %dma_wait3A_771 = tpu.memref_slice %arg3[%mul3A_2] : memref<65536xi32, #tpu.memory_space<hbm>> -> memref<2048xi32, #tpu.memory_space<hbm>>
      %dma_wait3A_772 = tpu.memref_slice %arg3[%mul3A_2] : memref<65536xi32, #tpu.memory_space<hbm>> -> memref<2048xi32, #tpu.memory_space<hbm>>
      tpu.wait_dma2 semaphore(%run_scoped3A : memref<!tpu.dma_semaphore, #tpu.memory_space<semaphore_mem>>) src(%dma_wait3A_772 : memref<2048xi32, #tpu.memory_space<hbm>>) dst(%arg5 : memref<2048xi32, #tpu.memory_space<vmem>>)
      tpu.yield
    }) : () -> ()
    %dma_start3A = arith.constant 0 : i32
    %dma_start3A_3 = arith.constant 0 : i32
    %dma_start3A_4 = arith.constant 0 : i32
    %dma_start3A_5 = tpu.memref_slice %arg6[%dma_start3A, %dma_start3A_3, %dma_start3A_4] : memref<4x128x128xf32, #tpu.memory_space<vmem>> -> memref<1x128x128xf32, #tpu.memory_space<vmem>>
    %dma_start3A_6 = tpu.memref_squeeze %dma_start3A_5 : memref<1x128x128xf32, #tpu.memory_space<vmem>> -> memref<128x128xf32, #tpu.memory_space<vmem>>
    %dma_start3A_7 = arith.constant 0 : i32
    %dma_start3A_8 = tpu.memref_slice %arg5[%dma_start3A_7] : memref<2048xi32, #tpu.memory_space<vmem>> -> memref<128xi32, #tpu.memory_space<vmem>>
    %dma_start3A_9 = arith.constant 0 : i32
    %dma_start3A_10 = arith.constant 0 : i32
    %dma_start3A_11 = tpu.memref_slice %arg2[%dma_start3A_9, %dma_start3A_10] : memref<4096x128xf32, #tpu.memory_space<hbm>> -> memref<4096x128xf32, #tpu.memory_space<hbm>>
    tpu.enqueue_indirect_dma source(%dma_start3A_11 : memref<4096x128xf32, #tpu.memory_space<hbm>>) target(%dma_start3A_6 : memref<128x128xf32, #tpu.memory_space<vmem>>) offsets(%dma_start3A_8 : memref<128xi32, #tpu.memory_space<vmem>>) semaphore(%arg7 : memref<!tpu.dma_semaphore, #tpu.memory_space<semaphore_mem>>)
    %dma_start3A_12 = arith.constant 1 : i32
    %dma_start3A_13 = arith.constant 0 : i32
    %dma_start3A_14 = arith.constant 0 : i32
    %dma_start3A_15 = tpu.memref_slice %arg6[%dma_start3A_12, %dma_start3A_13, %dma_start3A_14] : memref<4x128x128xf32, #tpu.memory_space<vmem>> -> memref<1x128x128xf32, #tpu.memory_space<vmem>>
    %dma_start3A_16 = tpu.memref_squeeze %dma_start3A_15 : memref<1x128x128xf32, #tpu.memory_space<vmem>> -> memref<128x128xf32, #tpu.memory_space<vmem>>
    %dma_start3A_17 = arith.constant 128 : i32
    %dma_start3A_18 = tpu.memref_slice %arg5[%dma_start3A_17] : memref<2048xi32, #tpu.memory_space<vmem>> -> memref<128xi32, #tpu.memory_space<vmem>>
    %dma_start3A_19 = arith.constant 0 : i32
    %dma_start3A_20 = arith.constant 0 : i32
    %dma_start3A_21 = tpu.memref_slice %arg2[%dma_start3A_19, %dma_start3A_20] : memref<4096x128xf32, #tpu.memory_space<hbm>> -> memref<4096x128xf32, #tpu.memory_space<hbm>>
    tpu.enqueue_indirect_dma source(%dma_start3A_21 : memref<4096x128xf32, #tpu.memory_space<hbm>>) target(%dma_start3A_16 : memref<128x128xf32, #tpu.memory_space<vmem>>) offsets(%dma_start3A_18 : memref<128xi32, #tpu.memory_space<vmem>>) semaphore(%arg8 : memref<!tpu.dma_semaphore, #tpu.memory_space<semaphore_mem>>)
    %dma_start3A_22 = arith.constant 2 : i32
    %dma_start3A_23 = arith.constant 0 : i32
    %dma_start3A_24 = arith.constant 0 : i32
    %dma_start3A_25 = tpu.memref_slice %arg6[%dma_start3A_22, %dma_start3A_23, %dma_start3A_24] : memref<4x128x128xf32, #tpu.memory_space<vmem>> -> memref<1x128x128xf32, #tpu.memory_space<vmem>>
    %dma_start3A_26 = tpu.memref_squeeze %dma_start3A_25 : memref<1x128x128xf32, #tpu.memory_space<vmem>> -> memref<128x128xf32, #tpu.memory_space<vmem>>
    %dma_start3A_27 = arith.constant 256 : i32
    %dma_start3A_28 = tpu.memref_slice %arg5[%dma_start3A_27] : memref<2048xi32, #tpu.memory_space<vmem>> -> memref<128xi32, #tpu.memory_space<vmem>>
    %dma_start3A_29 = arith.constant 0 : i32
    %dma_start3A_30 = arith.constant 0 : i32
    %dma_start3A_31 = tpu.memref_slice %arg2[%dma_start3A_29, %dma_start3A_30] : memref<4096x128xf32, #tpu.memory_space<hbm>> -> memref<4096x128xf32, #tpu.memory_space<hbm>>
    tpu.enqueue_indirect_dma source(%dma_start3A_31 : memref<4096x128xf32, #tpu.memory_space<hbm>>) target(%dma_start3A_26 : memref<128x128xf32, #tpu.memory_space<vmem>>) offsets(%dma_start3A_28 : memref<128xi32, #tpu.memory_space<vmem>>) semaphore(%arg9 : memref<!tpu.dma_semaphore, #tpu.memory_space<semaphore_mem>>)
    %dma_wait3A = arith.constant 0 : i32
    %dma_wait3A_32 = arith.constant 0 : i32
    %dma_wait3A_33 = arith.constant 0 : i32
    %dma_wait3A_34 = tpu.memref_slice %arg6[%dma_wait3A, %dma_wait3A_32, %dma_wait3A_33] : memref<4x128x128xf32, #tpu.memory_space<vmem>> -> memref<1x128x128xf32, #tpu.memory_space<vmem>>
    %dma_wait3A_35 = tpu.memref_squeeze %dma_wait3A_34 : memref<1x128x128xf32, #tpu.memory_space<vmem>> -> memref<128x128xf32, #tpu.memory_space<vmem>>
    %dma_wait3A_36 = arith.constant 0 : i32
    %dma_wait3A_37 = tpu.memref_slice %arg5[%dma_wait3A_36] : memref<2048xi32, #tpu.memory_space<vmem>> -> memref<128xi32, #tpu.memory_space<vmem>>
    %dma_wait3A_38 = arith.constant 0 : i32
    %dma_wait3A_39 = arith.constant 0 : i32
    %dma_wait3A_40 = tpu.memref_slice %arg2[%dma_wait3A_38, %dma_wait3A_39] : memref<4096x128xf32, #tpu.memory_space<hbm>> -> memref<4096x128xf32, #tpu.memory_space<hbm>>
    tpu.wait_indirect_dma semaphore(%arg7 : memref<!tpu.dma_semaphore, #tpu.memory_space<semaphore_mem>>) src(%dma_wait3A_40 : memref<4096x128xf32, #tpu.memory_space<hbm>>) dst(%dma_wait3A_35 : memref<128x128xf32, #tpu.memory_space<vmem>>)
    %add3A_41 = arith.constant 0 : i32
    %add3A_42 = arith.addi %mul3A_2, %add3A_41 : i32
    %dma_start3A_43 = arith.constant 0 : i32
    %dma_start3A_44 = arith.constant 0 : i32
    %dma_start3A_45 = arith.constant 0 : i32
    %dma_start3A_46 = tpu.memref_slice %arg6[%dma_start3A_43, %dma_start3A_44, %dma_start3A_45] : memref<4x128x128xf32, #tpu.memory_space<vmem>> -> memref<1x128x128xf32, #tpu.memory_space<vmem>>
    %dma_start3A_47 = tpu.memref_squeeze %dma_start3A_46 : memref<1x128x128xf32, #tpu.memory_space<vmem>> -> memref<128x128xf32, #tpu.memory_space<vmem>>
    %dma_start3A_48 = arith.constant 0 : i32
    %dma_start3A_49 = tpu.memref_slice %arg4[%add3A_42, %dma_start3A_48] : memref<65536x128xf32, #tpu.memory_space<hbm>> -> memref<128x128xf32, #tpu.memory_space<hbm>>
    %dma_start3A_50 = arith.constant 0 : i32
    %dma_start3A_51 = tpu.memref_slice %arg4[%add3A_42, %dma_start3A_50] : memref<65536x128xf32, #tpu.memory_space<hbm>> -> memref<128x128xf32, #tpu.memory_space<hbm>>
    %dma_start3A_52 = arith.constant 0 : i32
    %dma_start3A_53 = arith.constant 0 : i32
    %dma_start3A_54 = tpu.memref_slice %arg6[%dma_start3A_43, %dma_start3A_52, %dma_start3A_53] : memref<4x128x128xf32, #tpu.memory_space<vmem>> -> memref<1x128x128xf32, #tpu.memory_space<vmem>>
    %dma_start3A_55 = tpu.memref_squeeze %dma_start3A_54 : memref<1x128x128xf32, #tpu.memory_space<vmem>> -> memref<128x128xf32, #tpu.memory_space<vmem>>
    tpu.enqueue_dma source(%dma_start3A_55 : memref<128x128xf32, #tpu.memory_space<vmem>>) target(%dma_start3A_51 : memref<128x128xf32, #tpu.memory_space<hbm>>) target_semaphore(%arg11 : memref<!tpu.dma_semaphore, #tpu.memory_space<semaphore_mem>>)
    %dma_start3A_56 = arith.constant 3 : i32
    %dma_start3A_57 = arith.constant 0 : i32
    %dma_start3A_58 = arith.constant 0 : i32
    %dma_start3A_59 = tpu.memref_slice %arg6[%dma_start3A_56, %dma_start3A_57, %dma_start3A_58] : memref<4x128x128xf32, #tpu.memory_space<vmem>> -> memref<1x128x128xf32, #tpu.memory_space<vmem>>
    %dma_start3A_60 = tpu.memref_squeeze %dma_start3A_59 : memref<1x128x128xf32, #tpu.memory_space<vmem>> -> memref<128x128xf32, #tpu.memory_space<vmem>>
    %dma_start3A_61 = arith.constant 384 : i32
    %dma_start3A_62 = tpu.memref_slice %arg5[%dma_start3A_61] : memref<2048xi32, #tpu.memory_space<vmem>> -> memref<128xi32, #tpu.memory_space<vmem>>
    %dma_start3A_63 = arith.constant 0 : i32
    %dma_start3A_64 = arith.constant 0 : i32
    %dma_start3A_65 = tpu.memref_slice %arg2[%dma_start3A_63, %dma_start3A_64] : memref<4096x128xf32, #tpu.memory_space<hbm>> -> memref<4096x128xf32, #tpu.memory_space<hbm>>
    tpu.enqueue_indirect_dma source(%dma_start3A_65 : memref<4096x128xf32, #tpu.memory_space<hbm>>) target(%dma_start3A_60 : memref<128x128xf32, #tpu.memory_space<vmem>>) offsets(%dma_start3A_62 : memref<128xi32, #tpu.memory_space<vmem>>) semaphore(%arg10 : memref<!tpu.dma_semaphore, #tpu.memory_space<semaphore_mem>>)
    %dma_wait3A_66 = arith.constant 1 : i32
    %dma_wait3A_67 = arith.constant 0 : i32
    %dma_wait3A_68 = arith.constant 0 : i32
    %dma_wait3A_69 = tpu.memref_slice %arg6[%dma_wait3A_66, %dma_wait3A_67, %dma_wait3A_68] : memref<4x128x128xf32, #tpu.memory_space<vmem>> -> memref<1x128x128xf32, #tpu.memory_space<vmem>>
    %dma_wait3A_70 = tpu.memref_squeeze %dma_wait3A_69 : memref<1x128x128xf32, #tpu.memory_space<vmem>> -> memref<128x128xf32, #tpu.memory_space<vmem>>
    %dma_wait3A_71 = arith.constant 128 : i32
    %dma_wait3A_72 = tpu.memref_slice %arg5[%dma_wait3A_71] : memref<2048xi32, #tpu.memory_space<vmem>> -> memref<128xi32, #tpu.memory_space<vmem>>
    %dma_wait3A_73 = arith.constant 0 : i32
    %dma_wait3A_74 = arith.constant 0 : i32
    %dma_wait3A_75 = tpu.memref_slice %arg2[%dma_wait3A_73, %dma_wait3A_74] : memref<4096x128xf32, #tpu.memory_space<hbm>> -> memref<4096x128xf32, #tpu.memory_space<hbm>>
    tpu.wait_indirect_dma semaphore(%arg8 : memref<!tpu.dma_semaphore, #tpu.memory_space<semaphore_mem>>) src(%dma_wait3A_75 : memref<4096x128xf32, #tpu.memory_space<hbm>>) dst(%dma_wait3A_70 : memref<128x128xf32, #tpu.memory_space<vmem>>)
    %add3A_76 = arith.constant 128 : i32
    %add3A_77 = arith.addi %mul3A_2, %add3A_76 : i32
    %dma_start3A_78 = arith.constant 1 : i32
    %dma_start3A_79 = arith.constant 0 : i32
    %dma_start3A_80 = arith.constant 0 : i32
    %dma_start3A_81 = tpu.memref_slice %arg6[%dma_start3A_78, %dma_start3A_79, %dma_start3A_80] : memref<4x128x128xf32, #tpu.memory_space<vmem>> -> memref<1x128x128xf32, #tpu.memory_space<vmem>>
    %dma_start3A_82 = tpu.memref_squeeze %dma_start3A_81 : memref<1x128x128xf32, #tpu.memory_space<vmem>> -> memref<128x128xf32, #tpu.memory_space<vmem>>
    %dma_start3A_83 = arith.constant 0 : i32
    %dma_start3A_84 = tpu.memref_slice %arg4[%add3A_77, %dma_start3A_83] : memref<65536x128xf32, #tpu.memory_space<hbm>> -> memref<128x128xf32, #tpu.memory_space<hbm>>
    %dma_start3A_85 = arith.constant 0 : i32
    %dma_start3A_86 = tpu.memref_slice %arg4[%add3A_77, %dma_start3A_85] : memref<65536x128xf32, #tpu.memory_space<hbm>> -> memref<128x128xf32, #tpu.memory_space<hbm>>
    %dma_start3A_87 = arith.constant 0 : i32
    %dma_start3A_88 = arith.constant 0 : i32
    %dma_start3A_89 = tpu.memref_slice %arg6[%dma_start3A_78, %dma_start3A_87, %dma_start3A_88] : memref<4x128x128xf32, #tpu.memory_space<vmem>> -> memref<1x128x128xf32, #tpu.memory_space<vmem>>
    %dma_start3A_90 = tpu.memref_squeeze %dma_start3A_89 : memref<1x128x128xf32, #tpu.memory_space<vmem>> -> memref<128x128xf32, #tpu.memory_space<vmem>>
    tpu.enqueue_dma source(%dma_start3A_90 : memref<128x128xf32, #tpu.memory_space<vmem>>) target(%dma_start3A_86 : memref<128x128xf32, #tpu.memory_space<hbm>>) target_semaphore(%arg12 : memref<!tpu.dma_semaphore, #tpu.memory_space<semaphore_mem>>)
    %dma_wait3A_91 = arith.constant 0 : i32
    %dma_wait3A_92 = arith.constant 0 : i32
    %dma_wait3A_93 = arith.constant 0 : i32
    %dma_wait3A_94 = tpu.memref_slice %arg6[%dma_wait3A_91, %dma_wait3A_92, %dma_wait3A_93] : memref<4x128x128xf32, #tpu.memory_space<vmem>> -> memref<1x128x128xf32, #tpu.memory_space<vmem>>
    %dma_wait3A_95 = tpu.memref_squeeze %dma_wait3A_94 : memref<1x128x128xf32, #tpu.memory_space<vmem>> -> memref<128x128xf32, #tpu.memory_space<vmem>>
    %dma_wait3A_96 = arith.constant 0 : i32
    %dma_wait3A_97 = tpu.memref_slice %arg4[%add3A_42, %dma_wait3A_96] : memref<65536x128xf32, #tpu.memory_space<hbm>> -> memref<128x128xf32, #tpu.memory_space<hbm>>
    %dma_wait3A_98 = arith.constant 0 : i32
    %dma_wait3A_99 = tpu.memref_slice %arg4[%add3A_42, %dma_wait3A_98] : memref<65536x128xf32, #tpu.memory_space<hbm>> -> memref<128x128xf32, #tpu.memory_space<hbm>>
    %dma_wait3A_100 = arith.constant 0 : i32
    %dma_wait3A_101 = arith.constant 0 : i32
    %dma_wait3A_102 = tpu.memref_slice %arg6[%dma_wait3A_91, %dma_wait3A_100, %dma_wait3A_101] : memref<4x128x128xf32, #tpu.memory_space<vmem>> -> memref<1x128x128xf32, #tpu.memory_space<vmem>>
    %dma_wait3A_103 = tpu.memref_squeeze %dma_wait3A_102 : memref<1x128x128xf32, #tpu.memory_space<vmem>> -> memref<128x128xf32, #tpu.memory_space<vmem>>
    tpu.wait_dma2 semaphore(%arg11 : memref<!tpu.dma_semaphore, #tpu.memory_space<semaphore_mem>>) src(%dma_wait3A_103 : memref<128x128xf32, #tpu.memory_space<vmem>>) dst(%dma_wait3A_99 : memref<128x128xf32, #tpu.memory_space<hbm>>)
    %dma_start3A_104 = arith.constant 0 : i32
    %dma_start3A_105 = arith.constant 0 : i32
    %dma_start3A_106 = arith.constant 0 : i32
    %dma_start3A_107 = tpu.memref_slice %arg6[%dma_start3A_104, %dma_start3A_105, %dma_start3A_106] : memref<4x128x128xf32, #tpu.memory_space<vmem>> -> memref<1x128x128xf32, #tpu.memory_space<vmem>>
    %dma_start3A_108 = tpu.memref_squeeze %dma_start3A_107 : memref<1x128x128xf32, #tpu.memory_space<vmem>> -> memref<128x128xf32, #tpu.memory_space<vmem>>
    %dma_start3A_109 = arith.constant 512 : i32
    %dma_start3A_110 = tpu.memref_slice %arg5[%dma_start3A_109] : memref<2048xi32, #tpu.memory_space<vmem>> -> memref<128xi32, #tpu.memory_space<vmem>>
    %dma_start3A_111 = arith.constant 0 : i32
    %dma_start3A_112 = arith.constant 0 : i32
    %dma_start3A_113 = tpu.memref_slice %arg2[%dma_start3A_111, %dma_start3A_112] : memref<4096x128xf32, #tpu.memory_space<hbm>> -> memref<4096x128xf32, #tpu.memory_space<hbm>>
    tpu.enqueue_indirect_dma source(%dma_start3A_113 : memref<4096x128xf32, #tpu.memory_space<hbm>>) target(%dma_start3A_108 : memref<128x128xf32, #tpu.memory_space<vmem>>) offsets(%dma_start3A_110 : memref<128xi32, #tpu.memory_space<vmem>>) semaphore(%arg7 : memref<!tpu.dma_semaphore, #tpu.memory_space<semaphore_mem>>)
    %dma_wait3A_114 = arith.constant 2 : i32
    %dma_wait3A_115 = arith.constant 0 : i32
    %dma_wait3A_116 = arith.constant 0 : i32
    %dma_wait3A_117 = tpu.memref_slice %arg6[%dma_wait3A_114, %dma_wait3A_115, %dma_wait3A_116] : memref<4x128x128xf32, #tpu.memory_space<vmem>> -> memref<1x128x128xf32, #tpu.memory_space<vmem>>
    %dma_wait3A_118 = tpu.memref_squeeze %dma_wait3A_117 : memref<1x128x128xf32, #tpu.memory_space<vmem>> -> memref<128x128xf32, #tpu.memory_space<vmem>>
    %dma_wait3A_119 = arith.constant 256 : i32
    %dma_wait3A_120 = tpu.memref_slice %arg5[%dma_wait3A_119] : memref<2048xi32, #tpu.memory_space<vmem>> -> memref<128xi32, #tpu.memory_space<vmem>>
    %dma_wait3A_121 = arith.constant 0 : i32
    %dma_wait3A_122 = arith.constant 0 : i32
    %dma_wait3A_123 = tpu.memref_slice %arg2[%dma_wait3A_121, %dma_wait3A_122] : memref<4096x128xf32, #tpu.memory_space<hbm>> -> memref<4096x128xf32, #tpu.memory_space<hbm>>
    tpu.wait_indirect_dma semaphore(%arg9 : memref<!tpu.dma_semaphore, #tpu.memory_space<semaphore_mem>>) src(%dma_wait3A_123 : memref<4096x128xf32, #tpu.memory_space<hbm>>) dst(%dma_wait3A_118 : memref<128x128xf32, #tpu.memory_space<vmem>>)
    %add3A_124 = arith.constant 256 : i32
    %add3A_125 = arith.addi %mul3A_2, %add3A_124 : i32
    %dma_start3A_126 = arith.constant 2 : i32
    %dma_start3A_127 = arith.constant 0 : i32
    %dma_start3A_128 = arith.constant 0 : i32
    %dma_start3A_129 = tpu.memref_slice %arg6[%dma_start3A_126, %dma_start3A_127, %dma_start3A_128] : memref<4x128x128xf32, #tpu.memory_space<vmem>> -> memref<1x128x128xf32, #tpu.memory_space<vmem>>
    %dma_start3A_130 = tpu.memref_squeeze %dma_start3A_129 : memref<1x128x128xf32, #tpu.memory_space<vmem>> -> memref<128x128xf32, #tpu.memory_space<vmem>>
    %dma_start3A_131 = arith.constant 0 : i32
    %dma_start3A_132 = tpu.memref_slice %arg4[%add3A_125, %dma_start3A_131] : memref<65536x128xf32, #tpu.memory_space<hbm>> -> memref<128x128xf32, #tpu.memory_space<hbm>>
    %dma_start3A_133 = arith.constant 0 : i32
    %dma_start3A_134 = tpu.memref_slice %arg4[%add3A_125, %dma_start3A_133] : memref<65536x128xf32, #tpu.memory_space<hbm>> -> memref<128x128xf32, #tpu.memory_space<hbm>>
    %dma_start3A_135 = arith.constant 0 : i32
    %dma_start3A_136 = arith.constant 0 : i32
    %dma_start3A_137 = tpu.memref_slice %arg6[%dma_start3A_126, %dma_start3A_135, %dma_start3A_136] : memref<4x128x128xf32, #tpu.memory_space<vmem>> -> memref<1x128x128xf32, #tpu.memory_space<vmem>>
    %dma_start3A_138 = tpu.memref_squeeze %dma_start3A_137 : memref<1x128x128xf32, #tpu.memory_space<vmem>> -> memref<128x128xf32, #tpu.memory_space<vmem>>
    tpu.enqueue_dma source(%dma_start3A_138 : memref<128x128xf32, #tpu.memory_space<vmem>>) target(%dma_start3A_134 : memref<128x128xf32, #tpu.memory_space<hbm>>) target_semaphore(%arg13 : memref<!tpu.dma_semaphore, #tpu.memory_space<semaphore_mem>>)
    %dma_wait3A_139 = arith.constant 1 : i32
    %dma_wait3A_140 = arith.constant 0 : i32
    %dma_wait3A_141 = arith.constant 0 : i32
    %dma_wait3A_142 = tpu.memref_slice %arg6[%dma_wait3A_139, %dma_wait3A_140, %dma_wait3A_141] : memref<4x128x128xf32, #tpu.memory_space<vmem>> -> memref<1x128x128xf32, #tpu.memory_space<vmem>>
    %dma_wait3A_143 = tpu.memref_squeeze %dma_wait3A_142 : memref<1x128x128xf32, #tpu.memory_space<vmem>> -> memref<128x128xf32, #tpu.memory_space<vmem>>
    %dma_wait3A_144 = arith.constant 0 : i32
    %dma_wait3A_145 = tpu.memref_slice %arg4[%add3A_77, %dma_wait3A_144] : memref<65536x128xf32, #tpu.memory_space<hbm>> -> memref<128x128xf32, #tpu.memory_space<hbm>>
    %dma_wait3A_146 = arith.constant 0 : i32
    %dma_wait3A_147 = tpu.memref_slice %arg4[%add3A_77, %dma_wait3A_146] : memref<65536x128xf32, #tpu.memory_space<hbm>> -> memref<128x128xf32, #tpu.memory_space<hbm>>
    %dma_wait3A_148 = arith.constant 0 : i32
    %dma_wait3A_149 = arith.constant 0 : i32
    %dma_wait3A_150 = tpu.memref_slice %arg6[%dma_wait3A_139, %dma_wait3A_148, %dma_wait3A_149] : memref<4x128x128xf32, #tpu.memory_space<vmem>> -> memref<1x128x128xf32, #tpu.memory_space<vmem>>
    %dma_wait3A_151 = tpu.memref_squeeze %dma_wait3A_150 : memref<1x128x128xf32, #tpu.memory_space<vmem>> -> memref<128x128xf32, #tpu.memory_space<vmem>>
    tpu.wait_dma2 semaphore(%arg12 : memref<!tpu.dma_semaphore, #tpu.memory_space<semaphore_mem>>) src(%dma_wait3A_151 : memref<128x128xf32, #tpu.memory_space<vmem>>) dst(%dma_wait3A_147 : memref<128x128xf32, #tpu.memory_space<hbm>>)
    %dma_start3A_152 = arith.constant 1 : i32
    %dma_start3A_153 = arith.constant 0 : i32
    %dma_start3A_154 = arith.constant 0 : i32
    %dma_start3A_155 = tpu.memref_slice %arg6[%dma_start3A_152, %dma_start3A_153, %dma_start3A_154] : memref<4x128x128xf32, #tpu.memory_space<vmem>> -> memref<1x128x128xf32, #tpu.memory_space<vmem>>
    %dma_start3A_156 = tpu.memref_squeeze %dma_start3A_155 : memref<1x128x128xf32, #tpu.memory_space<vmem>> -> memref<128x128xf32, #tpu.memory_space<vmem>>
    %dma_start3A_157 = arith.constant 640 : i32
    %dma_start3A_158 = tpu.memref_slice %arg5[%dma_start3A_157] : memref<2048xi32, #tpu.memory_space<vmem>> -> memref<128xi32, #tpu.memory_space<vmem>>
    %dma_start3A_159 = arith.constant 0 : i32
    %dma_start3A_160 = arith.constant 0 : i32
    %dma_start3A_161 = tpu.memref_slice %arg2[%dma_start3A_159, %dma_start3A_160] : memref<4096x128xf32, #tpu.memory_space<hbm>> -> memref<4096x128xf32, #tpu.memory_space<hbm>>
    tpu.enqueue_indirect_dma source(%dma_start3A_161 : memref<4096x128xf32, #tpu.memory_space<hbm>>) target(%dma_start3A_156 : memref<128x128xf32, #tpu.memory_space<vmem>>) offsets(%dma_start3A_158 : memref<128xi32, #tpu.memory_space<vmem>>) semaphore(%arg8 : memref<!tpu.dma_semaphore, #tpu.memory_space<semaphore_mem>>)
    %dma_wait3A_162 = arith.constant 3 : i32
    %dma_wait3A_163 = arith.constant 0 : i32
    %dma_wait3A_164 = arith.constant 0 : i32
    %dma_wait3A_165 = tpu.memref_slice %arg6[%dma_wait3A_162, %dma_wait3A_163, %dma_wait3A_164] : memref<4x128x128xf32, #tpu.memory_space<vmem>> -> memref<1x128x128xf32, #tpu.memory_space<vmem>>
    %dma_wait3A_166 = tpu.memref_squeeze %dma_wait3A_165 : memref<1x128x128xf32, #tpu.memory_space<vmem>> -> memref<128x128xf32, #tpu.memory_space<vmem>>
    %dma_wait3A_167 = arith.constant 384 : i32
    %dma_wait3A_168 = tpu.memref_slice %arg5[%dma_wait3A_167] : memref<2048xi32, #tpu.memory_space<vmem>> -> memref<128xi32, #tpu.memory_space<vmem>>
    %dma_wait3A_169 = arith.constant 0 : i32
    %dma_wait3A_170 = arith.constant 0 : i32
    %dma_wait3A_171 = tpu.memref_slice %arg2[%dma_wait3A_169, %dma_wait3A_170] : memref<4096x128xf32, #tpu.memory_space<hbm>> -> memref<4096x128xf32, #tpu.memory_space<hbm>>
    tpu.wait_indirect_dma semaphore(%arg10 : memref<!tpu.dma_semaphore, #tpu.memory_space<semaphore_mem>>) src(%dma_wait3A_171 : memref<4096x128xf32, #tpu.memory_space<hbm>>) dst(%dma_wait3A_166 : memref<128x128xf32, #tpu.memory_space<vmem>>)
    %add3A_172 = arith.constant 384 : i32
    %add3A_173 = arith.addi %mul3A_2, %add3A_172 : i32
    %dma_start3A_174 = arith.constant 3 : i32
    %dma_start3A_175 = arith.constant 0 : i32
    %dma_start3A_176 = arith.constant 0 : i32
    %dma_start3A_177 = tpu.memref_slice %arg6[%dma_start3A_174, %dma_start3A_175, %dma_start3A_176] : memref<4x128x128xf32, #tpu.memory_space<vmem>> -> memref<1x128x128xf32, #tpu.memory_space<vmem>>
    %dma_start3A_178 = tpu.memref_squeeze %dma_start3A_177 : memref<1x128x128xf32, #tpu.memory_space<vmem>> -> memref<128x128xf32, #tpu.memory_space<vmem>>
    %dma_start3A_179 = arith.constant 0 : i32
    %dma_start3A_180 = tpu.memref_slice %arg4[%add3A_173, %dma_start3A_179] : memref<65536x128xf32, #tpu.memory_space<hbm>> -> memref<128x128xf32, #tpu.memory_space<hbm>>
    %dma_start3A_181 = arith.constant 0 : i32
    %dma_start3A_182 = tpu.memref_slice %arg4[%add3A_173, %dma_start3A_181] : memref<65536x128xf32, #tpu.memory_space<hbm>> -> memref<128x128xf32, #tpu.memory_space<hbm>>
    %dma_start3A_183 = arith.constant 0 : i32
    %dma_start3A_184 = arith.constant 0 : i32
    %dma_start3A_185 = tpu.memref_slice %arg6[%dma_start3A_174, %dma_start3A_183, %dma_start3A_184] : memref<4x128x128xf32, #tpu.memory_space<vmem>> -> memref<1x128x128xf32, #tpu.memory_space<vmem>>
    %dma_start3A_186 = tpu.memref_squeeze %dma_start3A_185 : memref<1x128x128xf32, #tpu.memory_space<vmem>> -> memref<128x128xf32, #tpu.memory_space<vmem>>
    tpu.enqueue_dma source(%dma_start3A_186 : memref<128x128xf32, #tpu.memory_space<vmem>>) target(%dma_start3A_182 : memref<128x128xf32, #tpu.memory_space<hbm>>) target_semaphore(%arg14 : memref<!tpu.dma_semaphore, #tpu.memory_space<semaphore_mem>>)
    %dma_wait3A_187 = arith.constant 2 : i32
    %dma_wait3A_188 = arith.constant 0 : i32
    %dma_wait3A_189 = arith.constant 0 : i32
    %dma_wait3A_190 = tpu.memref_slice %arg6[%dma_wait3A_187, %dma_wait3A_188, %dma_wait3A_189] : memref<4x128x128xf32, #tpu.memory_space<vmem>> -> memref<1x128x128xf32, #tpu.memory_space<vmem>>
    %dma_wait3A_191 = tpu.memref_squeeze %dma_wait3A_190 : memref<1x128x128xf32, #tpu.memory_space<vmem>> -> memref<128x128xf32, #tpu.memory_space<vmem>>
    %dma_wait3A_192 = arith.constant 0 : i32
    %dma_wait3A_193 = tpu.memref_slice %arg4[%add3A_125, %dma_wait3A_192] : memref<65536x128xf32, #tpu.memory_space<hbm>> -> memref<128x128xf32, #tpu.memory_space<hbm>>
    %dma_wait3A_194 = arith.constant 0 : i32
    %dma_wait3A_195 = tpu.memref_slice %arg4[%add3A_125, %dma_wait3A_194] : memref<65536x128xf32, #tpu.memory_space<hbm>> -> memref<128x128xf32, #tpu.memory_space<hbm>>
    %dma_wait3A_196 = arith.constant 0 : i32
    %dma_wait3A_197 = arith.constant 0 : i32
    %dma_wait3A_198 = tpu.memref_slice %arg6[%dma_wait3A_187, %dma_wait3A_196, %dma_wait3A_197] : memref<4x128x128xf32, #tpu.memory_space<vmem>> -> memref<1x128x128xf32, #tpu.memory_space<vmem>>
    %dma_wait3A_199 = tpu.memref_squeeze %dma_wait3A_198 : memref<1x128x128xf32, #tpu.memory_space<vmem>> -> memref<128x128xf32, #tpu.memory_space<vmem>>
    tpu.wait_dma2 semaphore(%arg13 : memref<!tpu.dma_semaphore, #tpu.memory_space<semaphore_mem>>) src(%dma_wait3A_199 : memref<128x128xf32, #tpu.memory_space<vmem>>) dst(%dma_wait3A_195 : memref<128x128xf32, #tpu.memory_space<hbm>>)
    %dma_start3A_200 = arith.constant 2 : i32
    %dma_start3A_201 = arith.constant 0 : i32
    %dma_start3A_202 = arith.constant 0 : i32
    %dma_start3A_203 = tpu.memref_slice %arg6[%dma_start3A_200, %dma_start3A_201, %dma_start3A_202] : memref<4x128x128xf32, #tpu.memory_space<vmem>> -> memref<1x128x128xf32, #tpu.memory_space<vmem>>
    %dma_start3A_204 = tpu.memref_squeeze %dma_start3A_203 : memref<1x128x128xf32, #tpu.memory_space<vmem>> -> memref<128x128xf32, #tpu.memory_space<vmem>>
    %dma_start3A_205 = arith.constant 768 : i32
    %dma_start3A_206 = tpu.memref_slice %arg5[%dma_start3A_205] : memref<2048xi32, #tpu.memory_space<vmem>> -> memref<128xi32, #tpu.memory_space<vmem>>
    %dma_start3A_207 = arith.constant 0 : i32
    %dma_start3A_208 = arith.constant 0 : i32
    %dma_start3A_209 = tpu.memref_slice %arg2[%dma_start3A_207, %dma_start3A_208] : memref<4096x128xf32, #tpu.memory_space<hbm>> -> memref<4096x128xf32, #tpu.memory_space<hbm>>
    tpu.enqueue_indirect_dma source(%dma_start3A_209 : memref<4096x128xf32, #tpu.memory_space<hbm>>) target(%dma_start3A_204 : memref<128x128xf32, #tpu.memory_space<vmem>>) offsets(%dma_start3A_206 : memref<128xi32, #tpu.memory_space<vmem>>) semaphore(%arg9 : memref<!tpu.dma_semaphore, #tpu.memory_space<semaphore_mem>>)
    %dma_wait3A_210 = arith.constant 0 : i32
    %dma_wait3A_211 = arith.constant 0 : i32
    %dma_wait3A_212 = arith.constant 0 : i32
    %dma_wait3A_213 = tpu.memref_slice %arg6[%dma_wait3A_210, %dma_wait3A_211, %dma_wait3A_212] : memref<4x128x128xf32, #tpu.memory_space<vmem>> -> memref<1x128x128xf32, #tpu.memory_space<vmem>>
    %dma_wait3A_214 = tpu.memref_squeeze %dma_wait3A_213 : memref<1x128x128xf32, #tpu.memory_space<vmem>> -> memref<128x128xf32, #tpu.memory_space<vmem>>
    %dma_wait3A_215 = arith.constant 512 : i32
    %dma_wait3A_216 = tpu.memref_slice %arg5[%dma_wait3A_215] : memref<2048xi32, #tpu.memory_space<vmem>> -> memref<128xi32, #tpu.memory_space<vmem>>
    %dma_wait3A_217 = arith.constant 0 : i32
    %dma_wait3A_218 = arith.constant 0 : i32
    %dma_wait3A_219 = tpu.memref_slice %arg2[%dma_wait3A_217, %dma_wait3A_218] : memref<4096x128xf32, #tpu.memory_space<hbm>> -> memref<4096x128xf32, #tpu.memory_space<hbm>>
    tpu.wait_indirect_dma semaphore(%arg7 : memref<!tpu.dma_semaphore, #tpu.memory_space<semaphore_mem>>) src(%dma_wait3A_219 : memref<4096x128xf32, #tpu.memory_space<hbm>>) dst(%dma_wait3A_214 : memref<128x128xf32, #tpu.memory_space<vmem>>)
    %add3A_220 = arith.constant 512 : i32
    %add3A_221 = arith.addi %mul3A_2, %add3A_220 : i32
    %dma_start3A_222 = arith.constant 0 : i32
    %dma_start3A_223 = arith.constant 0 : i32
    %dma_start3A_224 = arith.constant 0 : i32
    %dma_start3A_225 = tpu.memref_slice %arg6[%dma_start3A_222, %dma_start3A_223, %dma_start3A_224] : memref<4x128x128xf32, #tpu.memory_space<vmem>> -> memref<1x128x128xf32, #tpu.memory_space<vmem>>
    %dma_start3A_226 = tpu.memref_squeeze %dma_start3A_225 : memref<1x128x128xf32, #tpu.memory_space<vmem>> -> memref<128x128xf32, #tpu.memory_space<vmem>>
    %dma_start3A_227 = arith.constant 0 : i32
    %dma_start3A_228 = tpu.memref_slice %arg4[%add3A_221, %dma_start3A_227] : memref<65536x128xf32, #tpu.memory_space<hbm>> -> memref<128x128xf32, #tpu.memory_space<hbm>>
    %dma_start3A_229 = arith.constant 0 : i32
    %dma_start3A_230 = tpu.memref_slice %arg4[%add3A_221, %dma_start3A_229] : memref<65536x128xf32, #tpu.memory_space<hbm>> -> memref<128x128xf32, #tpu.memory_space<hbm>>
    %dma_start3A_231 = arith.constant 0 : i32
    %dma_start3A_232 = arith.constant 0 : i32
    %dma_start3A_233 = tpu.memref_slice %arg6[%dma_start3A_222, %dma_start3A_231, %dma_start3A_232] : memref<4x128x128xf32, #tpu.memory_space<vmem>> -> memref<1x128x128xf32, #tpu.memory_space<vmem>>
    %dma_start3A_234 = tpu.memref_squeeze %dma_start3A_233 : memref<1x128x128xf32, #tpu.memory_space<vmem>> -> memref<128x128xf32, #tpu.memory_space<vmem>>
    tpu.enqueue_dma source(%dma_start3A_234 : memref<128x128xf32, #tpu.memory_space<vmem>>) target(%dma_start3A_230 : memref<128x128xf32, #tpu.memory_space<hbm>>) target_semaphore(%arg11 : memref<!tpu.dma_semaphore, #tpu.memory_space<semaphore_mem>>)
    %dma_wait3A_235 = arith.constant 3 : i32
    %dma_wait3A_236 = arith.constant 0 : i32
    %dma_wait3A_237 = arith.constant 0 : i32
    %dma_wait3A_238 = tpu.memref_slice %arg6[%dma_wait3A_235, %dma_wait3A_236, %dma_wait3A_237] : memref<4x128x128xf32, #tpu.memory_space<vmem>> -> memref<1x128x128xf32, #tpu.memory_space<vmem>>
    %dma_wait3A_239 = tpu.memref_squeeze %dma_wait3A_238 : memref<1x128x128xf32, #tpu.memory_space<vmem>> -> memref<128x128xf32, #tpu.memory_space<vmem>>
    %dma_wait3A_240 = arith.constant 0 : i32
    %dma_wait3A_241 = tpu.memref_slice %arg4[%add3A_173, %dma_wait3A_240] : memref<65536x128xf32, #tpu.memory_space<hbm>> -> memref<128x128xf32, #tpu.memory_space<hbm>>
    %dma_wait3A_242 = arith.constant 0 : i32
    %dma_wait3A_243 = tpu.memref_slice %arg4[%add3A_173, %dma_wait3A_242] : memref<65536x128xf32, #tpu.memory_space<hbm>> -> memref<128x128xf32, #tpu.memory_space<hbm>>
    %dma_wait3A_244 = arith.constant 0 : i32
    %dma_wait3A_245 = arith.constant 0 : i32
    %dma_wait3A_246 = tpu.memref_slice %arg6[%dma_wait3A_235, %dma_wait3A_244, %dma_wait3A_245] : memref<4x128x128xf32, #tpu.memory_space<vmem>> -> memref<1x128x128xf32, #tpu.memory_space<vmem>>
    %dma_wait3A_247 = tpu.memref_squeeze %dma_wait3A_246 : memref<1x128x128xf32, #tpu.memory_space<vmem>> -> memref<128x128xf32, #tpu.memory_space<vmem>>
    tpu.wait_dma2 semaphore(%arg14 : memref<!tpu.dma_semaphore, #tpu.memory_space<semaphore_mem>>) src(%dma_wait3A_247 : memref<128x128xf32, #tpu.memory_space<vmem>>) dst(%dma_wait3A_243 : memref<128x128xf32, #tpu.memory_space<hbm>>)
    %dma_start3A_248 = arith.constant 3 : i32
    %dma_start3A_249 = arith.constant 0 : i32
    %dma_start3A_250 = arith.constant 0 : i32
    %dma_start3A_251 = tpu.memref_slice %arg6[%dma_start3A_248, %dma_start3A_249, %dma_start3A_250] : memref<4x128x128xf32, #tpu.memory_space<vmem>> -> memref<1x128x128xf32, #tpu.memory_space<vmem>>
    %dma_start3A_252 = tpu.memref_squeeze %dma_start3A_251 : memref<1x128x128xf32, #tpu.memory_space<vmem>> -> memref<128x128xf32, #tpu.memory_space<vmem>>
    %dma_start3A_253 = arith.constant 896 : i32
    %dma_start3A_254 = tpu.memref_slice %arg5[%dma_start3A_253] : memref<2048xi32, #tpu.memory_space<vmem>> -> memref<128xi32, #tpu.memory_space<vmem>>
    %dma_start3A_255 = arith.constant 0 : i32
    %dma_start3A_256 = arith.constant 0 : i32
    %dma_start3A_257 = tpu.memref_slice %arg2[%dma_start3A_255, %dma_start3A_256] : memref<4096x128xf32, #tpu.memory_space<hbm>> -> memref<4096x128xf32, #tpu.memory_space<hbm>>
    tpu.enqueue_indirect_dma source(%dma_start3A_257 : memref<4096x128xf32, #tpu.memory_space<hbm>>) target(%dma_start3A_252 : memref<128x128xf32, #tpu.memory_space<vmem>>) offsets(%dma_start3A_254 : memref<128xi32, #tpu.memory_space<vmem>>) semaphore(%arg10 : memref<!tpu.dma_semaphore, #tpu.memory_space<semaphore_mem>>)
    %dma_wait3A_258 = arith.constant 1 : i32
    %dma_wait3A_259 = arith.constant 0 : i32
    %dma_wait3A_260 = arith.constant 0 : i32
    %dma_wait3A_261 = tpu.memref_slice %arg6[%dma_wait3A_258, %dma_wait3A_259, %dma_wait3A_260] : memref<4x128x128xf32, #tpu.memory_space<vmem>> -> memref<1x128x128xf32, #tpu.memory_space<vmem>>
    %dma_wait3A_262 = tpu.memref_squeeze %dma_wait3A_261 : memref<1x128x128xf32, #tpu.memory_space<vmem>> -> memref<128x128xf32, #tpu.memory_space<vmem>>
    %dma_wait3A_263 = arith.constant 640 : i32
    %dma_wait3A_264 = tpu.memref_slice %arg5[%dma_wait3A_263] : memref<2048xi32, #tpu.memory_space<vmem>> -> memref<128xi32, #tpu.memory_space<vmem>>
    %dma_wait3A_265 = arith.constant 0 : i32
    %dma_wait3A_266 = arith.constant 0 : i32
    %dma_wait3A_267 = tpu.memref_slice %arg2[%dma_wait3A_265, %dma_wait3A_266] : memref<4096x128xf32, #tpu.memory_space<hbm>> -> memref<4096x128xf32, #tpu.memory_space<hbm>>
    tpu.wait_indirect_dma semaphore(%arg8 : memref<!tpu.dma_semaphore, #tpu.memory_space<semaphore_mem>>) src(%dma_wait3A_267 : memref<4096x128xf32, #tpu.memory_space<hbm>>) dst(%dma_wait3A_262 : memref<128x128xf32, #tpu.memory_space<vmem>>)
    %add3A_268 = arith.constant 640 : i32
    %add3A_269 = arith.addi %mul3A_2, %add3A_268 : i32
    %dma_start3A_270 = arith.constant 1 : i32
    %dma_start3A_271 = arith.constant 0 : i32
    %dma_start3A_272 = arith.constant 0 : i32
    %dma_start3A_273 = tpu.memref_slice %arg6[%dma_start3A_270, %dma_start3A_271, %dma_start3A_272] : memref<4x128x128xf32, #tpu.memory_space<vmem>> -> memref<1x128x128xf32, #tpu.memory_space<vmem>>
    %dma_start3A_274 = tpu.memref_squeeze %dma_start3A_273 : memref<1x128x128xf32, #tpu.memory_space<vmem>> -> memref<128x128xf32, #tpu.memory_space<vmem>>
    %dma_start3A_275 = arith.constant 0 : i32
    %dma_start3A_276 = tpu.memref_slice %arg4[%add3A_269, %dma_start3A_275] : memref<65536x128xf32, #tpu.memory_space<hbm>> -> memref<128x128xf32, #tpu.memory_space<hbm>>
    %dma_start3A_277 = arith.constant 0 : i32
    %dma_start3A_278 = tpu.memref_slice %arg4[%add3A_269, %dma_start3A_277] : memref<65536x128xf32, #tpu.memory_space<hbm>> -> memref<128x128xf32, #tpu.memory_space<hbm>>
    %dma_start3A_279 = arith.constant 0 : i32
    %dma_start3A_280 = arith.constant 0 : i32
    %dma_start3A_281 = tpu.memref_slice %arg6[%dma_start3A_270, %dma_start3A_279, %dma_start3A_280] : memref<4x128x128xf32, #tpu.memory_space<vmem>> -> memref<1x128x128xf32, #tpu.memory_space<vmem>>
    %dma_start3A_282 = tpu.memref_squeeze %dma_start3A_281 : memref<1x128x128xf32, #tpu.memory_space<vmem>> -> memref<128x128xf32, #tpu.memory_space<vmem>>
    tpu.enqueue_dma source(%dma_start3A_282 : memref<128x128xf32, #tpu.memory_space<vmem>>) target(%dma_start3A_278 : memref<128x128xf32, #tpu.memory_space<hbm>>) target_semaphore(%arg12 : memref<!tpu.dma_semaphore, #tpu.memory_space<semaphore_mem>>)
    %dma_wait3A_283 = arith.constant 0 : i32
    %dma_wait3A_284 = arith.constant 0 : i32
    %dma_wait3A_285 = arith.constant 0 : i32
    %dma_wait3A_286 = tpu.memref_slice %arg6[%dma_wait3A_283, %dma_wait3A_284, %dma_wait3A_285] : memref<4x128x128xf32, #tpu.memory_space<vmem>> -> memref<1x128x128xf32, #tpu.memory_space<vmem>>
    %dma_wait3A_287 = tpu.memref_squeeze %dma_wait3A_286 : memref<1x128x128xf32, #tpu.memory_space<vmem>> -> memref<128x128xf32, #tpu.memory_space<vmem>>
    %dma_wait3A_288 = arith.constant 0 : i32
    %dma_wait3A_289 = tpu.memref_slice %arg4[%add3A_221, %dma_wait3A_288] : memref<65536x128xf32, #tpu.memory_space<hbm>> -> memref<128x128xf32, #tpu.memory_space<hbm>>
    %dma_wait3A_290 = arith.constant 0 : i32
    %dma_wait3A_291 = tpu.memref_slice %arg4[%add3A_221, %dma_wait3A_290] : memref<65536x128xf32, #tpu.memory_space<hbm>> -> memref<128x128xf32, #tpu.memory_space<hbm>>
    %dma_wait3A_292 = arith.constant 0 : i32
    %dma_wait3A_293 = arith.constant 0 : i32
    %dma_wait3A_294 = tpu.memref_slice %arg6[%dma_wait3A_283, %dma_wait3A_292, %dma_wait3A_293] : memref<4x128x128xf32, #tpu.memory_space<vmem>> -> memref<1x128x128xf32, #tpu.memory_space<vmem>>
    %dma_wait3A_295 = tpu.memref_squeeze %dma_wait3A_294 : memref<1x128x128xf32, #tpu.memory_space<vmem>> -> memref<128x128xf32, #tpu.memory_space<vmem>>
    tpu.wait_dma2 semaphore(%arg11 : memref<!tpu.dma_semaphore, #tpu.memory_space<semaphore_mem>>) src(%dma_wait3A_295 : memref<128x128xf32, #tpu.memory_space<vmem>>) dst(%dma_wait3A_291 : memref<128x128xf32, #tpu.memory_space<hbm>>)
    %dma_start3A_296 = arith.constant 0 : i32
    %dma_start3A_297 = arith.constant 0 : i32
    %dma_start3A_298 = arith.constant 0 : i32
    %dma_start3A_299 = tpu.memref_slice %arg6[%dma_start3A_296, %dma_start3A_297, %dma_start3A_298] : memref<4x128x128xf32, #tpu.memory_space<vmem>> -> memref<1x128x128xf32, #tpu.memory_space<vmem>>
    %dma_start3A_300 = tpu.memref_squeeze %dma_start3A_299 : memref<1x128x128xf32, #tpu.memory_space<vmem>> -> memref<128x128xf32, #tpu.memory_space<vmem>>
    %dma_start3A_301 = arith.constant 1024 : i32
    %dma_start3A_302 = tpu.memref_slice %arg5[%dma_start3A_301] : memref<2048xi32, #tpu.memory_space<vmem>> -> memref<128xi32, #tpu.memory_space<vmem>>
    %dma_start3A_303 = arith.constant 0 : i32
    %dma_start3A_304 = arith.constant 0 : i32
    %dma_start3A_305 = tpu.memref_slice %arg2[%dma_start3A_303, %dma_start3A_304] : memref<4096x128xf32, #tpu.memory_space<hbm>> -> memref<4096x128xf32, #tpu.memory_space<hbm>>
    tpu.enqueue_indirect_dma source(%dma_start3A_305 : memref<4096x128xf32, #tpu.memory_space<hbm>>) target(%dma_start3A_300 : memref<128x128xf32, #tpu.memory_space<vmem>>) offsets(%dma_start3A_302 : memref<128xi32, #tpu.memory_space<vmem>>) semaphore(%arg7 : memref<!tpu.dma_semaphore, #tpu.memory_space<semaphore_mem>>)
    %dma_wait3A_306 = arith.constant 2 : i32
    %dma_wait3A_307 = arith.constant 0 : i32
    %dma_wait3A_308 = arith.constant 0 : i32
    %dma_wait3A_309 = tpu.memref_slice %arg6[%dma_wait3A_306, %dma_wait3A_307, %dma_wait3A_308] : memref<4x128x128xf32, #tpu.memory_space<vmem>> -> memref<1x128x128xf32, #tpu.memory_space<vmem>>
    %dma_wait3A_310 = tpu.memref_squeeze %dma_wait3A_309 : memref<1x128x128xf32, #tpu.memory_space<vmem>> -> memref<128x128xf32, #tpu.memory_space<vmem>>
    %dma_wait3A_311 = arith.constant 768 : i32
    %dma_wait3A_312 = tpu.memref_slice %arg5[%dma_wait3A_311] : memref<2048xi32, #tpu.memory_space<vmem>> -> memref<128xi32, #tpu.memory_space<vmem>>
    %dma_wait3A_313 = arith.constant 0 : i32
    %dma_wait3A_314 = arith.constant 0 : i32
    %dma_wait3A_315 = tpu.memref_slice %arg2[%dma_wait3A_313, %dma_wait3A_314] : memref<4096x128xf32, #tpu.memory_space<hbm>> -> memref<4096x128xf32, #tpu.memory_space<hbm>>
    tpu.wait_indirect_dma semaphore(%arg9 : memref<!tpu.dma_semaphore, #tpu.memory_space<semaphore_mem>>) src(%dma_wait3A_315 : memref<4096x128xf32, #tpu.memory_space<hbm>>) dst(%dma_wait3A_310 : memref<128x128xf32, #tpu.memory_space<vmem>>)
    %add3A_316 = arith.constant 768 : i32
    %add3A_317 = arith.addi %mul3A_2, %add3A_316 : i32
    %dma_start3A_318 = arith.constant 2 : i32
    %dma_start3A_319 = arith.constant 0 : i32
    %dma_start3A_320 = arith.constant 0 : i32
    %dma_start3A_321 = tpu.memref_slice %arg6[%dma_start3A_318, %dma_start3A_319, %dma_start3A_320] : memref<4x128x128xf32, #tpu.memory_space<vmem>> -> memref<1x128x128xf32, #tpu.memory_space<vmem>>
    %dma_start3A_322 = tpu.memref_squeeze %dma_start3A_321 : memref<1x128x128xf32, #tpu.memory_space<vmem>> -> memref<128x128xf32, #tpu.memory_space<vmem>>
    %dma_start3A_323 = arith.constant 0 : i32
    %dma_start3A_324 = tpu.memref_slice %arg4[%add3A_317, %dma_start3A_323] : memref<65536x128xf32, #tpu.memory_space<hbm>> -> memref<128x128xf32, #tpu.memory_space<hbm>>
    %dma_start3A_325 = arith.constant 0 : i32
    %dma_start3A_326 = tpu.memref_slice %arg4[%add3A_317, %dma_start3A_325] : memref<65536x128xf32, #tpu.memory_space<hbm>> -> memref<128x128xf32, #tpu.memory_space<hbm>>
    %dma_start3A_327 = arith.constant 0 : i32
    %dma_start3A_328 = arith.constant 0 : i32
    %dma_start3A_329 = tpu.memref_slice %arg6[%dma_start3A_318, %dma_start3A_327, %dma_start3A_328] : memref<4x128x128xf32, #tpu.memory_space<vmem>> -> memref<1x128x128xf32, #tpu.memory_space<vmem>>
    %dma_start3A_330 = tpu.memref_squeeze %dma_start3A_329 : memref<1x128x128xf32, #tpu.memory_space<vmem>> -> memref<128x128xf32, #tpu.memory_space<vmem>>
    tpu.enqueue_dma source(%dma_start3A_330 : memref<128x128xf32, #tpu.memory_space<vmem>>) target(%dma_start3A_326 : memref<128x128xf32, #tpu.memory_space<hbm>>) target_semaphore(%arg13 : memref<!tpu.dma_semaphore, #tpu.memory_space<semaphore_mem>>)
    %dma_wait3A_331 = arith.constant 1 : i32
    %dma_wait3A_332 = arith.constant 0 : i32
    %dma_wait3A_333 = arith.constant 0 : i32
    %dma_wait3A_334 = tpu.memref_slice %arg6[%dma_wait3A_331, %dma_wait3A_332, %dma_wait3A_333] : memref<4x128x128xf32, #tpu.memory_space<vmem>> -> memref<1x128x128xf32, #tpu.memory_space<vmem>>
    %dma_wait3A_335 = tpu.memref_squeeze %dma_wait3A_334 : memref<1x128x128xf32, #tpu.memory_space<vmem>> -> memref<128x128xf32, #tpu.memory_space<vmem>>
    %dma_wait3A_336 = arith.constant 0 : i32
    %dma_wait3A_337 = tpu.memref_slice %arg4[%add3A_269, %dma_wait3A_336] : memref<65536x128xf32, #tpu.memory_space<hbm>> -> memref<128x128xf32, #tpu.memory_space<hbm>>
    %dma_wait3A_338 = arith.constant 0 : i32
    %dma_wait3A_339 = tpu.memref_slice %arg4[%add3A_269, %dma_wait3A_338] : memref<65536x128xf32, #tpu.memory_space<hbm>> -> memref<128x128xf32, #tpu.memory_space<hbm>>
    %dma_wait3A_340 = arith.constant 0 : i32
    %dma_wait3A_341 = arith.constant 0 : i32
    %dma_wait3A_342 = tpu.memref_slice %arg6[%dma_wait3A_331, %dma_wait3A_340, %dma_wait3A_341] : memref<4x128x128xf32, #tpu.memory_space<vmem>> -> memref<1x128x128xf32, #tpu.memory_space<vmem>>
    %dma_wait3A_343 = tpu.memref_squeeze %dma_wait3A_342 : memref<1x128x128xf32, #tpu.memory_space<vmem>> -> memref<128x128xf32, #tpu.memory_space<vmem>>
    tpu.wait_dma2 semaphore(%arg12 : memref<!tpu.dma_semaphore, #tpu.memory_space<semaphore_mem>>) src(%dma_wait3A_343 : memref<128x128xf32, #tpu.memory_space<vmem>>) dst(%dma_wait3A_339 : memref<128x128xf32, #tpu.memory_space<hbm>>)
    %dma_start3A_344 = arith.constant 1 : i32
    %dma_start3A_345 = arith.constant 0 : i32
    %dma_start3A_346 = arith.constant 0 : i32
    %dma_start3A_347 = tpu.memref_slice %arg6[%dma_start3A_344, %dma_start3A_345, %dma_start3A_346] : memref<4x128x128xf32, #tpu.memory_space<vmem>> -> memref<1x128x128xf32, #tpu.memory_space<vmem>>
    %dma_start3A_348 = tpu.memref_squeeze %dma_start3A_347 : memref<1x128x128xf32, #tpu.memory_space<vmem>> -> memref<128x128xf32, #tpu.memory_space<vmem>>
    %dma_start3A_349 = arith.constant 1152 : i32
    %dma_start3A_350 = tpu.memref_slice %arg5[%dma_start3A_349] : memref<2048xi32, #tpu.memory_space<vmem>> -> memref<128xi32, #tpu.memory_space<vmem>>
    %dma_start3A_351 = arith.constant 0 : i32
    %dma_start3A_352 = arith.constant 0 : i32
    %dma_start3A_353 = tpu.memref_slice %arg2[%dma_start3A_351, %dma_start3A_352] : memref<4096x128xf32, #tpu.memory_space<hbm>> -> memref<4096x128xf32, #tpu.memory_space<hbm>>
    tpu.enqueue_indirect_dma source(%dma_start3A_353 : memref<4096x128xf32, #tpu.memory_space<hbm>>) target(%dma_start3A_348 : memref<128x128xf32, #tpu.memory_space<vmem>>) offsets(%dma_start3A_350 : memref<128xi32, #tpu.memory_space<vmem>>) semaphore(%arg8 : memref<!tpu.dma_semaphore, #tpu.memory_space<semaphore_mem>>)
    %dma_wait3A_354 = arith.constant 3 : i32
    %dma_wait3A_355 = arith.constant 0 : i32
    %dma_wait3A_356 = arith.constant 0 : i32
    %dma_wait3A_357 = tpu.memref_slice %arg6[%dma_wait3A_354, %dma_wait3A_355, %dma_wait3A_356] : memref<4x128x128xf32, #tpu.memory_space<vmem>> -> memref<1x128x128xf32, #tpu.memory_space<vmem>>
    %dma_wait3A_358 = tpu.memref_squeeze %dma_wait3A_357 : memref<1x128x128xf32, #tpu.memory_space<vmem>> -> memref<128x128xf32, #tpu.memory_space<vmem>>
    %dma_wait3A_359 = arith.constant 896 : i32
    %dma_wait3A_360 = tpu.memref_slice %arg5[%dma_wait3A_359] : memref<2048xi32, #tpu.memory_space<vmem>> -> memref<128xi32, #tpu.memory_space<vmem>>
    %dma_wait3A_361 = arith.constant 0 : i32
    %dma_wait3A_362 = arith.constant 0 : i32
    %dma_wait3A_363 = tpu.memref_slice %arg2[%dma_wait3A_361, %dma_wait3A_362] : memref<4096x128xf32, #tpu.memory_space<hbm>> -> memref<4096x128xf32, #tpu.memory_space<hbm>>
    tpu.wait_indirect_dma semaphore(%arg10 : memref<!tpu.dma_semaphore, #tpu.memory_space<semaphore_mem>>) src(%dma_wait3A_363 : memref<4096x128xf32, #tpu.memory_space<hbm>>) dst(%dma_wait3A_358 : memref<128x128xf32, #tpu.memory_space<vmem>>)
    %add3A_364 = arith.constant 896 : i32
    %add3A_365 = arith.addi %mul3A_2, %add3A_364 : i32
    %dma_start3A_366 = arith.constant 3 : i32
    %dma_start3A_367 = arith.constant 0 : i32
    %dma_start3A_368 = arith.constant 0 : i32
    %dma_start3A_369 = tpu.memref_slice %arg6[%dma_start3A_366, %dma_start3A_367, %dma_start3A_368] : memref<4x128x128xf32, #tpu.memory_space<vmem>> -> memref<1x128x128xf32, #tpu.memory_space<vmem>>
    %dma_start3A_370 = tpu.memref_squeeze %dma_start3A_369 : memref<1x128x128xf32, #tpu.memory_space<vmem>> -> memref<128x128xf32, #tpu.memory_space<vmem>>
    %dma_start3A_371 = arith.constant 0 : i32
    %dma_start3A_372 = tpu.memref_slice %arg4[%add3A_365, %dma_start3A_371] : memref<65536x128xf32, #tpu.memory_space<hbm>> -> memref<128x128xf32, #tpu.memory_space<hbm>>
    %dma_start3A_373 = arith.constant 0 : i32
    %dma_start3A_374 = tpu.memref_slice %arg4[%add3A_365, %dma_start3A_373] : memref<65536x128xf32, #tpu.memory_space<hbm>> -> memref<128x128xf32, #tpu.memory_space<hbm>>
    %dma_start3A_375 = arith.constant 0 : i32
    %dma_start3A_376 = arith.constant 0 : i32
    %dma_start3A_377 = tpu.memref_slice %arg6[%dma_start3A_366, %dma_start3A_375, %dma_start3A_376] : memref<4x128x128xf32, #tpu.memory_space<vmem>> -> memref<1x128x128xf32, #tpu.memory_space<vmem>>
    %dma_start3A_378 = tpu.memref_squeeze %dma_start3A_377 : memref<1x128x128xf32, #tpu.memory_space<vmem>> -> memref<128x128xf32, #tpu.memory_space<vmem>>
    tpu.enqueue_dma source(%dma_start3A_378 : memref<128x128xf32, #tpu.memory_space<vmem>>) target(%dma_start3A_374 : memref<128x128xf32, #tpu.memory_space<hbm>>) target_semaphore(%arg14 : memref<!tpu.dma_semaphore, #tpu.memory_space<semaphore_mem>>)
    %dma_wait3A_379 = arith.constant 2 : i32
    %dma_wait3A_380 = arith.constant 0 : i32
    %dma_wait3A_381 = arith.constant 0 : i32
    %dma_wait3A_382 = tpu.memref_slice %arg6[%dma_wait3A_379, %dma_wait3A_380, %dma_wait3A_381] : memref<4x128x128xf32, #tpu.memory_space<vmem>> -> memref<1x128x128xf32, #tpu.memory_space<vmem>>
    %dma_wait3A_383 = tpu.memref_squeeze %dma_wait3A_382 : memref<1x128x128xf32, #tpu.memory_space<vmem>> -> memref<128x128xf32, #tpu.memory_space<vmem>>
    %dma_wait3A_384 = arith.constant 0 : i32
    %dma_wait3A_385 = tpu.memref_slice %arg4[%add3A_317, %dma_wait3A_384] : memref<65536x128xf32, #tpu.memory_space<hbm>> -> memref<128x128xf32, #tpu.memory_space<hbm>>
    %dma_wait3A_386 = arith.constant 0 : i32
    %dma_wait3A_387 = tpu.memref_slice %arg4[%add3A_317, %dma_wait3A_386] : memref<65536x128xf32, #tpu.memory_space<hbm>> -> memref<128x128xf32, #tpu.memory_space<hbm>>
    %dma_wait3A_388 = arith.constant 0 : i32
    %dma_wait3A_389 = arith.constant 0 : i32
    %dma_wait3A_390 = tpu.memref_slice %arg6[%dma_wait3A_379, %dma_wait3A_388, %dma_wait3A_389] : memref<4x128x128xf32, #tpu.memory_space<vmem>> -> memref<1x128x128xf32, #tpu.memory_space<vmem>>
    %dma_wait3A_391 = tpu.memref_squeeze %dma_wait3A_390 : memref<1x128x128xf32, #tpu.memory_space<vmem>> -> memref<128x128xf32, #tpu.memory_space<vmem>>
    tpu.wait_dma2 semaphore(%arg13 : memref<!tpu.dma_semaphore, #tpu.memory_space<semaphore_mem>>) src(%dma_wait3A_391 : memref<128x128xf32, #tpu.memory_space<vmem>>) dst(%dma_wait3A_387 : memref<128x128xf32, #tpu.memory_space<hbm>>)
    %dma_start3A_392 = arith.constant 2 : i32
    %dma_start3A_393 = arith.constant 0 : i32
    %dma_start3A_394 = arith.constant 0 : i32
    %dma_start3A_395 = tpu.memref_slice %arg6[%dma_start3A_392, %dma_start3A_393, %dma_start3A_394] : memref<4x128x128xf32, #tpu.memory_space<vmem>> -> memref<1x128x128xf32, #tpu.memory_space<vmem>>
    %dma_start3A_396 = tpu.memref_squeeze %dma_start3A_395 : memref<1x128x128xf32, #tpu.memory_space<vmem>> -> memref<128x128xf32, #tpu.memory_space<vmem>>
    %dma_start3A_397 = arith.constant 1280 : i32
    %dma_start3A_398 = tpu.memref_slice %arg5[%dma_start3A_397] : memref<2048xi32, #tpu.memory_space<vmem>> -> memref<128xi32, #tpu.memory_space<vmem>>
    %dma_start3A_399 = arith.constant 0 : i32
    %dma_start3A_400 = arith.constant 0 : i32
    %dma_start3A_401 = tpu.memref_slice %arg2[%dma_start3A_399, %dma_start3A_400] : memref<4096x128xf32, #tpu.memory_space<hbm>> -> memref<4096x128xf32, #tpu.memory_space<hbm>>
    tpu.enqueue_indirect_dma source(%dma_start3A_401 : memref<4096x128xf32, #tpu.memory_space<hbm>>) target(%dma_start3A_396 : memref<128x128xf32, #tpu.memory_space<vmem>>) offsets(%dma_start3A_398 : memref<128xi32, #tpu.memory_space<vmem>>) semaphore(%arg9 : memref<!tpu.dma_semaphore, #tpu.memory_space<semaphore_mem>>)
    %dma_wait3A_402 = arith.constant 0 : i32
    %dma_wait3A_403 = arith.constant 0 : i32
    %dma_wait3A_404 = arith.constant 0 : i32
    %dma_wait3A_405 = tpu.memref_slice %arg6[%dma_wait3A_402, %dma_wait3A_403, %dma_wait3A_404] : memref<4x128x128xf32, #tpu.memory_space<vmem>> -> memref<1x128x128xf32, #tpu.memory_space<vmem>>
    %dma_wait3A_406 = tpu.memref_squeeze %dma_wait3A_405 : memref<1x128x128xf32, #tpu.memory_space<vmem>> -> memref<128x128xf32, #tpu.memory_space<vmem>>
    %dma_wait3A_407 = arith.constant 1024 : i32
    %dma_wait3A_408 = tpu.memref_slice %arg5[%dma_wait3A_407] : memref<2048xi32, #tpu.memory_space<vmem>> -> memref<128xi32, #tpu.memory_space<vmem>>
    %dma_wait3A_409 = arith.constant 0 : i32
    %dma_wait3A_410 = arith.constant 0 : i32
    %dma_wait3A_411 = tpu.memref_slice %arg2[%dma_wait3A_409, %dma_wait3A_410] : memref<4096x128xf32, #tpu.memory_space<hbm>> -> memref<4096x128xf32, #tpu.memory_space<hbm>>
    tpu.wait_indirect_dma semaphore(%arg7 : memref<!tpu.dma_semaphore, #tpu.memory_space<semaphore_mem>>) src(%dma_wait3A_411 : memref<4096x128xf32, #tpu.memory_space<hbm>>) dst(%dma_wait3A_406 : memref<128x128xf32, #tpu.memory_space<vmem>>)
    %add3A_412 = arith.constant 1024 : i32
    %add3A_413 = arith.addi %mul3A_2, %add3A_412 : i32
    %dma_start3A_414 = arith.constant 0 : i32
    %dma_start3A_415 = arith.constant 0 : i32
    %dma_start3A_416 = arith.constant 0 : i32
    %dma_start3A_417 = tpu.memref_slice %arg6[%dma_start3A_414, %dma_start3A_415, %dma_start3A_416] : memref<4x128x128xf32, #tpu.memory_space<vmem>> -> memref<1x128x128xf32, #tpu.memory_space<vmem>>
    %dma_start3A_418 = tpu.memref_squeeze %dma_start3A_417 : memref<1x128x128xf32, #tpu.memory_space<vmem>> -> memref<128x128xf32, #tpu.memory_space<vmem>>
    %dma_start3A_419 = arith.constant 0 : i32
    %dma_start3A_420 = tpu.memref_slice %arg4[%add3A_413, %dma_start3A_419] : memref<65536x128xf32, #tpu.memory_space<hbm>> -> memref<128x128xf32, #tpu.memory_space<hbm>>
    %dma_start3A_421 = arith.constant 0 : i32
    %dma_start3A_422 = tpu.memref_slice %arg4[%add3A_413, %dma_start3A_421] : memref<65536x128xf32, #tpu.memory_space<hbm>> -> memref<128x128xf32, #tpu.memory_space<hbm>>
    %dma_start3A_423 = arith.constant 0 : i32
    %dma_start3A_424 = arith.constant 0 : i32
    %dma_start3A_425 = tpu.memref_slice %arg6[%dma_start3A_414, %dma_start3A_423, %dma_start3A_424] : memref<4x128x128xf32, #tpu.memory_space<vmem>> -> memref<1x128x128xf32, #tpu.memory_space<vmem>>
    %dma_start3A_426 = tpu.memref_squeeze %dma_start3A_425 : memref<1x128x128xf32, #tpu.memory_space<vmem>> -> memref<128x128xf32, #tpu.memory_space<vmem>>
    tpu.enqueue_dma source(%dma_start3A_426 : memref<128x128xf32, #tpu.memory_space<vmem>>) target(%dma_start3A_422 : memref<128x128xf32, #tpu.memory_space<hbm>>) target_semaphore(%arg11 : memref<!tpu.dma_semaphore, #tpu.memory_space<semaphore_mem>>)
    %dma_wait3A_427 = arith.constant 3 : i32
    %dma_wait3A_428 = arith.constant 0 : i32
    %dma_wait3A_429 = arith.constant 0 : i32
    %dma_wait3A_430 = tpu.memref_slice %arg6[%dma_wait3A_427, %dma_wait3A_428, %dma_wait3A_429] : memref<4x128x128xf32, #tpu.memory_space<vmem>> -> memref<1x128x128xf32, #tpu.memory_space<vmem>>
    %dma_wait3A_431 = tpu.memref_squeeze %dma_wait3A_430 : memref<1x128x128xf32, #tpu.memory_space<vmem>> -> memref<128x128xf32, #tpu.memory_space<vmem>>
    %dma_wait3A_432 = arith.constant 0 : i32
    %dma_wait3A_433 = tpu.memref_slice %arg4[%add3A_365, %dma_wait3A_432] : memref<65536x128xf32, #tpu.memory_space<hbm>> -> memref<128x128xf32, #tpu.memory_space<hbm>>
    %dma_wait3A_434 = arith.constant 0 : i32
    %dma_wait3A_435 = tpu.memref_slice %arg4[%add3A_365, %dma_wait3A_434] : memref<65536x128xf32, #tpu.memory_space<hbm>> -> memref<128x128xf32, #tpu.memory_space<hbm>>
    %dma_wait3A_436 = arith.constant 0 : i32
    %dma_wait3A_437 = arith.constant 0 : i32
    %dma_wait3A_438 = tpu.memref_slice %arg6[%dma_wait3A_427, %dma_wait3A_436, %dma_wait3A_437] : memref<4x128x128xf32, #tpu.memory_space<vmem>> -> memref<1x128x128xf32, #tpu.memory_space<vmem>>
    %dma_wait3A_439 = tpu.memref_squeeze %dma_wait3A_438 : memref<1x128x128xf32, #tpu.memory_space<vmem>> -> memref<128x128xf32, #tpu.memory_space<vmem>>
    tpu.wait_dma2 semaphore(%arg14 : memref<!tpu.dma_semaphore, #tpu.memory_space<semaphore_mem>>) src(%dma_wait3A_439 : memref<128x128xf32, #tpu.memory_space<vmem>>) dst(%dma_wait3A_435 : memref<128x128xf32, #tpu.memory_space<hbm>>)
    %dma_start3A_440 = arith.constant 3 : i32
    %dma_start3A_441 = arith.constant 0 : i32
    %dma_start3A_442 = arith.constant 0 : i32
    %dma_start3A_443 = tpu.memref_slice %arg6[%dma_start3A_440, %dma_start3A_441, %dma_start3A_442] : memref<4x128x128xf32, #tpu.memory_space<vmem>> -> memref<1x128x128xf32, #tpu.memory_space<vmem>>
    %dma_start3A_444 = tpu.memref_squeeze %dma_start3A_443 : memref<1x128x128xf32, #tpu.memory_space<vmem>> -> memref<128x128xf32, #tpu.memory_space<vmem>>
    %dma_start3A_445 = arith.constant 1408 : i32
    %dma_start3A_446 = tpu.memref_slice %arg5[%dma_start3A_445] : memref<2048xi32, #tpu.memory_space<vmem>> -> memref<128xi32, #tpu.memory_space<vmem>>
    %dma_start3A_447 = arith.constant 0 : i32
    %dma_start3A_448 = arith.constant 0 : i32
    %dma_start3A_449 = tpu.memref_slice %arg2[%dma_start3A_447, %dma_start3A_448] : memref<4096x128xf32, #tpu.memory_space<hbm>> -> memref<4096x128xf32, #tpu.memory_space<hbm>>
    tpu.enqueue_indirect_dma source(%dma_start3A_449 : memref<4096x128xf32, #tpu.memory_space<hbm>>) target(%dma_start3A_444 : memref<128x128xf32, #tpu.memory_space<vmem>>) offsets(%dma_start3A_446 : memref<128xi32, #tpu.memory_space<vmem>>) semaphore(%arg10 : memref<!tpu.dma_semaphore, #tpu.memory_space<semaphore_mem>>)
    %dma_wait3A_450 = arith.constant 1 : i32
    %dma_wait3A_451 = arith.constant 0 : i32
    %dma_wait3A_452 = arith.constant 0 : i32
    %dma_wait3A_453 = tpu.memref_slice %arg6[%dma_wait3A_450, %dma_wait3A_451, %dma_wait3A_452] : memref<4x128x128xf32, #tpu.memory_space<vmem>> -> memref<1x128x128xf32, #tpu.memory_space<vmem>>
    %dma_wait3A_454 = tpu.memref_squeeze %dma_wait3A_453 : memref<1x128x128xf32, #tpu.memory_space<vmem>> -> memref<128x128xf32, #tpu.memory_space<vmem>>
    %dma_wait3A_455 = arith.constant 1152 : i32
    %dma_wait3A_456 = tpu.memref_slice %arg5[%dma_wait3A_455] : memref<2048xi32, #tpu.memory_space<vmem>> -> memref<128xi32, #tpu.memory_space<vmem>>
    %dma_wait3A_457 = arith.constant 0 : i32
    %dma_wait3A_458 = arith.constant 0 : i32
    %dma_wait3A_459 = tpu.memref_slice %arg2[%dma_wait3A_457, %dma_wait3A_458] : memref<4096x128xf32, #tpu.memory_space<hbm>> -> memref<4096x128xf32, #tpu.memory_space<hbm>>
    tpu.wait_indirect_dma semaphore(%arg8 : memref<!tpu.dma_semaphore, #tpu.memory_space<semaphore_mem>>) src(%dma_wait3A_459 : memref<4096x128xf32, #tpu.memory_space<hbm>>) dst(%dma_wait3A_454 : memref<128x128xf32, #tpu.memory_space<vmem>>)
    %add3A_460 = arith.constant 1152 : i32
    %add3A_461 = arith.addi %mul3A_2, %add3A_460 : i32
    %dma_start3A_462 = arith.constant 1 : i32
    %dma_start3A_463 = arith.constant 0 : i32
    %dma_start3A_464 = arith.constant 0 : i32
    %dma_start3A_465 = tpu.memref_slice %arg6[%dma_start3A_462, %dma_start3A_463, %dma_start3A_464] : memref<4x128x128xf32, #tpu.memory_space<vmem>> -> memref<1x128x128xf32, #tpu.memory_space<vmem>>
    %dma_start3A_466 = tpu.memref_squeeze %dma_start3A_465 : memref<1x128x128xf32, #tpu.memory_space<vmem>> -> memref<128x128xf32, #tpu.memory_space<vmem>>
    %dma_start3A_467 = arith.constant 0 : i32
    %dma_start3A_468 = tpu.memref_slice %arg4[%add3A_461, %dma_start3A_467] : memref<65536x128xf32, #tpu.memory_space<hbm>> -> memref<128x128xf32, #tpu.memory_space<hbm>>
    %dma_start3A_469 = arith.constant 0 : i32
    %dma_start3A_470 = tpu.memref_slice %arg4[%add3A_461, %dma_start3A_469] : memref<65536x128xf32, #tpu.memory_space<hbm>> -> memref<128x128xf32, #tpu.memory_space<hbm>>
    %dma_start3A_471 = arith.constant 0 : i32
    %dma_start3A_472 = arith.constant 0 : i32
    %dma_start3A_473 = tpu.memref_slice %arg6[%dma_start3A_462, %dma_start3A_471, %dma_start3A_472] : memref<4x128x128xf32, #tpu.memory_space<vmem>> -> memref<1x128x128xf32, #tpu.memory_space<vmem>>
    %dma_start3A_474 = tpu.memref_squeeze %dma_start3A_473 : memref<1x128x128xf32, #tpu.memory_space<vmem>> -> memref<128x128xf32, #tpu.memory_space<vmem>>
    tpu.enqueue_dma source(%dma_start3A_474 : memref<128x128xf32, #tpu.memory_space<vmem>>) target(%dma_start3A_470 : memref<128x128xf32, #tpu.memory_space<hbm>>) target_semaphore(%arg12 : memref<!tpu.dma_semaphore, #tpu.memory_space<semaphore_mem>>)
    %dma_wait3A_475 = arith.constant 0 : i32
    %dma_wait3A_476 = arith.constant 0 : i32
    %dma_wait3A_477 = arith.constant 0 : i32
    %dma_wait3A_478 = tpu.memref_slice %arg6[%dma_wait3A_475, %dma_wait3A_476, %dma_wait3A_477] : memref<4x128x128xf32, #tpu.memory_space<vmem>> -> memref<1x128x128xf32, #tpu.memory_space<vmem>>
    %dma_wait3A_479 = tpu.memref_squeeze %dma_wait3A_478 : memref<1x128x128xf32, #tpu.memory_space<vmem>> -> memref<128x128xf32, #tpu.memory_space<vmem>>
    %dma_wait3A_480 = arith.constant 0 : i32
    %dma_wait3A_481 = tpu.memref_slice %arg4[%add3A_413, %dma_wait3A_480] : memref<65536x128xf32, #tpu.memory_space<hbm>> -> memref<128x128xf32, #tpu.memory_space<hbm>>
    %dma_wait3A_482 = arith.constant 0 : i32
    %dma_wait3A_483 = tpu.memref_slice %arg4[%add3A_413, %dma_wait3A_482] : memref<65536x128xf32, #tpu.memory_space<hbm>> -> memref<128x128xf32, #tpu.memory_space<hbm>>
    %dma_wait3A_484 = arith.constant 0 : i32
    %dma_wait3A_485 = arith.constant 0 : i32
    %dma_wait3A_486 = tpu.memref_slice %arg6[%dma_wait3A_475, %dma_wait3A_484, %dma_wait3A_485] : memref<4x128x128xf32, #tpu.memory_space<vmem>> -> memref<1x128x128xf32, #tpu.memory_space<vmem>>
    %dma_wait3A_487 = tpu.memref_squeeze %dma_wait3A_486 : memref<1x128x128xf32, #tpu.memory_space<vmem>> -> memref<128x128xf32, #tpu.memory_space<vmem>>
    tpu.wait_dma2 semaphore(%arg11 : memref<!tpu.dma_semaphore, #tpu.memory_space<semaphore_mem>>) src(%dma_wait3A_487 : memref<128x128xf32, #tpu.memory_space<vmem>>) dst(%dma_wait3A_483 : memref<128x128xf32, #tpu.memory_space<hbm>>)
    %dma_start3A_488 = arith.constant 0 : i32
    %dma_start3A_489 = arith.constant 0 : i32
    %dma_start3A_490 = arith.constant 0 : i32
    %dma_start3A_491 = tpu.memref_slice %arg6[%dma_start3A_488, %dma_start3A_489, %dma_start3A_490] : memref<4x128x128xf32, #tpu.memory_space<vmem>> -> memref<1x128x128xf32, #tpu.memory_space<vmem>>
    %dma_start3A_492 = tpu.memref_squeeze %dma_start3A_491 : memref<1x128x128xf32, #tpu.memory_space<vmem>> -> memref<128x128xf32, #tpu.memory_space<vmem>>
    %dma_start3A_493 = arith.constant 1536 : i32
    %dma_start3A_494 = tpu.memref_slice %arg5[%dma_start3A_493] : memref<2048xi32, #tpu.memory_space<vmem>> -> memref<128xi32, #tpu.memory_space<vmem>>
    %dma_start3A_495 = arith.constant 0 : i32
    %dma_start3A_496 = arith.constant 0 : i32
    %dma_start3A_497 = tpu.memref_slice %arg2[%dma_start3A_495, %dma_start3A_496] : memref<4096x128xf32, #tpu.memory_space<hbm>> -> memref<4096x128xf32, #tpu.memory_space<hbm>>
    tpu.enqueue_indirect_dma source(%dma_start3A_497 : memref<4096x128xf32, #tpu.memory_space<hbm>>) target(%dma_start3A_492 : memref<128x128xf32, #tpu.memory_space<vmem>>) offsets(%dma_start3A_494 : memref<128xi32, #tpu.memory_space<vmem>>) semaphore(%arg7 : memref<!tpu.dma_semaphore, #tpu.memory_space<semaphore_mem>>)
    %dma_wait3A_498 = arith.constant 2 : i32
    %dma_wait3A_499 = arith.constant 0 : i32
    %dma_wait3A_500 = arith.constant 0 : i32
    %dma_wait3A_501 = tpu.memref_slice %arg6[%dma_wait3A_498, %dma_wait3A_499, %dma_wait3A_500] : memref<4x128x128xf32, #tpu.memory_space<vmem>> -> memref<1x128x128xf32, #tpu.memory_space<vmem>>
    %dma_wait3A_502 = tpu.memref_squeeze %dma_wait3A_501 : memref<1x128x128xf32, #tpu.memory_space<vmem>> -> memref<128x128xf32, #tpu.memory_space<vmem>>
    %dma_wait3A_503 = arith.constant 1280 : i32
    %dma_wait3A_504 = tpu.memref_slice %arg5[%dma_wait3A_503] : memref<2048xi32, #tpu.memory_space<vmem>> -> memref<128xi32, #tpu.memory_space<vmem>>
    %dma_wait3A_505 = arith.constant 0 : i32
    %dma_wait3A_506 = arith.constant 0 : i32
    %dma_wait3A_507 = tpu.memref_slice %arg2[%dma_wait3A_505, %dma_wait3A_506] : memref<4096x128xf32, #tpu.memory_space<hbm>> -> memref<4096x128xf32, #tpu.memory_space<hbm>>
    tpu.wait_indirect_dma semaphore(%arg9 : memref<!tpu.dma_semaphore, #tpu.memory_space<semaphore_mem>>) src(%dma_wait3A_507 : memref<4096x128xf32, #tpu.memory_space<hbm>>) dst(%dma_wait3A_502 : memref<128x128xf32, #tpu.memory_space<vmem>>)
    %add3A_508 = arith.constant 1280 : i32
    %add3A_509 = arith.addi %mul3A_2, %add3A_508 : i32
    %dma_start3A_510 = arith.constant 2 : i32
    %dma_start3A_511 = arith.constant 0 : i32
    %dma_start3A_512 = arith.constant 0 : i32
    %dma_start3A_513 = tpu.memref_slice %arg6[%dma_start3A_510, %dma_start3A_511, %dma_start3A_512] : memref<4x128x128xf32, #tpu.memory_space<vmem>> -> memref<1x128x128xf32, #tpu.memory_space<vmem>>
    %dma_start3A_514 = tpu.memref_squeeze %dma_start3A_513 : memref<1x128x128xf32, #tpu.memory_space<vmem>> -> memref<128x128xf32, #tpu.memory_space<vmem>>
    %dma_start3A_515 = arith.constant 0 : i32
    %dma_start3A_516 = tpu.memref_slice %arg4[%add3A_509, %dma_start3A_515] : memref<65536x128xf32, #tpu.memory_space<hbm>> -> memref<128x128xf32, #tpu.memory_space<hbm>>
    %dma_start3A_517 = arith.constant 0 : i32
    %dma_start3A_518 = tpu.memref_slice %arg4[%add3A_509, %dma_start3A_517] : memref<65536x128xf32, #tpu.memory_space<hbm>> -> memref<128x128xf32, #tpu.memory_space<hbm>>
    %dma_start3A_519 = arith.constant 0 : i32
    %dma_start3A_520 = arith.constant 0 : i32
    %dma_start3A_521 = tpu.memref_slice %arg6[%dma_start3A_510, %dma_start3A_519, %dma_start3A_520] : memref<4x128x128xf32, #tpu.memory_space<vmem>> -> memref<1x128x128xf32, #tpu.memory_space<vmem>>
    %dma_start3A_522 = tpu.memref_squeeze %dma_start3A_521 : memref<1x128x128xf32, #tpu.memory_space<vmem>> -> memref<128x128xf32, #tpu.memory_space<vmem>>
    tpu.enqueue_dma source(%dma_start3A_522 : memref<128x128xf32, #tpu.memory_space<vmem>>) target(%dma_start3A_518 : memref<128x128xf32, #tpu.memory_space<hbm>>) target_semaphore(%arg13 : memref<!tpu.dma_semaphore, #tpu.memory_space<semaphore_mem>>)
    %dma_wait3A_523 = arith.constant 1 : i32
    %dma_wait3A_524 = arith.constant 0 : i32
    %dma_wait3A_525 = arith.constant 0 : i32
    %dma_wait3A_526 = tpu.memref_slice %arg6[%dma_wait3A_523, %dma_wait3A_524, %dma_wait3A_525] : memref<4x128x128xf32, #tpu.memory_space<vmem>> -> memref<1x128x128xf32, #tpu.memory_space<vmem>>
    %dma_wait3A_527 = tpu.memref_squeeze %dma_wait3A_526 : memref<1x128x128xf32, #tpu.memory_space<vmem>> -> memref<128x128xf32, #tpu.memory_space<vmem>>
    %dma_wait3A_528 = arith.constant 0 : i32
    %dma_wait3A_529 = tpu.memref_slice %arg4[%add3A_461, %dma_wait3A_528] : memref<65536x128xf32, #tpu.memory_space<hbm>> -> memref<128x128xf32, #tpu.memory_space<hbm>>
    %dma_wait3A_530 = arith.constant 0 : i32
    %dma_wait3A_531 = tpu.memref_slice %arg4[%add3A_461, %dma_wait3A_530] : memref<65536x128xf32, #tpu.memory_space<hbm>> -> memref<128x128xf32, #tpu.memory_space<hbm>>
    %dma_wait3A_532 = arith.constant 0 : i32
    %dma_wait3A_533 = arith.constant 0 : i32
    %dma_wait3A_534 = tpu.memref_slice %arg6[%dma_wait3A_523, %dma_wait3A_532, %dma_wait3A_533] : memref<4x128x128xf32, #tpu.memory_space<vmem>> -> memref<1x128x128xf32, #tpu.memory_space<vmem>>
    %dma_wait3A_535 = tpu.memref_squeeze %dma_wait3A_534 : memref<1x128x128xf32, #tpu.memory_space<vmem>> -> memref<128x128xf32, #tpu.memory_space<vmem>>
    tpu.wait_dma2 semaphore(%arg12 : memref<!tpu.dma_semaphore, #tpu.memory_space<semaphore_mem>>) src(%dma_wait3A_535 : memref<128x128xf32, #tpu.memory_space<vmem>>) dst(%dma_wait3A_531 : memref<128x128xf32, #tpu.memory_space<hbm>>)
    %dma_start3A_536 = arith.constant 1 : i32
    %dma_start3A_537 = arith.constant 0 : i32
    %dma_start3A_538 = arith.constant 0 : i32
    %dma_start3A_539 = tpu.memref_slice %arg6[%dma_start3A_536, %dma_start3A_537, %dma_start3A_538] : memref<4x128x128xf32, #tpu.memory_space<vmem>> -> memref<1x128x128xf32, #tpu.memory_space<vmem>>
    %dma_start3A_540 = tpu.memref_squeeze %dma_start3A_539 : memref<1x128x128xf32, #tpu.memory_space<vmem>> -> memref<128x128xf32, #tpu.memory_space<vmem>>
    %dma_start3A_541 = arith.constant 1664 : i32
    %dma_start3A_542 = tpu.memref_slice %arg5[%dma_start3A_541] : memref<2048xi32, #tpu.memory_space<vmem>> -> memref<128xi32, #tpu.memory_space<vmem>>
    %dma_start3A_543 = arith.constant 0 : i32
    %dma_start3A_544 = arith.constant 0 : i32
    %dma_start3A_545 = tpu.memref_slice %arg2[%dma_start3A_543, %dma_start3A_544] : memref<4096x128xf32, #tpu.memory_space<hbm>> -> memref<4096x128xf32, #tpu.memory_space<hbm>>
    tpu.enqueue_indirect_dma source(%dma_start3A_545 : memref<4096x128xf32, #tpu.memory_space<hbm>>) target(%dma_start3A_540 : memref<128x128xf32, #tpu.memory_space<vmem>>) offsets(%dma_start3A_542 : memref<128xi32, #tpu.memory_space<vmem>>) semaphore(%arg8 : memref<!tpu.dma_semaphore, #tpu.memory_space<semaphore_mem>>)
    %dma_wait3A_546 = arith.constant 3 : i32
    %dma_wait3A_547 = arith.constant 0 : i32
    %dma_wait3A_548 = arith.constant 0 : i32
    %dma_wait3A_549 = tpu.memref_slice %arg6[%dma_wait3A_546, %dma_wait3A_547, %dma_wait3A_548] : memref<4x128x128xf32, #tpu.memory_space<vmem>> -> memref<1x128x128xf32, #tpu.memory_space<vmem>>
    %dma_wait3A_550 = tpu.memref_squeeze %dma_wait3A_549 : memref<1x128x128xf32, #tpu.memory_space<vmem>> -> memref<128x128xf32, #tpu.memory_space<vmem>>
    %dma_wait3A_551 = arith.constant 1408 : i32
    %dma_wait3A_552 = tpu.memref_slice %arg5[%dma_wait3A_551] : memref<2048xi32, #tpu.memory_space<vmem>> -> memref<128xi32, #tpu.memory_space<vmem>>
    %dma_wait3A_553 = arith.constant 0 : i32
    %dma_wait3A_554 = arith.constant 0 : i32
    %dma_wait3A_555 = tpu.memref_slice %arg2[%dma_wait3A_553, %dma_wait3A_554] : memref<4096x128xf32, #tpu.memory_space<hbm>> -> memref<4096x128xf32, #tpu.memory_space<hbm>>
    tpu.wait_indirect_dma semaphore(%arg10 : memref<!tpu.dma_semaphore, #tpu.memory_space<semaphore_mem>>) src(%dma_wait3A_555 : memref<4096x128xf32, #tpu.memory_space<hbm>>) dst(%dma_wait3A_550 : memref<128x128xf32, #tpu.memory_space<vmem>>)
    %add3A_556 = arith.constant 1408 : i32
    %add3A_557 = arith.addi %mul3A_2, %add3A_556 : i32
    %dma_start3A_558 = arith.constant 3 : i32
    %dma_start3A_559 = arith.constant 0 : i32
    %dma_start3A_560 = arith.constant 0 : i32
    %dma_start3A_561 = tpu.memref_slice %arg6[%dma_start3A_558, %dma_start3A_559, %dma_start3A_560] : memref<4x128x128xf32, #tpu.memory_space<vmem>> -> memref<1x128x128xf32, #tpu.memory_space<vmem>>
    %dma_start3A_562 = tpu.memref_squeeze %dma_start3A_561 : memref<1x128x128xf32, #tpu.memory_space<vmem>> -> memref<128x128xf32, #tpu.memory_space<vmem>>
    %dma_start3A_563 = arith.constant 0 : i32
    %dma_start3A_564 = tpu.memref_slice %arg4[%add3A_557, %dma_start3A_563] : memref<65536x128xf32, #tpu.memory_space<hbm>> -> memref<128x128xf32, #tpu.memory_space<hbm>>
    %dma_start3A_565 = arith.constant 0 : i32
    %dma_start3A_566 = tpu.memref_slice %arg4[%add3A_557, %dma_start3A_565] : memref<65536x128xf32, #tpu.memory_space<hbm>> -> memref<128x128xf32, #tpu.memory_space<hbm>>
    %dma_start3A_567 = arith.constant 0 : i32
    %dma_start3A_568 = arith.constant 0 : i32
    %dma_start3A_569 = tpu.memref_slice %arg6[%dma_start3A_558, %dma_start3A_567, %dma_start3A_568] : memref<4x128x128xf32, #tpu.memory_space<vmem>> -> memref<1x128x128xf32, #tpu.memory_space<vmem>>
    %dma_start3A_570 = tpu.memref_squeeze %dma_start3A_569 : memref<1x128x128xf32, #tpu.memory_space<vmem>> -> memref<128x128xf32, #tpu.memory_space<vmem>>
    tpu.enqueue_dma source(%dma_start3A_570 : memref<128x128xf32, #tpu.memory_space<vmem>>) target(%dma_start3A_566 : memref<128x128xf32, #tpu.memory_space<hbm>>) target_semaphore(%arg14 : memref<!tpu.dma_semaphore, #tpu.memory_space<semaphore_mem>>)
    %dma_wait3A_571 = arith.constant 2 : i32
    %dma_wait3A_572 = arith.constant 0 : i32
    %dma_wait3A_573 = arith.constant 0 : i32
    %dma_wait3A_574 = tpu.memref_slice %arg6[%dma_wait3A_571, %dma_wait3A_572, %dma_wait3A_573] : memref<4x128x128xf32, #tpu.memory_space<vmem>> -> memref<1x128x128xf32, #tpu.memory_space<vmem>>
    %dma_wait3A_575 = tpu.memref_squeeze %dma_wait3A_574 : memref<1x128x128xf32, #tpu.memory_space<vmem>> -> memref<128x128xf32, #tpu.memory_space<vmem>>
    %dma_wait3A_576 = arith.constant 0 : i32
    %dma_wait3A_577 = tpu.memref_slice %arg4[%add3A_509, %dma_wait3A_576] : memref<65536x128xf32, #tpu.memory_space<hbm>> -> memref<128x128xf32, #tpu.memory_space<hbm>>
    %dma_wait3A_578 = arith.constant 0 : i32
    %dma_wait3A_579 = tpu.memref_slice %arg4[%add3A_509, %dma_wait3A_578] : memref<65536x128xf32, #tpu.memory_space<hbm>> -> memref<128x128xf32, #tpu.memory_space<hbm>>
    %dma_wait3A_580 = arith.constant 0 : i32
    %dma_wait3A_581 = arith.constant 0 : i32
    %dma_wait3A_582 = tpu.memref_slice %arg6[%dma_wait3A_571, %dma_wait3A_580, %dma_wait3A_581] : memref<4x128x128xf32, #tpu.memory_space<vmem>> -> memref<1x128x128xf32, #tpu.memory_space<vmem>>
    %dma_wait3A_583 = tpu.memref_squeeze %dma_wait3A_582 : memref<1x128x128xf32, #tpu.memory_space<vmem>> -> memref<128x128xf32, #tpu.memory_space<vmem>>
    tpu.wait_dma2 semaphore(%arg13 : memref<!tpu.dma_semaphore, #tpu.memory_space<semaphore_mem>>) src(%dma_wait3A_583 : memref<128x128xf32, #tpu.memory_space<vmem>>) dst(%dma_wait3A_579 : memref<128x128xf32, #tpu.memory_space<hbm>>)
    %dma_start3A_584 = arith.constant 2 : i32
    %dma_start3A_585 = arith.constant 0 : i32
    %dma_start3A_586 = arith.constant 0 : i32
    %dma_start3A_587 = tpu.memref_slice %arg6[%dma_start3A_584, %dma_start3A_585, %dma_start3A_586] : memref<4x128x128xf32, #tpu.memory_space<vmem>> -> memref<1x128x128xf32, #tpu.memory_space<vmem>>
    %dma_start3A_588 = tpu.memref_squeeze %dma_start3A_587 : memref<1x128x128xf32, #tpu.memory_space<vmem>> -> memref<128x128xf32, #tpu.memory_space<vmem>>
    %dma_start3A_589 = arith.constant 1792 : i32
    %dma_start3A_590 = tpu.memref_slice %arg5[%dma_start3A_589] : memref<2048xi32, #tpu.memory_space<vmem>> -> memref<128xi32, #tpu.memory_space<vmem>>
    %dma_start3A_591 = arith.constant 0 : i32
    %dma_start3A_592 = arith.constant 0 : i32
    %dma_start3A_593 = tpu.memref_slice %arg2[%dma_start3A_591, %dma_start3A_592] : memref<4096x128xf32, #tpu.memory_space<hbm>> -> memref<4096x128xf32, #tpu.memory_space<hbm>>
    tpu.enqueue_indirect_dma source(%dma_start3A_593 : memref<4096x128xf32, #tpu.memory_space<hbm>>) target(%dma_start3A_588 : memref<128x128xf32, #tpu.memory_space<vmem>>) offsets(%dma_start3A_590 : memref<128xi32, #tpu.memory_space<vmem>>) semaphore(%arg9 : memref<!tpu.dma_semaphore, #tpu.memory_space<semaphore_mem>>)
    %dma_wait3A_594 = arith.constant 0 : i32
    %dma_wait3A_595 = arith.constant 0 : i32
    %dma_wait3A_596 = arith.constant 0 : i32
    %dma_wait3A_597 = tpu.memref_slice %arg6[%dma_wait3A_594, %dma_wait3A_595, %dma_wait3A_596] : memref<4x128x128xf32, #tpu.memory_space<vmem>> -> memref<1x128x128xf32, #tpu.memory_space<vmem>>
    %dma_wait3A_598 = tpu.memref_squeeze %dma_wait3A_597 : memref<1x128x128xf32, #tpu.memory_space<vmem>> -> memref<128x128xf32, #tpu.memory_space<vmem>>
    %dma_wait3A_599 = arith.constant 1536 : i32
    %dma_wait3A_600 = tpu.memref_slice %arg5[%dma_wait3A_599] : memref<2048xi32, #tpu.memory_space<vmem>> -> memref<128xi32, #tpu.memory_space<vmem>>
    %dma_wait3A_601 = arith.constant 0 : i32
    %dma_wait3A_602 = arith.constant 0 : i32
    %dma_wait3A_603 = tpu.memref_slice %arg2[%dma_wait3A_601, %dma_wait3A_602] : memref<4096x128xf32, #tpu.memory_space<hbm>> -> memref<4096x128xf32, #tpu.memory_space<hbm>>
    tpu.wait_indirect_dma semaphore(%arg7 : memref<!tpu.dma_semaphore, #tpu.memory_space<semaphore_mem>>) src(%dma_wait3A_603 : memref<4096x128xf32, #tpu.memory_space<hbm>>) dst(%dma_wait3A_598 : memref<128x128xf32, #tpu.memory_space<vmem>>)
    %add3A_604 = arith.constant 1536 : i32
    %add3A_605 = arith.addi %mul3A_2, %add3A_604 : i32
    %dma_start3A_606 = arith.constant 0 : i32
    %dma_start3A_607 = arith.constant 0 : i32
    %dma_start3A_608 = arith.constant 0 : i32
    %dma_start3A_609 = tpu.memref_slice %arg6[%dma_start3A_606, %dma_start3A_607, %dma_start3A_608] : memref<4x128x128xf32, #tpu.memory_space<vmem>> -> memref<1x128x128xf32, #tpu.memory_space<vmem>>
    %dma_start3A_610 = tpu.memref_squeeze %dma_start3A_609 : memref<1x128x128xf32, #tpu.memory_space<vmem>> -> memref<128x128xf32, #tpu.memory_space<vmem>>
    %dma_start3A_611 = arith.constant 0 : i32
    %dma_start3A_612 = tpu.memref_slice %arg4[%add3A_605, %dma_start3A_611] : memref<65536x128xf32, #tpu.memory_space<hbm>> -> memref<128x128xf32, #tpu.memory_space<hbm>>
    %dma_start3A_613 = arith.constant 0 : i32
    %dma_start3A_614 = tpu.memref_slice %arg4[%add3A_605, %dma_start3A_613] : memref<65536x128xf32, #tpu.memory_space<hbm>> -> memref<128x128xf32, #tpu.memory_space<hbm>>
    %dma_start3A_615 = arith.constant 0 : i32
    %dma_start3A_616 = arith.constant 0 : i32
    %dma_start3A_617 = tpu.memref_slice %arg6[%dma_start3A_606, %dma_start3A_615, %dma_start3A_616] : memref<4x128x128xf32, #tpu.memory_space<vmem>> -> memref<1x128x128xf32, #tpu.memory_space<vmem>>
    %dma_start3A_618 = tpu.memref_squeeze %dma_start3A_617 : memref<1x128x128xf32, #tpu.memory_space<vmem>> -> memref<128x128xf32, #tpu.memory_space<vmem>>
    tpu.enqueue_dma source(%dma_start3A_618 : memref<128x128xf32, #tpu.memory_space<vmem>>) target(%dma_start3A_614 : memref<128x128xf32, #tpu.memory_space<hbm>>) target_semaphore(%arg11 : memref<!tpu.dma_semaphore, #tpu.memory_space<semaphore_mem>>)
    %dma_wait3A_619 = arith.constant 3 : i32
    %dma_wait3A_620 = arith.constant 0 : i32
    %dma_wait3A_621 = arith.constant 0 : i32
    %dma_wait3A_622 = tpu.memref_slice %arg6[%dma_wait3A_619, %dma_wait3A_620, %dma_wait3A_621] : memref<4x128x128xf32, #tpu.memory_space<vmem>> -> memref<1x128x128xf32, #tpu.memory_space<vmem>>
    %dma_wait3A_623 = tpu.memref_squeeze %dma_wait3A_622 : memref<1x128x128xf32, #tpu.memory_space<vmem>> -> memref<128x128xf32, #tpu.memory_space<vmem>>
    %dma_wait3A_624 = arith.constant 0 : i32
    %dma_wait3A_625 = tpu.memref_slice %arg4[%add3A_557, %dma_wait3A_624] : memref<65536x128xf32, #tpu.memory_space<hbm>> -> memref<128x128xf32, #tpu.memory_space<hbm>>
    %dma_wait3A_626 = arith.constant 0 : i32
    %dma_wait3A_627 = tpu.memref_slice %arg4[%add3A_557, %dma_wait3A_626] : memref<65536x128xf32, #tpu.memory_space<hbm>> -> memref<128x128xf32, #tpu.memory_space<hbm>>
    %dma_wait3A_628 = arith.constant 0 : i32
    %dma_wait3A_629 = arith.constant 0 : i32
    %dma_wait3A_630 = tpu.memref_slice %arg6[%dma_wait3A_619, %dma_wait3A_628, %dma_wait3A_629] : memref<4x128x128xf32, #tpu.memory_space<vmem>> -> memref<1x128x128xf32, #tpu.memory_space<vmem>>
    %dma_wait3A_631 = tpu.memref_squeeze %dma_wait3A_630 : memref<1x128x128xf32, #tpu.memory_space<vmem>> -> memref<128x128xf32, #tpu.memory_space<vmem>>
    tpu.wait_dma2 semaphore(%arg14 : memref<!tpu.dma_semaphore, #tpu.memory_space<semaphore_mem>>) src(%dma_wait3A_631 : memref<128x128xf32, #tpu.memory_space<vmem>>) dst(%dma_wait3A_627 : memref<128x128xf32, #tpu.memory_space<hbm>>)
    %dma_start3A_632 = arith.constant 3 : i32
    %dma_start3A_633 = arith.constant 0 : i32
    %dma_start3A_634 = arith.constant 0 : i32
    %dma_start3A_635 = tpu.memref_slice %arg6[%dma_start3A_632, %dma_start3A_633, %dma_start3A_634] : memref<4x128x128xf32, #tpu.memory_space<vmem>> -> memref<1x128x128xf32, #tpu.memory_space<vmem>>
    %dma_start3A_636 = tpu.memref_squeeze %dma_start3A_635 : memref<1x128x128xf32, #tpu.memory_space<vmem>> -> memref<128x128xf32, #tpu.memory_space<vmem>>
    %dma_start3A_637 = arith.constant 1920 : i32
    %dma_start3A_638 = tpu.memref_slice %arg5[%dma_start3A_637] : memref<2048xi32, #tpu.memory_space<vmem>> -> memref<128xi32, #tpu.memory_space<vmem>>
    %dma_start3A_639 = arith.constant 0 : i32
    %dma_start3A_640 = arith.constant 0 : i32
    %dma_start3A_641 = tpu.memref_slice %arg2[%dma_start3A_639, %dma_start3A_640] : memref<4096x128xf32, #tpu.memory_space<hbm>> -> memref<4096x128xf32, #tpu.memory_space<hbm>>
    tpu.enqueue_indirect_dma source(%dma_start3A_641 : memref<4096x128xf32, #tpu.memory_space<hbm>>) target(%dma_start3A_636 : memref<128x128xf32, #tpu.memory_space<vmem>>) offsets(%dma_start3A_638 : memref<128xi32, #tpu.memory_space<vmem>>) semaphore(%arg10 : memref<!tpu.dma_semaphore, #tpu.memory_space<semaphore_mem>>)
    %dma_wait3A_642 = arith.constant 1 : i32
    %dma_wait3A_643 = arith.constant 0 : i32
    %dma_wait3A_644 = arith.constant 0 : i32
    %dma_wait3A_645 = tpu.memref_slice %arg6[%dma_wait3A_642, %dma_wait3A_643, %dma_wait3A_644] : memref<4x128x128xf32, #tpu.memory_space<vmem>> -> memref<1x128x128xf32, #tpu.memory_space<vmem>>
    %dma_wait3A_646 = tpu.memref_squeeze %dma_wait3A_645 : memref<1x128x128xf32, #tpu.memory_space<vmem>> -> memref<128x128xf32, #tpu.memory_space<vmem>>
    %dma_wait3A_647 = arith.constant 1664 : i32
    %dma_wait3A_648 = tpu.memref_slice %arg5[%dma_wait3A_647] : memref<2048xi32, #tpu.memory_space<vmem>> -> memref<128xi32, #tpu.memory_space<vmem>>
    %dma_wait3A_649 = arith.constant 0 : i32
    %dma_wait3A_650 = arith.constant 0 : i32
    %dma_wait3A_651 = tpu.memref_slice %arg2[%dma_wait3A_649, %dma_wait3A_650] : memref<4096x128xf32, #tpu.memory_space<hbm>> -> memref<4096x128xf32, #tpu.memory_space<hbm>>
    tpu.wait_indirect_dma semaphore(%arg8 : memref<!tpu.dma_semaphore, #tpu.memory_space<semaphore_mem>>) src(%dma_wait3A_651 : memref<4096x128xf32, #tpu.memory_space<hbm>>) dst(%dma_wait3A_646 : memref<128x128xf32, #tpu.memory_space<vmem>>)
    %add3A_652 = arith.constant 1664 : i32
    %add3A_653 = arith.addi %mul3A_2, %add3A_652 : i32
    %dma_start3A_654 = arith.constant 1 : i32
    %dma_start3A_655 = arith.constant 0 : i32
    %dma_start3A_656 = arith.constant 0 : i32
    %dma_start3A_657 = tpu.memref_slice %arg6[%dma_start3A_654, %dma_start3A_655, %dma_start3A_656] : memref<4x128x128xf32, #tpu.memory_space<vmem>> -> memref<1x128x128xf32, #tpu.memory_space<vmem>>
    %dma_start3A_658 = tpu.memref_squeeze %dma_start3A_657 : memref<1x128x128xf32, #tpu.memory_space<vmem>> -> memref<128x128xf32, #tpu.memory_space<vmem>>
    %dma_start3A_659 = arith.constant 0 : i32
    %dma_start3A_660 = tpu.memref_slice %arg4[%add3A_653, %dma_start3A_659] : memref<65536x128xf32, #tpu.memory_space<hbm>> -> memref<128x128xf32, #tpu.memory_space<hbm>>
    %dma_start3A_661 = arith.constant 0 : i32
    %dma_start3A_662 = tpu.memref_slice %arg4[%add3A_653, %dma_start3A_661] : memref<65536x128xf32, #tpu.memory_space<hbm>> -> memref<128x128xf32, #tpu.memory_space<hbm>>
    %dma_start3A_663 = arith.constant 0 : i32
    %dma_start3A_664 = arith.constant 0 : i32
    %dma_start3A_665 = tpu.memref_slice %arg6[%dma_start3A_654, %dma_start3A_663, %dma_start3A_664] : memref<4x128x128xf32, #tpu.memory_space<vmem>> -> memref<1x128x128xf32, #tpu.memory_space<vmem>>
    %dma_start3A_666 = tpu.memref_squeeze %dma_start3A_665 : memref<1x128x128xf32, #tpu.memory_space<vmem>> -> memref<128x128xf32, #tpu.memory_space<vmem>>
    tpu.enqueue_dma source(%dma_start3A_666 : memref<128x128xf32, #tpu.memory_space<vmem>>) target(%dma_start3A_662 : memref<128x128xf32, #tpu.memory_space<hbm>>) target_semaphore(%arg12 : memref<!tpu.dma_semaphore, #tpu.memory_space<semaphore_mem>>)
    %dma_wait3A_667 = arith.constant 2 : i32
    %dma_wait3A_668 = arith.constant 0 : i32
    %dma_wait3A_669 = arith.constant 0 : i32
    %dma_wait3A_670 = tpu.memref_slice %arg6[%dma_wait3A_667, %dma_wait3A_668, %dma_wait3A_669] : memref<4x128x128xf32, #tpu.memory_space<vmem>> -> memref<1x128x128xf32, #tpu.memory_space<vmem>>
    %dma_wait3A_671 = tpu.memref_squeeze %dma_wait3A_670 : memref<1x128x128xf32, #tpu.memory_space<vmem>> -> memref<128x128xf32, #tpu.memory_space<vmem>>
    %dma_wait3A_672 = arith.constant 1792 : i32
    %dma_wait3A_673 = tpu.memref_slice %arg5[%dma_wait3A_672] : memref<2048xi32, #tpu.memory_space<vmem>> -> memref<128xi32, #tpu.memory_space<vmem>>
    %dma_wait3A_674 = arith.constant 0 : i32
    %dma_wait3A_675 = arith.constant 0 : i32
    %dma_wait3A_676 = tpu.memref_slice %arg2[%dma_wait3A_674, %dma_wait3A_675] : memref<4096x128xf32, #tpu.memory_space<hbm>> -> memref<4096x128xf32, #tpu.memory_space<hbm>>
    tpu.wait_indirect_dma semaphore(%arg9 : memref<!tpu.dma_semaphore, #tpu.memory_space<semaphore_mem>>) src(%dma_wait3A_676 : memref<4096x128xf32, #tpu.memory_space<hbm>>) dst(%dma_wait3A_671 : memref<128x128xf32, #tpu.memory_space<vmem>>)
    %add3A_677 = arith.constant 1792 : i32
    %add3A_678 = arith.addi %mul3A_2, %add3A_677 : i32
    %dma_start3A_679 = arith.constant 2 : i32
    %dma_start3A_680 = arith.constant 0 : i32
    %dma_start3A_681 = arith.constant 0 : i32
    %dma_start3A_682 = tpu.memref_slice %arg6[%dma_start3A_679, %dma_start3A_680, %dma_start3A_681] : memref<4x128x128xf32, #tpu.memory_space<vmem>> -> memref<1x128x128xf32, #tpu.memory_space<vmem>>
    %dma_start3A_683 = tpu.memref_squeeze %dma_start3A_682 : memref<1x128x128xf32, #tpu.memory_space<vmem>> -> memref<128x128xf32, #tpu.memory_space<vmem>>
    %dma_start3A_684 = arith.constant 0 : i32
    %dma_start3A_685 = tpu.memref_slice %arg4[%add3A_678, %dma_start3A_684] : memref<65536x128xf32, #tpu.memory_space<hbm>> -> memref<128x128xf32, #tpu.memory_space<hbm>>
    %dma_start3A_686 = arith.constant 0 : i32
    %dma_start3A_687 = tpu.memref_slice %arg4[%add3A_678, %dma_start3A_686] : memref<65536x128xf32, #tpu.memory_space<hbm>> -> memref<128x128xf32, #tpu.memory_space<hbm>>
    %dma_start3A_688 = arith.constant 0 : i32
    %dma_start3A_689 = arith.constant 0 : i32
    %dma_start3A_690 = tpu.memref_slice %arg6[%dma_start3A_679, %dma_start3A_688, %dma_start3A_689] : memref<4x128x128xf32, #tpu.memory_space<vmem>> -> memref<1x128x128xf32, #tpu.memory_space<vmem>>
    %dma_start3A_691 = tpu.memref_squeeze %dma_start3A_690 : memref<1x128x128xf32, #tpu.memory_space<vmem>> -> memref<128x128xf32, #tpu.memory_space<vmem>>
    tpu.enqueue_dma source(%dma_start3A_691 : memref<128x128xf32, #tpu.memory_space<vmem>>) target(%dma_start3A_687 : memref<128x128xf32, #tpu.memory_space<hbm>>) target_semaphore(%arg13 : memref<!tpu.dma_semaphore, #tpu.memory_space<semaphore_mem>>)
    %dma_wait3A_692 = arith.constant 3 : i32
    %dma_wait3A_693 = arith.constant 0 : i32
    %dma_wait3A_694 = arith.constant 0 : i32
    %dma_wait3A_695 = tpu.memref_slice %arg6[%dma_wait3A_692, %dma_wait3A_693, %dma_wait3A_694] : memref<4x128x128xf32, #tpu.memory_space<vmem>> -> memref<1x128x128xf32, #tpu.memory_space<vmem>>
    %dma_wait3A_696 = tpu.memref_squeeze %dma_wait3A_695 : memref<1x128x128xf32, #tpu.memory_space<vmem>> -> memref<128x128xf32, #tpu.memory_space<vmem>>
    %dma_wait3A_697 = arith.constant 1920 : i32
    %dma_wait3A_698 = tpu.memref_slice %arg5[%dma_wait3A_697] : memref<2048xi32, #tpu.memory_space<vmem>> -> memref<128xi32, #tpu.memory_space<vmem>>
    %dma_wait3A_699 = arith.constant 0 : i32
    %dma_wait3A_700 = arith.constant 0 : i32
    %dma_wait3A_701 = tpu.memref_slice %arg2[%dma_wait3A_699, %dma_wait3A_700] : memref<4096x128xf32, #tpu.memory_space<hbm>> -> memref<4096x128xf32, #tpu.memory_space<hbm>>
    tpu.wait_indirect_dma semaphore(%arg10 : memref<!tpu.dma_semaphore, #tpu.memory_space<semaphore_mem>>) src(%dma_wait3A_701 : memref<4096x128xf32, #tpu.memory_space<hbm>>) dst(%dma_wait3A_696 : memref<128x128xf32, #tpu.memory_space<vmem>>)
    %add3A_702 = arith.constant 1920 : i32
    %add3A_703 = arith.addi %mul3A_2, %add3A_702 : i32
    %dma_start3A_704 = arith.constant 3 : i32
    %dma_start3A_705 = arith.constant 0 : i32
    %dma_start3A_706 = arith.constant 0 : i32
    %dma_start3A_707 = tpu.memref_slice %arg6[%dma_start3A_704, %dma_start3A_705, %dma_start3A_706] : memref<4x128x128xf32, #tpu.memory_space<vmem>> -> memref<1x128x128xf32, #tpu.memory_space<vmem>>
    %dma_start3A_708 = tpu.memref_squeeze %dma_start3A_707 : memref<1x128x128xf32, #tpu.memory_space<vmem>> -> memref<128x128xf32, #tpu.memory_space<vmem>>
    %dma_start3A_709 = arith.constant 0 : i32
    %dma_start3A_710 = tpu.memref_slice %arg4[%add3A_703, %dma_start3A_709] : memref<65536x128xf32, #tpu.memory_space<hbm>> -> memref<128x128xf32, #tpu.memory_space<hbm>>
    %dma_start3A_711 = arith.constant 0 : i32
    %dma_start3A_712 = tpu.memref_slice %arg4[%add3A_703, %dma_start3A_711] : memref<65536x128xf32, #tpu.memory_space<hbm>> -> memref<128x128xf32, #tpu.memory_space<hbm>>
    %dma_start3A_713 = arith.constant 0 : i32
    %dma_start3A_714 = arith.constant 0 : i32
    %dma_start3A_715 = tpu.memref_slice %arg6[%dma_start3A_704, %dma_start3A_713, %dma_start3A_714] : memref<4x128x128xf32, #tpu.memory_space<vmem>> -> memref<1x128x128xf32, #tpu.memory_space<vmem>>
    %dma_start3A_716 = tpu.memref_squeeze %dma_start3A_715 : memref<1x128x128xf32, #tpu.memory_space<vmem>> -> memref<128x128xf32, #tpu.memory_space<vmem>>
    tpu.enqueue_dma source(%dma_start3A_716 : memref<128x128xf32, #tpu.memory_space<vmem>>) target(%dma_start3A_712 : memref<128x128xf32, #tpu.memory_space<hbm>>) target_semaphore(%arg14 : memref<!tpu.dma_semaphore, #tpu.memory_space<semaphore_mem>>)
    %dma_wait3A_717 = arith.constant 0 : i32
    %dma_wait3A_718 = arith.constant 0 : i32
    %dma_wait3A_719 = arith.constant 0 : i32
    %dma_wait3A_720 = tpu.memref_slice %arg6[%dma_wait3A_717, %dma_wait3A_718, %dma_wait3A_719] : memref<4x128x128xf32, #tpu.memory_space<vmem>> -> memref<1x128x128xf32, #tpu.memory_space<vmem>>
    %dma_wait3A_721 = tpu.memref_squeeze %dma_wait3A_720 : memref<1x128x128xf32, #tpu.memory_space<vmem>> -> memref<128x128xf32, #tpu.memory_space<vmem>>
    %dma_wait3A_722 = arith.constant 0 : i32
    %dma_wait3A_723 = tpu.memref_slice %arg4[%add3A_605, %dma_wait3A_722] : memref<65536x128xf32, #tpu.memory_space<hbm>> -> memref<128x128xf32, #tpu.memory_space<hbm>>
    %dma_wait3A_724 = arith.constant 0 : i32
    %dma_wait3A_725 = tpu.memref_slice %arg4[%add3A_605, %dma_wait3A_724] : memref<65536x128xf32, #tpu.memory_space<hbm>> -> memref<128x128xf32, #tpu.memory_space<hbm>>
    %dma_wait3A_726 = arith.constant 0 : i32
    %dma_wait3A_727 = arith.constant 0 : i32
    %dma_wait3A_728 = tpu.memref_slice %arg6[%dma_wait3A_717, %dma_wait3A_726, %dma_wait3A_727] : memref<4x128x128xf32, #tpu.memory_space<vmem>> -> memref<1x128x128xf32, #tpu.memory_space<vmem>>
    %dma_wait3A_729 = tpu.memref_squeeze %dma_wait3A_728 : memref<1x128x128xf32, #tpu.memory_space<vmem>> -> memref<128x128xf32, #tpu.memory_space<vmem>>
    tpu.wait_dma2 semaphore(%arg11 : memref<!tpu.dma_semaphore, #tpu.memory_space<semaphore_mem>>) src(%dma_wait3A_729 : memref<128x128xf32, #tpu.memory_space<vmem>>) dst(%dma_wait3A_725 : memref<128x128xf32, #tpu.memory_space<hbm>>)
    %dma_wait3A_730 = arith.constant 1 : i32
    %dma_wait3A_731 = arith.constant 0 : i32
    %dma_wait3A_732 = arith.constant 0 : i32
    %dma_wait3A_733 = tpu.memref_slice %arg6[%dma_wait3A_730, %dma_wait3A_731, %dma_wait3A_732] : memref<4x128x128xf32, #tpu.memory_space<vmem>> -> memref<1x128x128xf32, #tpu.memory_space<vmem>>
    %dma_wait3A_734 = tpu.memref_squeeze %dma_wait3A_733 : memref<1x128x128xf32, #tpu.memory_space<vmem>> -> memref<128x128xf32, #tpu.memory_space<vmem>>
    %dma_wait3A_735 = arith.constant 0 : i32
    %dma_wait3A_736 = tpu.memref_slice %arg4[%add3A_653, %dma_wait3A_735] : memref<65536x128xf32, #tpu.memory_space<hbm>> -> memref<128x128xf32, #tpu.memory_space<hbm>>
    %dma_wait3A_737 = arith.constant 0 : i32
    %dma_wait3A_738 = tpu.memref_slice %arg4[%add3A_653, %dma_wait3A_737] : memref<65536x128xf32, #tpu.memory_space<hbm>> -> memref<128x128xf32, #tpu.memory_space<hbm>>
    %dma_wait3A_739 = arith.constant 0 : i32
    %dma_wait3A_740 = arith.constant 0 : i32
    %dma_wait3A_741 = tpu.memref_slice %arg6[%dma_wait3A_730, %dma_wait3A_739, %dma_wait3A_740] : memref<4x128x128xf32, #tpu.memory_space<vmem>> -> memref<1x128x128xf32, #tpu.memory_space<vmem>>
    %dma_wait3A_742 = tpu.memref_squeeze %dma_wait3A_741 : memref<1x128x128xf32, #tpu.memory_space<vmem>> -> memref<128x128xf32, #tpu.memory_space<vmem>>
    tpu.wait_dma2 semaphore(%arg12 : memref<!tpu.dma_semaphore, #tpu.memory_space<semaphore_mem>>) src(%dma_wait3A_742 : memref<128x128xf32, #tpu.memory_space<vmem>>) dst(%dma_wait3A_738 : memref<128x128xf32, #tpu.memory_space<hbm>>)
    %dma_wait3A_743 = arith.constant 2 : i32
    %dma_wait3A_744 = arith.constant 0 : i32
    %dma_wait3A_745 = arith.constant 0 : i32
    %dma_wait3A_746 = tpu.memref_slice %arg6[%dma_wait3A_743, %dma_wait3A_744, %dma_wait3A_745] : memref<4x128x128xf32, #tpu.memory_space<vmem>> -> memref<1x128x128xf32, #tpu.memory_space<vmem>>
    %dma_wait3A_747 = tpu.memref_squeeze %dma_wait3A_746 : memref<1x128x128xf32, #tpu.memory_space<vmem>> -> memref<128x128xf32, #tpu.memory_space<vmem>>
    %dma_wait3A_748 = arith.constant 0 : i32
    %dma_wait3A_749 = tpu.memref_slice %arg4[%add3A_678, %dma_wait3A_748] : memref<65536x128xf32, #tpu.memory_space<hbm>> -> memref<128x128xf32, #tpu.memory_space<hbm>>
    %dma_wait3A_750 = arith.constant 0 : i32
    %dma_wait3A_751 = tpu.memref_slice %arg4[%add3A_678, %dma_wait3A_750] : memref<65536x128xf32, #tpu.memory_space<hbm>> -> memref<128x128xf32, #tpu.memory_space<hbm>>
    %dma_wait3A_752 = arith.constant 0 : i32
    %dma_wait3A_753 = arith.constant 0 : i32
    %dma_wait3A_754 = tpu.memref_slice %arg6[%dma_wait3A_743, %dma_wait3A_752, %dma_wait3A_753] : memref<4x128x128xf32, #tpu.memory_space<vmem>> -> memref<1x128x128xf32, #tpu.memory_space<vmem>>
    %dma_wait3A_755 = tpu.memref_squeeze %dma_wait3A_754 : memref<1x128x128xf32, #tpu.memory_space<vmem>> -> memref<128x128xf32, #tpu.memory_space<vmem>>
    tpu.wait_dma2 semaphore(%arg13 : memref<!tpu.dma_semaphore, #tpu.memory_space<semaphore_mem>>) src(%dma_wait3A_755 : memref<128x128xf32, #tpu.memory_space<vmem>>) dst(%dma_wait3A_751 : memref<128x128xf32, #tpu.memory_space<hbm>>)
    %dma_wait3A_756 = arith.constant 3 : i32
    %dma_wait3A_757 = arith.constant 0 : i32
    %dma_wait3A_758 = arith.constant 0 : i32
    %dma_wait3A_759 = tpu.memref_slice %arg6[%dma_wait3A_756, %dma_wait3A_757, %dma_wait3A_758] : memref<4x128x128xf32, #tpu.memory_space<vmem>> -> memref<1x128x128xf32, #tpu.memory_space<vmem>>
    %dma_wait3A_760 = tpu.memref_squeeze %dma_wait3A_759 : memref<1x128x128xf32, #tpu.memory_space<vmem>> -> memref<128x128xf32, #tpu.memory_space<vmem>>
    %dma_wait3A_761 = arith.constant 0 : i32
    %dma_wait3A_762 = tpu.memref_slice %arg4[%add3A_703, %dma_wait3A_761] : memref<65536x128xf32, #tpu.memory_space<hbm>> -> memref<128x128xf32, #tpu.memory_space<hbm>>
    %dma_wait3A_763 = arith.constant 0 : i32
    %dma_wait3A_764 = tpu.memref_slice %arg4[%add3A_703, %dma_wait3A_763] : memref<65536x128xf32, #tpu.memory_space<hbm>> -> memref<128x128xf32, #tpu.memory_space<hbm>>
    %dma_wait3A_765 = arith.constant 0 : i32
    %dma_wait3A_766 = arith.constant 0 : i32
    %dma_wait3A_767 = tpu.memref_slice %arg6[%dma_wait3A_756, %dma_wait3A_765, %dma_wait3A_766] : memref<4x128x128xf32, #tpu.memory_space<vmem>> -> memref<1x128x128xf32, #tpu.memory_space<vmem>>
    %dma_wait3A_768 = tpu.memref_squeeze %dma_wait3A_767 : memref<1x128x128xf32, #tpu.memory_space<vmem>> -> memref<128x128xf32, #tpu.memory_space<vmem>>
    tpu.wait_dma2 semaphore(%arg14 : memref<!tpu.dma_semaphore, #tpu.memory_space<semaphore_mem>>) src(%dma_wait3A_768 : memref<128x128xf32, #tpu.memory_space<vmem>>) dst(%dma_wait3A_764 : memref<128x128xf32, #tpu.memory_space<hbm>>)
    return
  }
}

module attributes {stable_mosaic.version = 14 : i64} {
  func.func @_knn_body(%arg0: i32, %arg1: i32, %arg2: memref<1x512x3xf32, #tpu.memory_space<vmem>>, %arg3: memref<1x2048x3xf32, #tpu.memory_space<vmem>>, %arg4: memref<1x512x16xi32, #tpu.memory_space<vmem>>) attributes {dimension_semantics = [#tpu.dimension_semantics<arbitrary>, #tpu.dimension_semantics<arbitrary>], iteration_bounds = array<i64: 2, 4>, scalar_prefetch = 0 : i64, scratch_operands = 0 : i64, tpu.core_type = #tpu.core_type<tc>, window_params = [{transform_indices = @transform_0, window_bounds = array<i64: 1, 512, 3>}, {transform_indices = @transform_1, window_bounds = array<i64: 1, 2048, 3>}, {transform_indices = @transform_2, window_bounds = array<i64: 1, 512, 16>}]} {
    %get3A = arith.constant 0 : index
    %get3A_0 = arith.constant 0 : index
    %get3A_1 = arith.constant 0 : index
    %get3A_2 = vector.load %arg2[%get3A, %get3A_0, %get3A_1] : memref<1x512x3xf32, #tpu.memory_space<vmem>>, vector<1x512x3xf32>
    %get3A_3 = vector.shape_cast %get3A_2 : vector<1x512x3xf32> to vector<512x3xf32>
    %get3A_4 = arith.constant 0 : index
    %get3A_5 = arith.constant 0 : index
    %get3A_6 = arith.constant 0 : index
    %get3A_7 = vector.load %arg3[%get3A_4, %get3A_5, %get3A_6] : memref<1x2048x3xf32, #tpu.memory_space<vmem>>, vector<1x2048x3xf32>
    %get3A_8 = vector.shape_cast %get3A_7 : vector<1x2048x3xf32> to vector<2048x3xf32>
    %mul3A = arith.mulf %get3A_3, %get3A_3 : vector<512x3xf32>
    %reduce_sum3A = arith.constant dense<0.000000e+00> : vector<512xf32>
    %reduce_sum3A_9 = vector.multi_reduction <add>, %mul3A, %reduce_sum3A [1] : vector<512x3xf32> to vector<512xf32>
    %broadcast_in_dim3A = vector.shape_cast %reduce_sum3A_9 : vector<512xf32> to vector<512x1xf32>
    %mul3A_10 = arith.mulf %get3A_8, %get3A_8 : vector<2048x3xf32>
    %reduce_sum3A_11 = arith.constant dense<0.000000e+00> : vector<2048xf32>
    %reduce_sum3A_12 = vector.multi_reduction <add>, %mul3A_10, %reduce_sum3A_11 [1] : vector<2048x3xf32> to vector<2048xf32>
    %broadcast_in_dim3A_13 = vector.shape_cast %reduce_sum3A_12 : vector<2048xf32> to vector<2048x1xf32>
    %dot_general3A = arith.constant dense<0.000000e+00> : vector<512x2048xf32>
    %dot_general3A_14 = tpu.matmul %get3A_3, %get3A_8, %dot_general3A {dimension_numbers = #tpu.dot_dimension_numbers<[1], [1], [0], [0], [0, 0, 1, 0], [], []>, transpose_lhs_hint = false} : vector<512x3xf32>, vector<2048x3xf32>, vector<512x2048xf32> -> vector<512x2048xf32>
    %mul3A_15 = arith.constant 2.000000e+00 : f32
    %mul3A_16 = vector.broadcast %mul3A_15 : f32 to vector<512x2048xf32>
    %mul3A_17 = arith.mulf %mul3A_16, %dot_general3A_14 : vector<512x2048xf32>
    %sub3A = vector.broadcast %broadcast_in_dim3A : vector<512x1xf32> to vector<512x2048xf32>
    %sub3A_18 = arith.subf %sub3A, %mul3A_17 : vector<512x2048xf32>
    %transpose3A = tpu.transpose %broadcast_in_dim3A_13, [1, 0] : vector<2048x1xf32> -> vector<1x2048xf32>
    %add3A = vector.broadcast %transpose3A : vector<1x2048xf32> to vector<512x2048xf32>
    %add3A_19 = arith.addf %sub3A_18, %add3A : vector<512x2048xf32>
    %iota3A = tpu.iota {dimensions = array<i32: 1>} : vector<512x2048xi32>
    %reduce_min3A = arith.constant dense<0x7F800000> : vector<512xf32>
    %reduce_min3A_20 = vector.multi_reduction <minimumf>, %add3A_19, %reduce_min3A [1] : vector<512x2048xf32> to vector<512xf32>
    %broadcast_in_dim3A_21 = vector.shape_cast %reduce_min3A_20 : vector<512xf32> to vector<512x1xf32>
    %eq3A = vector.broadcast %broadcast_in_dim3A_21 : vector<512x1xf32> to vector<512x2048xf32>
    %eq3A_22 = arith.cmpf oeq, %add3A_19, %eq3A : vector<512x2048xf32>
    %jit3A = arith.constant 2048 : i32
    %broadcast_in_dim3A_23 = vector.broadcast %jit3A : i32 to vector<512x2048xi32>
    %select_n3A = arith.select %eq3A_22, %iota3A, %broadcast_in_dim3A_23 : vector<512x2048xi1>, vector<512x2048xi32>
    %reduce_min3A_24 = arith.constant dense<2147483647> : vector<512xi32>
    %reduce_min3A_25 = vector.multi_reduction <minsi>, %select_n3A, %reduce_min3A_24 [1] : vector<512x2048xi32> to vector<512xi32>
    %broadcast_in_dim3A_26 = vector.shape_cast %reduce_min3A_25 : vector<512xi32> to vector<512x1xi32>
    %eq3A_27 = vector.broadcast %broadcast_in_dim3A_26 : vector<512x1xi32> to vector<512x2048xi32>
    %eq3A_28 = arith.cmpi eq, %iota3A, %eq3A_27 : vector<512x2048xi32>
    %jit3A_29 = arith.constant 3.000000e+38 : f32
    %broadcast_in_dim3A_30 = vector.broadcast %jit3A_29 : f32 to vector<512x2048xf32>
    %select_n3A_31 = arith.select %eq3A_28, %broadcast_in_dim3A_30, %add3A_19 : vector<512x2048xi1>, vector<512x2048xf32>
    %reduce_min3A_32 = arith.constant dense<0x7F800000> : vector<512xf32>
    %reduce_min3A_33 = vector.multi_reduction <minimumf>, %select_n3A_31, %reduce_min3A_32 [1] : vector<512x2048xf32> to vector<512xf32>
    %broadcast_in_dim3A_34 = vector.shape_cast %reduce_min3A_33 : vector<512xf32> to vector<512x1xf32>
    %eq3A_35 = vector.broadcast %broadcast_in_dim3A_34 : vector<512x1xf32> to vector<512x2048xf32>
    %eq3A_36 = arith.cmpf oeq, %select_n3A_31, %eq3A_35 : vector<512x2048xf32>
    %jit3A_37 = arith.constant 2048 : i32
    %broadcast_in_dim3A_38 = vector.broadcast %jit3A_37 : i32 to vector<512x2048xi32>
    %select_n3A_39 = arith.select %eq3A_36, %iota3A, %broadcast_in_dim3A_38 : vector<512x2048xi1>, vector<512x2048xi32>
    %reduce_min3A_40 = arith.constant dense<2147483647> : vector<512xi32>
    %reduce_min3A_41 = vector.multi_reduction <minsi>, %select_n3A_39, %reduce_min3A_40 [1] : vector<512x2048xi32> to vector<512xi32>
    %broadcast_in_dim3A_42 = vector.shape_cast %reduce_min3A_41 : vector<512xi32> to vector<512x1xi32>
    %eq3A_43 = vector.broadcast %broadcast_in_dim3A_42 : vector<512x1xi32> to vector<512x2048xi32>
    %eq3A_44 = arith.cmpi eq, %iota3A, %eq3A_43 : vector<512x2048xi32>
    %jit3A_45 = arith.constant 3.000000e+38 : f32
    %broadcast_in_dim3A_46 = vector.broadcast %jit3A_45 : f32 to vector<512x2048xf32>
    %select_n3A_47 = arith.select %eq3A_44, %broadcast_in_dim3A_46, %select_n3A_31 : vector<512x2048xi1>, vector<512x2048xf32>
    %reduce_min3A_48 = arith.constant dense<0x7F800000> : vector<512xf32>
    %reduce_min3A_49 = vector.multi_reduction <minimumf>, %select_n3A_47, %reduce_min3A_48 [1] : vector<512x2048xf32> to vector<512xf32>
    %broadcast_in_dim3A_50 = vector.shape_cast %reduce_min3A_49 : vector<512xf32> to vector<512x1xf32>
    %eq3A_51 = vector.broadcast %broadcast_in_dim3A_50 : vector<512x1xf32> to vector<512x2048xf32>
    %eq3A_52 = arith.cmpf oeq, %select_n3A_47, %eq3A_51 : vector<512x2048xf32>
    %jit3A_53 = arith.constant 2048 : i32
    %broadcast_in_dim3A_54 = vector.broadcast %jit3A_53 : i32 to vector<512x2048xi32>
    %select_n3A_55 = arith.select %eq3A_52, %iota3A, %broadcast_in_dim3A_54 : vector<512x2048xi1>, vector<512x2048xi32>
    %reduce_min3A_56 = arith.constant dense<2147483647> : vector<512xi32>
    %reduce_min3A_57 = vector.multi_reduction <minsi>, %select_n3A_55, %reduce_min3A_56 [1] : vector<512x2048xi32> to vector<512xi32>
    %broadcast_in_dim3A_58 = vector.shape_cast %reduce_min3A_57 : vector<512xi32> to vector<512x1xi32>
    %eq3A_59 = vector.broadcast %broadcast_in_dim3A_58 : vector<512x1xi32> to vector<512x2048xi32>
    %eq3A_60 = arith.cmpi eq, %iota3A, %eq3A_59 : vector<512x2048xi32>
    %jit3A_61 = arith.constant 3.000000e+38 : f32
    %broadcast_in_dim3A_62 = vector.broadcast %jit3A_61 : f32 to vector<512x2048xf32>
    %select_n3A_63 = arith.select %eq3A_60, %broadcast_in_dim3A_62, %select_n3A_47 : vector<512x2048xi1>, vector<512x2048xf32>
    %reduce_min3A_64 = arith.constant dense<0x7F800000> : vector<512xf32>
    %reduce_min3A_65 = vector.multi_reduction <minimumf>, %select_n3A_63, %reduce_min3A_64 [1] : vector<512x2048xf32> to vector<512xf32>
    %broadcast_in_dim3A_66 = vector.shape_cast %reduce_min3A_65 : vector<512xf32> to vector<512x1xf32>
    %eq3A_67 = vector.broadcast %broadcast_in_dim3A_66 : vector<512x1xf32> to vector<512x2048xf32>
    %eq3A_68 = arith.cmpf oeq, %select_n3A_63, %eq3A_67 : vector<512x2048xf32>
    %jit3A_69 = arith.constant 2048 : i32
    %broadcast_in_dim3A_70 = vector.broadcast %jit3A_69 : i32 to vector<512x2048xi32>
    %select_n3A_71 = arith.select %eq3A_68, %iota3A, %broadcast_in_dim3A_70 : vector<512x2048xi1>, vector<512x2048xi32>
    %reduce_min3A_72 = arith.constant dense<2147483647> : vector<512xi32>
    %reduce_min3A_73 = vector.multi_reduction <minsi>, %select_n3A_71, %reduce_min3A_72 [1] : vector<512x2048xi32> to vector<512xi32>
    %broadcast_in_dim3A_74 = vector.shape_cast %reduce_min3A_73 : vector<512xi32> to vector<512x1xi32>
    %eq3A_75 = vector.broadcast %broadcast_in_dim3A_74 : vector<512x1xi32> to vector<512x2048xi32>
    %eq3A_76 = arith.cmpi eq, %iota3A, %eq3A_75 : vector<512x2048xi32>
    %jit3A_77 = arith.constant 3.000000e+38 : f32
    %broadcast_in_dim3A_78 = vector.broadcast %jit3A_77 : f32 to vector<512x2048xf32>
    %select_n3A_79 = arith.select %eq3A_76, %broadcast_in_dim3A_78, %select_n3A_63 : vector<512x2048xi1>, vector<512x2048xf32>
    %reduce_min3A_80 = arith.constant dense<0x7F800000> : vector<512xf32>
    %reduce_min3A_81 = vector.multi_reduction <minimumf>, %select_n3A_79, %reduce_min3A_80 [1] : vector<512x2048xf32> to vector<512xf32>
    %broadcast_in_dim3A_82 = vector.shape_cast %reduce_min3A_81 : vector<512xf32> to vector<512x1xf32>
    %eq3A_83 = vector.broadcast %broadcast_in_dim3A_82 : vector<512x1xf32> to vector<512x2048xf32>
    %eq3A_84 = arith.cmpf oeq, %select_n3A_79, %eq3A_83 : vector<512x2048xf32>
    %jit3A_85 = arith.constant 2048 : i32
    %broadcast_in_dim3A_86 = vector.broadcast %jit3A_85 : i32 to vector<512x2048xi32>
    %select_n3A_87 = arith.select %eq3A_84, %iota3A, %broadcast_in_dim3A_86 : vector<512x2048xi1>, vector<512x2048xi32>
    %reduce_min3A_88 = arith.constant dense<2147483647> : vector<512xi32>
    %reduce_min3A_89 = vector.multi_reduction <minsi>, %select_n3A_87, %reduce_min3A_88 [1] : vector<512x2048xi32> to vector<512xi32>
    %broadcast_in_dim3A_90 = vector.shape_cast %reduce_min3A_89 : vector<512xi32> to vector<512x1xi32>
    %eq3A_91 = vector.broadcast %broadcast_in_dim3A_90 : vector<512x1xi32> to vector<512x2048xi32>
    %eq3A_92 = arith.cmpi eq, %iota3A, %eq3A_91 : vector<512x2048xi32>
    %jit3A_93 = arith.constant 3.000000e+38 : f32
    %broadcast_in_dim3A_94 = vector.broadcast %jit3A_93 : f32 to vector<512x2048xf32>
    %select_n3A_95 = arith.select %eq3A_92, %broadcast_in_dim3A_94, %select_n3A_79 : vector<512x2048xi1>, vector<512x2048xf32>
    %reduce_min3A_96 = arith.constant dense<0x7F800000> : vector<512xf32>
    %reduce_min3A_97 = vector.multi_reduction <minimumf>, %select_n3A_95, %reduce_min3A_96 [1] : vector<512x2048xf32> to vector<512xf32>
    %broadcast_in_dim3A_98 = vector.shape_cast %reduce_min3A_97 : vector<512xf32> to vector<512x1xf32>
    %eq3A_99 = vector.broadcast %broadcast_in_dim3A_98 : vector<512x1xf32> to vector<512x2048xf32>
    %eq3A_100 = arith.cmpf oeq, %select_n3A_95, %eq3A_99 : vector<512x2048xf32>
    %jit3A_101 = arith.constant 2048 : i32
    %broadcast_in_dim3A_102 = vector.broadcast %jit3A_101 : i32 to vector<512x2048xi32>
    %select_n3A_103 = arith.select %eq3A_100, %iota3A, %broadcast_in_dim3A_102 : vector<512x2048xi1>, vector<512x2048xi32>
    %reduce_min3A_104 = arith.constant dense<2147483647> : vector<512xi32>
    %reduce_min3A_105 = vector.multi_reduction <minsi>, %select_n3A_103, %reduce_min3A_104 [1] : vector<512x2048xi32> to vector<512xi32>
    %broadcast_in_dim3A_106 = vector.shape_cast %reduce_min3A_105 : vector<512xi32> to vector<512x1xi32>
    %eq3A_107 = vector.broadcast %broadcast_in_dim3A_106 : vector<512x1xi32> to vector<512x2048xi32>
    %eq3A_108 = arith.cmpi eq, %iota3A, %eq3A_107 : vector<512x2048xi32>
    %jit3A_109 = arith.constant 3.000000e+38 : f32
    %broadcast_in_dim3A_110 = vector.broadcast %jit3A_109 : f32 to vector<512x2048xf32>
    %select_n3A_111 = arith.select %eq3A_108, %broadcast_in_dim3A_110, %select_n3A_95 : vector<512x2048xi1>, vector<512x2048xf32>
    %reduce_min3A_112 = arith.constant dense<0x7F800000> : vector<512xf32>
    %reduce_min3A_113 = vector.multi_reduction <minimumf>, %select_n3A_111, %reduce_min3A_112 [1] : vector<512x2048xf32> to vector<512xf32>
    %broadcast_in_dim3A_114 = vector.shape_cast %reduce_min3A_113 : vector<512xf32> to vector<512x1xf32>
    %eq3A_115 = vector.broadcast %broadcast_in_dim3A_114 : vector<512x1xf32> to vector<512x2048xf32>
    %eq3A_116 = arith.cmpf oeq, %select_n3A_111, %eq3A_115 : vector<512x2048xf32>
    %jit3A_117 = arith.constant 2048 : i32
    %broadcast_in_dim3A_118 = vector.broadcast %jit3A_117 : i32 to vector<512x2048xi32>
    %select_n3A_119 = arith.select %eq3A_116, %iota3A, %broadcast_in_dim3A_118 : vector<512x2048xi1>, vector<512x2048xi32>
    %reduce_min3A_120 = arith.constant dense<2147483647> : vector<512xi32>
    %reduce_min3A_121 = vector.multi_reduction <minsi>, %select_n3A_119, %reduce_min3A_120 [1] : vector<512x2048xi32> to vector<512xi32>
    %broadcast_in_dim3A_122 = vector.shape_cast %reduce_min3A_121 : vector<512xi32> to vector<512x1xi32>
    %eq3A_123 = vector.broadcast %broadcast_in_dim3A_122 : vector<512x1xi32> to vector<512x2048xi32>
    %eq3A_124 = arith.cmpi eq, %iota3A, %eq3A_123 : vector<512x2048xi32>
    %jit3A_125 = arith.constant 3.000000e+38 : f32
    %broadcast_in_dim3A_126 = vector.broadcast %jit3A_125 : f32 to vector<512x2048xf32>
    %select_n3A_127 = arith.select %eq3A_124, %broadcast_in_dim3A_126, %select_n3A_111 : vector<512x2048xi1>, vector<512x2048xf32>
    %reduce_min3A_128 = arith.constant dense<0x7F800000> : vector<512xf32>
    %reduce_min3A_129 = vector.multi_reduction <minimumf>, %select_n3A_127, %reduce_min3A_128 [1] : vector<512x2048xf32> to vector<512xf32>
    %broadcast_in_dim3A_130 = vector.shape_cast %reduce_min3A_129 : vector<512xf32> to vector<512x1xf32>
    %eq3A_131 = vector.broadcast %broadcast_in_dim3A_130 : vector<512x1xf32> to vector<512x2048xf32>
    %eq3A_132 = arith.cmpf oeq, %select_n3A_127, %eq3A_131 : vector<512x2048xf32>
    %jit3A_133 = arith.constant 2048 : i32
    %broadcast_in_dim3A_134 = vector.broadcast %jit3A_133 : i32 to vector<512x2048xi32>
    %select_n3A_135 = arith.select %eq3A_132, %iota3A, %broadcast_in_dim3A_134 : vector<512x2048xi1>, vector<512x2048xi32>
    %reduce_min3A_136 = arith.constant dense<2147483647> : vector<512xi32>
    %reduce_min3A_137 = vector.multi_reduction <minsi>, %select_n3A_135, %reduce_min3A_136 [1] : vector<512x2048xi32> to vector<512xi32>
    %broadcast_in_dim3A_138 = vector.shape_cast %reduce_min3A_137 : vector<512xi32> to vector<512x1xi32>
    %eq3A_139 = vector.broadcast %broadcast_in_dim3A_138 : vector<512x1xi32> to vector<512x2048xi32>
    %eq3A_140 = arith.cmpi eq, %iota3A, %eq3A_139 : vector<512x2048xi32>
    %jit3A_141 = arith.constant 3.000000e+38 : f32
    %broadcast_in_dim3A_142 = vector.broadcast %jit3A_141 : f32 to vector<512x2048xf32>
    %select_n3A_143 = arith.select %eq3A_140, %broadcast_in_dim3A_142, %select_n3A_127 : vector<512x2048xi1>, vector<512x2048xf32>
    %reduce_min3A_144 = arith.constant dense<0x7F800000> : vector<512xf32>
    %reduce_min3A_145 = vector.multi_reduction <minimumf>, %select_n3A_143, %reduce_min3A_144 [1] : vector<512x2048xf32> to vector<512xf32>
    %broadcast_in_dim3A_146 = vector.shape_cast %reduce_min3A_145 : vector<512xf32> to vector<512x1xf32>
    %eq3A_147 = vector.broadcast %broadcast_in_dim3A_146 : vector<512x1xf32> to vector<512x2048xf32>
    %eq3A_148 = arith.cmpf oeq, %select_n3A_143, %eq3A_147 : vector<512x2048xf32>
    %jit3A_149 = arith.constant 2048 : i32
    %broadcast_in_dim3A_150 = vector.broadcast %jit3A_149 : i32 to vector<512x2048xi32>
    %select_n3A_151 = arith.select %eq3A_148, %iota3A, %broadcast_in_dim3A_150 : vector<512x2048xi1>, vector<512x2048xi32>
    %reduce_min3A_152 = arith.constant dense<2147483647> : vector<512xi32>
    %reduce_min3A_153 = vector.multi_reduction <minsi>, %select_n3A_151, %reduce_min3A_152 [1] : vector<512x2048xi32> to vector<512xi32>
    %broadcast_in_dim3A_154 = vector.shape_cast %reduce_min3A_153 : vector<512xi32> to vector<512x1xi32>
    %eq3A_155 = vector.broadcast %broadcast_in_dim3A_154 : vector<512x1xi32> to vector<512x2048xi32>
    %eq3A_156 = arith.cmpi eq, %iota3A, %eq3A_155 : vector<512x2048xi32>
    %jit3A_157 = arith.constant 3.000000e+38 : f32
    %broadcast_in_dim3A_158 = vector.broadcast %jit3A_157 : f32 to vector<512x2048xf32>
    %select_n3A_159 = arith.select %eq3A_156, %broadcast_in_dim3A_158, %select_n3A_143 : vector<512x2048xi1>, vector<512x2048xf32>
    %reduce_min3A_160 = arith.constant dense<0x7F800000> : vector<512xf32>
    %reduce_min3A_161 = vector.multi_reduction <minimumf>, %select_n3A_159, %reduce_min3A_160 [1] : vector<512x2048xf32> to vector<512xf32>
    %broadcast_in_dim3A_162 = vector.shape_cast %reduce_min3A_161 : vector<512xf32> to vector<512x1xf32>
    %eq3A_163 = vector.broadcast %broadcast_in_dim3A_162 : vector<512x1xf32> to vector<512x2048xf32>
    %eq3A_164 = arith.cmpf oeq, %select_n3A_159, %eq3A_163 : vector<512x2048xf32>
    %jit3A_165 = arith.constant 2048 : i32
    %broadcast_in_dim3A_166 = vector.broadcast %jit3A_165 : i32 to vector<512x2048xi32>
    %select_n3A_167 = arith.select %eq3A_164, %iota3A, %broadcast_in_dim3A_166 : vector<512x2048xi1>, vector<512x2048xi32>
    %reduce_min3A_168 = arith.constant dense<2147483647> : vector<512xi32>
    %reduce_min3A_169 = vector.multi_reduction <minsi>, %select_n3A_167, %reduce_min3A_168 [1] : vector<512x2048xi32> to vector<512xi32>
    %broadcast_in_dim3A_170 = vector.shape_cast %reduce_min3A_169 : vector<512xi32> to vector<512x1xi32>
    %eq3A_171 = vector.broadcast %broadcast_in_dim3A_170 : vector<512x1xi32> to vector<512x2048xi32>
    %eq3A_172 = arith.cmpi eq, %iota3A, %eq3A_171 : vector<512x2048xi32>
    %jit3A_173 = arith.constant 3.000000e+38 : f32
    %broadcast_in_dim3A_174 = vector.broadcast %jit3A_173 : f32 to vector<512x2048xf32>
    %select_n3A_175 = arith.select %eq3A_172, %broadcast_in_dim3A_174, %select_n3A_159 : vector<512x2048xi1>, vector<512x2048xf32>
    %reduce_min3A_176 = arith.constant dense<0x7F800000> : vector<512xf32>
    %reduce_min3A_177 = vector.multi_reduction <minimumf>, %select_n3A_175, %reduce_min3A_176 [1] : vector<512x2048xf32> to vector<512xf32>
    %broadcast_in_dim3A_178 = vector.shape_cast %reduce_min3A_177 : vector<512xf32> to vector<512x1xf32>
    %eq3A_179 = vector.broadcast %broadcast_in_dim3A_178 : vector<512x1xf32> to vector<512x2048xf32>
    %eq3A_180 = arith.cmpf oeq, %select_n3A_175, %eq3A_179 : vector<512x2048xf32>
    %jit3A_181 = arith.constant 2048 : i32
    %broadcast_in_dim3A_182 = vector.broadcast %jit3A_181 : i32 to vector<512x2048xi32>
    %select_n3A_183 = arith.select %eq3A_180, %iota3A, %broadcast_in_dim3A_182 : vector<512x2048xi1>, vector<512x2048xi32>
    %reduce_min3A_184 = arith.constant dense<2147483647> : vector<512xi32>
    %reduce_min3A_185 = vector.multi_reduction <minsi>, %select_n3A_183, %reduce_min3A_184 [1] : vector<512x2048xi32> to vector<512xi32>
    %broadcast_in_dim3A_186 = vector.shape_cast %reduce_min3A_185 : vector<512xi32> to vector<512x1xi32>
    %eq3A_187 = vector.broadcast %broadcast_in_dim3A_186 : vector<512x1xi32> to vector<512x2048xi32>
    %eq3A_188 = arith.cmpi eq, %iota3A, %eq3A_187 : vector<512x2048xi32>
    %jit3A_189 = arith.constant 3.000000e+38 : f32
    %broadcast_in_dim3A_190 = vector.broadcast %jit3A_189 : f32 to vector<512x2048xf32>
    %select_n3A_191 = arith.select %eq3A_188, %broadcast_in_dim3A_190, %select_n3A_175 : vector<512x2048xi1>, vector<512x2048xf32>
    %reduce_min3A_192 = arith.constant dense<0x7F800000> : vector<512xf32>
    %reduce_min3A_193 = vector.multi_reduction <minimumf>, %select_n3A_191, %reduce_min3A_192 [1] : vector<512x2048xf32> to vector<512xf32>
    %broadcast_in_dim3A_194 = vector.shape_cast %reduce_min3A_193 : vector<512xf32> to vector<512x1xf32>
    %eq3A_195 = vector.broadcast %broadcast_in_dim3A_194 : vector<512x1xf32> to vector<512x2048xf32>
    %eq3A_196 = arith.cmpf oeq, %select_n3A_191, %eq3A_195 : vector<512x2048xf32>
    %jit3A_197 = arith.constant 2048 : i32
    %broadcast_in_dim3A_198 = vector.broadcast %jit3A_197 : i32 to vector<512x2048xi32>
    %select_n3A_199 = arith.select %eq3A_196, %iota3A, %broadcast_in_dim3A_198 : vector<512x2048xi1>, vector<512x2048xi32>
    %reduce_min3A_200 = arith.constant dense<2147483647> : vector<512xi32>
    %reduce_min3A_201 = vector.multi_reduction <minsi>, %select_n3A_199, %reduce_min3A_200 [1] : vector<512x2048xi32> to vector<512xi32>
    %broadcast_in_dim3A_202 = vector.shape_cast %reduce_min3A_201 : vector<512xi32> to vector<512x1xi32>
    %eq3A_203 = vector.broadcast %broadcast_in_dim3A_202 : vector<512x1xi32> to vector<512x2048xi32>
    %eq3A_204 = arith.cmpi eq, %iota3A, %eq3A_203 : vector<512x2048xi32>
    %jit3A_205 = arith.constant 3.000000e+38 : f32
    %broadcast_in_dim3A_206 = vector.broadcast %jit3A_205 : f32 to vector<512x2048xf32>
    %select_n3A_207 = arith.select %eq3A_204, %broadcast_in_dim3A_206, %select_n3A_191 : vector<512x2048xi1>, vector<512x2048xf32>
    %reduce_min3A_208 = arith.constant dense<0x7F800000> : vector<512xf32>
    %reduce_min3A_209 = vector.multi_reduction <minimumf>, %select_n3A_207, %reduce_min3A_208 [1] : vector<512x2048xf32> to vector<512xf32>
    %broadcast_in_dim3A_210 = vector.shape_cast %reduce_min3A_209 : vector<512xf32> to vector<512x1xf32>
    %eq3A_211 = vector.broadcast %broadcast_in_dim3A_210 : vector<512x1xf32> to vector<512x2048xf32>
    %eq3A_212 = arith.cmpf oeq, %select_n3A_207, %eq3A_211 : vector<512x2048xf32>
    %jit3A_213 = arith.constant 2048 : i32
    %broadcast_in_dim3A_214 = vector.broadcast %jit3A_213 : i32 to vector<512x2048xi32>
    %select_n3A_215 = arith.select %eq3A_212, %iota3A, %broadcast_in_dim3A_214 : vector<512x2048xi1>, vector<512x2048xi32>
    %reduce_min3A_216 = arith.constant dense<2147483647> : vector<512xi32>
    %reduce_min3A_217 = vector.multi_reduction <minsi>, %select_n3A_215, %reduce_min3A_216 [1] : vector<512x2048xi32> to vector<512xi32>
    %broadcast_in_dim3A_218 = vector.shape_cast %reduce_min3A_217 : vector<512xi32> to vector<512x1xi32>
    %eq3A_219 = vector.broadcast %broadcast_in_dim3A_218 : vector<512x1xi32> to vector<512x2048xi32>
    %eq3A_220 = arith.cmpi eq, %iota3A, %eq3A_219 : vector<512x2048xi32>
    %jit3A_221 = arith.constant 3.000000e+38 : f32
    %broadcast_in_dim3A_222 = vector.broadcast %jit3A_221 : f32 to vector<512x2048xf32>
    %select_n3A_223 = arith.select %eq3A_220, %broadcast_in_dim3A_222, %select_n3A_207 : vector<512x2048xi1>, vector<512x2048xf32>
    %reduce_min3A_224 = arith.constant dense<0x7F800000> : vector<512xf32>
    %reduce_min3A_225 = vector.multi_reduction <minimumf>, %select_n3A_223, %reduce_min3A_224 [1] : vector<512x2048xf32> to vector<512xf32>
    %broadcast_in_dim3A_226 = vector.shape_cast %reduce_min3A_225 : vector<512xf32> to vector<512x1xf32>
    %eq3A_227 = vector.broadcast %broadcast_in_dim3A_226 : vector<512x1xf32> to vector<512x2048xf32>
    %eq3A_228 = arith.cmpf oeq, %select_n3A_223, %eq3A_227 : vector<512x2048xf32>
    %jit3A_229 = arith.constant 2048 : i32
    %broadcast_in_dim3A_230 = vector.broadcast %jit3A_229 : i32 to vector<512x2048xi32>
    %select_n3A_231 = arith.select %eq3A_228, %iota3A, %broadcast_in_dim3A_230 : vector<512x2048xi1>, vector<512x2048xi32>
    %reduce_min3A_232 = arith.constant dense<2147483647> : vector<512xi32>
    %reduce_min3A_233 = vector.multi_reduction <minsi>, %select_n3A_231, %reduce_min3A_232 [1] : vector<512x2048xi32> to vector<512xi32>
    %broadcast_in_dim3A_234 = vector.shape_cast %reduce_min3A_233 : vector<512xi32> to vector<512x1xi32>
    %eq3A_235 = vector.broadcast %broadcast_in_dim3A_234 : vector<512x1xi32> to vector<512x2048xi32>
    %eq3A_236 = arith.cmpi eq, %iota3A, %eq3A_235 : vector<512x2048xi32>
    %jit3A_237 = arith.constant 3.000000e+38 : f32
    %broadcast_in_dim3A_238 = vector.broadcast %jit3A_237 : f32 to vector<512x2048xf32>
    %select_n3A_239 = arith.select %eq3A_236, %broadcast_in_dim3A_238, %select_n3A_223 : vector<512x2048xi1>, vector<512x2048xf32>
    %reduce_min3A_240 = arith.constant dense<0x7F800000> : vector<512xf32>
    %reduce_min3A_241 = vector.multi_reduction <minimumf>, %select_n3A_239, %reduce_min3A_240 [1] : vector<512x2048xf32> to vector<512xf32>
    %broadcast_in_dim3A_242 = vector.shape_cast %reduce_min3A_241 : vector<512xf32> to vector<512x1xf32>
    %eq3A_243 = vector.broadcast %broadcast_in_dim3A_242 : vector<512x1xf32> to vector<512x2048xf32>
    %eq3A_244 = arith.cmpf oeq, %select_n3A_239, %eq3A_243 : vector<512x2048xf32>
    %jit3A_245 = arith.constant 2048 : i32
    %broadcast_in_dim3A_246 = vector.broadcast %jit3A_245 : i32 to vector<512x2048xi32>
    %select_n3A_247 = arith.select %eq3A_244, %iota3A, %broadcast_in_dim3A_246 : vector<512x2048xi1>, vector<512x2048xi32>
    %reduce_min3A_248 = arith.constant dense<2147483647> : vector<512xi32>
    %reduce_min3A_249 = vector.multi_reduction <minsi>, %select_n3A_247, %reduce_min3A_248 [1] : vector<512x2048xi32> to vector<512xi32>
    %broadcast_in_dim3A_250 = vector.shape_cast %reduce_min3A_249 : vector<512xi32> to vector<512x1xi32>
    %eq3A_251 = vector.broadcast %broadcast_in_dim3A_250 : vector<512x1xi32> to vector<512x2048xi32>
    %eq3A_252 = arith.cmpi eq, %iota3A, %eq3A_251 : vector<512x2048xi32>
    %jit3A_253 = arith.constant 3.000000e+38 : f32
    %broadcast_in_dim3A_254 = vector.broadcast %jit3A_253 : f32 to vector<512x2048xf32>
    %select_n3A_255 = arith.select %eq3A_252, %broadcast_in_dim3A_254, %select_n3A_239 : vector<512x2048xi1>, vector<512x2048xf32>
    %reduce_min3A_256 = arith.constant dense<0x7F800000> : vector<512xf32>
    %reduce_min3A_257 = vector.multi_reduction <minimumf>, %select_n3A_255, %reduce_min3A_256 [1] : vector<512x2048xf32> to vector<512xf32>
    %broadcast_in_dim3A_258 = vector.shape_cast %reduce_min3A_257 : vector<512xf32> to vector<512x1xf32>
    %eq3A_259 = vector.broadcast %broadcast_in_dim3A_258 : vector<512x1xf32> to vector<512x2048xf32>
    %eq3A_260 = arith.cmpf oeq, %select_n3A_255, %eq3A_259 : vector<512x2048xf32>
    %jit3A_261 = arith.constant 2048 : i32
    %broadcast_in_dim3A_262 = vector.broadcast %jit3A_261 : i32 to vector<512x2048xi32>
    %select_n3A_263 = arith.select %eq3A_260, %iota3A, %broadcast_in_dim3A_262 : vector<512x2048xi1>, vector<512x2048xi32>
    %reduce_min3A_264 = arith.constant dense<2147483647> : vector<512xi32>
    %reduce_min3A_265 = vector.multi_reduction <minsi>, %select_n3A_263, %reduce_min3A_264 [1] : vector<512x2048xi32> to vector<512xi32>
    %broadcast_in_dim3A_266 = vector.shape_cast %reduce_min3A_265 : vector<512xi32> to vector<512x1xi32>
    %concatenate3A = tpu.concatenate %broadcast_in_dim3A_26, %broadcast_in_dim3A_42, %broadcast_in_dim3A_58, %broadcast_in_dim3A_74, %broadcast_in_dim3A_90, %broadcast_in_dim3A_106, %broadcast_in_dim3A_122, %broadcast_in_dim3A_138, %broadcast_in_dim3A_154, %broadcast_in_dim3A_170, %broadcast_in_dim3A_186, %broadcast_in_dim3A_202, %broadcast_in_dim3A_218, %broadcast_in_dim3A_234, %broadcast_in_dim3A_250, %broadcast_in_dim3A_266 in 1 : vector<512x1xi32>, vector<512x1xi32>, vector<512x1xi32>, vector<512x1xi32>, vector<512x1xi32>, vector<512x1xi32>, vector<512x1xi32>, vector<512x1xi32>, vector<512x1xi32>, vector<512x1xi32>, vector<512x1xi32>, vector<512x1xi32>, vector<512x1xi32>, vector<512x1xi32>, vector<512x1xi32>, vector<512x1xi32> -> vector<512x16xi32>
    %mul3A_267 = arith.constant 2048 : i32
    %mul3A_268 = arith.muli %arg0, %mul3A_267 : i32
    %add3A_269 = vector.broadcast %mul3A_268 : i32 to vector<512x16xi32>
    %add3A_270 = arith.addi %concatenate3A, %add3A_269 : vector<512x16xi32>
    %swap3A = arith.constant 0 : index
    %swap3A_271 = arith.constant 0 : index
    %swap3A_272 = arith.constant 0 : index
    %swap3A_273 = vector.load %arg4[%swap3A, %swap3A_271, %swap3A_272] : memref<1x512x16xi32, #tpu.memory_space<vmem>>, vector<1x512x16xi32>
    %swap3A_274 = vector.shape_cast %swap3A_273 : vector<1x512x16xi32> to vector<512x16xi32>
    %swap3A_275 = vector.shape_cast %add3A_270 : vector<512x16xi32> to vector<1x512x16xi32>
    tpu.vector_store %arg4[%swap3A, %swap3A_271, %swap3A_272], %swap3A_275 {strides = array<i32>} : memref<1x512x16xi32, #tpu.memory_space<vmem>>, vector<1x512x16xi32>,
    return
  }
  func.func @transform_0(%arg0: i32, %arg1: i32) -> (i32, i32, i32) {
    %c0_i32 = arith.constant 0 : i32
    %c0_i32_0 = arith.constant 0 : i32
    return %arg0, %arg1, %c0_i32 : i32, i32, i32
  }
  func.func @transform_1(%arg0: i32, %arg1: i32) -> (i32, i32, i32) {
    %c0_i32 = arith.constant 0 : i32
    %c0_i32_0 = arith.constant 0 : i32
    %c0_i32_1 = arith.constant 0 : i32
    return %arg0, %c0_i32, %c0_i32_0 : i32, i32, i32
  }
  func.func @transform_2(%arg0: i32, %arg1: i32) -> (i32, i32, i32) {
    %c0_i32 = arith.constant 0 : i32
    %c0_i32_0 = arith.constant 0 : i32
    return %arg0, %arg1, %c0_i32 : i32, i32, i32
  }
}

module attributes {stable_mosaic.version = 14 : i64} {
  func.func @_head_body(%arg0: i32, %arg1: i32, %arg2: memref<1x512x6xf32, #tpu.memory_space<vmem>>, %arg3: memref<1x512x16x128xf32, #tpu.memory_space<vmem>>, %arg4: memref<24x32xf32, #tpu.memory_space<vmem>>, %arg5: memref<1x32xf32, #tpu.memory_space<vmem>>, %arg6: memref<32x64xf32, #tpu.memory_space<vmem>>, %arg7: memref<1x64xf32, #tpu.memory_space<vmem>>, %arg8: memref<70x32xf32, #tpu.memory_space<vmem>>, %arg9: memref<1x32xf32, #tpu.memory_space<vmem>>, %arg10: memref<32x64xf32, #tpu.memory_space<vmem>>, %arg11: memref<1x64xf32, #tpu.memory_space<vmem>>, %arg12: memref<1x512x16x64xf32, #tpu.memory_space<vmem>>, %arg13: memref<1x512x64xf32, #tpu.memory_space<vmem>>) attributes {dimension_semantics = [#tpu.dimension_semantics<arbitrary>, #tpu.dimension_semantics<arbitrary>], iteration_bounds = array<i64: 2, 4>, scalar_prefetch = 0 : i64, scratch_operands = 0 : i64, tpu.core_type = #tpu.core_type<tc>, window_params = [{transform_indices = @transform_0, window_bounds = array<i64: 1, 512, 6>}, {transform_indices = @transform_1, window_bounds = array<i64: 1, 512, 16, 128>}, {pipeline_mode = #tpu.pipeline_mode<synchronous>, transform_indices = @transform_2, window_bounds = array<i64: 24, 32>}, {pipeline_mode = #tpu.pipeline_mode<synchronous>, transform_indices = @transform_3, window_bounds = array<i64: 1, 32>}, {pipeline_mode = #tpu.pipeline_mode<synchronous>, transform_indices = @transform_4, window_bounds = array<i64: 32, 64>}, {pipeline_mode = #tpu.pipeline_mode<synchronous>, transform_indices = @transform_5, window_bounds = array<i64: 1, 64>}, {pipeline_mode = #tpu.pipeline_mode<synchronous>, transform_indices = @transform_6, window_bounds = array<i64: 70, 32>}, {pipeline_mode = #tpu.pipeline_mode<synchronous>, transform_indices = @transform_7, window_bounds = array<i64: 1, 32>}, {pipeline_mode = #tpu.pipeline_mode<synchronous>, transform_indices = @transform_8, window_bounds = array<i64: 32, 64>}, {pipeline_mode = #tpu.pipeline_mode<synchronous>, transform_indices = @transform_9, window_bounds = array<i64: 1, 64>}, {transform_indices = @transform_10, window_bounds = array<i64: 1, 512, 16, 64>}, {transform_indices = @transform_11, window_bounds = array<i64: 1, 512, 64>}]} {
    %get3A = arith.constant 0 : index
    %get3A_0 = arith.constant 0 : index
    %get3A_1 = arith.constant 0 : index
    %get3A_2 = vector.load %arg2[%get3A, %get3A_0, %get3A_1] : memref<1x512x6xf32, #tpu.memory_space<vmem>>, vector<1x512x6xf32>
    %get3A_3 = vector.shape_cast %get3A_2 : vector<1x512x6xf32> to vector<512x6xf32>
    %get3A_4 = arith.constant 0 : index
    %get3A_5 = arith.constant 0 : index
    %get3A_6 = arith.constant 0 : index
    %get3A_7 = arith.constant 0 : index
    %get3A_8 = vector.load %arg3[%get3A_4, %get3A_5, %get3A_6, %get3A_7] : memref<1x512x16x128xf32, #tpu.memory_space<vmem>>, vector<1x512x16x128xf32>
    %get3A_9 = vector.shape_cast %get3A_8 : vector<1x512x16x128xf32> to vector<512x16x128xf32>
    %slice3A = vector.extract_strided_slice %get3A_9 {offsets = [0, 0, 0], sizes = [512, 16, 6], strides = [1, 1, 1]} : vector<512x16x128xf32> to vector<512x16x6xf32>
    %broadcast_in_dim3A = vector.shape_cast %get3A_3 : vector<512x6xf32> to vector<512x1x6xf32>
    %broadcast_in_dim3A_10 = vector.shape_cast %broadcast_in_dim3A : vector<512x1x6xf32> to vector<512x1x6xf32>
    %broadcast_in_dim3A_11 = vector.broadcast %broadcast_in_dim3A_10 : vector<512x1x6xf32> to vector<512x16x6xf32>
    %sub3A = arith.subf %broadcast_in_dim3A_11, %slice3A : vector<512x16x6xf32>
    %concatenate3A = tpu.concatenate %broadcast_in_dim3A_11, %sub3A, %broadcast_in_dim3A_11, %slice3A in 2 : vector<512x16x6xf32>, vector<512x16x6xf32>, vector<512x16x6xf32>, vector<512x16x6xf32> -> vector<512x16x24xf32>
    %reshape3A = vector.shape_cast %concatenate3A : vector<512x16x24xf32> to vector<8192x24xf32>
    %get3A_12 = arith.constant 0 : index
    %get3A_13 = arith.constant 0 : index
    %get3A_14 = vector.load %arg4[%get3A_12, %get3A_13] : memref<24x32xf32, #tpu.memory_space<vmem>>, vector<24x32xf32>
    %dot_general3A = arith.constant dense<0.000000e+00> : vector<8192x32xf32>
    %dot_general3A_15 = tpu.matmul %reshape3A, %get3A_14, %dot_general3A {dimension_numbers = #tpu.dot_dimension_numbers<[1], [0], [0], [1], [0, 0, 1, 1], [], []>, transpose_lhs_hint = false} : vector<8192x24xf32>, vector<24x32xf32>, vector<8192x32xf32> -> vector<8192x32xf32>
    %get3A_16 = arith.constant 0 : index
    %get3A_17 = arith.constant 0 : index
    %get3A_18 = vector.load %arg5[%get3A_16, %get3A_17] : memref<1x32xf32, #tpu.memory_space<vmem>>, vector<1x32xf32>
    %add3A = vector.broadcast %get3A_18 : vector<1x32xf32> to vector<8192x32xf32>
    %add3A_19 = arith.addf %dot_general3A_15, %add3A : vector<8192x32xf32>
    %max3A = arith.constant 0.000000e+00 : f32
    %max3A_20 = vector.broadcast %max3A : f32 to vector<8192x32xf32>
    %max3A_21 = arith.maximumf %add3A_19, %max3A_20 : vector<8192x32xf32>
    %get3A_22 = arith.constant 0 : index
    %get3A_23 = arith.constant 0 : index
    %get3A_24 = vector.load %arg6[%get3A_22, %get3A_23] : memref<32x64xf32, #tpu.memory_space<vmem>>, vector<32x64xf32>
    %dot_general3A_25 = arith.constant dense<0.000000e+00> : vector<8192x64xf32>
    %dot_general3A_26 = tpu.matmul %max3A_21, %get3A_24, %dot_general3A_25 {dimension_numbers = #tpu.dot_dimension_numbers<[1], [0], [0], [1], [0, 0, 1, 1], [], []>, transpose_lhs_hint = false} : vector<8192x32xf32>, vector<32x64xf32>, vector<8192x64xf32> -> vector<8192x64xf32>
    %get3A_27 = arith.constant 0 : index
    %get3A_28 = arith.constant 0 : index
    %get3A_29 = vector.load %arg7[%get3A_27, %get3A_28] : memref<1x64xf32, #tpu.memory_space<vmem>>, vector<1x64xf32>
    %add3A_30 = vector.broadcast %get3A_29 : vector<1x64xf32> to vector<8192x64xf32>
    %add3A_31 = arith.addf %dot_general3A_26, %add3A_30 : vector<8192x64xf32>
    %max3A_32 = arith.constant 0.000000e+00 : f32
    %max3A_33 = vector.broadcast %max3A_32 : f32 to vector<8192x64xf32>
    %max3A_34 = arith.maximumf %add3A_31, %max3A_33 : vector<8192x64xf32>
    %reshape3A_35 = vector.shape_cast %max3A_34 : vector<8192x64xf32> to vector<512x16x64xf32>
    %swap3A = arith.constant 0 : index
    %swap3A_36 = arith.constant 0 : index
    %swap3A_37 = arith.constant 0 : index
    %swap3A_38 = arith.constant 0 : index
    %swap3A_39 = vector.load %arg12[%swap3A, %swap3A_36, %swap3A_37, %swap3A_38] : memref<1x512x16x64xf32, #tpu.memory_space<vmem>>, vector<1x512x16x64xf32>
    %swap3A_40 = vector.shape_cast %swap3A_39 : vector<1x512x16x64xf32> to vector<512x16x64xf32>
    %swap3A_41 = vector.shape_cast %reshape3A_35 : vector<512x16x64xf32> to vector<1x512x16x64xf32>
    tpu.vector_store %arg12[%swap3A, %swap3A_36, %swap3A_37, %swap3A_38], %swap3A_41 {strides = array<i32>} : memref<1x512x16x64xf32, #tpu.memory_space<vmem>>, vector<1x512x16x64xf32>,
    %reshape3A_42 = vector.shape_cast %max3A_34 : vector<8192x64xf32> to vector<512x16x64xf32>
    %reduce_sum3A = arith.constant dense<0.000000e+00> : vector<512x64xf32>
    %reduce_sum3A_43 = vector.multi_reduction <add>, %reshape3A_42, %reduce_sum3A [1] : vector<512x16x64xf32> to vector<512x64xf32>
    %concatenate3A_44 = tpu.concatenate %get3A_3, %reduce_sum3A_43 in 1 : vector<512x6xf32>, vector<512x64xf32> -> vector<512x70xf32>
    %get3A_45 = arith.constant 0 : index
    %get3A_46 = arith.constant 0 : index
    %get3A_47 = vector.load %arg8[%get3A_45, %get3A_46] : memref<70x32xf32, #tpu.memory_space<vmem>>, vector<70x32xf32>
    %dot_general3A_48 = arith.constant dense<0.000000e+00> : vector<512x32xf32>
    %dot_general3A_49 = tpu.matmul %concatenate3A_44, %get3A_47, %dot_general3A_48 {dimension_numbers = #tpu.dot_dimension_numbers<[1], [0], [0], [1], [0, 0, 1, 1], [], []>, transpose_lhs_hint = false} : vector<512x70xf32>, vector<70x32xf32>, vector<512x32xf32> -> vector<512x32xf32>
    %get3A_50 = arith.constant 0 : index
    %get3A_51 = arith.constant 0 : index
    %get3A_52 = vector.load %arg9[%get3A_50, %get3A_51] : memref<1x32xf32, #tpu.memory_space<vmem>>, vector<1x32xf32>
    %add3A_53 = vector.broadcast %get3A_52 : vector<1x32xf32> to vector<512x32xf32>
    %add3A_54 = arith.addf %dot_general3A_49, %add3A_53 : vector<512x32xf32>
    %max3A_55 = arith.constant 0.000000e+00 : f32
    %max3A_56 = vector.broadcast %max3A_55 : f32 to vector<512x32xf32>
    %max3A_57 = arith.maximumf %add3A_54, %max3A_56 : vector<512x32xf32>
    %get3A_58 = arith.constant 0 : index
    %get3A_59 = arith.constant 0 : index
    %get3A_60 = vector.load %arg10[%get3A_58, %get3A_59] : memref<32x64xf32, #tpu.memory_space<vmem>>, vector<32x64xf32>
    %dot_general3A_61 = arith.constant dense<0.000000e+00> : vector<512x64xf32>
    %dot_general3A_62 = tpu.matmul %max3A_57, %get3A_60, %dot_general3A_61 {dimension_numbers = #tpu.dot_dimension_numbers<[1], [0], [0], [1], [0, 0, 1, 1], [], []>, transpose_lhs_hint = false} : vector<512x32xf32>, vector<32x64xf32>, vector<512x64xf32> -> vector<512x64xf32>
    %get3A_63 = arith.constant 0 : index
    %get3A_64 = arith.constant 0 : index
    %get3A_65 = vector.load %arg11[%get3A_63, %get3A_64] : memref<1x64xf32, #tpu.memory_space<vmem>>, vector<1x64xf32>
    %add3A_66 = vector.broadcast %get3A_65 : vector<1x64xf32> to vector<512x64xf32>
    %add3A_67 = arith.addf %dot_general3A_62, %add3A_66 : vector<512x64xf32>
    %max3A_68 = arith.constant 0.000000e+00 : f32
    %max3A_69 = vector.broadcast %max3A_68 : f32 to vector<512x64xf32>
    %max3A_70 = arith.maximumf %add3A_67, %max3A_69 : vector<512x64xf32>
    %swap3A_71 = arith.constant 0 : index
    %swap3A_72 = arith.constant 0 : index
    %swap3A_73 = arith.constant 0 : index
    %swap3A_74 = vector.load %arg13[%swap3A_71, %swap3A_72, %swap3A_73] : memref<1x512x64xf32, #tpu.memory_space<vmem>>, vector<1x512x64xf32>
    %swap3A_75 = vector.shape_cast %swap3A_74 : vector<1x512x64xf32> to vector<512x64xf32>
    %swap3A_76 = vector.shape_cast %max3A_70 : vector<512x64xf32> to vector<1x512x64xf32>
    tpu.vector_store %arg13[%swap3A_71, %swap3A_72, %swap3A_73], %swap3A_76 {strides = array<i32>} : memref<1x512x64xf32, #tpu.memory_space<vmem>>, vector<1x512x64xf32>,
    return
  }
  func.func @transform_0(%arg0: i32, %arg1: i32) -> (i32, i32, i32) {
    %c0_i32 = arith.constant 0 : i32
    %c0_i32_0 = arith.constant 0 : i32
    return %arg0, %arg1, %c0_i32 : i32, i32, i32
  }
  func.func @transform_1(%arg0: i32, %arg1: i32) -> (i32, i32, i32, i32) {
    %c0_i32 = arith.constant 0 : i32
    %c0_i32_0 = arith.constant 0 : i32
    %c0_i32_1 = arith.constant 0 : i32
    return %arg0, %arg1, %c0_i32, %c0_i32_0 : i32, i32, i32, i32
  }
  func.func @transform_2(%arg0: i32, %arg1: i32) -> (i32, i32) {
    %c0_i32 = arith.constant 0 : i32
    %c0_i32_0 = arith.constant 0 : i32
    %c0_i32_1 = arith.constant 0 : i32
    return %c0_i32, %c0_i32_0 : i32, i32
  }
  func.func @transform_3(%arg0: i32, %arg1: i32) -> (i32, i32) {
    %c0_i32 = arith.constant 0 : i32
    %c0_i32_0 = arith.constant 0 : i32
    %c0_i32_1 = arith.constant 0 : i32
    return %c0_i32, %c0_i32_0 : i32, i32
  }
  func.func @transform_4(%arg0: i32, %arg1: i32) -> (i32, i32) {
    %c0_i32 = arith.constant 0 : i32
    %c0_i32_0 = arith.constant 0 : i32
    %c0_i32_1 = arith.constant 0 : i32
    return %c0_i32, %c0_i32_0 : i32, i32
  }
  func.func @transform_5(%arg0: i32, %arg1: i32) -> (i32, i32) {
    %c0_i32 = arith.constant 0 : i32
    %c0_i32_0 = arith.constant 0 : i32
    %c0_i32_1 = arith.constant 0 : i32
    return %c0_i32, %c0_i32_0 : i32, i32
  }
  func.func @transform_6(%arg0: i32, %arg1: i32) -> (i32, i32) {
    %c0_i32 = arith.constant 0 : i32
    %c0_i32_0 = arith.constant 0 : i32
    %c0_i32_1 = arith.constant 0 : i32
    return %c0_i32, %c0_i32_0 : i32, i32
  }
  func.func @transform_7(%arg0: i32, %arg1: i32) -> (i32, i32) {
    %c0_i32 = arith.constant 0 : i32
    %c0_i32_0 = arith.constant 0 : i32
    %c0_i32_1 = arith.constant 0 : i32
    return %c0_i32, %c0_i32_0 : i32, i32
  }
  func.func @transform_8(%arg0: i32, %arg1: i32) -> (i32, i32) {
    %c0_i32 = arith.constant 0 : i32
    %c0_i32_0 = arith.constant 0 : i32
    %c0_i32_1 = arith.constant 0 : i32
    return %c0_i32, %c0_i32_0 : i32, i32
  }
  func.func @transform_9(%arg0: i32, %arg1: i32) -> (i32, i32) {
    %c0_i32 = arith.constant 0 : i32
    %c0_i32_0 = arith.constant 0 : i32
    %c0_i32_1 = arith.constant 0 : i32
    return %c0_i32, %c0_i32_0 : i32, i32
  }
  func.func @transform_10(%arg0: i32, %arg1: i32) -> (i32, i32, i32, i32) {
    %c0_i32 = arith.constant 0 : i32
    %c0_i32_0 = arith.constant 0 : i32
    %c0_i32_1 = arith.constant 0 : i32
    return %arg0, %arg1, %c0_i32, %c0_i32_0 : i32, i32, i32, i32
  }
  func.func @transform_11(%arg0: i32, %arg1: i32) -> (i32, i32, i32) {
    %c0_i32 = arith.constant 0 : i32
    %c0_i32_0 = arith.constant 0 : i32
    return %arg0, %arg1, %c0_i32 : i32, i32, i32
  }
}

module attributes {stable_mosaic.version = 14 : i64} {
  func.func @_block_body(%arg0: i32, %arg1: i32, %arg2: memref<1x512x64xf32, #tpu.memory_space<vmem>>, %arg3: memref<1x512x16x64xf32, #tpu.memory_space<vmem>>, %arg4: memref<1x512x16x128xf32, #tpu.memory_space<vmem>>, %arg5: memref<192x48xf32, #tpu.memory_space<vmem>>, %arg6: memref<1x48xf32, #tpu.memory_space<vmem>>, %arg7: memref<48x128xf32, #tpu.memory_space<vmem>>, %arg8: memref<1x128xf32, #tpu.memory_space<vmem>>, %arg9: memref<192x48xf32, #tpu.memory_space<vmem>>, %arg10: memref<1x48xf32, #tpu.memory_space<vmem>>, %arg11: memref<48x128xf32, #tpu.memory_space<vmem>>, %arg12: memref<1x128xf32, #tpu.memory_space<vmem>>, %arg13: memref<1x512x16x128xf32, #tpu.memory_space<vmem>>, %arg14: memref<1x512x128xf32, #tpu.memory_space<vmem>>) attributes {dimension_semantics = [#tpu.dimension_semantics<arbitrary>, #tpu.dimension_semantics<arbitrary>], iteration_bounds = array<i64: 2, 4>, scalar_prefetch = 0 : i64, scratch_operands = 0 : i64, tpu.core_type = #tpu.core_type<tc>, window_params = [{transform_indices = @transform_0, window_bounds = array<i64: 1, 512, 64>}, {transform_indices = @transform_1, window_bounds = array<i64: 1, 512, 16, 64>}, {transform_indices = @transform_2, window_bounds = array<i64: 1, 512, 16, 128>}, {pipeline_mode = #tpu.pipeline_mode<synchronous>, transform_indices = @transform_3, window_bounds = array<i64: 192, 48>}, {pipeline_mode = #tpu.pipeline_mode<synchronous>, transform_indices = @transform_4, window_bounds = array<i64: 1, 48>}, {pipeline_mode = #tpu.pipeline_mode<synchronous>, transform_indices = @transform_5, window_bounds = array<i64: 48, 128>}, {pipeline_mode = #tpu.pipeline_mode<synchronous>, transform_indices = @transform_6, window_bounds = array<i64: 1, 128>}, {pipeline_mode = #tpu.pipeline_mode<synchronous>, transform_indices = @transform_7, window_bounds = array<i64: 192, 48>}, {pipeline_mode = #tpu.pipeline_mode<synchronous>, transform_indices = @transform_8, window_bounds = array<i64: 1, 48>}, {pipeline_mode = #tpu.pipeline_mode<synchronous>, transform_indices = @transform_9, window_bounds = array<i64: 48, 128>}, {pipeline_mode = #tpu.pipeline_mode<synchronous>, transform_indices = @transform_10, window_bounds = array<i64: 1, 128>}, {transform_indices = @transform_11, window_bounds = array<i64: 1, 512, 16, 128>}, {transform_indices = @transform_12, window_bounds = array<i64: 1, 512, 128>}]} {
    %get3A = arith.constant 0 : index
    %get3A_0 = arith.constant 0 : index
    %get3A_1 = arith.constant 0 : index
    %get3A_2 = vector.load %arg2[%get3A, %get3A_0, %get3A_1] : memref<1x512x64xf32, #tpu.memory_space<vmem>>, vector<1x512x64xf32>
    %get3A_3 = vector.shape_cast %get3A_2 : vector<1x512x64xf32> to vector<512x64xf32>
    %get3A_4 = arith.constant 0 : index
    %get3A_5 = arith.constant 0 : index
    %get3A_6 = arith.constant 0 : index
    %get3A_7 = arith.constant 0 : index
    %get3A_8 = vector.load %arg4[%get3A_4, %get3A_5, %get3A_6, %get3A_7] : memref<1x512x16x128xf32, #tpu.memory_space<vmem>>, vector<1x512x16x128xf32>
    %get3A_9 = vector.shape_cast %get3A_8 : vector<1x512x16x128xf32> to vector<512x16x128xf32>
    %slice3A = vector.extract_strided_slice %get3A_9 {offsets = [0, 0, 0], sizes = [512, 16, 64], strides = [1, 1, 1]} : vector<512x16x128xf32> to vector<512x16x64xf32>
    %broadcast_in_dim3A = vector.shape_cast %get3A_3 : vector<512x64xf32> to vector<512x1x64xf32>
    %broadcast_in_dim3A_10 = vector.shape_cast %broadcast_in_dim3A : vector<512x1x64xf32> to vector<512x1x64xf32>
    %broadcast_in_dim3A_11 = vector.broadcast %broadcast_in_dim3A_10 : vector<512x1x64xf32> to vector<512x16x64xf32>
    %get3A_12 = arith.constant 0 : index
    %get3A_13 = arith.constant 0 : index
    %get3A_14 = arith.constant 0 : index
    %get3A_15 = arith.constant 0 : index
    %get3A_16 = vector.load %arg3[%get3A_12, %get3A_13, %get3A_14, %get3A_15] : memref<1x512x16x64xf32, #tpu.memory_space<vmem>>, vector<1x512x16x64xf32>
    %get3A_17 = vector.shape_cast %get3A_16 : vector<1x512x16x64xf32> to vector<512x16x64xf32>
    %concatenate3A = tpu.concatenate %get3A_17, %broadcast_in_dim3A_11, %slice3A in 2 : vector<512x16x64xf32>, vector<512x16x64xf32>, vector<512x16x64xf32> -> vector<512x16x192xf32>
    %reshape3A = vector.shape_cast %concatenate3A : vector<512x16x192xf32> to vector<8192x192xf32>
    %get3A_18 = arith.constant 0 : index
    %get3A_19 = arith.constant 0 : index
    %get3A_20 = vector.load %arg5[%get3A_18, %get3A_19] : memref<192x48xf32, #tpu.memory_space<vmem>>, vector<192x48xf32>
    %dot_general3A = arith.constant dense<0.000000e+00> : vector<8192x48xf32>
    %dot_general3A_21 = tpu.matmul %reshape3A, %get3A_20, %dot_general3A {dimension_numbers = #tpu.dot_dimension_numbers<[1], [0], [0], [1], [0, 0, 1, 1], [], []>, transpose_lhs_hint = false} : vector<8192x192xf32>, vector<192x48xf32>, vector<8192x48xf32> -> vector<8192x48xf32>
    %get3A_22 = arith.constant 0 : index
    %get3A_23 = arith.constant 0 : index
    %get3A_24 = vector.load %arg6[%get3A_22, %get3A_23] : memref<1x48xf32, #tpu.memory_space<vmem>>, vector<1x48xf32>
    %add3A = vector.broadcast %get3A_24 : vector<1x48xf32> to vector<8192x48xf32>
    %add3A_25 = arith.addf %dot_general3A_21, %add3A : vector<8192x48xf32>
    %max3A = arith.constant 0.000000e+00 : f32
    %max3A_26 = vector.broadcast %max3A : f32 to vector<8192x48xf32>
    %max3A_27 = arith.maximumf %add3A_25, %max3A_26 : vector<8192x48xf32>
    %get3A_28 = arith.constant 0 : index
    %get3A_29 = arith.constant 0 : index
    %get3A_30 = vector.load %arg7[%get3A_28, %get3A_29] : memref<48x128xf32, #tpu.memory_space<vmem>>, vector<48x128xf32>
    %dot_general3A_31 = arith.constant dense<0.000000e+00> : vector<8192x128xf32>
    %dot_general3A_32 = tpu.matmul %max3A_27, %get3A_30, %dot_general3A_31 {dimension_numbers = #tpu.dot_dimension_numbers<[1], [0], [0], [1], [0, 0, 1, 1], [], []>, transpose_lhs_hint = false} : vector<8192x48xf32>, vector<48x128xf32>, vector<8192x128xf32> -> vector<8192x128xf32>
    %get3A_33 = arith.constant 0 : index
    %get3A_34 = arith.constant 0 : index
    %get3A_35 = vector.load %arg8[%get3A_33, %get3A_34] : memref<1x128xf32, #tpu.memory_space<vmem>>, vector<1x128xf32>
    %add3A_36 = vector.broadcast %get3A_35 : vector<1x128xf32> to vector<8192x128xf32>
    %add3A_37 = arith.addf %dot_general3A_32, %add3A_36 : vector<8192x128xf32>
    %max3A_38 = arith.constant 0.000000e+00 : f32
    %max3A_39 = vector.broadcast %max3A_38 : f32 to vector<8192x128xf32>
    %max3A_40 = arith.maximumf %add3A_37, %max3A_39 : vector<8192x128xf32>
    %reshape3A_41 = vector.shape_cast %max3A_40 : vector<8192x128xf32> to vector<512x16x128xf32>
    %reduce_sum3A = arith.constant dense<0.000000e+00> : vector<512x128xf32>
    %reduce_sum3A_42 = vector.multi_reduction <add>, %reshape3A_41, %reduce_sum3A [1] : vector<512x16x128xf32> to vector<512x128xf32>
    %concatenate3A_43 = tpu.concatenate %get3A_3, %reduce_sum3A_42 in 1 : vector<512x64xf32>, vector<512x128xf32> -> vector<512x192xf32>
    %get3A_44 = arith.constant 0 : index
    %get3A_45 = arith.constant 0 : index
    %get3A_46 = vector.load %arg9[%get3A_44, %get3A_45] : memref<192x48xf32, #tpu.memory_space<vmem>>, vector<192x48xf32>
    %dot_general3A_47 = arith.constant dense<0.000000e+00> : vector<512x48xf32>
    %dot_general3A_48 = tpu.matmul %concatenate3A_43, %get3A_46, %dot_general3A_47 {dimension_numbers = #tpu.dot_dimension_numbers<[1], [0], [0], [1], [0, 0, 1, 1], [], []>, transpose_lhs_hint = false} : vector<512x192xf32>, vector<192x48xf32>, vector<512x48xf32> -> vector<512x48xf32>
    %get3A_49 = arith.constant 0 : index
    %get3A_50 = arith.constant 0 : index
    %get3A_51 = vector.load %arg10[%get3A_49, %get3A_50] : memref<1x48xf32, #tpu.memory_space<vmem>>, vector<1x48xf32>
    %add3A_52 = vector.broadcast %get3A_51 : vector<1x48xf32> to vector<512x48xf32>
    %add3A_53 = arith.addf %dot_general3A_48, %add3A_52 : vector<512x48xf32>
    %max3A_54 = arith.constant 0.000000e+00 : f32
    %max3A_55 = vector.broadcast %max3A_54 : f32 to vector<512x48xf32>
    %max3A_56 = arith.maximumf %add3A_53, %max3A_55 : vector<512x48xf32>
    %get3A_57 = arith.constant 0 : index
    %get3A_58 = arith.constant 0 : index
    %get3A_59 = vector.load %arg11[%get3A_57, %get3A_58] : memref<48x128xf32, #tpu.memory_space<vmem>>, vector<48x128xf32>
    %dot_general3A_60 = arith.constant dense<0.000000e+00> : vector<512x128xf32>
    %dot_general3A_61 = tpu.matmul %max3A_56, %get3A_59, %dot_general3A_60 {dimension_numbers = #tpu.dot_dimension_numbers<[1], [0], [0], [1], [0, 0, 1, 1], [], []>, transpose_lhs_hint = false} : vector<512x48xf32>, vector<48x128xf32>, vector<512x128xf32> -> vector<512x128xf32>
    %get3A_62 = arith.constant 0 : index
    %get3A_63 = arith.constant 0 : index
    %get3A_64 = vector.load %arg12[%get3A_62, %get3A_63] : memref<1x128xf32, #tpu.memory_space<vmem>>, vector<1x128xf32>
    %add3A_65 = vector.broadcast %get3A_64 : vector<1x128xf32> to vector<512x128xf32>
    %add3A_66 = arith.addf %dot_general3A_61, %add3A_65 : vector<512x128xf32>
    %max3A_67 = arith.constant 0.000000e+00 : f32
    %max3A_68 = vector.broadcast %max3A_67 : f32 to vector<512x128xf32>
    %max3A_69 = arith.maximumf %add3A_66, %max3A_68 : vector<512x128xf32>
    %reshape3A_70 = vector.shape_cast %max3A_40 : vector<8192x128xf32> to vector<512x16x128xf32>
    %swap3A = arith.constant 0 : index
    %swap3A_71 = arith.constant 0 : index
    %swap3A_72 = arith.constant 0 : index
    %swap3A_73 = arith.constant 0 : index
    %swap3A_74 = vector.load %arg13[%swap3A, %swap3A_71, %swap3A_72, %swap3A_73] : memref<1x512x16x128xf32, #tpu.memory_space<vmem>>, vector<1x512x16x128xf32>
    %swap3A_75 = vector.shape_cast %swap3A_74 : vector<1x512x16x128xf32> to vector<512x16x128xf32>
    %swap3A_76 = vector.shape_cast %reshape3A_70 : vector<512x16x128xf32> to vector<1x512x16x128xf32>
    tpu.vector_store %arg13[%swap3A, %swap3A_71, %swap3A_72, %swap3A_73], %swap3A_76 {strides = array<i32>} : memref<1x512x16x128xf32, #tpu.memory_space<vmem>>, vector<1x512x16x128xf32>,
    %swap3A_77 = arith.constant 0 : index
    %swap3A_78 = arith.constant 0 : index
    %swap3A_79 = arith.constant 0 : index
    %swap3A_80 = vector.load %arg14[%swap3A_77, %swap3A_78, %swap3A_79] : memref<1x512x128xf32, #tpu.memory_space<vmem>>, vector<1x512x128xf32>
    %swap3A_81 = vector.shape_cast %swap3A_80 : vector<1x512x128xf32> to vector<512x128xf32>
    %swap3A_82 = vector.shape_cast %max3A_69 : vector<512x128xf32> to vector<1x512x128xf32>
    tpu.vector_store %arg14[%swap3A_77, %swap3A_78, %swap3A_79], %swap3A_82 {strides = array<i32>} : memref<1x512x128xf32, #tpu.memory_space<vmem>>, vector<1x512x128xf32>,
    return
  }
  func.func @transform_0(%arg0: i32, %arg1: i32) -> (i32, i32, i32) {
    %c0_i32 = arith.constant 0 : i32
    %c0_i32_0 = arith.constant 0 : i32
    return %arg0, %arg1, %c0_i32 : i32, i32, i32
  }
  func.func @transform_1(%arg0: i32, %arg1: i32) -> (i32, i32, i32, i32) {
    %c0_i32 = arith.constant 0 : i32
    %c0_i32_0 = arith.constant 0 : i32
    %c0_i32_1 = arith.constant 0 : i32
    return %arg0, %arg1, %c0_i32, %c0_i32_0 : i32, i32, i32, i32
  }
  func.func @transform_2(%arg0: i32, %arg1: i32) -> (i32, i32, i32, i32) {
    %c0_i32 = arith.constant 0 : i32
    %c0_i32_0 = arith.constant 0 : i32
    %c0_i32_1 = arith.constant 0 : i32
    return %arg0, %arg1, %c0_i32, %c0_i32_0 : i32, i32, i32, i32
  }
  func.func @transform_3(%arg0: i32, %arg1: i32) -> (i32, i32) {
    %c0_i32 = arith.constant 0 : i32
    %c0_i32_0 = arith.constant 0 : i32
    %c0_i32_1 = arith.constant 0 : i32
    return %c0_i32, %c0_i32_0 : i32, i32
  }
  func.func @transform_4(%arg0: i32, %arg1: i32) -> (i32, i32) {
    %c0_i32 = arith.constant 0 : i32
    %c0_i32_0 = arith.constant 0 : i32
    %c0_i32_1 = arith.constant 0 : i32
    return %c0_i32, %c0_i32_0 : i32, i32
  }
  func.func @transform_5(%arg0: i32, %arg1: i32) -> (i32, i32) {
    %c0_i32 = arith.constant 0 : i32
    %c0_i32_0 = arith.constant 0 : i32
    %c0_i32_1 = arith.constant 0 : i32
    return %c0_i32, %c0_i32_0 : i32, i32
  }
  func.func @transform_6(%arg0: i32, %arg1: i32) -> (i32, i32) {
    %c0_i32 = arith.constant 0 : i32
    %c0_i32_0 = arith.constant 0 : i32
    %c0_i32_1 = arith.constant 0 : i32
    return %c0_i32, %c0_i32_0 : i32, i32
  }
  func.func @transform_7(%arg0: i32, %arg1: i32) -> (i32, i32) {
    %c0_i32 = arith.constant 0 : i32
    %c0_i32_0 = arith.constant 0 : i32
    %c0_i32_1 = arith.constant 0 : i32
    return %c0_i32, %c0_i32_0 : i32, i32
  }
  func.func @transform_8(%arg0: i32, %arg1: i32) -> (i32, i32) {
    %c0_i32 = arith.constant 0 : i32
    %c0_i32_0 = arith.constant 0 : i32
    %c0_i32_1 = arith.constant 0 : i32
    return %c0_i32, %c0_i32_0 : i32, i32
  }
  func.func @transform_9(%arg0: i32, %arg1: i32) -> (i32, i32) {
    %c0_i32 = arith.constant 0 : i32
    %c0_i32_0 = arith.constant 0 : i32
    %c0_i32_1 = arith.constant 0 : i32
    return %c0_i32, %c0_i32_0 : i32, i32
  }
  func.func @transform_10(%arg0: i32, %arg1: i32) -> (i32, i32) {
    %c0_i32 = arith.constant 0 : i32
    %c0_i32_0 = arith.constant 0 : i32
    %c0_i32_1 = arith.constant 0 : i32
    return %c0_i32, %c0_i32_0 : i32, i32
  }
  func.func @transform_11(%arg0: i32, %arg1: i32) -> (i32, i32, i32, i32) {
    %c0_i32 = arith.constant 0 : i32
    %c0_i32_0 = arith.constant 0 : i32
    %c0_i32_1 = arith.constant 0 : i32
    return %arg0, %arg1, %c0_i32, %c0_i32_0 : i32, i32, i32, i32
  }
  func.func @transform_12(%arg0: i32, %arg1: i32) -> (i32, i32, i32) {
    %c0_i32 = arith.constant 0 : i32
    %c0_i32_0 = arith.constant 0 : i32
    return %arg0, %arg1, %c0_i32 : i32, i32, i32
  }
}

module attributes {stable_mosaic.version = 14 : i64} {
  func.func @_block_body(%arg0: i32, %arg1: i32, %arg2: memref<1x512x128xf32, #tpu.memory_space<vmem>>, %arg3: memref<1x512x16x128xf32, #tpu.memory_space<vmem>>, %arg4: memref<1x512x16x128xf32, #tpu.memory_space<vmem>>, %arg5: memref<384x96xf32, #tpu.memory_space<vmem>>, %arg6: memref<1x96xf32, #tpu.memory_space<vmem>>, %arg7: memref<96x192xf32, #tpu.memory_space<vmem>>, %arg8: memref<1x192xf32, #tpu.memory_space<vmem>>, %arg9: memref<320x96xf32, #tpu.memory_space<vmem>>, %arg10: memref<1x96xf32, #tpu.memory_space<vmem>>, %arg11: memref<96x192xf32, #tpu.memory_space<vmem>>, %arg12: memref<1x192xf32, #tpu.memory_space<vmem>>, %arg13: memref<1x512x192xf32, #tpu.memory_space<vmem>>) attributes {dimension_semantics = [#tpu.dimension_semantics<arbitrary>, #tpu.dimension_semantics<arbitrary>], iteration_bounds = array<i64: 2, 4>, scalar_prefetch = 0 : i64, scratch_operands = 0 : i64, tpu.core_type = #tpu.core_type<tc>, window_params = [{transform_indices = @transform_0, window_bounds = array<i64: 1, 512, 128>}, {transform_indices = @transform_1, window_bounds = array<i64: 1, 512, 16, 128>}, {transform_indices = @transform_2, window_bounds = array<i64: 1, 512, 16, 128>}, {pipeline_mode = #tpu.pipeline_mode<synchronous>, transform_indices = @transform_3, window_bounds = array<i64: 384, 96>}, {pipeline_mode = #tpu.pipeline_mode<synchronous>, transform_indices = @transform_4, window_bounds = array<i64: 1, 96>}, {pipeline_mode = #tpu.pipeline_mode<synchronous>, transform_indices = @transform_5, window_bounds = array<i64: 96, 192>}, {pipeline_mode = #tpu.pipeline_mode<synchronous>, transform_indices = @transform_6, window_bounds = array<i64: 1, 192>}, {pipeline_mode = #tpu.pipeline_mode<synchronous>, transform_indices = @transform_7, window_bounds = array<i64: 320, 96>}, {pipeline_mode = #tpu.pipeline_mode<synchronous>, transform_indices = @transform_8, window_bounds = array<i64: 1, 96>}, {pipeline_mode = #tpu.pipeline_mode<synchronous>, transform_indices = @transform_9, window_bounds = array<i64: 96, 192>}, {pipeline_mode = #tpu.pipeline_mode<synchronous>, transform_indices = @transform_10, window_bounds = array<i64: 1, 192>}, {transform_indices = @transform_11, window_bounds = array<i64: 1, 512, 192>}]} {
    %get3A = arith.constant 0 : index
    %get3A_0 = arith.constant 0 : index
    %get3A_1 = arith.constant 0 : index
    %get3A_2 = vector.load %arg2[%get3A, %get3A_0, %get3A_1] : memref<1x512x128xf32, #tpu.memory_space<vmem>>, vector<1x512x128xf32>
    %get3A_3 = vector.shape_cast %get3A_2 : vector<1x512x128xf32> to vector<512x128xf32>
    %get3A_4 = arith.constant 0 : index
    %get3A_5 = arith.constant 0 : index
    %get3A_6 = arith.constant 0 : index
    %get3A_7 = arith.constant 0 : index
    %get3A_8 = vector.load %arg4[%get3A_4, %get3A_5, %get3A_6, %get3A_7] : memref<1x512x16x128xf32, #tpu.memory_space<vmem>>, vector<1x512x16x128xf32>
    %get3A_9 = vector.shape_cast %get3A_8 : vector<1x512x16x128xf32> to vector<512x16x128xf32>
    %broadcast_in_dim3A = vector.shape_cast %get3A_3 : vector<512x128xf32> to vector<512x1x128xf32>
    %broadcast_in_dim3A_10 = vector.shape_cast %broadcast_in_dim3A : vector<512x1x128xf32> to vector<512x1x128xf32>
    %broadcast_in_dim3A_11 = vector.broadcast %broadcast_in_dim3A_10 : vector<512x1x128xf32> to vector<512x16x128xf32>
    %get3A_12 = arith.constant 0 : index
    %get3A_13 = arith.constant 0 : index
    %get3A_14 = arith.constant 0 : index
    %get3A_15 = arith.constant 0 : index
    %get3A_16 = vector.load %arg3[%get3A_12, %get3A_13, %get3A_14, %get3A_15] : memref<1x512x16x128xf32, #tpu.memory_space<vmem>>, vector<1x512x16x128xf32>
    %get3A_17 = vector.shape_cast %get3A_16 : vector<1x512x16x128xf32> to vector<512x16x128xf32>
    %concatenate3A = tpu.concatenate %get3A_17, %broadcast_in_dim3A_11, %get3A_9 in 2 : vector<512x16x128xf32>, vector<512x16x128xf32>, vector<512x16x128xf32> -> vector<512x16x384xf32>
    %reshape3A = vector.shape_cast %concatenate3A : vector<512x16x384xf32> to vector<8192x384xf32>
    %get3A_18 = arith.constant 0 : index
    %get3A_19 = arith.constant 0 : index
    %get3A_20 = vector.load %arg5[%get3A_18, %get3A_19] : memref<384x96xf32, #tpu.memory_space<vmem>>, vector<384x96xf32>
    %dot_general3A = arith.constant dense<0.000000e+00> : vector<8192x96xf32>
    %dot_general3A_21 = tpu.matmul %reshape3A, %get3A_20, %dot_general3A {dimension_numbers = #tpu.dot_dimension_numbers<[1], [0], [0], [1], [0, 0, 1, 1], [], []>, transpose_lhs_hint = false} : vector<8192x384xf32>, vector<384x96xf32>, vector<8192x96xf32> -> vector<8192x96xf32>
    %get3A_22 = arith.constant 0 : index
    %get3A_23 = arith.constant 0 : index
    %get3A_24 = vector.load %arg6[%get3A_22, %get3A_23] : memref<1x96xf32, #tpu.memory_space<vmem>>, vector<1x96xf32>
    %add3A = vector.broadcast %get3A_24 : vector<1x96xf32> to vector<8192x96xf32>
    %add3A_25 = arith.addf %dot_general3A_21, %add3A : vector<8192x96xf32>
    %max3A = arith.constant 0.000000e+00 : f32
    %max3A_26 = vector.broadcast %max3A : f32 to vector<8192x96xf32>
    %max3A_27 = arith.maximumf %add3A_25, %max3A_26 : vector<8192x96xf32>
    %get3A_28 = arith.constant 0 : index
    %get3A_29 = arith.constant 0 : index
    %get3A_30 = vector.load %arg7[%get3A_28, %get3A_29] : memref<96x192xf32, #tpu.memory_space<vmem>>, vector<96x192xf32>
    %dot_general3A_31 = arith.constant dense<0.000000e+00> : vector<8192x192xf32>
    %dot_general3A_32 = tpu.matmul %max3A_27, %get3A_30, %dot_general3A_31 {dimension_numbers = #tpu.dot_dimension_numbers<[1], [0], [0], [1], [0, 0, 1, 1], [], []>, transpose_lhs_hint = false} : vector<8192x96xf32>, vector<96x192xf32>, vector<8192x192xf32> -> vector<8192x192xf32>
    %get3A_33 = arith.constant 0 : index
    %get3A_34 = arith.constant 0 : index
    %get3A_35 = vector.load %arg8[%get3A_33, %get3A_34] : memref<1x192xf32, #tpu.memory_space<vmem>>, vector<1x192xf32>
    %add3A_36 = vector.broadcast %get3A_35 : vector<1x192xf32> to vector<8192x192xf32>
    %add3A_37 = arith.addf %dot_general3A_32, %add3A_36 : vector<8192x192xf32>
    %max3A_38 = arith.constant 0.000000e+00 : f32
    %max3A_39 = vector.broadcast %max3A_38 : f32 to vector<8192x192xf32>
    %max3A_40 = arith.maximumf %add3A_37, %max3A_39 : vector<8192x192xf32>
    %reshape3A_41 = vector.shape_cast %max3A_40 : vector<8192x192xf32> to vector<512x16x192xf32>
    %reduce_sum3A = arith.constant dense<0.000000e+00> : vector<512x192xf32>
    %reduce_sum3A_42 = vector.multi_reduction <add>, %reshape3A_41, %reduce_sum3A [1] : vector<512x16x192xf32> to vector<512x192xf32>
    %concatenate3A_43 = tpu.concatenate %get3A_3, %reduce_sum3A_42 in 1 : vector<512x128xf32>, vector<512x192xf32> -> vector<512x320xf32>
    %get3A_44 = arith.constant 0 : index
    %get3A_45 = arith.constant 0 : index
    %get3A_46 = vector.load %arg9[%get3A_44, %get3A_45] : memref<320x96xf32, #tpu.memory_space<vmem>>, vector<320x96xf32>
    %dot_general3A_47 = arith.constant dense<0.000000e+00> : vector<512x96xf32>
    %dot_general3A_48 = tpu.matmul %concatenate3A_43, %get3A_46, %dot_general3A_47 {dimension_numbers = #tpu.dot_dimension_numbers<[1], [0], [0], [1], [0, 0, 1, 1], [], []>, transpose_lhs_hint = false} : vector<512x320xf32>, vector<320x96xf32>, vector<512x96xf32> -> vector<512x96xf32>
    %get3A_49 = arith.constant 0 : index
    %get3A_50 = arith.constant 0 : index
    %get3A_51 = vector.load %arg10[%get3A_49, %get3A_50] : memref<1x96xf32, #tpu.memory_space<vmem>>, vector<1x96xf32>
    %add3A_52 = vector.broadcast %get3A_51 : vector<1x96xf32> to vector<512x96xf32>
    %add3A_53 = arith.addf %dot_general3A_48, %add3A_52 : vector<512x96xf32>
    %max3A_54 = arith.constant 0.000000e+00 : f32
    %max3A_55 = vector.broadcast %max3A_54 : f32 to vector<512x96xf32>
    %max3A_56 = arith.maximumf %add3A_53, %max3A_55 : vector<512x96xf32>
    %get3A_57 = arith.constant 0 : index
    %get3A_58 = arith.constant 0 : index
    %get3A_59 = vector.load %arg11[%get3A_57, %get3A_58] : memref<96x192xf32, #tpu.memory_space<vmem>>, vector<96x192xf32>
    %dot_general3A_60 = arith.constant dense<0.000000e+00> : vector<512x192xf32>
    %dot_general3A_61 = tpu.matmul %max3A_56, %get3A_59, %dot_general3A_60 {dimension_numbers = #tpu.dot_dimension_numbers<[1], [0], [0], [1], [0, 0, 1, 1], [], []>, transpose_lhs_hint = false} : vector<512x96xf32>, vector<96x192xf32>, vector<512x192xf32> -> vector<512x192xf32>
    %get3A_62 = arith.constant 0 : index
    %get3A_63 = arith.constant 0 : index
    %get3A_64 = vector.load %arg12[%get3A_62, %get3A_63] : memref<1x192xf32, #tpu.memory_space<vmem>>, vector<1x192xf32>
    %add3A_65 = vector.broadcast %get3A_64 : vector<1x192xf32> to vector<512x192xf32>
    %add3A_66 = arith.addf %dot_general3A_61, %add3A_65 : vector<512x192xf32>
    %max3A_67 = arith.constant 0.000000e+00 : f32
    %max3A_68 = vector.broadcast %max3A_67 : f32 to vector<512x192xf32>
    %max3A_69 = arith.maximumf %add3A_66, %max3A_68 : vector<512x192xf32>
    %swap3A = arith.constant 0 : index
    %swap3A_70 = arith.constant 0 : index
    %swap3A_71 = arith.constant 0 : index
    %swap3A_72 = vector.load %arg13[%swap3A, %swap3A_70, %swap3A_71] : memref<1x512x192xf32, #tpu.memory_space<vmem>>, vector<1x512x192xf32>
    %swap3A_73 = vector.shape_cast %swap3A_72 : vector<1x512x192xf32> to vector<512x192xf32>
    %swap3A_74 = vector.shape_cast %max3A_69 : vector<512x192xf32> to vector<1x512x192xf32>
    tpu.vector_store %arg13[%swap3A, %swap3A_70, %swap3A_71], %swap3A_74 {strides = array<i32>} : memref<1x512x192xf32, #tpu.memory_space<vmem>>, vector<1x512x192xf32>,
    return
  }
  func.func @transform_0(%arg0: i32, %arg1: i32) -> (i32, i32, i32) {
    %c0_i32 = arith.constant 0 : i32
    %c0_i32_0 = arith.constant 0 : i32
    return %arg0, %arg1, %c0_i32 : i32, i32, i32
  }
  func.func @transform_1(%arg0: i32, %arg1: i32) -> (i32, i32, i32, i32) {
    %c0_i32 = arith.constant 0 : i32
    %c0_i32_0 = arith.constant 0 : i32
    %c0_i32_1 = arith.constant 0 : i32
    return %arg0, %arg1, %c0_i32, %c0_i32_0 : i32, i32, i32, i32
  }
  func.func @transform_2(%arg0: i32, %arg1: i32) -> (i32, i32, i32, i32) {
    %c0_i32 = arith.constant 0 : i32
    %c0_i32_0 = arith.constant 0 : i32
    %c0_i32_1 = arith.constant 0 : i32
    return %arg0, %arg1, %c0_i32, %c0_i32_0 : i32, i32, i32, i32
  }
  func.func @transform_3(%arg0: i32, %arg1: i32) -> (i32, i32) {
    %c0_i32 = arith.constant 0 : i32
    %c0_i32_0 = arith.constant 0 : i32
    %c0_i32_1 = arith.constant 0 : i32
    return %c0_i32, %c0_i32_0 : i32, i32
  }
  func.func @transform_4(%arg0: i32, %arg1: i32) -> (i32, i32) {
    %c0_i32 = arith.constant 0 : i32
    %c0_i32_0 = arith.constant 0 : i32
    %c0_i32_1 = arith.constant 0 : i32
    return %c0_i32, %c0_i32_0 : i32, i32
  }
  func.func @transform_5(%arg0: i32, %arg1: i32) -> (i32, i32) {
    %c0_i32 = arith.constant 0 : i32
    %c0_i32_0 = arith.constant 0 : i32
    %c0_i32_1 = arith.constant 0 : i32
    return %c0_i32, %c0_i32_0 : i32, i32
  }
  func.func @transform_6(%arg0: i32, %arg1: i32) -> (i32, i32) {
    %c0_i32 = arith.constant 0 : i32
    %c0_i32_0 = arith.constant 0 : i32
    %c0_i32_1 = arith.constant 0 : i32
    return %c0_i32, %c0_i32_0 : i32, i32
  }
  func.func @transform_7(%arg0: i32, %arg1: i32) -> (i32, i32) {
    %c0_i32 = arith.constant 0 : i32
    %c0_i32_0 = arith.constant 0 : i32
    %c0_i32_1 = arith.constant 0 : i32
    return %c0_i32, %c0_i32_0 : i32, i32
  }
  func.func @transform_8(%arg0: i32, %arg1: i32) -> (i32, i32) {
    %c0_i32 = arith.constant 0 : i32
    %c0_i32_0 = arith.constant 0 : i32
    %c0_i32_1 = arith.constant 0 : i32
    return %c0_i32, %c0_i32_0 : i32, i32
  }
  func.func @transform_9(%arg0: i32, %arg1: i32) -> (i32, i32) {
    %c0_i32 = arith.constant 0 : i32
    %c0_i32_0 = arith.constant 0 : i32
    %c0_i32_1 = arith.constant 0 : i32
    return %c0_i32, %c0_i32_0 : i32, i32
  }
  func.func @transform_10(%arg0: i32, %arg1: i32) -> (i32, i32) {
    %c0_i32 = arith.constant 0 : i32
    %c0_i32_0 = arith.constant 0 : i32
    %c0_i32_1 = arith.constant 0 : i32
    return %c0_i32, %c0_i32_0 : i32, i32
  }
  func.func @transform_11(%arg0: i32, %arg1: i32) -> (i32, i32, i32) {
    %c0_i32 = arith.constant 0 : i32
    %c0_i32_0 = arith.constant 0 : i32
    return %arg0, %arg1, %c0_i32 : i32, i32, i32
  }
}

module attributes {stable_mosaic.version = 14 : i64} {
  func.func @_fusion_body(%arg0: i32, %arg1: memref<1x2048x64xf32, #tpu.memory_space<vmem>>, %arg2: memref<1x2048x128xf32, #tpu.memory_space<vmem>>, %arg3: memref<1x2048x192xf32, #tpu.memory_space<vmem>>, %arg4: memref<384x512xf32, #tpu.memory_space<vmem>>, %arg5: memref<1x512xf32, #tpu.memory_space<vmem>>, %arg6: memref<512x256xf32, #tpu.memory_space<vmem>>, %arg7: memref<1x256xf32, #tpu.memory_space<vmem>>, %arg8: memref<256x128xf32, #tpu.memory_space<vmem>>, %arg9: memref<1x128xf32, #tpu.memory_space<vmem>>, %arg10: memref<128x40xf32, #tpu.memory_space<vmem>>, %arg11: memref<1x40xf32, #tpu.memory_space<vmem>>, %arg12: memref<1x1x40xf32, #tpu.memory_space<vmem>>) attributes {dimension_semantics = [#tpu.dimension_semantics<arbitrary>], iteration_bounds = array<i64: 2>, scalar_prefetch = 0 : i64, scratch_operands = 0 : i64, tpu.core_type = #tpu.core_type<tc>, window_params = [{transform_indices = @transform_0, window_bounds = array<i64: 1, 2048, 64>}, {transform_indices = @transform_1, window_bounds = array<i64: 1, 2048, 128>}, {transform_indices = @transform_2, window_bounds = array<i64: 1, 2048, 192>}, {pipeline_mode = #tpu.pipeline_mode<synchronous>, transform_indices = @transform_3, window_bounds = array<i64: 384, 512>}, {pipeline_mode = #tpu.pipeline_mode<synchronous>, transform_indices = @transform_4, window_bounds = array<i64: 1, 512>}, {pipeline_mode = #tpu.pipeline_mode<synchronous>, transform_indices = @transform_5, window_bounds = array<i64: 512, 256>}, {pipeline_mode = #tpu.pipeline_mode<synchronous>, transform_indices = @transform_6, window_bounds = array<i64: 1, 256>}, {pipeline_mode = #tpu.pipeline_mode<synchronous>, transform_indices = @transform_7, window_bounds = array<i64: 256, 128>}, {pipeline_mode = #tpu.pipeline_mode<synchronous>, transform_indices = @transform_8, window_bounds = array<i64: 1, 128>}, {pipeline_mode = #tpu.pipeline_mode<synchronous>, transform_indices = @transform_9, window_bounds = array<i64: 128, 40>}, {pipeline_mode = #tpu.pipeline_mode<synchronous>, transform_indices = @transform_10, window_bounds = array<i64: 1, 40>}, {transform_indices = @transform_11, window_bounds = array<i64: 1, 1, 40>}]} {
    %get3A = arith.constant 0 : index
    %get3A_0 = arith.constant 0 : index
    %get3A_1 = arith.constant 0 : index
    %get3A_2 = vector.load %arg1[%get3A, %get3A_0, %get3A_1] : memref<1x2048x64xf32, #tpu.memory_space<vmem>>, vector<1x2048x64xf32>
    %get3A_3 = vector.shape_cast %get3A_2 : vector<1x2048x64xf32> to vector<2048x64xf32>
    %get3A_4 = arith.constant 0 : index
    %get3A_5 = arith.constant 0 : index
    %get3A_6 = arith.constant 0 : index
    %get3A_7 = vector.load %arg2[%get3A_4, %get3A_5, %get3A_6] : memref<1x2048x128xf32, #tpu.memory_space<vmem>>, vector<1x2048x128xf32>
    %get3A_8 = vector.shape_cast %get3A_7 : vector<1x2048x128xf32> to vector<2048x128xf32>
    %get3A_9 = arith.constant 0 : index
    %get3A_10 = arith.constant 0 : index
    %get3A_11 = arith.constant 0 : index
    %get3A_12 = vector.load %arg3[%get3A_9, %get3A_10, %get3A_11] : memref<1x2048x192xf32, #tpu.memory_space<vmem>>, vector<1x2048x192xf32>
    %get3A_13 = vector.shape_cast %get3A_12 : vector<1x2048x192xf32> to vector<2048x192xf32>
    %concatenate3A = tpu.concatenate %get3A_3, %get3A_8, %get3A_13 in 1 : vector<2048x64xf32>, vector<2048x128xf32>, vector<2048x192xf32> -> vector<2048x384xf32>
    %get3A_14 = arith.constant 0 : index
    %get3A_15 = arith.constant 0 : index
    %get3A_16 = vector.load %arg4[%get3A_14, %get3A_15] : memref<384x512xf32, #tpu.memory_space<vmem>>, vector<384x512xf32>
    %dot_general3A = arith.constant dense<0.000000e+00> : vector<2048x512xf32>
    %dot_general3A_17 = tpu.matmul %concatenate3A, %get3A_16, %dot_general3A {dimension_numbers = #tpu.dot_dimension_numbers<[1], [0], [0], [1], [0, 0, 1, 1], [], []>, transpose_lhs_hint = false} : vector<2048x384xf32>, vector<384x512xf32>, vector<2048x512xf32> -> vector<2048x512xf32>
    %get3A_18 = arith.constant 0 : index
    %get3A_19 = arith.constant 0 : index
    %get3A_20 = vector.load %arg5[%get3A_18, %get3A_19] : memref<1x512xf32, #tpu.memory_space<vmem>>, vector<1x512xf32>
    %add3A = vector.broadcast %get3A_20 : vector<1x512xf32> to vector<2048x512xf32>
    %add3A_21 = arith.addf %dot_general3A_17, %add3A : vector<2048x512xf32>
    %max3A = arith.constant 0.000000e+00 : f32
    %max3A_22 = vector.broadcast %max3A : f32 to vector<2048x512xf32>
    %max3A_23 = arith.maximumf %add3A_21, %max3A_22 : vector<2048x512xf32>
    %reduce_max3A = arith.constant dense<0xFF800000> : vector<512xf32>
    %reduce_max3A_24 = vector.multi_reduction <maximumf>, %max3A_23, %reduce_max3A [0] : vector<2048x512xf32> to vector<512xf32>
    %broadcast_in_dim3A = vector.shape_cast %reduce_max3A_24 : vector<512xf32> to vector<1x512xf32>
    %get3A_25 = arith.constant 0 : index
    %get3A_26 = arith.constant 0 : index
    %get3A_27 = vector.load %arg6[%get3A_25, %get3A_26] : memref<512x256xf32, #tpu.memory_space<vmem>>, vector<512x256xf32>
    %dot_general3A_28 = arith.constant dense<0.000000e+00> : vector<1x256xf32>
    %dot_general3A_29 = tpu.matmul %broadcast_in_dim3A, %get3A_27, %dot_general3A_28 {dimension_numbers = #tpu.dot_dimension_numbers<[1], [0], [0], [1], [0, 0, 1, 1], [], []>, transpose_lhs_hint = false} : vector<1x512xf32>, vector<512x256xf32>, vector<1x256xf32> -> vector<1x256xf32>
    %get3A_30 = arith.constant 0 : index
    %get3A_31 = arith.constant 0 : index
    %get3A_32 = vector.load %arg7[%get3A_30, %get3A_31] : memref<1x256xf32, #tpu.memory_space<vmem>>, vector<1x256xf32>
    %add3A_33 = arith.addf %dot_general3A_29, %get3A_32 : vector<1x256xf32>
    %max3A_34 = arith.constant 0.000000e+00 : f32
    %max3A_35 = vector.broadcast %max3A_34 : f32 to vector<1x256xf32>
    %max3A_36 = arith.maximumf %add3A_33, %max3A_35 : vector<1x256xf32>
    %get3A_37 = arith.constant 0 : index
    %get3A_38 = arith.constant 0 : index
    %get3A_39 = vector.load %arg8[%get3A_37, %get3A_38] : memref<256x128xf32, #tpu.memory_space<vmem>>, vector<256x128xf32>
    %dot_general3A_40 = arith.constant dense<0.000000e+00> : vector<1x128xf32>
    %dot_general3A_41 = tpu.matmul %max3A_36, %get3A_39, %dot_general3A_40 {dimension_numbers = #tpu.dot_dimension_numbers<[1], [0], [0], [1], [0, 0, 1, 1], [], []>, transpose_lhs_hint = false} : vector<1x256xf32>, vector<256x128xf32>, vector<1x128xf32> -> vector<1x128xf32>
    %get3A_42 = arith.constant 0 : index
    %get3A_43 = arith.constant 0 : index
    %get3A_44 = vector.load %arg9[%get3A_42, %get3A_43] : memref<1x128xf32, #tpu.memory_space<vmem>>, vector<1x128xf32>
    %add3A_45 = arith.addf %dot_general3A_41, %get3A_44 : vector<1x128xf32>
    %max3A_46 = arith.constant 0.000000e+00 : f32
    %max3A_47 = vector.broadcast %max3A_46 : f32 to vector<1x128xf32>
    %max3A_48 = arith.maximumf %add3A_45, %max3A_47 : vector<1x128xf32>
    %get3A_49 = arith.constant 0 : index
    %get3A_50 = arith.constant 0 : index
    %get3A_51 = vector.load %arg10[%get3A_49, %get3A_50] : memref<128x40xf32, #tpu.memory_space<vmem>>, vector<128x40xf32>
    %dot_general3A_52 = arith.constant dense<0.000000e+00> : vector<1x40xf32>
    %dot_general3A_53 = tpu.matmul %max3A_48, %get3A_51, %dot_general3A_52 {dimension_numbers = #tpu.dot_dimension_numbers<[1], [0], [0], [1], [0, 0, 1, 1], [], []>, transpose_lhs_hint = false} : vector<1x128xf32>, vector<128x40xf32>, vector<1x40xf32> -> vector<1x40xf32>
    %get3A_54 = arith.constant 0 : index
    %get3A_55 = arith.constant 0 : index
    %get3A_56 = vector.load %arg11[%get3A_54, %get3A_55] : memref<1x40xf32, #tpu.memory_space<vmem>>, vector<1x40xf32>
    %add3A_57 = arith.addf %dot_general3A_53, %get3A_56 : vector<1x40xf32>
    %swap3A = arith.constant 0 : index
    %swap3A_58 = arith.constant 0 : index
    %swap3A_59 = arith.constant 0 : index
    %swap3A_60 = vector.load %arg12[%swap3A, %swap3A_58, %swap3A_59] : memref<1x1x40xf32, #tpu.memory_space<vmem>>, vector<1x1x40xf32>
    %swap3A_61 = vector.shape_cast %swap3A_60 : vector<1x1x40xf32> to vector<1x40xf32>
    %swap3A_62 = vector.shape_cast %add3A_57 : vector<1x40xf32> to vector<1x1x40xf32>
    tpu.vector_store %arg12[%swap3A, %swap3A_58, %swap3A_59], %swap3A_62 {strides = array<i32>} : memref<1x1x40xf32, #tpu.memory_space<vmem>>, vector<1x1x40xf32>,
    return
  }
  func.func @transform_0(%arg0: i32) -> (i32, i32, i32) {
    %c0_i32 = arith.constant 0 : i32
    %c0_i32_0 = arith.constant 0 : i32
    %c0_i32_1 = arith.constant 0 : i32
    return %arg0, %c0_i32, %c0_i32_0 : i32, i32, i32
  }
  func.func @transform_1(%arg0: i32) -> (i32, i32, i32) {
    %c0_i32 = arith.constant 0 : i32
    %c0_i32_0 = arith.constant 0 : i32
    %c0_i32_1 = arith.constant 0 : i32
    return %arg0, %c0_i32, %c0_i32_0 : i32, i32, i32
  }
  func.func @transform_2(%arg0: i32) -> (i32, i32, i32) {
    %c0_i32 = arith.constant 0 : i32
    %c0_i32_0 = arith.constant 0 : i32
    %c0_i32_1 = arith.constant 0 : i32
    return %arg0, %c0_i32, %c0_i32_0 : i32, i32, i32
  }
  func.func @transform_3(%arg0: i32) -> (i32, i32) {
    %c0_i32 = arith.constant 0 : i32
    %c0_i32_0 = arith.constant 0 : i32
    %c0_i32_1 = arith.constant 0 : i32
    return %c0_i32, %c0_i32_0 : i32, i32
  }
  func.func @transform_4(%arg0: i32) -> (i32, i32) {
    %c0_i32 = arith.constant 0 : i32
    %c0_i32_0 = arith.constant 0 : i32
    %c0_i32_1 = arith.constant 0 : i32
    return %c0_i32, %c0_i32_0 : i32, i32
  }
  func.func @transform_5(%arg0: i32) -> (i32, i32) {
    %c0_i32 = arith.constant 0 : i32
    %c0_i32_0 = arith.constant 0 : i32
    %c0_i32_1 = arith.constant 0 : i32
    return %c0_i32, %c0_i32_0 : i32, i32
  }
  func.func @transform_6(%arg0: i32) -> (i32, i32) {
    %c0_i32 = arith.constant 0 : i32
    %c0_i32_0 = arith.constant 0 : i32
    %c0_i32_1 = arith.constant 0 : i32
    return %c0_i32, %c0_i32_0 : i32, i32
  }
  func.func @transform_7(%arg0: i32) -> (i32, i32) {
    %c0_i32 = arith.constant 0 : i32
    %c0_i32_0 = arith.constant 0 : i32
    %c0_i32_1 = arith.constant 0 : i32
    return %c0_i32, %c0_i32_0 : i32, i32
  }
  func.func @transform_8(%arg0: i32) -> (i32, i32) {
    %c0_i32 = arith.constant 0 : i32
    %c0_i32_0 = arith.constant 0 : i32
    %c0_i32_1 = arith.constant 0 : i32
    return %c0_i32, %c0_i32_0 : i32, i32
  }
  func.func @transform_9(%arg0: i32) -> (i32, i32) {
    %c0_i32 = arith.constant 0 : i32
    %c0_i32_0 = arith.constant 0 : i32
    %c0_i32_1 = arith.constant 0 : i32
    return %c0_i32, %c0_i32_0 : i32, i32
  }
  func.func @transform_10(%arg0: i32) -> (i32, i32) {
    %c0_i32 = arith.constant 0 : i32
    %c0_i32_0 = arith.constant 0 : i32
    %c0_i32_1 = arith.constant 0 : i32
    return %c0_i32, %c0_i32_0 : i32, i32
  }
  func.func @transform_11(%arg0: i32) -> (i32, i32, i32) {
    %c0_i32 = arith.constant 0 : i32
    %c0_i32_0 = arith.constant 0 : i32
    %c0_i32_1 = arith.constant 0 : i32
    return %arg0, %c0_i32, %c0_i32_0 : i32, i32, i32
  }
}

</mosaic_0001>

<sc_bundles>
// kernel: kernel.10.cloned.1.call-start
scs
__scs_entry_jumppad:
0x0: {  	(pc) =	sbr.rel $0x88, $3  }
0x1: {  	(tag) =	ssettag $0x0;
	lr =	simm.s32 $0x1  }
0x2: {  	[smem:$0x3F80] =	sst lr;
	_ =	strace $0xD0000000  }
0x3: {  	_ = 	snop  }
0x4: {  	_ = 	snop  }
0x5: {  	_ = 	snop  }
0x6: {  	_ = 	snop  }
0x7: {  	_ = 	snop  }
__scs_overlays_trampoline_lowered:
0x8: {  	[smem:$0x3F8F] =	sst s0  }
0x9: {  	[smem:$0x3F90] =	sst s1  }
0xa: {  	[smem:$0x3F91] =	sst s2  }
0xb: {  	[smem:$0x3F92] =	sst s3  }
0xc: {  	[smem:$0x3F93] =	sst s4  }
0xd: {  	[smem:$0x3F94] =	sst s5  }
0xe: {  	[smem:$0x3F95] =	sst s6  }
0xf: {  	[smem:$0x3F96] =	sst s7  }
0x10: {  	[smem:$0x3F97] =	sst s8  }
0x11: {  	[smem:$0x3F98] =	sst s9;
	s0 =	simm.s32 @!p0 $0x0  }
0x12: {  	s1 =	sld [smem:$0x3F7E];
	s0 =	simm.s32 @p0 $0x1  }
0x13: {  	[smem:$0x3F99] =	sst s0;
	s0 =	simm.s32 @!p1 $0x0  }
0x14: {  	s2 =	sld [smem:$0x3F7D];
	s0 =	simm.s32 @p1 $0x1  }
0x15: {  	[smem:$0x3F9A] =	sst s0;
	s0 =	simm.s32 @!p2 $0x0  }
0x16: {  	s3 =	sld [smem:$0x3FDB];
	s0 =	simm.s32 @p2 $0x1  }
0x17: {  	s4 =	simm.s32 $0x1BF5;
	[smem:$0x3F9C] =	sst s0  }
0x18: {  	s0 =	sld [smem:$0x3F7F];
	_ =	swait.ge [sflag:s4], $0x0  }
0x19: {  	s7 =	sld [smem:$0x3F80]  }
0x1a: {  	s8 =	sadd.s32 $0xFFFFE003, lr  }
0x1b: {  	s9 =	sadd.s32 $0xFFFFFEF7, lr;
	s5 =	simm.s32 $0xFFFFFFFF;
	p2 =	slt.u32 s8, $0xFFFFF086  }
0x1c: {  	p1 =	slt.u32 s9, $0xF7A;
	s5 =	simm.s32 @!p2 $0x0  }
0x1d: {  	s5 =	simm.s32 @p1 $0x1;
	p0 =	seq.s32 s7, s2  }
0x1e: {  	s7 =	smul.u32 @!p0 $0xF7A, s2;
	p2 =	seq.s32 @!p0 s5, $0x0  }
0x1f: {  	s9 =	smul.u32 $0xF7A, s1;
	s8 =	simm.s32 @!p0 $0x1BF5;
	p2 =	por !p2, p0  }
0x20: {  	[sflag:s8] =	ssyncset.s32 @!p0 $0xFFFFF086;
	s6 =	sadd.s32 @!p0 s3, s7;
	s7 =	simm.s32 @!p0 $0x108  }
0x21: {  	s3 =	sadd.s32 s3, s9;
	s6 =	sadd.s32 @!p0 $0x88, s6;
	s7 =	simm.s32 @p2 $0x1082  }
0x22: {  	[simem:s7], [sflag:s8] =	dma.local @!p0 [hbm:s6], $0xF7A  }
0x23: {  	s9 =	sor.u32 $0xD0000000, s2;
	s6 =	simm.s32 $0x108;
	_ =	swait.ge @!p0 [sflag:s8], $0x0  }
0x24: {  	s3 =	sadd.s32 $0x88, s3;
	s6 =	simm.s32 @!p1 $0x1082;
	[sflag:s4] =	ssyncset.s32 $0xFFFFF086  }
0x25: {  	[simem:s6], [sflag:s4] =	dma.local [hbm:s3], $0xF7A  }
0x26: {  	[smem:$0x3F80] =	sst s1;
	(tag) =	ssettag s2;
	_ =	strace s9  }
0x27: {  	s1 =	sld [smem:$0x3F90]  }
0x28: {  	s2 =	sld [smem:$0x3F91]  }
0x29: {  	s4 =	sld [smem:$0x3F93]  }
0x2a: {  	p0 =	seq.s32 s5, $0x0;
	s5 =	sld [smem:$0x3F94]  }
0x2b: {  	s6 =	sld [smem:$0x3F95]  }
0x2c: {  	s7 =	sld [smem:$0x3F96]  }
0x2d: {  	s3 =	simm.s32 $0x108;
	s8 =	sld [smem:$0x3F97]  }
0x2e: {  	s3 =	simm.s32 @!p0 $0x1082;
	s9 =	sld [smem:$0x3F98]  }
0x2f: {  	lr =	sadd.s32 s0, s3;
	s0 =	sld [smem:$0x3F8F]  }
0x30: {  	s3 =	sld [smem:$0x3F92]  }
0x31: {  	[smem:$0x3F9B] =	sst s10  }
0x32: {  	s10 =	sld [smem:$0x3F99];
	_ =	sdelay $0x3  }
0x33: {  	p0 =	seq.s32 s10, $0x1;
	s10 =	sld [smem:$0x3F9B];
	_ =	sdelay $0x3  }
0x34: {  	[smem:$0x3F9B] =	sst s10  }
0x35: {  	s10 =	sld [smem:$0x3F9A];
	_ =	sdelay $0x3  }
0x36: {  	p1 =	seq.s32 s10, $0x1;
	s10 =	sld [smem:$0x3F9B];
	_ =	sdelay $0x3  }
0x37: {  	[smem:$0x3F9B] =	sst s10  }
0x38: {  	s10 =	sld [smem:$0x3F9C]  }
0x39: {  	_ = 	snop;
	(pc) =	sbr.ind lr, $3  }
0x3a: {  	_ = 	snop  }
0x3b: {  	_ = 	snop  }
0x3c: {  	p2 =	seq.s32 s10, $0x1;
	s10 =	sld [smem:$0x3F9B]  }
0x3d: {  	_ =	shalt  }
0x3e: {  	_ =	shalt  }
0x3f: {  	_ =	shalt  }
0x40: {  	_ =	shalt  }
0x41: {  	_ =	shalt  }
0x42: {  	_ =	shalt  }
0x43: {  	_ =	shalt  }
0x44: {  	_ =	shalt  }
0x45: {  	_ =	shalt  }
0x46: {  	_ =	shalt  }
0x47: {  	_ =	shalt  }
0x48: {  	_ =	shalt  }
0x49: {  	_ =	shalt  }
0x4a: {  	_ =	shalt  }
0x4b: {  	_ =	shalt  }
0x4c: {  	_ =	shalt  }
0x4d: {  	_ =	shalt  }
0x4e: {  	_ =	shalt  }
0x4f: {  	_ =	shalt  }
0x50: {  	_ =	shalt  }
0x51: {  	_ =	shalt  }
0x52: {  	_ =	shalt  }
0x53: {  	_ =	shalt  }
0x54: {  	_ =	shalt  }
0x55: {  	_ =	shalt  }
0x56: {  	_ =	shalt  }
0x57: {  	_ =	shalt  }
0x58: {  	_ =	shalt  }
0x59: {  	_ =	shalt  }
0x5a: {  	_ =	shalt  }
0x5b: {  	_ =	shalt  }
0x5c: {  	_ =	shalt  }
0x5d: {  	_ =	shalt  }
0x5e: {  	_ =	shalt  }
0x5f: {  	_ =	shalt  }
0x60: {  	_ =	shalt  }
0x61: {  	_ =	shalt  }
0x62: {  	_ =	shalt  }
0x63: {  	_ =	shalt  }
0x64: {  	_ =	shalt  }
0x65: {  	_ =	shalt  }
0x66: {  	_ =	shalt  }
0x67: {  	_ =	shalt  }
0x68: {  	_ =	shalt  }
0x69: {  	_ =	shalt  }
0x6a: {  	_ =	shalt  }
0x6b: {  	_ =	shalt  }
0x6c: {  	_ =	shalt  }
0x6d: {  	_ =	shalt  }
0x6e: {  	_ =	shalt  }
0x6f: {  	_ =	shalt  }
0x70: {  	_ =	shalt  }
0x71: {  	_ =	shalt  }
0x72: {  	_ =	shalt  }
0x73: {  	_ =	shalt  }
0x74: {  	_ =	shalt  }
0x75: {  	_ =	shalt  }
0x76: {  	_ =	shalt  }
0x77: {  	_ =	shalt  }
0x78: {  	_ =	shalt  }
0x79: {  	_ =	shalt  }
0x7a: {  	_ =	shalt  }
0x7b: {  	_ =	shalt  }
0x7c: {  	_ =	shalt  }
0x7d: {  	_ =	shalt  }
0x7e: {  	_ =	shalt  }
0x7f: {  	_ =	shalt  }
0x80: {  	_ =	shalt  }
0x81: {  	_ =	shalt  }
0x82: {  	_ =	shalt  }
0x83: {  	_ =	shalt  }
0x84: {  	_ =	shalt  }
0x85: {  	_ =	shalt  }
0x86: {  	_ =	shalt  }
0x87: {  	_ =	shalt  }
.Lfunc_end0:
.L_simem_size_0:
called_computation_lowered:
.L_overlay_start_0:
0x88: {  	s2 =	sld [smem:$0x3FD9]  }
0x89: {  	s3 =	sld [smem:$0x3FFE];
	_ =	sdelay $0x1  }
0x8a: {  	s1 =	srdreg.scid  }
0x8b: {  	s0 =	sand.u32 $0x1, s1  }
0x8c: {  	s16 =	sshll.u32 s0, $0xA;
	s2 =	sadd.s32 s3, s2  }
0x8d: {  	s2 =	sadd.s32 s2, s16  }
0x8e: {  	[smem:$0x3FA7] =	sst s2  }
0x8f: {  	_ = 	snop  }
0x90: {  	(tm) =	ssettm $0x1  }
0x91: {  	s17 =	sld [smem:$0x3FFB];
	_ =	sdelay $0x3  }
0x92: {  	_ =	strace s17  }
0x93: {  	s2 =	sld [smem:$0x3FFC];
	_ =	sdelay $0x3  }
0x94: {  	_ =	strace s2  }
0x95: {  	s2 =	sld [smem:$0x3FFD];
	_ =	sdelay $0x3  }
0x96: {  	_ =	strace s2  }
0x97: {  	_ =	strace $0x8FFFFFFF  }
0x98: {  	s18 =	sld [smem:$0x3FDB];
	_ =	sdelay $0x1  }
0x99: {  	s19 =	simm.s32 $_scs_section_size  }
0x9a: {  	s4 =	simm.s32 $_size__tile_overlayer_lowered;
	s5 =	simm.s32 $_tile_overlayer_lowered  }
0x9b: {  	s22 =	simm.s32 $0x1BFF;
	s21 =	sshll.u32 s5, $0x1;
	s2 =	sadd.s32 s19, s18  }
0x9c: {  	s6 =	simm.s32 $0x0;
	s20 =	sshll.u32 s4, $0x1;
	s4 =	sadd.s32 s21, s2  }
0x9d: {  	[timem:s6], [sflag:s22] =	dma.local [hbm:s4], s20  }
0x9e: {  	_ =	swait.ge [sflag:s22], s20  }
0x9f: {  	s3 =	ssub.s32 $0x0, s20;
	[sflag:s22] =	ssyncset.done $0x0  }
0xa0: {  	[sflag:s22] =	ssyncadd.s32 s3;
	_ =	sdelay $0x1  }
0xa1: {  	s23 =	simm.s32 $0x1B8B  }
0xa2: {  	_ =	swait.ge [sflag:s23], $0x1  }
0xa3: {  	[sflag:s23] =	ssyncset.done $0x0  }
0xa4: {  	s25 =	simm.s32 $0x1B8E;
	s24 =	sld [smem:$0x3FFE];
	[sflag:s23] =	ssyncadd.s32 $0xFFFFFFFF  }
0xa5: {  	s26 =	simm.s32 $execute0_lowered;
	[smem:$0x3FD2] =	sst s25  }
0xa6: {  	s4 =	sshll.u32 s26, $0x1;
	_ =	strace $0x80000046;
	[dreg:$0x1] =	wrdreg $0xFFFFFFFF  }
0xa7: {  	s28 =	simm.s32 $_size_execute0_lowered;
	s2 =	sadd.s32 s2, s4;
	[dreg:$0x0] =	wrdreg $0x0  }
0xa8: {  	s4 =	sshll.u32 s28, $0x1;
	[dreg:$0x2] =	wrdreg s2  }
0xa9: {  	[dreg:$0x3] =	wrdreg s4  }
0xaa: {  	[dreg:$0x4] =	wrdreg $0xC0  }
0xab: {  	_ =	task [dreg:s6], $0x5FFFF  }
0xac: {  	[dreg:$0x1] =	wrdreg $0xFFFFFFFF  }
0xad: {  	[dreg:$0x0] =	wrdreg $0x60  }
0xae: {  	[dreg:$0x2] =	wrdreg s24  }
0xaf: {  	[dreg:$0x3] =	wrdreg $0x9  }
0xb0: {  	_ =	task.clear_ibuf [dreg:s6], $0x4FFFF;
	_ =	strace $0x90000046  }
0xb1: {  	s29 =	simm.s32 $0x9;
	_ =	strace $0x80000048  }
0xb2: {  	_ =	swait.ge [sflag:s29], $0x1  }
0xb3: {  	[sflag:s29] =	ssyncadd.s32 $0xFFFFFFFF  }
0xb4: {  	_ =	strace $0x90000048  }
0xb5: {  	_ =	sfence  }
0xb6: {  	s30 =	sld [smem:$0x0];
	_ =	sdelay $0x2  }
0xb7: {  	s31 =	sshll.u32 s1, $0xD;
	s1 =	sshrl.u32 s1, $0x2  }
0xb8: {  	s3 =	sand.u32 $0x4000, s31;
	s1 =	sadd.s32 s1, s30  }
0xb9: {  	s0 =	sor.u32 s3, s0;
	s1 =	sshll.u32 s1, $0x11  }
0xba: {  	s0 =	sor.u32 s1, s0  }
0xbb: {  	s0 =	sadd.s32 $0x8F2B, s0  }
0xbc: {  	[sflag:s0] =	ssyncadd.remote.s32 $0x1  }
0xbd: {  	_ =	sfence.sel $0xFFFF  }
0xbe: {  	[dreg:$0x0] =	wrdreg $0xFFFFFFFF;
	(pc) =	sbr.abs _section_cstart, $3  }
0xbf: {  	[dreg:$0x1] =	wrdreg $0xFFFFFFFF  }
0xc0: {  	_ =	task.clear_ibuf [dreg:s6], $0x2FFFF;
	_ =	strace $0x9FFFFFFF  }
0xc1: {  	(tm) =	ssettm $0x7FFFFFFF  }
tec
execute0_lowered:
.L_overlay_start_1:
0x0: {  	(tag) =	ssettag $0x1  }
0x1: {  	s0 =	srdreg.scid  }
0x2: {  	s1 =	stileid.u32;
	s0 =	sand.u32 $0x1, s0  }
0x3: {  	s3 =	rddreg [dreg:$0x0];
	s1 =	sshll.u32 s1, $0xC;
	s2 =	sshll.u32 s0, $0xB  }
0x4: {  	s31 =	simm.s32 $0x9;
	s1 =	sor.u32 s2, s1;
	s2 =	simm.s32 $0x0  }
0x5: {  	s26 =	simm.s32 $0x100;
	s4 =	sshrl.u32 s1, $0x3;
	[smem:$0x7FF] =	sst s2  }
0x6: {  	s1 =	sshll.u32 s1, $0x4;
	s4 =	sadd.s32 s4, s3;
	_ =	strace $0x80000047  }
0x7: {  	s1 =	sadd.s32 s1, s3;
	[dreg:$0x13] =	wrdreg s26;
	s4 =	sadd.s32 $0x5600, s4  }
0x8: {  	s10 =	simm.s32 $0x4800;
	s11 =	sadd.s32 $0x17600, s1;
	[dreg:$0x2] =	wrdreg s4  }
0x9: {  	s8 =	simm.s32 $0x8800;
	s12 =	sadd.s32 $0x17E00, s1;
	[dreg:$0x3] =	wrdreg s11  }
0xa: {  	s30 =	simm.s32 $0x180;
	s13 =	sadd.s32 $0x18600, s1;
	[dreg:$0x4] =	wrdreg s12  }
0xb: {  	s7 =	simm.s32 $0xC800;
	s14 =	sadd.s32 $0x18E00, s1;
	[dreg:$0x5] =	wrdreg s13  }
0xc: {  	s29 =	simm.s32 $0x200;
	s15 =	sadd.s32 $0x19600, s1;
	[dreg:$0x6] =	wrdreg s14  }
0xd: {  	s28 =	simm.s32 $0x280;
	s16 =	sadd.s32 $0x19E00, s1;
	[dreg:$0x7] =	wrdreg s15  }
0xe: {  	s6 =	simm.s32 $0x7;
	s17 =	sadd.s32 $0x1A600, s1;
	[dreg:$0x8] =	wrdreg s16  }
0xf: {  	p0 =	por $0x0, $0x0;
	s18 =	sadd.s32 $0x1AE00, s1;
	[dreg:$0x9] =	wrdreg s17  }
0x10: {  	s9 =	sadd.s32 $0x7600, s3;
	s19 =	sadd.s32 $0x1B600, s1;
	[dreg:$0xa] =	wrdreg s18  }
0x11: {  	s0 =	ssub.s32 $0x2, s0;
	s20 =	sadd.s32 $0x1BE00, s1;
	[dreg:$0xb] =	wrdreg s19  }
0x12: {  	s5 =	sshrl.u32 s0, $0x1;
	s21 =	sadd.s32 $0x1C600, s1;
	[dreg:$0xc] =	wrdreg s20  }
0x13: {  	s0 =	ssub.s32 s0, s5;
	s22 =	sadd.s32 $0x1CE00, s1;
	[dreg:$0xd] =	wrdreg s21  }
0x14: {  	s5 =	simm.s32 $0x6;
	s23 =	sadd.s32 $0x1D600, s1;
	[dreg:$0xe] =	wrdreg s22  }
0x15: {  	s0 =	smax.u32 s0, $0x1;
	s24 =	sadd.s32 $0x1DE00, s1;
	[dreg:$0xf] =	wrdreg s23  }
0x16: {  	s26 =	simm.s32 $0x300;
	s25 =	sadd.s32 $0x1E600, s1;
	[dreg:$0x10] =	wrdreg s24  }
0x17: {  	s3 =	simm.s32 $0x8;
	s1 =	sadd.s32 $0x1EE00, s1;
	[dreg:$0x11] =	wrdreg s25  }
0x18: {  	p1 =	sne.s32 s0, $0x1;
	[dreg:$0x12] =	wrdreg s1;
	s11 =	simm.s32 $0x80  }
0x19: {  	s15 =	simm.s32 $0x800;
	s16 =	simm.s32 $0x1;
	s14 =	simm.s32 $0x2  }
.Ltmp0:
0x1a: {  	s4 =	simm.s32 $0x5;
	s13 =	simm.s32 $0x3;
	(pc) =	sbr.rel @!p1 .LBB2_3-.Ltmp0, $4  }
0x1b: {  	s12 =	simm.s32 $0x4;
	s25 =	simm.s32 $0x380;
	s24 =	simm.s32 $0x400  }
0x1c: {  	s23 =	simm.s32 $0x480;
	s1 =	sadd.s32 $0xFFFFFFFF, s0;
	s22 =	simm.s32 $0x500  }
0x1d: {  	s21 =	simm.s32 $0x580;
	s20 =	simm.s32 $0x600;
	s19 =	simm.s32 $0x680  }
0x1e: {  	s18 =	simm.s32 $0x700;
	s17 =	simm.s32 $0x780;
	s0 =	rddreg [dreg:$0x2]  }
0x1f: {  	[tilespmem:s2], [sflag:$0x9] =	stream.linear.gather [hbm4b:s0+s2], $0x800, $0x38;
	[tilespmem:$0x10800] =	vst v63  }
0x20: {  	_ =	swait.ge [sflag:s31], $0x800  }
0x21: {  	[sflag:s31] =	ssyncset.done $0x0  }
0x22: {  	[sflag:s31] =	ssyncadd.s32 $0xFFFFF800  }
0x23: {  	[tilespmem:s15], [sflag:$0x1] =	stream.indirect.gather [hbm4b:s9+s11], $0x80, s2, s11, $0xb8;
	[tilespmem:$0x10800] =	vst v63  }
0x24: {  	_ = 	snop  }
0x25: {  	[tilespmem:s10], [sflag:$0x2] =	stream.indirect.gather [hbm4b:s9+s11], $0x80, s11, s11, $0xb8;
	[tilespmem:$0x10800] =	vst v63  }
0x26: {  	s0 =	rddreg [dreg:$0x13]  }
0x27: {  	[tilespmem:s8], [sflag:$0x3] =	stream.indirect.gather [hbm4b:s9+s11], $0x80, s0, s11, $0xb8;
	[tilespmem:$0x10800] =	vst v63  }
0x28: {  	_ =	swait.ge [sflag:s16], $0x4000  }
0x29: {  	[sflag:s16] =	ssyncset.done $0x0  }
0x2a: {  	s0 =	rddreg [dreg:$0x3];
	[sflag:s16] =	ssyncadd.s32 $0xFFFFC000  }
0x2b: {  	[hbm4b:s0+s2] =	stream.linear.scatter [tilespmem:s15], [sflag:$0x5], $0x4000, $0x38;
	[tilespmem:$0x10800] =	vst v63  }
0x2c: {  	_ = 	snop  }
0x2d: {  	[tilespmem:s7], [sflag:$0x4] =	stream.indirect.gather [hbm4b:s9+s11], $0x80, s30, s11, $0xb8;
	[tilespmem:$0x10800] =	vst v63  }
0x2e: {  	_ =	swait.ge [sflag:s14], $0x4000  }
0x2f: {  	[sflag:s14] =	ssyncset.done $0x0  }
0x30: {  	s0 =	rddreg [dreg:$0x4];
	[sflag:s14] =	ssyncadd.s32 $0xFFFFC000  }
0x31: {  	[hbm4b:s0+s2] =	stream.linear.scatter [tilespmem:s10], [sflag:$0x6], $0x4000, $0x38;
	[tilespmem:$0x10800] =	vst v63  }
0x32: {  	_ =	swait.ge [sflag:s4], $0x4000  }
0x33: {  	[sflag:s4] =	ssyncset.done $0x0  }
0x34: {  	[sflag:s4] =	ssyncadd.s32 $0xFFFFC000  }
0x35: {  	[tilespmem:s15], [sflag:$0x1] =	stream.indirect.gather [hbm4b:s9+s11], $0x80, s29, s11, $0xb8;
	[tilespmem:$0x10800] =	vst v63  }
0x36: {  	_ =	swait.ge [sflag:s13], $0x4000  }
0x37: {  	[sflag:s13] =	ssyncset.done $0x0  }
0x38: {  	s0 =	rddreg [dreg:$0x5];
	[sflag:s13] =	ssyncadd.s32 $0xFFFFC000  }
0x39: {  	[hbm4b:s0+s2] =	stream.linear.scatter [tilespmem:s8], [sflag:$0x7], $0x4000, $0x38;
	[tilespmem:$0x10800] =	vst v63  }
0x3a: {  	_ =	swait.ge [sflag:s5], $0x4000  }
0x3b: {  	[sflag:s5] =	ssyncset.done $0x0  }
0x3c: {  	[sflag:s5] =	ssyncadd.s32 $0xFFFFC000  }
0x3d: {  	[tilespmem:s10], [sflag:$0x2] =	stream.indirect.gather [hbm4b:s9+s11], $0x80, s28, s11, $0xb8;
	[tilespmem:$0x10800] =	vst v63  }
0x3e: {  	_ =	swait.ge [sflag:s12], $0x4000  }
0x3f: {  	[sflag:s12] =	ssyncset.done $0x0  }
0x40: {  	s0 =	rddreg [dreg:$0x6];
	[sflag:s12] =	ssyncadd.s32 $0xFFFFC000  }
0x41: {  	[hbm4b:s0+s2] =	stream.linear.scatter [tilespmem:s7], [sflag:$0x8], $0x4000, $0x38;
	[tilespmem:$0x10800] =	vst v63  }
0x42: {  	_ =	swait.ge [sflag:s6], $0x4000  }
0x43: {  	[sflag:s6] =	ssyncset.done $0x0  }
0x44: {  	[sflag:s6] =	ssyncadd.s32 $0xFFFFC000  }
0x45: {  	[tilespmem:s8], [sflag:$0x3] =	stream.indirect.gather [hbm4b:s9+s11], $0x80, s26, s11, $0xb8;
	[tilespmem:$0x10800] =	vst v63  }
0x46: {  	_ =	swait.ge [sflag:s16], $0x4000  }
0x47: {  	[sflag:s16] =	ssyncset.done $0x0  }
0x48: {  	s0 =	rddreg [dreg:$0x7];
	[sflag:s16] =	ssyncadd.s32 $0xFFFFC000  }
0x49: {  	[hbm4b:s0+s2] =	stream.linear.scatter [tilespmem:s15], [sflag:$0x5], $0x4000, $0x38;
	[tilespmem:$0x10800] =	vst v63  }
0x4a: {  	_ =	swait.ge [sflag:s3], $0x4000  }
0x4b: {  	[sflag:s3] =	ssyncset.done $0x0  }
0x4c: {  	[sflag:s3] =	ssyncadd.s32 $0xFFFFC000  }
0x4d: {  	[tilespmem:s7], [sflag:$0x4] =	stream.indirect.gather [hbm4b:s9+s11], $0x80, s25, s11, $0xb8;
	[tilespmem:$0x10800] =	vst v63  }
0x4e: {  	_ =	swait.ge [sflag:s14], $0x4000  }
0x4f: {  	[sflag:s14] =	ssyncset.done $0x0  }
0x50: {  	s0 =	rddreg [dreg:$0x8];
	[sflag:s14] =	ssyncadd.s32 $0xFFFFC000  }
0x51: {  	[hbm4b:s0+s2] =	stream.linear.scatter [tilespmem:s10], [sflag:$0x6], $0x4000, $0x38;
	[tilespmem:$0x10800] =	vst v63  }
0x52: {  	_ =	swait.ge [sflag:s4], $0x4000  }
0x53: {  	[sflag:s4] =	ssyncset.done $0x0  }
0x54: {  	[sflag:s4] =	ssyncadd.s32 $0xFFFFC000  }
0x55: {  	[tilespmem:s15], [sflag:$0x1] =	stream.indirect.gather [hbm4b:s9+s11], $0x80, s24, s11, $0xb8;
	[tilespmem:$0x10800] =	vst v63  }
0x56: {  	_ =	swait.ge [sflag:s13], $0x4000  }
0x57: {  	[sflag:s13] =	ssyncset.done $0x0  }
0x58: {  	s0 =	rddreg [dreg:$0x9];
	[sflag:s13] =	ssyncadd.s32 $0xFFFFC000  }
0x59: {  	[hbm4b:s0+s2] =	stream.linear.scatter [tilespmem:s8], [sflag:$0x7], $0x4000, $0x38;
	[tilespmem:$0x10800] =	vst v63  }
0x5a: {  	_ =	swait.ge [sflag:s5], $0x4000  }
0x5b: {  	[sflag:s5] =	ssyncset.done $0x0  }
0x5c: {  	[sflag:s5] =	ssyncadd.s32 $0xFFFFC000  }
0x5d: {  	[tilespmem:s10], [sflag:$0x2] =	stream.indirect.gather [hbm4b:s9+s11], $0x80, s23, s11, $0xb8;
	[tilespmem:$0x10800] =	vst v63  }
0x5e: {  	_ =	swait.ge [sflag:s12], $0x4000  }
0x5f: {  	[sflag:s12] =	ssyncset.done $0x0  }
0x60: {  	s0 =	rddreg [dreg:$0xa];
	[sflag:s12] =	ssyncadd.s32 $0xFFFFC000  }
0x61: {  	[hbm4b:s0+s2] =	stream.linear.scatter [tilespmem:s7], [sflag:$0x8], $0x4000, $0x38;
	[tilespmem:$0x10800] =	vst v63  }
0x62: {  	_ =	swait.ge [sflag:s6], $0x4000  }
0x63: {  	[sflag:s6] =	ssyncset.done $0x0  }
0x64: {  	[sflag:s6] =	ssyncadd.s32 $0xFFFFC000  }
0x65: {  	[tilespmem:s8], [sflag:$0x3] =	stream.indirect.gather [hbm4b:s9+s11], $0x80, s22, s11, $0xb8;
	[tilespmem:$0x10800] =	vst v63  }
0x66: {  	_ =	swait.ge [sflag:s16], $0x4000  }
0x67: {  	[sflag:s16] =	ssyncset.done $0x0  }
0x68: {  	s0 =	rddreg [dreg:$0xb];
	[sflag:s16] =	ssyncadd.s32 $0xFFFFC000  }
0x69: {  	[hbm4b:s0+s2] =	stream.linear.scatter [tilespmem:s15], [sflag:$0x5], $0x4000, $0x38;
	[tilespmem:$0x10800] =	vst v63  }
0x6a: {  	_ =	swait.ge [sflag:s3], $0x4000  }
0x6b: {  	[sflag:s3] =	ssyncset.done $0x0  }
0x6c: {  	[sflag:s3] =	ssyncadd.s32 $0xFFFFC000  }
0x6d: {  	[tilespmem:s7], [sflag:$0x4] =	stream.indirect.gather [hbm4b:s9+s11], $0x80, s21, s11, $0xb8;
	[tilespmem:$0x10800] =	vst v63  }
0x6e: {  	_ =	swait.ge [sflag:s14], $0x4000  }
0x6f: {  	[sflag:s14] =	ssyncset.done $0x0  }
0x70: {  	s0 =	rddreg [dreg:$0xc];
	[sflag:s14] =	ssyncadd.s32 $0xFFFFC000  }
0x71: {  	[hbm4b:s0+s2] =	stream.linear.scatter [tilespmem:s10], [sflag:$0x6], $0x4000, $0x38;
	[tilespmem:$0x10800] =	vst v63  }
0x72: {  	_ =	swait.ge [sflag:s4], $0x4000  }
0x73: {  	[sflag:s4] =	ssyncset.done $0x0  }
0x74: {  	[sflag:s4] =	ssyncadd.s32 $0xFFFFC000  }
0x75: {  	[tilespmem:s15], [sflag:$0x1] =	stream.indirect.gather [hbm4b:s9+s11], $0x80, s20, s11, $0xb8;
	[tilespmem:$0x10800] =	vst v63  }
0x76: {  	_ =	swait.ge [sflag:s13], $0x4000  }
0x77: {  	[sflag:s13] =	ssyncset.done $0x0  }
0x78: {  	s0 =	rddreg [dreg:$0xd];
	[sflag:s13] =	ssyncadd.s32 $0xFFFFC000  }
0x79: {  	[hbm4b:s0+s2] =	stream.linear.scatter [tilespmem:s8], [sflag:$0x7], $0x4000, $0x38;
	[tilespmem:$0x10800] =	vst v63  }
0x7a: {  	_ =	swait.ge [sflag:s5], $0x4000  }
0x7b: {  	[sflag:s5] =	ssyncset.done $0x0  }
0x7c: {  	[sflag:s5] =	ssyncadd.s32 $0xFFFFC000  }
0x7d: {  	[tilespmem:s10], [sflag:$0x2] =	stream.indirect.gather [hbm4b:s9+s11], $0x80, s19, s11, $0xb8;
	[tilespmem:$0x10800] =	vst v63  }
0x7e: {  	_ =	swait.ge [sflag:s12], $0x4000  }
0x7f: {  	[sflag:s12] =	ssyncset.done $0x0  }
0x80: {  	s0 =	rddreg [dreg:$0xe];
	[sflag:s12] =	ssyncadd.s32 $0xFFFFC000  }
0x81: {  	[hbm4b:s0+s2] =	stream.linear.scatter [tilespmem:s7], [sflag:$0x8], $0x4000, $0x38;
	[tilespmem:$0x10800] =	vst v63  }
0x82: {  	_ =	swait.ge [sflag:s6], $0x4000  }
0x83: {  	[sflag:s6] =	ssyncset.done $0x0  }
0x84: {  	[sflag:s6] =	ssyncadd.s32 $0xFFFFC000  }
0x85: {  	[tilespmem:s8], [sflag:$0x3] =	stream.indirect.gather [hbm4b:s9+s11], $0x80, s18, s11, $0xb8;
	[tilespmem:$0x10800] =	vst v63  }
0x86: {  	_ =	swait.ge [sflag:s16], $0x4000  }
0x87: {  	[sflag:s16] =	ssyncset.done $0x0  }
0x88: {  	s0 =	rddreg [dreg:$0xf];
	[sflag:s16] =	ssyncadd.s32 $0xFFFFC000  }
0x89: {  	[hbm4b:s0+s2] =	stream.linear.scatter [tilespmem:s15], [sflag:$0x5], $0x4000, $0x38;
	[tilespmem:$0x10800] =	vst v63  }
0x8a: {  	_ =	swait.ge [sflag:s3], $0x4000  }
0x8b: {  	[sflag:s3] =	ssyncset.done $0x0  }
0x8c: {  	[sflag:s3] =	ssyncadd.s32 $0xFFFFC000  }
0x8d: {  	[tilespmem:s7], [sflag:$0x4] =	stream.indirect.gather [hbm4b:s9+s11], $0x80, s17, s11, $0xb8;
	[tilespmem:$0x10800] =	vst v63  }
0x8e: {  	_ =	swait.ge [sflag:s14], $0x4000  }
0x8f: {  	[sflag:s14] =	ssyncset.done $0x0  }
0x90: {  	s0 =	rddreg [dreg:$0x10];
	[sflag:s14] =	ssyncadd.s32 $0xFFFFC000  }
0x91: {  	[hbm4b:s0+s2] =	stream.linear.scatter [tilespmem:s10], [sflag:$0x6], $0x4000, $0x38;
	[tilespmem:$0x10800] =	vst v63  }
0x92: {  	_ =	swait.ge [sflag:s13], $0x4000  }
0x93: {  	[sflag:s13] =	ssyncset.done $0x0  }
0x94: {  	s0 =	rddreg [dreg:$0x11];
	[sflag:s13] =	ssyncadd.s32 $0xFFFFC000  }
0x95: {  	[hbm4b:s0+s2] =	stream.linear.scatter [tilespmem:s8], [sflag:$0x7], $0x4000, $0x38;
	[tilespmem:$0x10800] =	vst v63  }
0x96: {  	_ =	swait.ge [sflag:s12], $0x4000  }
0x97: {  	[sflag:s12] =	ssyncset.done $0x0  }
0x98: {  	s0 =	rddreg [dreg:$0x12];
	[sflag:s12] =	ssyncadd.s32 $0xFFFFC000  }
0x99: {  	[hbm4b:s0+s2] =	stream.linear.scatter [tilespmem:s7], [sflag:$0x8], $0x4000, $0x38;
	[tilespmem:$0x10800] =	vst v63  }
0x9a: {  	_ =	swait.ge [sflag:s4], $0x4000  }
0x9b: {  	[sflag:s4] =	ssyncset.done $0x0  }
0x9c: {  	[sflag:s4] =	ssyncadd.s32 $0xFFFFC000  }
0x9d: {  	_ =	swait.ge [sflag:s5], $0x4000  }
0x9e: {  	[sflag:s5] =	ssyncset.done $0x0  }
0x9f: {  	p1 =	sne.s32 s1, $0x1;
	[sflag:s5] =	ssyncadd.s32 $0xFFFFC000  }
.Ltmp1:
0xa0: {  	_ =	swait.ge [sflag:s6], $0x4000;
	(pc) =	sbr.rel @!p1 .LBB2_3-.Ltmp1, $4  }
0xa1: {  	[sflag:s6] =	ssyncset.done $0x0  }
0xa2: {  	[sflag:s6] =	ssyncadd.s32 $0xFFFFC000  }
0xa3: {  	s1 =	sadd.s32 $0xFFFFFFFF, s1;
	_ =	swait.ge [sflag:s3], $0x4000  }
0xa4: {  	p0 =	por $0x1, $0x1;
	s0 =	rddreg [dreg:$0x2];
	[sflag:s3] =	ssyncset.done $0x0  }
.LBB2_2:
0xa5: {  	[sflag:s3] =	ssyncadd.s32 $0xFFFFC000  }
0xa6: {  	[tilespmem:s2], [sflag:$0x9] =	stream.linear.gather [hbm4b:s0+s2], $0x800, $0x38;
	[tilespmem:$0x10800] =	vst v63  }
0xa7: {  	_ =	swait.ge [sflag:s31], $0x800  }
0xa8: {  	[sflag:s31] =	ssyncset.done $0x0  }
0xa9: {  	[sflag:s31] =	ssyncadd.s32 $0xFFFFF800  }
0xaa: {  	[tilespmem:s15], [sflag:$0x1] =	stream.indirect.gather [hbm4b:s9+s11], $0x80, s2, s11, $0xb8;
	[tilespmem:$0x10800] =	vst v63  }
0xab: {  	_ = 	snop  }
0xac: {  	[tilespmem:s10], [sflag:$0x2] =	stream.indirect.gather [hbm4b:s9+s11], $0x80, s11, s11, $0xb8;
	[tilespmem:$0x10800] =	vst v63  }
0xad: {  	s0 =	rddreg [dreg:$0x13]  }
0xae: {  	[tilespmem:s8], [sflag:$0x3] =	stream.indirect.gather [hbm4b:s9+s11], $0x80, s0, s11, $0xb8;
	[tilespmem:$0x10800] =	vst v63  }
0xaf: {  	_ =	swait.ge [sflag:s16], $0x4000  }
0xb0: {  	[sflag:s16] =	ssyncset.done $0x0  }
0xb1: {  	s0 =	rddreg [dreg:$0x3];
	[sflag:s16] =	ssyncadd.s32 $0xFFFFC000  }
0xb2: {  	[hbm4b:s0+s2] =	stream.linear.scatter [tilespmem:s15], [sflag:$0x5], $0x4000, $0x38;
	[tilespmem:$0x10800] =	vst v63  }
0xb3: {  	_ = 	snop  }
0xb4: {  	[tilespmem:s7], [sflag:$0x4] =	stream.indirect.gather [hbm4b:s9+s11], $0x80, s30, s11, $0xb8;
	[tilespmem:$0x10800] =	vst v63  }
0xb5: {  	_ =	swait.ge [sflag:s14], $0x4000  }
0xb6: {  	[sflag:s14] =	ssyncset.done $0x0  }
0xb7: {  	s0 =	rddreg [dreg:$0x4];
	[sflag:s14] =	ssyncadd.s32 $0xFFFFC000  }
0xb8: {  	[hbm4b:s0+s2] =	stream.linear.scatter [tilespmem:s10], [sflag:$0x6], $0x4000, $0x38;
	[tilespmem:$0x10800] =	vst v63  }
0xb9: {  	_ =	swait.ge [sflag:s4], $0x4000  }
0xba: {  	[sflag:s4] =	ssyncset.done $0x0  }
0xbb: {  	[sflag:s4] =	ssyncadd.s32 $0xFFFFC000  }
0xbc: {  	[tilespmem:s15], [sflag:$0x1] =	stream.indirect.gather [hbm4b:s9+s11], $0x80, s29, s11, $0xb8;
	[tilespmem:$0x10800] =	vst v63  }
0xbd: {  	_ =	swait.ge [sflag:s13], $0x4000  }
0xbe: {  	[sflag:s13] =	ssyncset.done $0x0  }
0xbf: {  	s0 =	rddreg [dreg:$0x5];
	[sflag:s13] =	ssyncadd.s32 $0xFFFFC000  }
0xc0: {  	[hbm4b:s0+s2] =	stream.linear.scatter [tilespmem:s8], [sflag:$0x7], $0x4000, $0x38;
	[tilespmem:$0x10800] =	vst v63  }
0xc1: {  	_ =	swait.ge [sflag:s5], $0x4000  }
0xc2: {  	[sflag:s5] =	ssyncset.done $0x0  }
0xc3: {  	[sflag:s5] =	ssyncadd.s32 $0xFFFFC000  }
0xc4: {  	[tilespmem:s10], [sflag:$0x2] =	stream.indirect.gather [hbm4b:s9+s11], $0x80, s28, s11, $0xb8;
	[tilespmem:$0x10800] =	vst v63  }
0xc5: {  	_ =	swait.ge [sflag:s12], $0x4000  }
0xc6: {  	[sflag:s12] =	ssyncset.done $0x0  }
0xc7: {  	s0 =	rddreg [dreg:$0x6];
	[sflag:s12] =	ssyncadd.s32 $0xFFFFC000  }
0xc8: {  	[hbm4b:s0+s2] =	stream.linear.scatter [tilespmem:s7], [sflag:$0x8], $0x4000, $0x38;
	[tilespmem:$0x10800] =	vst v63  }
0xc9: {  	_ =	swait.ge [sflag:s6], $0x4000  }
0xca: {  	[sflag:s6] =	ssyncset.done $0x0  }
0xcb: {  	[sflag:s6] =	ssyncadd.s32 $0xFFFFC000  }
0xcc: {  	[tilespmem:s8], [sflag:$0x3] =	stream.indirect.gather [hbm4b:s9+s11], $0x80, s26, s11, $0xb8;
	[tilespmem:$0x10800] =	vst v63  }
0xcd: {  	_ =	swait.ge [sflag:s16], $0x4000  }
0xce: {  	[sflag:s16] =	ssyncset.done $0x0  }
0xcf: {  	s0 =	rddreg [dreg:$0x7];
	[sflag:s16] =	ssyncadd.s32 $0xFFFFC000  }
0xd0: {  	[hbm4b:s0+s2] =	stream.linear.scatter [tilespmem:s15], [sflag:$0x5], $0x4000, $0x38;
	[tilespmem:$0x10800] =	vst v63  }
0xd1: {  	_ =	swait.ge [sflag:s3], $0x4000  }
0xd2: {  	[sflag:s3] =	ssyncset.done $0x0  }
0xd3: {  	[sflag:s3] =	ssyncadd.s32 $0xFFFFC000  }
0xd4: {  	[tilespmem:s7], [sflag:$0x4] =	stream.indirect.gather [hbm4b:s9+s11], $0x80, s25, s11, $0xb8;
	[tilespmem:$0x10800] =	vst v63  }
0xd5: {  	_ =	swait.ge [sflag:s14], $0x4000  }
0xd6: {  	[sflag:s14] =	ssyncset.done $0x0  }
0xd7: {  	s0 =	rddreg [dreg:$0x8];
	[sflag:s14] =	ssyncadd.s32 $0xFFFFC000  }
0xd8: {  	[hbm4b:s0+s2] =	stream.linear.scatter [tilespmem:s10], [sflag:$0x6], $0x4000, $0x38;
	[tilespmem:$0x10800] =	vst v63  }
0xd9: {  	_ =	swait.ge [sflag:s4], $0x4000  }
0xda: {  	[sflag:s4] =	ssyncset.done $0x0  }
0xdb: {  	[sflag:s4] =	ssyncadd.s32 $0xFFFFC000  }
0xdc: {  	[tilespmem:s15], [sflag:$0x1] =	stream.indirect.gather [hbm4b:s9+s11], $0x80, s24, s11, $0xb8;
	[tilespmem:$0x10800] =	vst v63  }
0xdd: {  	_ =	swait.ge [sflag:s13], $0x4000  }
0xde: {  	[sflag:s13] =	ssyncset.done $0x0  }
0xdf: {  	s0 =	rddreg [dreg:$0x9];
	[sflag:s13] =	ssyncadd.s32 $0xFFFFC000  }
0xe0: {  	[hbm4b:s0+s2] =	stream.linear.scatter [tilespmem:s8], [sflag:$0x7], $0x4000, $0x38;
	[tilespmem:$0x10800] =	vst v63  }
0xe1: {  	_ =	swait.ge [sflag:s5], $0x4000  }
0xe2: {  	[sflag:s5] =	ssyncset.done $0x0  }
0xe3: {  	[sflag:s5] =	ssyncadd.s32 $0xFFFFC000  }
0xe4: {  	[tilespmem:s10], [sflag:$0x2] =	stream.indirect.gather [hbm4b:s9+s11], $0x80, s23, s11, $0xb8;
	[tilespmem:$0x10800] =	vst v63  }
0xe5: {  	_ =	swait.ge [sflag:s12], $0x4000  }
0xe6: {  	[sflag:s12] =	ssyncset.done $0x0  }
0xe7: {  	s0 =	rddreg [dreg:$0xa];
	[sflag:s12] =	ssyncadd.s32 $0xFFFFC000  }
0xe8: {  	[hbm4b:s0+s2] =	stream.linear.scatter [tilespmem:s7], [sflag:$0x8], $0x4000, $0x38;
	[tilespmem:$0x10800] =	vst v63  }
0xe9: {  	_ =	swait.ge [sflag:s6], $0x4000  }
0xea: {  	[sflag:s6] =	ssyncset.done $0x0  }
0xeb: {  	[sflag:s6] =	ssyncadd.s32 $0xFFFFC000  }
0xec: {  	[tilespmem:s8], [sflag:$0x3] =	stream.indirect.gather [hbm4b:s9+s11], $0x80, s22, s11, $0xb8;
	[tilespmem:$0x10800] =	vst v63  }
0xed: {  	_ =	swait.ge [sflag:s16], $0x4000  }
0xee: {  	[sflag:s16] =	ssyncset.done $0x0  }
0xef: {  	s0 =	rddreg [dreg:$0xb];
	[sflag:s16] =	ssyncadd.s32 $0xFFFFC000  }
0xf0: {  	[hbm4b:s0+s2] =	stream.linear.scatter [tilespmem:s15], [sflag:$0x5], $0x4000, $0x38;
	[tilespmem:$0x10800] =	vst v63  }
0xf1: {  	_ =	swait.ge [sflag:s3], $0x4000  }
0xf2: {  	[sflag:s3] =	ssyncset.done $0x0  }
0xf3: {  	[sflag:s3] =	ssyncadd.s32 $0xFFFFC000  }
0xf4: {  	[tilespmem:s7], [sflag:$0x4] =	stream.indirect.gather [hbm4b:s9+s11], $0x80, s21, s11, $0xb8;
	[tilespmem:$0x10800] =	vst v63  }
0xf5: {  	_ =	swait.ge [sflag:s14], $0x4000  }
0xf6: {  	[sflag:s14] =	ssyncset.done $0x0  }
0xf7: {  	s0 =	rddreg [dreg:$0xc];
	[sflag:s14] =	ssyncadd.s32 $0xFFFFC000  }
0xf8: {  	[hbm4b:s0+s2] =	stream.linear.scatter [tilespmem:s10], [sflag:$0x6], $0x4000, $0x38;
	[tilespmem:$0x10800] =	vst v63  }
0xf9: {  	_ =	swait.ge [sflag:s4], $0x4000  }
0xfa: {  	[sflag:s4] =	ssyncset.done $0x0  }
0xfb: {  	[sflag:s4] =	ssyncadd.s32 $0xFFFFC000  }
0xfc: {  	[tilespmem:s15], [sflag:$0x1] =	stream.indirect.gather [hbm4b:s9+s11], $0x80, s20, s11, $0xb8;
	[tilespmem:$0x10800] =	vst v63  }
0xfd: {  	_ =	swait.ge [sflag:s13], $0x4000  }
0xfe: {  	[sflag:s13] =	ssyncset.done $0x0  }
0xff: {  	s0 =	rddreg [dreg:$0xd];
	[sflag:s13] =	ssyncadd.s32 $0xFFFFC000  }
0x100: {  	[hbm4b:s0+s2] =	stream.linear.scatter [tilespmem:s8], [sflag:$0x7], $0x4000, $0x38;
	[tilespmem:$0x10800] =	vst v63  }
0x101: {  	_ =	swait.ge [sflag:s5], $0x4000  }
0x102: {  	[sflag:s5] =	ssyncset.done $0x0  }
0x103: {  	[sflag:s5] =	ssyncadd.s32 $0xFFFFC000  }
0x104: {  	[tilespmem:s10], [sflag:$0x2] =	stream.indirect.gather [hbm4b:s9+s11], $0x80, s19, s11, $0xb8;
	[tilespmem:$0x10800] =	vst v63  }
0x105: {  	_ =	swait.ge [sflag:s12], $0x4000  }
0x106: {  	[sflag:s12] =	ssyncset.done $0x0  }
0x107: {  	s0 =	rddreg [dreg:$0xe];
	[sflag:s12] =	ssyncadd.s32 $0xFFFFC000  }
0x108: {  	[hbm4b:s0+s2] =	stream.linear.scatter [tilespmem:s7], [sflag:$0x8], $0x4000, $0x38;
	[tilespmem:$0x10800] =	vst v63  }
0x109: {  	_ =	swait.ge [sflag:s6], $0x4000  }
0x10a: {  	[sflag:s6] =	ssyncset.done $0x0  }
0x10b: {  	[sflag:s6] =	ssyncadd.s32 $0xFFFFC000  }
0x10c: {  	[tilespmem:s8], [sflag:$0x3] =	stream.indirect.gather [hbm4b:s9+s11], $0x80, s18, s11, $0xb8;
	[tilespmem:$0x10800] =	vst v63  }
0x10d: {  	_ =	swait.ge [sflag:s16], $0x4000  }
0x10e: {  	[sflag:s16] =	ssyncset.done $0x0  }
0x10f: {  	s0 =	rddreg [dreg:$0xf];
	[sflag:s16] =	ssyncadd.s32 $0xFFFFC000  }
0x110: {  	[hbm4b:s0+s2] =	stream.linear.scatter [tilespmem:s15], [sflag:$0x5], $0x4000, $0x38;
	[tilespmem:$0x10800] =	vst v63  }
0x111: {  	_ =	swait.ge [sflag:s3], $0x4000  }
0x112: {  	[sflag:s3] =	ssyncset.done $0x0  }
0x113: {  	[sflag:s3] =	ssyncadd.s32 $0xFFFFC000  }
0x114: {  	[tilespmem:s7], [sflag:$0x4] =	stream.indirect.gather [hbm4b:s9+s11], $0x80, s17, s11, $0xb8;
	[tilespmem:$0x10800] =	vst v63  }
0x115: {  	_ =	swait.ge [sflag:s14], $0x4000  }
0x116: {  	[sflag:s14] =	ssyncset.done $0x0  }
0x117: {  	s0 =	rddreg [dreg:$0x10];
	[sflag:s14] =	ssyncadd.s32 $0xFFFFC000  }
0x118: {  	[hbm4b:s0+s2] =	stream.linear.scatter [tilespmem:s10], [sflag:$0x6], $0x4000, $0x38;
	[tilespmem:$0x10800] =	vst v63  }
0x119: {  	_ =	swait.ge [sflag:s13], $0x4000  }
0x11a: {  	[sflag:s13] =	ssyncset.done $0x0  }
0x11b: {  	s0 =	rddreg [dreg:$0x11];
	[sflag:s13] =	ssyncadd.s32 $0xFFFFC000  }
0x11c: {  	[hbm4b:s0+s2] =	stream.linear.scatter [tilespmem:s8], [sflag:$0x7], $0x4000, $0x38;
	[tilespmem:$0x10800] =	vst v63  }
0x11d: {  	_ =	swait.ge [sflag:s12], $0x4000  }
0x11e: {  	[sflag:s12] =	ssyncset.done $0x0  }
0x11f: {  	s0 =	rddreg [dreg:$0x12];
	[sflag:s12] =	ssyncadd.s32 $0xFFFFC000  }
0x120: {  	[hbm4b:s0+s2] =	stream.linear.scatter [tilespmem:s7], [sflag:$0x8], $0x4000, $0x38;
	[tilespmem:$0x10800] =	vst v63  }
0x121: {  	_ =	swait.ge [sflag:s4], $0x4000  }
0x122: {  	[sflag:s4] =	ssyncset.done $0x0  }
0x123: {  	[sflag:s4] =	ssyncadd.s32 $0xFFFFC000  }
0x124: {  	_ =	swait.ge [sflag:s5], $0x4000  }
0x125: {  	[sflag:s5] =	ssyncset.done $0x0  }
0x126: {  	p1 =	sne.s32 s1, $0x1;
	[sflag:s5] =	ssyncadd.s32 $0xFFFFC000  }
.Ltmp2:
0x127: {  	_ =	swait.ge [sflag:s6], $0x4000;
	(pc) =	sbr.rel @p1 .LBB2_2-.Ltmp2, $4  }
0x128: {  	[sflag:s6] =	ssyncset.done $0x0  }
0x129: {  	[sflag:s6] =	ssyncadd.s32 $0xFFFFC000  }
0x12a: {  	_ =	swait.ge [sflag:s3], $0x4000  }
0x12b: {  	s1 =	sadd.s32 $0xFFFFFFFF, s1;
	s0 =	rddreg [dreg:$0x2];
	[sflag:s3] =	ssyncset.done $0x0  }
.LBB2_3:
0x12c: {  	[sflag:s3] =	ssyncadd.s32 @p0 $0xFFFFC000  }
0x12d: {  	[tilespmem:s2], [sflag:$0x9] =	stream.linear.gather [hbm4b:s0+s2], $0x800, $0x38;
	[tilespmem:$0x10800] =	vst v63  }
0x12e: {  	_ =	swait.ge [sflag:s31], $0x800  }
0x12f: {  	[sflag:s31] =	ssyncset.done $0x0  }
0x130: {  	[sflag:s31] =	ssyncadd.s32 $0xFFFFF800  }
0x131: {  	[tilespmem:s15], [sflag:$0x1] =	stream.indirect.gather [hbm4b:s9+s11], $0x80, s2, s11, $0xb8;
	[tilespmem:$0x10800] =	vst v63  }
0x132: {  	_ = 	snop  }
0x133: {  	[tilespmem:s10], [sflag:$0x2] =	stream.indirect.gather [hbm4b:s9+s11], $0x80, s11, s11, $0xb8;
	[tilespmem:$0x10800] =	vst v63  }
0x134: {  	s31 =	rddreg [dreg:$0x13]  }
0x135: {  	[tilespmem:s8], [sflag:$0x3] =	stream.indirect.gather [hbm4b:s9+s11], $0x80, s31, s11, $0xb8;
	[tilespmem:$0x10800] =	vst v63  }
0x136: {  	_ =	swait.ge [sflag:s16], $0x4000  }
0x137: {  	[sflag:s16] =	ssyncset.done $0x0  }
0x138: {  	s1 =	rddreg [dreg:$0x3];
	[sflag:s16] =	ssyncadd.s32 $0xFFFFC000  }
0x139: {  	[hbm4b:s1+s2] =	stream.linear.scatter [tilespmem:s15], [sflag:$0x5], $0x4000, $0x38;
	[tilespmem:$0x10800] =	vst v63  }
0x13a: {  	_ = 	snop  }
0x13b: {  	[tilespmem:s7], [sflag:$0x4] =	stream.indirect.gather [hbm4b:s9+s11], $0x80, s30, s11, $0xb8;
	[tilespmem:$0x10800] =	vst v63  }
0x13c: {  	_ =	swait.ge [sflag:s14], $0x4000  }
0x13d: {  	[sflag:s14] =	ssyncset.done $0x0  }
0x13e: {  	s31 =	rddreg [dreg:$0x4];
	[sflag:s14] =	ssyncadd.s32 $0xFFFFC000  }
0x13f: {  	[hbm4b:s31+s2] =	stream.linear.scatter [tilespmem:s10], [sflag:$0x6], $0x4000, $0x38;
	[tilespmem:$0x10800] =	vst v63  }
0x140: {  	_ =	swait.ge [sflag:s4], $0x4000  }
0x141: {  	[sflag:s4] =	ssyncset.done $0x0  }
0x142: {  	[sflag:s4] =	ssyncadd.s32 $0xFFFFC000  }
0x143: {  	[tilespmem:s15], [sflag:$0x1] =	stream.indirect.gather [hbm4b:s9+s11], $0x80, s29, s11, $0xb8;
	[tilespmem:$0x10800] =	vst v63  }
0x144: {  	_ =	swait.ge [sflag:s13], $0x4000  }
0x145: {  	[sflag:s13] =	ssyncset.done $0x0  }
0x146: {  	s1 =	rddreg [dreg:$0x5];
	[sflag:s13] =	ssyncadd.s32 $0xFFFFC000  }
0x147: {  	[hbm4b:s1+s2] =	stream.linear.scatter [tilespmem:s8], [sflag:$0x7], $0x4000, $0x38;
	[tilespmem:$0x10800] =	vst v63  }
0x148: {  	_ =	swait.ge [sflag:s5], $0x4000  }
0x149: {  	[sflag:s5] =	ssyncset.done $0x0  }
0x14a: {  	[sflag:s5] =	ssyncadd.s32 $0xFFFFC000  }
0x14b: {  	[tilespmem:s10], [sflag:$0x2] =	stream.indirect.gather [hbm4b:s9+s11], $0x80, s28, s11, $0xb8;
	[tilespmem:$0x10800] =	vst v63  }
0x14c: {  	_ =	swait.ge [sflag:s12], $0x4000  }
0x14d: {  	[sflag:s12] =	ssyncset.done $0x0  }
0x14e: {  	s28 =	rddreg [dreg:$0x6];
	[sflag:s12] =	ssyncadd.s32 $0xFFFFC000  }
0x14f: {  	[hbm4b:s28+s2] =	stream.linear.scatter [tilespmem:s7], [sflag:$0x8], $0x4000, $0x38;
	[tilespmem:$0x10800] =	vst v63  }
0x150: {  	_ =	swait.ge [sflag:s6], $0x4000  }
0x151: {  	[sflag:s6] =	ssyncset.done $0x0  }
0x152: {  	[sflag:s6] =	ssyncadd.s32 $0xFFFFC000  }
0x153: {  	[tilespmem:s8], [sflag:$0x3] =	stream.indirect.gather [hbm4b:s9+s11], $0x80, s26, s11, $0xb8;
	[tilespmem:$0x10800] =	vst v63  }
0x154: {  	_ =	swait.ge [sflag:s16], $0x4000  }
0x155: {  	[sflag:s16] =	ssyncset.done $0x0  }
0x156: {  	s29 =	rddreg [dreg:$0x7];
	[sflag:s16] =	ssyncadd.s32 $0xFFFFC000  }
0x157: {  	[hbm4b:s29+s2] =	stream.linear.scatter [tilespmem:s15], [sflag:$0x5], $0x4000, $0x38;
	[tilespmem:$0x10800] =	vst v63  }
0x158: {  	_ =	swait.ge [sflag:s3], $0x4000  }
0x159: {  	[sflag:s3] =	ssyncset.done $0x0  }
0x15a: {  	[sflag:s3] =	ssyncadd.s32 $0xFFFFC000  }
0x15b: {  	[tilespmem:s7], [sflag:$0x4] =	stream.indirect.gather [hbm4b:s9+s11], $0x80, s25, s11, $0xb8;
	[tilespmem:$0x10800] =	vst v63  }
0x15c: {  	_ =	swait.ge [sflag:s14], $0x4000  }
0x15d: {  	[sflag:s14] =	ssyncset.done $0x0  }
0x15e: {  	s30 =	rddreg [dreg:$0x8];
	[sflag:s14] =	ssyncadd.s32 $0xFFFFC000  }
0x15f: {  	[hbm4b:s30+s2] =	stream.linear.scatter [tilespmem:s10], [sflag:$0x6], $0x4000, $0x38;
	[tilespmem:$0x10800] =	vst v63  }
0x160: {  	_ =	swait.ge [sflag:s4], $0x4000  }
0x161: {  	[sflag:s4] =	ssyncset.done $0x0  }
0x162: {  	[sflag:s4] =	ssyncadd.s32 $0xFFFFC000  }
0x163: {  	[tilespmem:s15], [sflag:$0x1] =	stream.indirect.gather [hbm4b:s9+s11], $0x80, s24, s11, $0xb8;
	[tilespmem:$0x10800] =	vst v63  }
0x164: {  	_ =	swait.ge [sflag:s13], $0x4000  }
0x165: {  	[sflag:s13] =	ssyncset.done $0x0  }
0x166: {  	s31 =	rddreg [dreg:$0x9];
	[sflag:s13] =	ssyncadd.s32 $0xFFFFC000  }
0x167: {  	[hbm4b:s31+s2] =	stream.linear.scatter [tilespmem:s8], [sflag:$0x7], $0x4000, $0x38;
	[tilespmem:$0x10800] =	vst v63  }
0x168: {  	_ =	swait.ge [sflag:s5], $0x4000  }
0x169: {  	[sflag:s5] =	ssyncset.done $0x0  }
0x16a: {  	[sflag:s5] =	ssyncadd.s32 $0xFFFFC000  }
0x16b: {  	[tilespmem:s10], [sflag:$0x2] =	stream.indirect.gather [hbm4b:s9+s11], $0x80, s23, s11, $0xb8;
	[tilespmem:$0x10800] =	vst v63  }
0x16c: {  	_ =	swait.ge [sflag:s12], $0x4000  }
0x16d: {  	[sflag:s12] =	ssyncset.done $0x0  }
0x16e: {  	s1 =	rddreg [dreg:$0xa];
	[sflag:s12] =	ssyncadd.s32 $0xFFFFC000  }
0x16f: {  	[hbm4b:s1+s2] =	stream.linear.scatter [tilespmem:s7], [sflag:$0x8], $0x4000, $0x38;
	[tilespmem:$0x10800] =	vst v63  }
0x170: {  	_ =	swait.ge [sflag:s6], $0x4000  }
0x171: {  	[sflag:s6] =	ssyncset.done $0x0  }
0x172: {  	[sflag:s6] =	ssyncadd.s32 $0xFFFFC000  }
0x173: {  	[tilespmem:s8], [sflag:$0x3] =	stream.indirect.gather [hbm4b:s9+s11], $0x80, s22, s11, $0xb8;
	[tilespmem:$0x10800] =	vst v63  }
0x174: {  	_ =	swait.ge [sflag:s16], $0x4000  }
0x175: {  	[sflag:s16] =	ssyncset.done $0x0  }
0x176: {  	s22 =	rddreg [dreg:$0xb];
	[sflag:s16] =	ssyncadd.s32 $0xFFFFC000  }
0x177: {  	[hbm4b:s22+s2] =	stream.linear.scatter [tilespmem:s15], [sflag:$0x5], $0x4000, $0x38;
	[tilespmem:$0x10800] =	vst v63  }
0x178: {  	_ =	swait.ge [sflag:s3], $0x4000  }
0x179: {  	[sflag:s3] =	ssyncset.done $0x0  }
0x17a: {  	[sflag:s3] =	ssyncadd.s32 $0xFFFFC000  }
0x17b: {  	[tilespmem:s7], [sflag:$0x4] =	stream.indirect.gather [hbm4b:s9+s11], $0x80, s21, s11, $0xb8;
	[tilespmem:$0x10800] =	vst v63  }
0x17c: {  	_ =	swait.ge [sflag:s14], $0x4000  }
0x17d: {  	[sflag:s14] =	ssyncset.done $0x0  }
0x17e: {  	s23 =	rddreg [dreg:$0xc];
	[sflag:s14] =	ssyncadd.s32 $0xFFFFC000  }
0x17f: {  	[hbm4b:s23+s2] =	stream.linear.scatter [tilespmem:s10], [sflag:$0x6], $0x4000, $0x38;
	[tilespmem:$0x10800] =	vst v63  }
0x180: {  	_ =	swait.ge [sflag:s4], $0x4000  }
0x181: {  	[sflag:s4] =	ssyncset.done $0x0  }
0x182: {  	[sflag:s4] =	ssyncadd.s32 $0xFFFFC000  }
0x183: {  	[tilespmem:s15], [sflag:$0x1] =	stream.indirect.gather [hbm4b:s9+s11], $0x80, s20, s11, $0xb8;
	[tilespmem:$0x10800] =	vst v63  }
0x184: {  	_ =	swait.ge [sflag:s13], $0x4000  }
0x185: {  	[sflag:s13] =	ssyncset.done $0x0  }
0x186: {  	s24 =	rddreg [dreg:$0xd];
	[sflag:s13] =	ssyncadd.s32 $0xFFFFC000  }
0x187: {  	[hbm4b:s24+s2] =	stream.linear.scatter [tilespmem:s8], [sflag:$0x7], $0x4000, $0x38;
	[tilespmem:$0x10800] =	vst v63  }
0x188: {  	_ =	swait.ge [sflag:s5], $0x4000  }
0x189: {  	[sflag:s5] =	ssyncset.done $0x0  }
0x18a: {  	[sflag:s5] =	ssyncadd.s32 $0xFFFFC000  }
0x18b: {  	[tilespmem:s10], [sflag:$0x2] =	stream.indirect.gather [hbm4b:s9+s11], $0x80, s19, s11, $0xb8;
	[tilespmem:$0x10800] =	vst v63  }
0x18c: {  	_ =	swait.ge [sflag:s12], $0x4000  }
0x18d: {  	[sflag:s12] =	ssyncset.done $0x0  }
0x18e: {  	s25 =	rddreg [dreg:$0xe];
	[sflag:s12] =	ssyncadd.s32 $0xFFFFC000  }
0x18f: {  	[hbm4b:s25+s2] =	stream.linear.scatter [tilespmem:s7], [sflag:$0x8], $0x4000, $0x38;
	[tilespmem:$0x10800] =	vst v63  }
0x190: {  	_ =	swait.ge [sflag:s6], $0x4000  }
0x191: {  	[sflag:s6] =	ssyncset.done $0x0  }
0x192: {  	[sflag:s6] =	ssyncadd.s32 $0xFFFFC000  }
0x193: {  	[tilespmem:s8], [sflag:$0x3] =	stream.indirect.gather [hbm4b:s9+s11], $0x80, s18, s11, $0xb8;
	[tilespmem:$0x10800] =	vst v63  }
0x194: {  	_ =	swait.ge [sflag:s16], $0x4000  }
0x195: {  	[sflag:s16] =	ssyncset.done $0x0  }
0x196: {  	s26 =	rddreg [dreg:$0xf];
	[sflag:s16] =	ssyncadd.s32 $0xFFFFC000  }
0x197: {  	[hbm4b:s26+s2] =	stream.linear.scatter [tilespmem:s15], [sflag:$0x5], $0x4000, $0x38;
	[tilespmem:$0x10800] =	vst v63  }
0x198: {  	_ =	swait.ge [sflag:s3], $0x4000  }
0x199: {  	[sflag:s3] =	ssyncset.done $0x0  }
0x19a: {  	[sflag:s3] =	ssyncadd.s32 $0xFFFFC000  }
0x19b: {  	[tilespmem:s7], [sflag:$0x4] =	stream.indirect.gather [hbm4b:s9+s11], $0x80, s17, s11, $0xb8;
	[tilespmem:$0x10800] =	vst v63  }
0x19c: {  	_ =	swait.ge [sflag:s14], $0x4000  }
0x19d: {  	[sflag:s14] =	ssyncset.done $0x0  }
0x19e: {  	s28 =	rddreg [dreg:$0x10];
	[sflag:s14] =	ssyncadd.s32 $0xFFFFC000  }
0x19f: {  	[hbm4b:s28+s2] =	stream.linear.scatter [tilespmem:s10], [sflag:$0x6], $0x4000, $0x38;
	[tilespmem:$0x10800] =	vst v63  }
0x1a0: {  	_ =	swait.ge [sflag:s13], $0x4000  }
0x1a1: {  	[sflag:s13] =	ssyncset.done $0x0  }
0x1a2: {  	s29 =	rddreg [dreg:$0x11];
	[sflag:s13] =	ssyncadd.s32 $0xFFFFC000  }
0x1a3: {  	[hbm4b:s29+s2] =	stream.linear.scatter [tilespmem:s8], [sflag:$0x7], $0x4000, $0x38;
	[tilespmem:$0x10800] =	vst v63  }
0x1a4: {  	_ =	swait.ge [sflag:s12], $0x4000  }
0x1a5: {  	[sflag:s12] =	ssyncset.done $0x0  }
0x1a6: {  	s30 =	rddreg [dreg:$0x12];
	[sflag:s12] =	ssyncadd.s32 $0xFFFFC000  }
0x1a7: {  	[hbm4b:s30+s2] =	stream.linear.scatter [tilespmem:s7], [sflag:$0x8], $0x4000, $0x38;
	[tilespmem:$0x10800] =	vst v63  }
0x1a8: {  	_ =	swait.ge [sflag:s4], $0x4000  }
0x1a9: {  	[sflag:s4] =	ssyncset.done $0x0  }
0x1aa: {  	[sflag:s4] =	ssyncadd.s32 $0xFFFFC000  }
0x1ab: {  	_ =	swait.ge [sflag:s5], $0x4000  }
0x1ac: {  	[sflag:s5] =	ssyncset.done $0x0  }
0x1ad: {  	[sflag:s5] =	ssyncadd.s32 $0xFFFFC000  }
0x1ae: {  	_ =	swait.ge [sflag:s6], $0x4000  }
0x1af: {  	[sflag:s6] =	ssyncset.done $0x0  }
0x1b0: {  	[sflag:s6] =	ssyncadd.s32 $0xFFFFC000  }
0x1b1: {  	_ =	swait.ge [sflag:s3], $0x4000  }
0x1b2: {  	[sflag:s3] =	ssyncset.done $0x0  }
0x1b3: {  	[sflag:s3] =	ssyncadd.s32 $0xFFFFC000  }
0x1b4: {  	_ =	sfence.sel $0x180000  }
0x1b5: {  	[bflag:$0x0] =	sbarrier.arrive $0xFFFF  }
0x1b6: {  	_ =	strace $0x90000047  }
0x1b7: {  	s31 =	stileid.u32;
	[bflag:$0x2] =	sbarrier.arrive $0xFFFF  }
0x1b8: {  	p0 =	sne.s32 s31, $0x0;
	s0 =	rddreg [dreg:$0x1]  }
0x1b9: {  	s0 =	sadd.s32 @!p0 $0x100000, s0  }
0x1ba: {  	[sflag:s0] =	ssyncadd.tile.s32 @!p0 $0x1;
	_ =	shalt  }
.Lfunc_end2:
_tile_overlayer_lowered:
.L_overlay_start_2:
0x1bb: {  	(tag) =	ssettag $0x2  }
0x1bc: {  	s0 =	rddreg [dreg:$0x0];
	s2 =	stileid.u32  }
0x1bd: {  	s1 =	rddreg [dreg:$0x1];
	p0 =	sne.s32 s2, $0x0  }
0x1be: {  	s3 =	rddreg [dreg:$0x2];
	[bflag:$0x3] =	sbarrier.arrive $0xFFFF;
	s2 =	simm.s32 @!p0 $0x1C09  }
0x1bf: {  	[timem:s3], [sflag:s2] =	dma.local @!p0 [hbm:s0], s1  }
0x1c0: {  	s0 =	simm.s32 @!p0 $0x9  }
0x1c1: {  	_ =	swait.ge @!p0 [sflag:s0], s1  }
0x1c2: {  	s1 =	ssub.s32 @!p0 $0x0, s1;
	[sflag:s0] =	ssyncset.done @!p0 $0x0  }
0x1c3: {  	[sflag:s0] =	ssyncadd.s32 @!p0 s1  }
0x1c4: {  	[bflag:$0x3] =	sbarrier.arrive $0xFFFF  }
0x1c5: {  	_ =	shalt  }

// kernel: kernel.13.cloned.1.call-start
scs
__scs_entry_jumppad:
0x0: {  	(pc) =	sbr.rel $0x88, $3  }
0x1: {  	(tag) =	ssettag $0x0;
	lr =	simm.s32 $0x1  }
0x2: {  	[smem:$0x3F80] =	sst lr;
	_ =	strace $0xD0000000  }
0x3: {  	_ = 	snop  }
0x4: {  	_ = 	snop  }
0x5: {  	_ = 	snop  }
0x6: {  	_ = 	snop  }
0x7: {  	_ = 	snop  }
__scs_overlays_trampoline_lowered:
0x8: {  	[smem:$0x3F8F] =	sst s0  }
0x9: {  	[smem:$0x3F90] =	sst s1  }
0xa: {  	[smem:$0x3F91] =	sst s2  }
0xb: {  	[smem:$0x3F92] =	sst s3  }
0xc: {  	[smem:$0x3F93] =	sst s4  }
0xd: {  	[smem:$0x3F94] =	sst s5  }
0xe: {  	[smem:$0x3F95] =	sst s6  }
0xf: {  	[smem:$0x3F96] =	sst s7  }
0x10: {  	[smem:$0x3F97] =	sst s8  }
0x11: {  	[smem:$0x3F98] =	sst s9;
	s0 =	simm.s32 @!p0 $0x0  }
0x12: {  	s1 =	sld [smem:$0x3F7E];
	s0 =	simm.s32 @p0 $0x1  }
0x13: {  	[smem:$0x3F99] =	sst s0;
	s0 =	simm.s32 @!p1 $0x0  }
0x14: {  	s2 =	sld [smem:$0x3F7D];
	s0 =	simm.s32 @p1 $0x1  }
0x15: {  	[smem:$0x3F9A] =	sst s0;
	s0 =	simm.s32 @!p2 $0x0  }
0x16: {  	s3 =	sld [smem:$0x3FDB];
	s0 =	simm.s32 @p2 $0x1  }
0x17: {  	s4 =	simm.s32 $0x1BF5;
	[smem:$0x3F9C] =	sst s0  }
0x18: {  	s0 =	sld [smem:$0x3F7F];
	_ =	swait.ge [sflag:s4], $0x0  }
0x19: {  	s7 =	sld [smem:$0x3F80]  }
0x1a: {  	s8 =	sadd.s32 $0xFFFFE003, lr  }
0x1b: {  	s9 =	sadd.s32 $0xFFFFFEF7, lr;
	s5 =	simm.s32 $0xFFFFFFFF;
	p2 =	slt.u32 s8, $0xFFFFF086  }
0x1c: {  	p1 =	slt.u32 s9, $0xF7A;
	s5 =	simm.s32 @!p2 $0x0  }
0x1d: {  	s5 =	simm.s32 @p1 $0x1;
	p0 =	seq.s32 s7, s2  }
0x1e: {  	s7 =	smul.u32 @!p0 $0xF7A, s2;
	p2 =	seq.s32 @!p0 s5, $0x0  }
0x1f: {  	s9 =	smul.u32 $0xF7A, s1;
	s8 =	simm.s32 @!p0 $0x1BF5;
	p2 =	por !p2, p0  }
0x20: {  	[sflag:s8] =	ssyncset.s32 @!p0 $0xFFFFF086;
	s6 =	sadd.s32 @!p0 s3, s7;
	s7 =	simm.s32 @!p0 $0x108  }
0x21: {  	s3 =	sadd.s32 s3, s9;
	s6 =	sadd.s32 @!p0 $0x88, s6;
	s7 =	simm.s32 @p2 $0x1082  }
0x22: {  	[simem:s7], [sflag:s8] =	dma.local @!p0 [hbm:s6], $0xF7A  }
0x23: {  	s9 =	sor.u32 $0xD0000000, s2;
	s6 =	simm.s32 $0x108;
	_ =	swait.ge @!p0 [sflag:s8], $0x0  }
0x24: {  	s3 =	sadd.s32 $0x88, s3;
	s6 =	simm.s32 @!p1 $0x1082;
	[sflag:s4] =	ssyncset.s32 $0xFFFFF086  }
0x25: {  	[simem:s6], [sflag:s4] =	dma.local [hbm:s3], $0xF7A  }
0x26: {  	[smem:$0x3F80] =	sst s1;
	(tag) =	ssettag s2;
	_ =	strace s9  }
0x27: {  	s1 =	sld [smem:$0x3F90]  }
0x28: {  	s2 =	sld [smem:$0x3F91]  }
0x29: {  	s4 =	sld [smem:$0x3F93]  }
0x2a: {  	p0 =	seq.s32 s5, $0x0;
	s5 =	sld [smem:$0x3F94]  }
0x2b: {  	s6 =	sld [smem:$0x3F95]  }
0x2c: {  	s7 =	sld [smem:$0x3F96]  }
0x2d: {  	s3 =	simm.s32 $0x108;
	s8 =	sld [smem:$0x3F97]  }
0x2e: {  	s3 =	simm.s32 @!p0 $0x1082;
	s9 =	sld [smem:$0x3F98]  }
0x2f: {  	lr =	sadd.s32 s0, s3;
	s0 =	sld [smem:$0x3F8F]  }
0x30: {  	s3 =	sld [smem:$0x3F92]  }
0x31: {  	[smem:$0x3F9B] =	sst s10  }
0x32: {  	s10 =	sld [smem:$0x3F99];
	_ =	sdelay $0x3  }
0x33: {  	p0 =	seq.s32 s10, $0x1;
	s10 =	sld [smem:$0x3F9B];
	_ =	sdelay $0x3  }
0x34: {  	[smem:$0x3F9B] =	sst s10  }
0x35: {  	s10 =	sld [smem:$0x3F9A];
	_ =	sdelay $0x3  }
0x36: {  	p1 =	seq.s32 s10, $0x1;
	s10 =	sld [smem:$0x3F9B];
	_ =	sdelay $0x3  }
0x37: {  	[smem:$0x3F9B] =	sst s10  }
0x38: {  	s10 =	sld [smem:$0x3F9C]  }
0x39: {  	_ = 	snop;
	(pc) =	sbr.ind lr, $3  }
0x3a: {  	_ = 	snop  }
0x3b: {  	_ = 	snop  }
0x3c: {  	p2 =	seq.s32 s10, $0x1;
	s10 =	sld [smem:$0x3F9B]  }
0x3d: {  	_ =	shalt  }
0x3e: {  	_ =	shalt  }
0x3f: {  	_ =	shalt  }
0x40: {  	_ =	shalt  }
0x41: {  	_ =	shalt  }
0x42: {  	_ =	shalt  }
0x43: {  	_ =	shalt  }
0x44: {  	_ =	shalt  }
0x45: {  	_ =	shalt  }
0x46: {  	_ =	shalt  }
0x47: {  	_ =	shalt  }
0x48: {  	_ =	shalt  }
0x49: {  	_ =	shalt  }
0x4a: {  	_ =	shalt  }
0x4b: {  	_ =	shalt  }
0x4c: {  	_ =	shalt  }
0x4d: {  	_ =	shalt  }
0x4e: {  	_ =	shalt  }
0x4f: {  	_ =	shalt  }
0x50: {  	_ =	shalt  }
0x51: {  	_ =	shalt  }
0x52: {  	_ =	shalt  }
0x53: {  	_ =	shalt  }
0x54: {  	_ =	shalt  }
0x55: {  	_ =	shalt  }
0x56: {  	_ =	shalt  }
0x57: {  	_ =	shalt  }
0x58: {  	_ =	shalt  }
0x59: {  	_ =	shalt  }
0x5a: {  	_ =	shalt  }
0x5b: {  	_ =	shalt  }
0x5c: {  	_ =	shalt  }
0x5d: {  	_ =	shalt  }
0x5e: {  	_ =	shalt  }
0x5f: {  	_ =	shalt  }
0x60: {  	_ =	shalt  }
0x61: {  	_ =	shalt  }
0x62: {  	_ =	shalt  }
0x63: {  	_ =	shalt  }
0x64: {  	_ =	shalt  }
0x65: {  	_ =	shalt  }
0x66: {  	_ =	shalt  }
0x67: {  	_ =	shalt  }
0x68: {  	_ =	shalt  }
0x69: {  	_ =	shalt  }
0x6a: {  	_ =	shalt  }
0x6b: {  	_ =	shalt  }
0x6c: {  	_ =	shalt  }
0x6d: {  	_ =	shalt  }
0x6e: {  	_ =	shalt  }
0x6f: {  	_ =	shalt  }
0x70: {  	_ =	shalt  }
0x71: {  	_ =	shalt  }
0x72: {  	_ =	shalt  }
0x73: {  	_ =	shalt  }
0x74: {  	_ =	shalt  }
0x75: {  	_ =	shalt  }
0x76: {  	_ =	shalt  }
0x77: {  	_ =	shalt  }
0x78: {  	_ =	shalt  }
0x79: {  	_ =	shalt  }
0x7a: {  	_ =	shalt  }
0x7b: {  	_ =	shalt  }
0x7c: {  	_ =	shalt  }
0x7d: {  	_ =	shalt  }
0x7e: {  	_ =	shalt  }
0x7f: {  	_ =	shalt  }
0x80: {  	_ =	shalt  }
0x81: {  	_ =	shalt  }
0x82: {  	_ =	shalt  }
0x83: {  	_ =	shalt  }
0x84: {  	_ =	shalt  }
0x85: {  	_ =	shalt  }
0x86: {  	_ =	shalt  }
0x87: {  	_ =	shalt  }
.Lfunc_end0:
.L_simem_size_0:
called_computation.1_lowered:
.L_overlay_start_0:
0x88: {  	s2 =	sld [smem:$0x3FD9]  }
0x89: {  	s3 =	sld [smem:$0x3FFE];
	_ =	sdelay $0x1  }
0x8a: {  	s1 =	srdreg.scid  }
0x8b: {  	s0 =	sand.u32 $0x1, s1  }
0x8c: {  	s16 =	sshll.u32 s0, $0xA;
	s2 =	sadd.s32 s3, s2  }
0x8d: {  	s2 =	sadd.s32 s2, s16  }
0x8e: {  	[smem:$0x3FA7] =	sst s2  }
0x8f: {  	_ = 	snop  }
0x90: {  	(tm) =	ssettm $0x1  }
0x91: {  	s17 =	sld [smem:$0x3FFB];
	_ =	sdelay $0x3  }
0x92: {  	_ =	strace s17  }
0x93: {  	s2 =	sld [smem:$0x3FFC];
	_ =	sdelay $0x3  }
0x94: {  	_ =	strace s2  }
0x95: {  	s2 =	sld [smem:$0x3FFD];
	_ =	sdelay $0x3  }
0x96: {  	_ =	strace s2  }
0x97: {  	_ =	strace $0x8FFFFFFF  }
0x98: {  	s18 =	sld [smem:$0x3FDB];
	_ =	sdelay $0x1  }
0x99: {  	s19 =	simm.s32 $_scs_section_size  }
0x9a: {  	s4 =	simm.s32 $_size__tile_overlayer_lowered;
	s5 =	simm.s32 $_tile_overlayer_lowered  }
0x9b: {  	s22 =	simm.s32 $0x1BFF;
	s21 =	sshll.u32 s5, $0x1;
	s2 =	sadd.s32 s19, s18  }
0x9c: {  	s6 =	simm.s32 $0x0;
	s20 =	sshll.u32 s4, $0x1;
	s4 =	sadd.s32 s21, s2  }
0x9d: {  	[timem:s6], [sflag:s22] =	dma.local [hbm:s4], s20  }
0x9e: {  	_ =	swait.ge [sflag:s22], s20  }
0x9f: {  	s3 =	ssub.s32 $0x0, s20;
	[sflag:s22] =	ssyncset.done $0x0  }
0xa0: {  	[sflag:s22] =	ssyncadd.s32 s3;
	_ =	sdelay $0x1  }
0xa1: {  	s23 =	simm.s32 $0x1B8B  }
0xa2: {  	_ =	swait.ge [sflag:s23], $0x1  }
0xa3: {  	[sflag:s23] =	ssyncset.done $0x0  }
0xa4: {  	s25 =	simm.s32 $0x1B8E;
	s24 =	sld [smem:$0x3FFE];
	[sflag:s23] =	ssyncadd.s32 $0xFFFFFFFF  }
0xa5: {  	s26 =	simm.s32 $execute0_lowered;
	[smem:$0x3FD2] =	sst s25  }
0xa6: {  	s4 =	sshll.u32 s26, $0x1;
	_ =	strace $0x80000049;
	[dreg:$0x1] =	wrdreg $0xFFFFFFFF  }
0xa7: {  	s28 =	simm.s32 $_size_execute0_lowered;
	s2 =	sadd.s32 s2, s4;
	[dreg:$0x0] =	wrdreg $0x0  }
0xa8: {  	s4 =	sshll.u32 s28, $0x1;
	[dreg:$0x2] =	wrdreg s2  }
0xa9: {  	[dreg:$0x3] =	wrdreg s4  }
0xaa: {  	[dreg:$0x4] =	wrdreg $0xC0  }
0xab: {  	_ =	task [dreg:s6], $0x5FFFF  }
0xac: {  	[dreg:$0x1] =	wrdreg $0xFFFFFFFF  }
0xad: {  	[dreg:$0x0] =	wrdreg $0x60  }
0xae: {  	[dreg:$0x2] =	wrdreg s24  }
0xaf: {  	[dreg:$0x3] =	wrdreg $0x9  }
0xb0: {  	_ =	task.clear_ibuf [dreg:s6], $0x4FFFF;
	_ =	strace $0x90000049  }
0xb1: {  	s29 =	simm.s32 $0x9;
	_ =	strace $0x8000004B  }
0xb2: {  	_ =	swait.ge [sflag:s29], $0x1  }
0xb3: {  	[sflag:s29] =	ssyncadd.s32 $0xFFFFFFFF  }
0xb4: {  	_ =	strace $0x9000004B  }
0xb5: {  	_ =	sfence  }
0xb6: {  	s30 =	sld [smem:$0x0];
	_ =	sdelay $0x2  }
0xb7: {  	s31 =	sshll.u32 s1, $0xD;
	s1 =	sshrl.u32 s1, $0x2  }
0xb8: {  	s3 =	sand.u32 $0x4000, s31;
	s1 =	sadd.s32 s1, s30  }
0xb9: {  	s0 =	sor.u32 s3, s0;
	s1 =	sshll.u32 s1, $0x11  }
0xba: {  	s0 =	sor.u32 s1, s0  }
0xbb: {  	s0 =	sadd.s32 $0x8F2B, s0  }
0xbc: {  	[sflag:s0] =	ssyncadd.remote.s32 $0x1  }
0xbd: {  	_ =	sfence.sel $0xFFFF  }
0xbe: {  	[dreg:$0x0] =	wrdreg $0xFFFFFFFF;
	(pc) =	sbr.abs _section_cstart, $3  }
0xbf: {  	[dreg:$0x1] =	wrdreg $0xFFFFFFFF  }
0xc0: {  	_ =	task.clear_ibuf [dreg:s6], $0x2FFFF;
	_ =	strace $0x9FFFFFFF  }
0xc1: {  	(tm) =	ssettm $0x7FFFFFFF  }
tec
execute0_lowered:
.L_overlay_start_1:
0x0: {  	(tag) =	ssettag $0x1  }
0x1: {  	s0 =	srdreg.scid  }
0x2: {  	s1 =	stileid.u32;
	s0 =	sand.u32 $0x1, s0  }
0x3: {  	s3 =	rddreg [dreg:$0x0];
	s1 =	sshll.u32 s1, $0xC;
	s2 =	sshll.u32 s0, $0xB  }
0x4: {  	s31 =	simm.s32 $0x9;
	s1 =	sor.u32 s2, s1;
	s2 =	simm.s32 $0x0  }
0x5: {  	s26 =	simm.s32 $0x100;
	s4 =	sshrl.u32 s1, $0x3;
	[smem:$0x7FF] =	sst s2  }
0x6: {  	s1 =	sshll.u32 s1, $0x4;
	s4 =	sadd.s32 s4, s3;
	_ =	strace $0x8000004A  }
0x7: {  	s1 =	sadd.s32 s1, s3;
	[dreg:$0x13] =	wrdreg s26;
	s4 =	sadd.s32 $0x5600, s4  }
0x8: {  	s10 =	simm.s32 $0x4800;
	s11 =	sadd.s32 $0x17600, s1;
	[dreg:$0x2] =	wrdreg s4  }
0x9: {  	s8 =	simm.s32 $0x8800;
	s12 =	sadd.s32 $0x17E00, s1;
	[dreg:$0x3] =	wrdreg s11  }
0xa: {  	s30 =	simm.s32 $0x180;
	s13 =	sadd.s32 $0x18600, s1;
	[dreg:$0x4] =	wrdreg s12  }
0xb: {  	s7 =	simm.s32 $0xC800;
	s14 =	sadd.s32 $0x18E00, s1;
	[dreg:$0x5] =	wrdreg s13  }
0xc: {  	s29 =	simm.s32 $0x200;
	s15 =	sadd.s32 $0x19600, s1;
	[dreg:$0x6] =	wrdreg s14  }
0xd: {  	s28 =	simm.s32 $0x280;
	s16 =	sadd.s32 $0x19E00, s1;
	[dreg:$0x7] =	wrdreg s15  }
0xe: {  	s6 =	simm.s32 $0x7;
	s17 =	sadd.s32 $0x1A600, s1;
	[dreg:$0x8] =	wrdreg s16  }
0xf: {  	p0 =	por $0x0, $0x0;
	s18 =	sadd.s32 $0x1AE00, s1;
	[dreg:$0x9] =	wrdreg s17  }
0x10: {  	s9 =	sadd.s32 $0x7600, s3;
	s19 =	sadd.s32 $0x1B600, s1;
	[dreg:$0xa] =	wrdreg s18  }
0x11: {  	s0 =	ssub.s32 $0x2, s0;
	s20 =	sadd.s32 $0x1BE00, s1;
	[dreg:$0xb] =	wrdreg s19  }
0x12: {  	s5 =	sshrl.u32 s0, $0x1;
	s21 =	sadd.s32 $0x1C600, s1;
	[dreg:$0xc] =	wrdreg s20  }
0x13: {  	s0 =	ssub.s32 s0, s5;
	s22 =	sadd.s32 $0x1CE00, s1;
	[dreg:$0xd] =	wrdreg s21  }
0x14: {  	s5 =	simm.s32 $0x6;
	s23 =	sadd.s32 $0x1D600, s1;
	[dreg:$0xe] =	wrdreg s22  }
0x15: {  	s0 =	smax.u32 s0, $0x1;
	s24 =	sadd.s32 $0x1DE00, s1;
	[dreg:$0xf] =	wrdreg s23  }
0x16: {  	s26 =	simm.s32 $0x300;
	s25 =	sadd.s32 $0x1E600, s1;
	[dreg:$0x10] =	wrdreg s24  }
0x17: {  	s3 =	simm.s32 $0x8;
	s1 =	sadd.s32 $0x1EE00, s1;
	[dreg:$0x11] =	wrdreg s25  }
0x18: {  	p1 =	sne.s32 s0, $0x1;
	[dreg:$0x12] =	wrdreg s1;
	s11 =	simm.s32 $0x80  }
0x19: {  	s15 =	simm.s32 $0x800;
	s16 =	simm.s32 $0x1;
	s14 =	simm.s32 $0x2  }
.Ltmp0:
0x1a: {  	s4 =	simm.s32 $0x5;
	s13 =	simm.s32 $0x3;
	(pc) =	sbr.rel @!p1 .LBB2_3-.Ltmp0, $4  }
0x1b: {  	s12 =	simm.s32 $0x4;
	s25 =	simm.s32 $0x380;
	s24 =	simm.s32 $0x400  }
0x1c: {  	s23 =	simm.s32 $0x480;
	s1 =	sadd.s32 $0xFFFFFFFF, s0;
	s22 =	simm.s32 $0x500  }
0x1d: {  	s21 =	simm.s32 $0x580;
	s20 =	simm.s32 $0x600;
	s19 =	simm.s32 $0x680  }
0x1e: {  	s18 =	simm.s32 $0x700;
	s17 =	simm.s32 $0x780;
	s0 =	rddreg [dreg:$0x2]  }
0x1f: {  	[tilespmem:s2], [sflag:$0x9] =	stream.linear.gather [hbm4b:s0+s2], $0x800, $0x38;
	[tilespmem:$0x10800] =	vst v63  }
0x20: {  	_ =	swait.ge [sflag:s31], $0x800  }
0x21: {  	[sflag:s31] =	ssyncset.done $0x0  }
0x22: {  	[sflag:s31] =	ssyncadd.s32 $0xFFFFF800  }
0x23: {  	[tilespmem:s15], [sflag:$0x1] =	stream.indirect.gather [hbm4b:s9+s11], $0x80, s2, s11, $0xb8;
	[tilespmem:$0x10800] =	vst v63  }
0x24: {  	_ = 	snop  }
0x25: {  	[tilespmem:s10], [sflag:$0x2] =	stream.indirect.gather [hbm4b:s9+s11], $0x80, s11, s11, $0xb8;
	[tilespmem:$0x10800] =	vst v63  }
0x26: {  	s0 =	rddreg [dreg:$0x13]  }
0x27: {  	[tilespmem:s8], [sflag:$0x3] =	stream.indirect.gather [hbm4b:s9+s11], $0x80, s0, s11, $0xb8;
	[tilespmem:$0x10800] =	vst v63  }
0x28: {  	_ =	swait.ge [sflag:s16], $0x4000  }
0x29: {  	[sflag:s16] =	ssyncset.done $0x0  }
0x2a: {  	s0 =	rddreg [dreg:$0x3];
	[sflag:s16] =	ssyncadd.s32 $0xFFFFC000  }
0x2b: {  	[hbm4b:s0+s2] =	stream.linear.scatter [tilespmem:s15], [sflag:$0x5], $0x4000, $0x38;
	[tilespmem:$0x10800] =	vst v63  }
0x2c: {  	_ = 	snop  }
0x2d: {  	[tilespmem:s7], [sflag:$0x4] =	stream.indirect.gather [hbm4b:s9+s11], $0x80, s30, s11, $0xb8;
	[tilespmem:$0x10800] =	vst v63  }
0x2e: {  	_ =	swait.ge [sflag:s14], $0x4000  }
0x2f: {  	[sflag:s14] =	ssyncset.done $0x0  }
0x30: {  	s0 =	rddreg [dreg:$0x4];
	[sflag:s14] =	ssyncadd.s32 $0xFFFFC000  }
0x31: {  	[hbm4b:s0+s2] =	stream.linear.scatter [tilespmem:s10], [sflag:$0x6], $0x4000, $0x38;
	[tilespmem:$0x10800] =	vst v63  }
0x32: {  	_ =	swait.ge [sflag:s4], $0x4000  }
0x33: {  	[sflag:s4] =	ssyncset.done $0x0  }
0x34: {  	[sflag:s4] =	ssyncadd.s32 $0xFFFFC000  }
0x35: {  	[tilespmem:s15], [sflag:$0x1] =	stream.indirect.gather [hbm4b:s9+s11], $0x80, s29, s11, $0xb8;
	[tilespmem:$0x10800] =	vst v63  }
0x36: {  	_ =	swait.ge [sflag:s13], $0x4000  }
0x37: {  	[sflag:s13] =	ssyncset.done $0x0  }
0x38: {  	s0 =	rddreg [dreg:$0x5];
	[sflag:s13] =	ssyncadd.s32 $0xFFFFC000  }
0x39: {  	[hbm4b:s0+s2] =	stream.linear.scatter [tilespmem:s8], [sflag:$0x7], $0x4000, $0x38;
	[tilespmem:$0x10800] =	vst v63  }
0x3a: {  	_ =	swait.ge [sflag:s5], $0x4000  }
0x3b: {  	[sflag:s5] =	ssyncset.done $0x0  }
0x3c: {  	[sflag:s5] =	ssyncadd.s32 $0xFFFFC000  }
0x3d: {  	[tilespmem:s10], [sflag:$0x2] =	stream.indirect.gather [hbm4b:s9+s11], $0x80, s28, s11, $0xb8;
	[tilespmem:$0x10800] =	vst v63  }
0x3e: {  	_ =	swait.ge [sflag:s12], $0x4000  }
0x3f: {  	[sflag:s12] =	ssyncset.done $0x0  }
0x40: {  	s0 =	rddreg [dreg:$0x6];
	[sflag:s12] =	ssyncadd.s32 $0xFFFFC000  }
0x41: {  	[hbm4b:s0+s2] =	stream.linear.scatter [tilespmem:s7], [sflag:$0x8], $0x4000, $0x38;
	[tilespmem:$0x10800] =	vst v63  }
0x42: {  	_ =	swait.ge [sflag:s6], $0x4000  }
0x43: {  	[sflag:s6] =	ssyncset.done $0x0  }
0x44: {  	[sflag:s6] =	ssyncadd.s32 $0xFFFFC000  }
0x45: {  	[tilespmem:s8], [sflag:$0x3] =	stream.indirect.gather [hbm4b:s9+s11], $0x80, s26, s11, $0xb8;
	[tilespmem:$0x10800] =	vst v63  }
0x46: {  	_ =	swait.ge [sflag:s16], $0x4000  }
0x47: {  	[sflag:s16] =	ssyncset.done $0x0  }
0x48: {  	s0 =	rddreg [dreg:$0x7];
	[sflag:s16] =	ssyncadd.s32 $0xFFFFC000  }
0x49: {  	[hbm4b:s0+s2] =	stream.linear.scatter [tilespmem:s15], [sflag:$0x5], $0x4000, $0x38;
	[tilespmem:$0x10800] =	vst v63  }
0x4a: {  	_ =	swait.ge [sflag:s3], $0x4000  }
0x4b: {  	[sflag:s3] =	ssyncset.done $0x0  }
0x4c: {  	[sflag:s3] =	ssyncadd.s32 $0xFFFFC000  }
0x4d: {  	[tilespmem:s7], [sflag:$0x4] =	stream.indirect.gather [hbm4b:s9+s11], $0x80, s25, s11, $0xb8;
	[tilespmem:$0x10800] =	vst v63  }
0x4e: {  	_ =	swait.ge [sflag:s14], $0x4000  }
0x4f: {  	[sflag:s14] =	ssyncset.done $0x0  }
0x50: {  	s0 =	rddreg [dreg:$0x8];
	[sflag:s14] =	ssyncadd.s32 $0xFFFFC000  }
0x51: {  	[hbm4b:s0+s2] =	stream.linear.scatter [tilespmem:s10], [sflag:$0x6], $0x4000, $0x38;
	[tilespmem:$0x10800] =	vst v63  }
0x52: {  	_ =	swait.ge [sflag:s4], $0x4000  }
0x53: {  	[sflag:s4] =	ssyncset.done $0x0  }
0x54: {  	[sflag:s4] =	ssyncadd.s32 $0xFFFFC000  }
0x55: {  	[tilespmem:s15], [sflag:$0x1] =	stream.indirect.gather [hbm4b:s9+s11], $0x80, s24, s11, $0xb8;
	[tilespmem:$0x10800] =	vst v63  }
0x56: {  	_ =	swait.ge [sflag:s13], $0x4000  }
0x57: {  	[sflag:s13] =	ssyncset.done $0x0  }
0x58: {  	s0 =	rddreg [dreg:$0x9];
	[sflag:s13] =	ssyncadd.s32 $0xFFFFC000  }
0x59: {  	[hbm4b:s0+s2] =	stream.linear.scatter [tilespmem:s8], [sflag:$0x7], $0x4000, $0x38;
	[tilespmem:$0x10800] =	vst v63  }
0x5a: {  	_ =	swait.ge [sflag:s5], $0x4000  }
0x5b: {  	[sflag:s5] =	ssyncset.done $0x0  }
0x5c: {  	[sflag:s5] =	ssyncadd.s32 $0xFFFFC000  }
0x5d: {  	[tilespmem:s10], [sflag:$0x2] =	stream.indirect.gather [hbm4b:s9+s11], $0x80, s23, s11, $0xb8;
	[tilespmem:$0x10800] =	vst v63  }
0x5e: {  	_ =	swait.ge [sflag:s12], $0x4000  }
0x5f: {  	[sflag:s12] =	ssyncset.done $0x0  }
0x60: {  	s0 =	rddreg [dreg:$0xa];
	[sflag:s12] =	ssyncadd.s32 $0xFFFFC000  }
0x61: {  	[hbm4b:s0+s2] =	stream.linear.scatter [tilespmem:s7], [sflag:$0x8], $0x4000, $0x38;
	[tilespmem:$0x10800] =	vst v63  }
0x62: {  	_ =	swait.ge [sflag:s6], $0x4000  }
0x63: {  	[sflag:s6] =	ssyncset.done $0x0  }
0x64: {  	[sflag:s6] =	ssyncadd.s32 $0xFFFFC000  }
0x65: {  	[tilespmem:s8], [sflag:$0x3] =	stream.indirect.gather [hbm4b:s9+s11], $0x80, s22, s11, $0xb8;
	[tilespmem:$0x10800] =	vst v63  }
0x66: {  	_ =	swait.ge [sflag:s16], $0x4000  }
0x67: {  	[sflag:s16] =	ssyncset.done $0x0  }
0x68: {  	s0 =	rddreg [dreg:$0xb];
	[sflag:s16] =	ssyncadd.s32 $0xFFFFC000  }
0x69: {  	[hbm4b:s0+s2] =	stream.linear.scatter [tilespmem:s15], [sflag:$0x5], $0x4000, $0x38;
	[tilespmem:$0x10800] =	vst v63  }
0x6a: {  	_ =	swait.ge [sflag:s3], $0x4000  }
0x6b: {  	[sflag:s3] =	ssyncset.done $0x0  }
0x6c: {  	[sflag:s3] =	ssyncadd.s32 $0xFFFFC000  }
0x6d: {  	[tilespmem:s7], [sflag:$0x4] =	stream.indirect.gather [hbm4b:s9+s11], $0x80, s21, s11, $0xb8;
	[tilespmem:$0x10800] =	vst v63  }
0x6e: {  	_ =	swait.ge [sflag:s14], $0x4000  }
0x6f: {  	[sflag:s14] =	ssyncset.done $0x0  }
0x70: {  	s0 =	rddreg [dreg:$0xc];
	[sflag:s14] =	ssyncadd.s32 $0xFFFFC000  }
0x71: {  	[hbm4b:s0+s2] =	stream.linear.scatter [tilespmem:s10], [sflag:$0x6], $0x4000, $0x38;
	[tilespmem:$0x10800] =	vst v63  }
0x72: {  	_ =	swait.ge [sflag:s4], $0x4000  }
0x73: {  	[sflag:s4] =	ssyncset.done $0x0  }
0x74: {  	[sflag:s4] =	ssyncadd.s32 $0xFFFFC000  }
0x75: {  	[tilespmem:s15], [sflag:$0x1] =	stream.indirect.gather [hbm4b:s9+s11], $0x80, s20, s11, $0xb8;
	[tilespmem:$0x10800] =	vst v63  }
0x76: {  	_ =	swait.ge [sflag:s13], $0x4000  }
0x77: {  	[sflag:s13] =	ssyncset.done $0x0  }
0x78: {  	s0 =	rddreg [dreg:$0xd];
	[sflag:s13] =	ssyncadd.s32 $0xFFFFC000  }
0x79: {  	[hbm4b:s0+s2] =	stream.linear.scatter [tilespmem:s8], [sflag:$0x7], $0x4000, $0x38;
	[tilespmem:$0x10800] =	vst v63  }
0x7a: {  	_ =	swait.ge [sflag:s5], $0x4000  }
0x7b: {  	[sflag:s5] =	ssyncset.done $0x0  }
0x7c: {  	[sflag:s5] =	ssyncadd.s32 $0xFFFFC000  }
0x7d: {  	[tilespmem:s10], [sflag:$0x2] =	stream.indirect.gather [hbm4b:s9+s11], $0x80, s19, s11, $0xb8;
	[tilespmem:$0x10800] =	vst v63  }
0x7e: {  	_ =	swait.ge [sflag:s12], $0x4000  }
0x7f: {  	[sflag:s12] =	ssyncset.done $0x0  }
0x80: {  	s0 =	rddreg [dreg:$0xe];
	[sflag:s12] =	ssyncadd.s32 $0xFFFFC000  }
0x81: {  	[hbm4b:s0+s2] =	stream.linear.scatter [tilespmem:s7], [sflag:$0x8], $0x4000, $0x38;
	[tilespmem:$0x10800] =	vst v63  }
0x82: {  	_ =	swait.ge [sflag:s6], $0x4000  }
0x83: {  	[sflag:s6] =	ssyncset.done $0x0  }
0x84: {  	[sflag:s6] =	ssyncadd.s32 $0xFFFFC000  }
0x85: {  	[tilespmem:s8], [sflag:$0x3] =	stream.indirect.gather [hbm4b:s9+s11], $0x80, s18, s11, $0xb8;
	[tilespmem:$0x10800] =	vst v63  }
0x86: {  	_ =	swait.ge [sflag:s16], $0x4000  }
0x87: {  	[sflag:s16] =	ssyncset.done $0x0  }
0x88: {  	s0 =	rddreg [dreg:$0xf];
	[sflag:s16] =	ssyncadd.s32 $0xFFFFC000  }
0x89: {  	[hbm4b:s0+s2] =	stream.linear.scatter [tilespmem:s15], [sflag:$0x5], $0x4000, $0x38;
	[tilespmem:$0x10800] =	vst v63  }
0x8a: {  	_ =	swait.ge [sflag:s3], $0x4000  }
0x8b: {  	[sflag:s3] =	ssyncset.done $0x0  }
0x8c: {  	[sflag:s3] =	ssyncadd.s32 $0xFFFFC000  }
0x8d: {  	[tilespmem:s7], [sflag:$0x4] =	stream.indirect.gather [hbm4b:s9+s11], $0x80, s17, s11, $0xb8;
	[tilespmem:$0x10800] =	vst v63  }
0x8e: {  	_ =	swait.ge [sflag:s14], $0x4000  }
0x8f: {  	[sflag:s14] =	ssyncset.done $0x0  }
0x90: {  	s0 =	rddreg [dreg:$0x10];
	[sflag:s14] =	ssyncadd.s32 $0xFFFFC000  }
0x91: {  	[hbm4b:s0+s2] =	stream.linear.scatter [tilespmem:s10], [sflag:$0x6], $0x4000, $0x38;
	[tilespmem:$0x10800] =	vst v63  }
0x92: {  	_ =	swait.ge [sflag:s13], $0x4000  }
0x93: {  	[sflag:s13] =	ssyncset.done $0x0  }
0x94: {  	s0 =	rddreg [dreg:$0x11];
	[sflag:s13] =	ssyncadd.s32 $0xFFFFC000  }
0x95: {  	[hbm4b:s0+s2] =	stream.linear.scatter [tilespmem:s8], [sflag:$0x7], $0x4000, $0x38;
	[tilespmem:$0x10800] =	vst v63  }
0x96: {  	_ =	swait.ge [sflag:s12], $0x4000  }
0x97: {  	[sflag:s12] =	ssyncset.done $0x0  }
0x98: {  	s0 =	rddreg [dreg:$0x12];
	[sflag:s12] =	ssyncadd.s32 $0xFFFFC000  }
0x99: {  	[hbm4b:s0+s2] =	stream.linear.scatter [tilespmem:s7], [sflag:$0x8], $0x4000, $0x38;
	[tilespmem:$0x10800] =	vst v63  }
0x9a: {  	_ =	swait.ge [sflag:s4], $0x4000  }
0x9b: {  	[sflag:s4] =	ssyncset.done $0x0  }
0x9c: {  	[sflag:s4] =	ssyncadd.s32 $0xFFFFC000  }
0x9d: {  	_ =	swait.ge [sflag:s5], $0x4000  }
0x9e: {  	[sflag:s5] =	ssyncset.done $0x0  }
0x9f: {  	p1 =	sne.s32 s1, $0x1;
	[sflag:s5] =	ssyncadd.s32 $0xFFFFC000  }
.Ltmp1:
0xa0: {  	_ =	swait.ge [sflag:s6], $0x4000;
	(pc) =	sbr.rel @!p1 .LBB2_3-.Ltmp1, $4  }
0xa1: {  	[sflag:s6] =	ssyncset.done $0x0  }
0xa2: {  	[sflag:s6] =	ssyncadd.s32 $0xFFFFC000  }
0xa3: {  	s1 =	sadd.s32 $0xFFFFFFFF, s1;
	_ =	swait.ge [sflag:s3], $0x4000  }
0xa4: {  	p0 =	por $0x1, $0x1;
	s0 =	rddreg [dreg:$0x2];
	[sflag:s3] =	ssyncset.done $0x0  }
.LBB2_2:
0xa5: {  	[sflag:s3] =	ssyncadd.s32 $0xFFFFC000  }
0xa6: {  	[tilespmem:s2], [sflag:$0x9] =	stream.linear.gather [hbm4b:s0+s2], $0x800, $0x38;
	[tilespmem:$0x10800] =	vst v63  }
0xa7: {  	_ =	swait.ge [sflag:s31], $0x800  }
0xa8: {  	[sflag:s31] =	ssyncset.done $0x0  }
0xa9: {  	[sflag:s31] =	ssyncadd.s32 $0xFFFFF800  }
0xaa: {  	[tilespmem:s15], [sflag:$0x1] =	stream.indirect.gather [hbm4b:s9+s11], $0x80, s2, s11, $0xb8;
	[tilespmem:$0x10800] =	vst v63  }
0xab: {  	_ = 	snop  }
0xac: {  	[tilespmem:s10], [sflag:$0x2] =	stream.indirect.gather [hbm4b:s9+s11], $0x80, s11, s11, $0xb8;
	[tilespmem:$0x10800] =	vst v63  }
0xad: {  	s0 =	rddreg [dreg:$0x13]  }
0xae: {  	[tilespmem:s8], [sflag:$0x3] =	stream.indirect.gather [hbm4b:s9+s11], $0x80, s0, s11, $0xb8;
	[tilespmem:$0x10800] =	vst v63  }
0xaf: {  	_ =	swait.ge [sflag:s16], $0x4000  }
0xb0: {  	[sflag:s16] =	ssyncset.done $0x0  }
0xb1: {  	s0 =	rddreg [dreg:$0x3];
	[sflag:s16] =	ssyncadd.s32 $0xFFFFC000  }
0xb2: {  	[hbm4b:s0+s2] =	stream.linear.scatter [tilespmem:s15], [sflag:$0x5], $0x4000, $0x38;
	[tilespmem:$0x10800] =	vst v63  }
0xb3: {  	_ = 	snop  }
0xb4: {  	[tilespmem:s7], [sflag:$0x4] =	stream.indirect.gather [hbm4b:s9+s11], $0x80, s30, s11, $0xb8;
	[tilespmem:$0x10800] =	vst v63  }
0xb5: {  	_ =	swait.ge [sflag:s14], $0x4000  }
0xb6: {  	[sflag:s14] =	ssyncset.done $0x0  }
0xb7: {  	s0 =	rddreg [dreg:$0x4];
	[sflag:s14] =	ssyncadd.s32 $0xFFFFC000  }
0xb8: {  	[hbm4b:s0+s2] =	stream.linear.scatter [tilespmem:s10], [sflag:$0x6], $0x4000, $0x38;
	[tilespmem:$0x10800] =	vst v63  }
0xb9: {  	_ =	swait.ge [sflag:s4], $0x4000  }
0xba: {  	[sflag:s4] =	ssyncset.done $0x0  }
0xbb: {  	[sflag:s4] =	ssyncadd.s32 $0xFFFFC000  }
0xbc: {  	[tilespmem:s15], [sflag:$0x1] =	stream.indirect.gather [hbm4b:s9+s11], $0x80, s29, s11, $0xb8;
	[tilespmem:$0x10800] =	vst v63  }
0xbd: {  	_ =	swait.ge [sflag:s13], $0x4000  }
0xbe: {  	[sflag:s13] =	ssyncset.done $0x0  }
0xbf: {  	s0 =	rddreg [dreg:$0x5];
	[sflag:s13] =	ssyncadd.s32 $0xFFFFC000  }
0xc0: {  	[hbm4b:s0+s2] =	stream.linear.scatter [tilespmem:s8], [sflag:$0x7], $0x4000, $0x38;
	[tilespmem:$0x10800] =	vst v63  }
0xc1: {  	_ =	swait.ge [sflag:s5], $0x4000  }
0xc2: {  	[sflag:s5] =	ssyncset.done $0x0  }
0xc3: {  	[sflag:s5] =	ssyncadd.s32 $0xFFFFC000  }
0xc4: {  	[tilespmem:s10], [sflag:$0x2] =	stream.indirect.gather [hbm4b:s9+s11], $0x80, s28, s11, $0xb8;
	[tilespmem:$0x10800] =	vst v63  }
0xc5: {  	_ =	swait.ge [sflag:s12], $0x4000  }
0xc6: {  	[sflag:s12] =	ssyncset.done $0x0  }
0xc7: {  	s0 =	rddreg [dreg:$0x6];
	[sflag:s12] =	ssyncadd.s32 $0xFFFFC000  }
0xc8: {  	[hbm4b:s0+s2] =	stream.linear.scatter [tilespmem:s7], [sflag:$0x8], $0x4000, $0x38;
	[tilespmem:$0x10800] =	vst v63  }
0xc9: {  	_ =	swait.ge [sflag:s6], $0x4000  }
0xca: {  	[sflag:s6] =	ssyncset.done $0x0  }
0xcb: {  	[sflag:s6] =	ssyncadd.s32 $0xFFFFC000  }
0xcc: {  	[tilespmem:s8], [sflag:$0x3] =	stream.indirect.gather [hbm4b:s9+s11], $0x80, s26, s11, $0xb8;
	[tilespmem:$0x10800] =	vst v63  }
0xcd: {  	_ =	swait.ge [sflag:s16], $0x4000  }
0xce: {  	[sflag:s16] =	ssyncset.done $0x0  }
0xcf: {  	s0 =	rddreg [dreg:$0x7];
	[sflag:s16] =	ssyncadd.s32 $0xFFFFC000  }
0xd0: {  	[hbm4b:s0+s2] =	stream.linear.scatter [tilespmem:s15], [sflag:$0x5], $0x4000, $0x38;
	[tilespmem:$0x10800] =	vst v63  }
0xd1: {  	_ =	swait.ge [sflag:s3], $0x4000  }
0xd2: {  	[sflag:s3] =	ssyncset.done $0x0  }
0xd3: {  	[sflag:s3] =	ssyncadd.s32 $0xFFFFC000  }
0xd4: {  	[tilespmem:s7], [sflag:$0x4] =	stream.indirect.gather [hbm4b:s9+s11], $0x80, s25, s11, $0xb8;
	[tilespmem:$0x10800] =	vst v63  }
0xd5: {  	_ =	swait.ge [sflag:s14], $0x4000  }
0xd6: {  	[sflag:s14] =	ssyncset.done $0x0  }
0xd7: {  	s0 =	rddreg [dreg:$0x8];
	[sflag:s14] =	ssyncadd.s32 $0xFFFFC000  }
0xd8: {  	[hbm4b:s0+s2] =	stream.linear.scatter [tilespmem:s10], [sflag:$0x6], $0x4000, $0x38;
	[tilespmem:$0x10800] =	vst v63  }
0xd9: {  	_ =	swait.ge [sflag:s4], $0x4000  }
0xda: {  	[sflag:s4] =	ssyncset.done $0x0  }
0xdb: {  	[sflag:s4] =	ssyncadd.s32 $0xFFFFC000  }
0xdc: {  	[tilespmem:s15], [sflag:$0x1] =	stream.indirect.gather [hbm4b:s9+s11], $0x80, s24, s11, $0xb8;
	[tilespmem:$0x10800] =	vst v63  }
0xdd: {  	_ =	swait.ge [sflag:s13], $0x4000  }
0xde: {  	[sflag:s13] =	ssyncset.done $0x0  }
0xdf: {  	s0 =	rddreg [dreg:$0x9];
	[sflag:s13] =	ssyncadd.s32 $0xFFFFC000  }
0xe0: {  	[hbm4b:s0+s2] =	stream.linear.scatter [tilespmem:s8], [sflag:$0x7], $0x4000, $0x38;
	[tilespmem:$0x10800] =	vst v63  }
0xe1: {  	_ =	swait.ge [sflag:s5], $0x4000  }
0xe2: {  	[sflag:s5] =	ssyncset.done $0x0  }
0xe3: {  	[sflag:s5] =	ssyncadd.s32 $0xFFFFC000  }
0xe4: {  	[tilespmem:s10], [sflag:$0x2] =	stream.indirect.gather [hbm4b:s9+s11], $0x80, s23, s11, $0xb8;
	[tilespmem:$0x10800] =	vst v63  }
0xe5: {  	_ =	swait.ge [sflag:s12], $0x4000  }
0xe6: {  	[sflag:s12] =	ssyncset.done $0x0  }
0xe7: {  	s0 =	rddreg [dreg:$0xa];
	[sflag:s12] =	ssyncadd.s32 $0xFFFFC000  }
0xe8: {  	[hbm4b:s0+s2] =	stream.linear.scatter [tilespmem:s7], [sflag:$0x8], $0x4000, $0x38;
	[tilespmem:$0x10800] =	vst v63  }
0xe9: {  	_ =	swait.ge [sflag:s6], $0x4000  }
0xea: {  	[sflag:s6] =	ssyncset.done $0x0  }
0xeb: {  	[sflag:s6] =	ssyncadd.s32 $0xFFFFC000  }
0xec: {  	[tilespmem:s8], [sflag:$0x3] =	stream.indirect.gather [hbm4b:s9+s11], $0x80, s22, s11, $0xb8;
	[tilespmem:$0x10800] =	vst v63  }
0xed: {  	_ =	swait.ge [sflag:s16], $0x4000  }
0xee: {  	[sflag:s16] =	ssyncset.done $0x0  }
0xef: {  	s0 =	rddreg [dreg:$0xb];
	[sflag:s16] =	ssyncadd.s32 $0xFFFFC000  }
0xf0: {  	[hbm4b:s0+s2] =	stream.linear.scatter [tilespmem:s15], [sflag:$0x5], $0x4000, $0x38;
	[tilespmem:$0x10800] =	vst v63  }
0xf1: {  	_ =	swait.ge [sflag:s3], $0x4000  }
0xf2: {  	[sflag:s3] =	ssyncset.done $0x0  }
0xf3: {  	[sflag:s3] =	ssyncadd.s32 $0xFFFFC000  }
0xf4: {  	[tilespmem:s7], [sflag:$0x4] =	stream.indirect.gather [hbm4b:s9+s11], $0x80, s21, s11, $0xb8;
	[tilespmem:$0x10800] =	vst v63  }
0xf5: {  	_ =	swait.ge [sflag:s14], $0x4000  }
0xf6: {  	[sflag:s14] =	ssyncset.done $0x0  }
0xf7: {  	s0 =	rddreg [dreg:$0xc];
	[sflag:s14] =	ssyncadd.s32 $0xFFFFC000  }
0xf8: {  	[hbm4b:s0+s2] =	stream.linear.scatter [tilespmem:s10], [sflag:$0x6], $0x4000, $0x38;
	[tilespmem:$0x10800] =	vst v63  }
0xf9: {  	_ =	swait.ge [sflag:s4], $0x4000  }
0xfa: {  	[sflag:s4] =	ssyncset.done $0x0  }
0xfb: {  	[sflag:s4] =	ssyncadd.s32 $0xFFFFC000  }
0xfc: {  	[tilespmem:s15], [sflag:$0x1] =	stream.indirect.gather [hbm4b:s9+s11], $0x80, s20, s11, $0xb8;
	[tilespmem:$0x10800] =	vst v63  }
0xfd: {  	_ =	swait.ge [sflag:s13], $0x4000  }
0xfe: {  	[sflag:s13] =	ssyncset.done $0x0  }
0xff: {  	s0 =	rddreg [dreg:$0xd];
	[sflag:s13] =	ssyncadd.s32 $0xFFFFC000  }
0x100: {  	[hbm4b:s0+s2] =	stream.linear.scatter [tilespmem:s8], [sflag:$0x7], $0x4000, $0x38;
	[tilespmem:$0x10800] =	vst v63  }
0x101: {  	_ =	swait.ge [sflag:s5], $0x4000  }
0x102: {  	[sflag:s5] =	ssyncset.done $0x0  }
0x103: {  	[sflag:s5] =	ssyncadd.s32 $0xFFFFC000  }
0x104: {  	[tilespmem:s10], [sflag:$0x2] =	stream.indirect.gather [hbm4b:s9+s11], $0x80, s19, s11, $0xb8;
	[tilespmem:$0x10800] =	vst v63  }
0x105: {  	_ =	swait.ge [sflag:s12], $0x4000  }
0x106: {  	[sflag:s12] =	ssyncset.done $0x0  }
0x107: {  	s0 =	rddreg [dreg:$0xe];
	[sflag:s12] =	ssyncadd.s32 $0xFFFFC000  }
0x108: {  	[hbm4b:s0+s2] =	stream.linear.scatter [tilespmem:s7], [sflag:$0x8], $0x4000, $0x38;
	[tilespmem:$0x10800] =	vst v63  }
0x109: {  	_ =	swait.ge [sflag:s6], $0x4000  }
0x10a: {  	[sflag:s6] =	ssyncset.done $0x0  }
0x10b: {  	[sflag:s6] =	ssyncadd.s32 $0xFFFFC000  }
0x10c: {  	[tilespmem:s8], [sflag:$0x3] =	stream.indirect.gather [hbm4b:s9+s11], $0x80, s18, s11, $0xb8;
	[tilespmem:$0x10800] =	vst v63  }
0x10d: {  	_ =	swait.ge [sflag:s16], $0x4000  }
0x10e: {  	[sflag:s16] =	ssyncset.done $0x0  }
0x10f: {  	s0 =	rddreg [dreg:$0xf];
	[sflag:s16] =	ssyncadd.s32 $0xFFFFC000  }
0x110: {  	[hbm4b:s0+s2] =	stream.linear.scatter [tilespmem:s15], [sflag:$0x5], $0x4000, $0x38;
	[tilespmem:$0x10800] =	vst v63  }
0x111: {  	_ =	swait.ge [sflag:s3], $0x4000  }
0x112: {  	[sflag:s3] =	ssyncset.done $0x0  }
0x113: {  	[sflag:s3] =	ssyncadd.s32 $0xFFFFC000  }
0x114: {  	[tilespmem:s7], [sflag:$0x4] =	stream.indirect.gather [hbm4b:s9+s11], $0x80, s17, s11, $0xb8;
	[tilespmem:$0x10800] =	vst v63  }
0x115: {  	_ =	swait.ge [sflag:s14], $0x4000  }
0x116: {  	[sflag:s14] =	ssyncset.done $0x0  }
0x117: {  	s0 =	rddreg [dreg:$0x10];
	[sflag:s14] =	ssyncadd.s32 $0xFFFFC000  }
0x118: {  	[hbm4b:s0+s2] =	stream.linear.scatter [tilespmem:s10], [sflag:$0x6], $0x4000, $0x38;
	[tilespmem:$0x10800] =	vst v63  }
0x119: {  	_ =	swait.ge [sflag:s13], $0x4000  }
0x11a: {  	[sflag:s13] =	ssyncset.done $0x0  }
0x11b: {  	s0 =	rddreg [dreg:$0x11];
	[sflag:s13] =	ssyncadd.s32 $0xFFFFC000  }
0x11c: {  	[hbm4b:s0+s2] =	stream.linear.scatter [tilespmem:s8], [sflag:$0x7], $0x4000, $0x38;
	[tilespmem:$0x10800] =	vst v63  }
0x11d: {  	_ =	swait.ge [sflag:s12], $0x4000  }
0x11e: {  	[sflag:s12] =	ssyncset.done $0x0  }
0x11f: {  	s0 =	rddreg [dreg:$0x12];
	[sflag:s12] =	ssyncadd.s32 $0xFFFFC000  }
0x120: {  	[hbm4b:s0+s2] =	stream.linear.scatter [tilespmem:s7], [sflag:$0x8], $0x4000, $0x38;
	[tilespmem:$0x10800] =	vst v63  }
0x121: {  	_ =	swait.ge [sflag:s4], $0x4000  }
0x122: {  	[sflag:s4] =	ssyncset.done $0x0  }
0x123: {  	[sflag:s4] =	ssyncadd.s32 $0xFFFFC000  }
0x124: {  	_ =	swait.ge [sflag:s5], $0x4000  }
0x125: {  	[sflag:s5] =	ssyncset.done $0x0  }
0x126: {  	p1 =	sne.s32 s1, $0x1;
	[sflag:s5] =	ssyncadd.s32 $0xFFFFC000  }
.Ltmp2:
0x127: {  	_ =	swait.ge [sflag:s6], $0x4000;
	(pc) =	sbr.rel @p1 .LBB2_2-.Ltmp2, $4  }
0x128: {  	[sflag:s6] =	ssyncset.done $0x0  }
0x129: {  	[sflag:s6] =	ssyncadd.s32 $0xFFFFC000  }
0x12a: {  	_ =	swait.ge [sflag:s3], $0x4000  }
0x12b: {  	s1 =	sadd.s32 $0xFFFFFFFF, s1;
	s0 =	rddreg [dreg:$0x2];
	[sflag:s3] =	ssyncset.done $0x0  }
.LBB2_3:
0x12c: {  	[sflag:s3] =	ssyncadd.s32 @p0 $0xFFFFC000  }
0x12d: {  	[tilespmem:s2], [sflag:$0x9] =	stream.linear.gather [hbm4b:s0+s2], $0x800, $0x38;
	[tilespmem:$0x10800] =	vst v63  }
0x12e: {  	_ =	swait.ge [sflag:s31], $0x800  }
0x12f: {  	[sflag:s31] =	ssyncset.done $0x0  }
0x130: {  	[sflag:s31] =	ssyncadd.s32 $0xFFFFF800  }
0x131: {  	[tilespmem:s15], [sflag:$0x1] =	stream.indirect.gather [hbm4b:s9+s11], $0x80, s2, s11, $0xb8;
	[tilespmem:$0x10800] =	vst v63  }
0x132: {  	_ = 	snop  }
0x133: {  	[tilespmem:s10], [sflag:$0x2] =	stream.indirect.gather [hbm4b:s9+s11], $0x80, s11, s11, $0xb8;
	[tilespmem:$0x10800] =	vst v63  }
0x134: {  	s31 =	rddreg [dreg:$0x13]  }
0x135: {  	[tilespmem:s8], [sflag:$0x3] =	stream.indirect.gather [hbm4b:s9+s11], $0x80, s31, s11, $0xb8;
	[tilespmem:$0x10800] =	vst v63  }
0x136: {  	_ =	swait.ge [sflag:s16], $0x4000  }
0x137: {  	[sflag:s16] =	ssyncset.done $0x0  }
0x138: {  	s1 =	rddreg [dreg:$0x3];
	[sflag:s16] =	ssyncadd.s32 $0xFFFFC000  }
0x139: {  	[hbm4b:s1+s2] =	stream.linear.scatter [tilespmem:s15], [sflag:$0x5], $0x4000, $0x38;
	[tilespmem:$0x10800] =	vst v63  }
0x13a: {  	_ = 	snop  }
0x13b: {  	[tilespmem:s7], [sflag:$0x4] =	stream.indirect.gather [hbm4b:s9+s11], $0x80, s30, s11, $0xb8;
	[tilespmem:$0x10800] =	vst v63  }
0x13c: {  	_ =	swait.ge [sflag:s14], $0x4000  }
0x13d: {  	[sflag:s14] =	ssyncset.done $0x0  }
0x13e: {  	s31 =	rddreg [dreg:$0x4];
	[sflag:s14] =	ssyncadd.s32 $0xFFFFC000  }
0x13f: {  	[hbm4b:s31+s2] =	stream.linear.scatter [tilespmem:s10], [sflag:$0x6], $0x4000, $0x38;
	[tilespmem:$0x10800] =	vst v63  }
0x140: {  	_ =	swait.ge [sflag:s4], $0x4000  }
0x141: {  	[sflag:s4] =	ssyncset.done $0x0  }
0x142: {  	[sflag:s4] =	ssyncadd.s32 $0xFFFFC000  }
0x143: {  	[tilespmem:s15], [sflag:$0x1] =	stream.indirect.gather [hbm4b:s9+s11], $0x80, s29, s11, $0xb8;
	[tilespmem:$0x10800] =	vst v63  }
0x144: {  	_ =	swait.ge [sflag:s13], $0x4000  }
0x145: {  	[sflag:s13] =	ssyncset.done $0x0  }
0x146: {  	s1 =	rddreg [dreg:$0x5];
	[sflag:s13] =	ssyncadd.s32 $0xFFFFC000  }
0x147: {  	[hbm4b:s1+s2] =	stream.linear.scatter [tilespmem:s8], [sflag:$0x7], $0x4000, $0x38;
	[tilespmem:$0x10800] =	vst v63  }
0x148: {  	_ =	swait.ge [sflag:s5], $0x4000  }
0x149: {  	[sflag:s5] =	ssyncset.done $0x0  }
0x14a: {  	[sflag:s5] =	ssyncadd.s32 $0xFFFFC000  }
0x14b: {  	[tilespmem:s10], [sflag:$0x2] =	stream.indirect.gather [hbm4b:s9+s11], $0x80, s28, s11, $0xb8;
	[tilespmem:$0x10800] =	vst v63  }
0x14c: {  	_ =	swait.ge [sflag:s12], $0x4000  }
0x14d: {  	[sflag:s12] =	ssyncset.done $0x0  }
0x14e: {  	s28 =	rddreg [dreg:$0x6];
	[sflag:s12] =	ssyncadd.s32 $0xFFFFC000  }
0x14f: {  	[hbm4b:s28+s2] =	stream.linear.scatter [tilespmem:s7], [sflag:$0x8], $0x4000, $0x38;
	[tilespmem:$0x10800] =	vst v63  }
0x150: {  	_ =	swait.ge [sflag:s6], $0x4000  }
0x151: {  	[sflag:s6] =	ssyncset.done $0x0  }
0x152: {  	[sflag:s6] =	ssyncadd.s32 $0xFFFFC000  }
0x153: {  	[tilespmem:s8], [sflag:$0x3] =	stream.indirect.gather [hbm4b:s9+s11], $0x80, s26, s11, $0xb8;
	[tilespmem:$0x10800] =	vst v63  }
0x154: {  	_ =	swait.ge [sflag:s16], $0x4000  }
0x155: {  	[sflag:s16] =	ssyncset.done $0x0  }
0x156: {  	s29 =	rddreg [dreg:$0x7];
	[sflag:s16] =	ssyncadd.s32 $0xFFFFC000  }
0x157: {  	[hbm4b:s29+s2] =	stream.linear.scatter [tilespmem:s15], [sflag:$0x5], $0x4000, $0x38;
	[tilespmem:$0x10800] =	vst v63  }
0x158: {  	_ =	swait.ge [sflag:s3], $0x4000  }
0x159: {  	[sflag:s3] =	ssyncset.done $0x0  }
0x15a: {  	[sflag:s3] =	ssyncadd.s32 $0xFFFFC000  }
0x15b: {  	[tilespmem:s7], [sflag:$0x4] =	stream.indirect.gather [hbm4b:s9+s11], $0x80, s25, s11, $0xb8;
	[tilespmem:$0x10800] =	vst v63  }
0x15c: {  	_ =	swait.ge [sflag:s14], $0x4000  }
0x15d: {  	[sflag:s14] =	ssyncset.done $0x0  }
0x15e: {  	s30 =	rddreg [dreg:$0x8];
	[sflag:s14] =	ssyncadd.s32 $0xFFFFC000  }
0x15f: {  	[hbm4b:s30+s2] =	stream.linear.scatter [tilespmem:s10], [sflag:$0x6], $0x4000, $0x38;
	[tilespmem:$0x10800] =	vst v63  }
0x160: {  	_ =	swait.ge [sflag:s4], $0x4000  }
0x161: {  	[sflag:s4] =	ssyncset.done $0x0  }
0x162: {  	[sflag:s4] =	ssyncadd.s32 $0xFFFFC000  }
0x163: {  	[tilespmem:s15], [sflag:$0x1] =	stream.indirect.gather [hbm4b:s9+s11], $0x80, s24, s11, $0xb8;
	[tilespmem:$0x10800] =	vst v63  }
0x164: {  	_ =	swait.ge [sflag:s13], $0x4000  }
0x165: {  	[sflag:s13] =	ssyncset.done $0x0  }
0x166: {  	s31 =	rddreg [dreg:$0x9];
	[sflag:s13] =	ssyncadd.s32 $0xFFFFC000  }
0x167: {  	[hbm4b:s31+s2] =	stream.linear.scatter [tilespmem:s8], [sflag:$0x7], $0x4000, $0x38;
	[tilespmem:$0x10800] =	vst v63  }
0x168: {  	_ =	swait.ge [sflag:s5], $0x4000  }
0x169: {  	[sflag:s5] =	ssyncset.done $0x0  }
0x16a: {  	[sflag:s5] =	ssyncadd.s32 $0xFFFFC000  }
0x16b: {  	[tilespmem:s10], [sflag:$0x2] =	stream.indirect.gather [hbm4b:s9+s11], $0x80, s23, s11, $0xb8;
	[tilespmem:$0x10800] =	vst v63  }
0x16c: {  	_ =	swait.ge [sflag:s12], $0x4000  }
0x16d: {  	[sflag:s12] =	ssyncset.done $0x0  }
0x16e: {  	s1 =	rddreg [dreg:$0xa];
	[sflag:s12] =	ssyncadd.s32 $0xFFFFC000  }
0x16f: {  	[hbm4b:s1+s2] =	stream.linear.scatter [tilespmem:s7], [sflag:$0x8], $0x4000, $0x38;
	[tilespmem:$0x10800] =	vst v63  }
0x170: {  	_ =	swait.ge [sflag:s6], $0x4000  }
0x171: {  	[sflag:s6] =	ssyncset.done $0x0  }
0x172: {  	[sflag:s6] =	ssyncadd.s32 $0xFFFFC000  }
0x173: {  	[tilespmem:s8], [sflag:$0x3] =	stream.indirect.gather [hbm4b:s9+s11], $0x80, s22, s11, $0xb8;
	[tilespmem:$0x10800] =	vst v63  }
0x174: {  	_ =	swait.ge [sflag:s16], $0x4000  }
0x175: {  	[sflag:s16] =	ssyncset.done $0x0  }
0x176: {  	s22 =	rddreg [dreg:$0xb];
	[sflag:s16] =	ssyncadd.s32 $0xFFFFC000  }
0x177: {  	[hbm4b:s22+s2] =	stream.linear.scatter [tilespmem:s15], [sflag:$0x5], $0x4000, $0x38;
	[tilespmem:$0x10800] =	vst v63  }
0x178: {  	_ =	swait.ge [sflag:s3], $0x4000  }
0x179: {  	[sflag:s3] =	ssyncset.done $0x0  }
0x17a: {  	[sflag:s3] =	ssyncadd.s32 $0xFFFFC000  }
0x17b: {  	[tilespmem:s7], [sflag:$0x4] =	stream.indirect.gather [hbm4b:s9+s11], $0x80, s21, s11, $0xb8;
	[tilespmem:$0x10800] =	vst v63  }
0x17c: {  	_ =	swait.ge [sflag:s14], $0x4000  }
0x17d: {  	[sflag:s14] =	ssyncset.done $0x0  }
0x17e: {  	s23 =	rddreg [dreg:$0xc];
	[sflag:s14] =	ssyncadd.s32 $0xFFFFC000  }
0x17f: {  	[hbm4b:s23+s2] =	stream.linear.scatter [tilespmem:s10], [sflag:$0x6], $0x4000, $0x38;
	[tilespmem:$0x10800] =	vst v63  }
0x180: {  	_ =	swait.ge [sflag:s4], $0x4000  }
0x181: {  	[sflag:s4] =	ssyncset.done $0x0  }
0x182: {  	[sflag:s4] =	ssyncadd.s32 $0xFFFFC000  }
0x183: {  	[tilespmem:s15], [sflag:$0x1] =	stream.indirect.gather [hbm4b:s9+s11], $0x80, s20, s11, $0xb8;
	[tilespmem:$0x10800] =	vst v63  }
0x184: {  	_ =	swait.ge [sflag:s13], $0x4000  }
0x185: {  	[sflag:s13] =	ssyncset.done $0x0  }
0x186: {  	s24 =	rddreg [dreg:$0xd];
	[sflag:s13] =	ssyncadd.s32 $0xFFFFC000  }
0x187: {  	[hbm4b:s24+s2] =	stream.linear.scatter [tilespmem:s8], [sflag:$0x7], $0x4000, $0x38;
	[tilespmem:$0x10800] =	vst v63  }
0x188: {  	_ =	swait.ge [sflag:s5], $0x4000  }
0x189: {  	[sflag:s5] =	ssyncset.done $0x0  }
0x18a: {  	[sflag:s5] =	ssyncadd.s32 $0xFFFFC000  }
0x18b: {  	[tilespmem:s10], [sflag:$0x2] =	stream.indirect.gather [hbm4b:s9+s11], $0x80, s19, s11, $0xb8;
	[tilespmem:$0x10800] =	vst v63  }
0x18c: {  	_ =	swait.ge [sflag:s12], $0x4000  }
0x18d: {  	[sflag:s12] =	ssyncset.done $0x0  }
0x18e: {  	s25 =	rddreg [dreg:$0xe];
	[sflag:s12] =	ssyncadd.s32 $0xFFFFC000  }
0x18f: {  	[hbm4b:s25+s2] =	stream.linear.scatter [tilespmem:s7], [sflag:$0x8], $0x4000, $0x38;
	[tilespmem:$0x10800] =	vst v63  }
0x190: {  	_ =	swait.ge [sflag:s6], $0x4000  }
0x191: {  	[sflag:s6] =	ssyncset.done $0x0  }
0x192: {  	[sflag:s6] =	ssyncadd.s32 $0xFFFFC000  }
0x193: {  	[tilespmem:s8], [sflag:$0x3] =	stream.indirect.gather [hbm4b:s9+s11], $0x80, s18, s11, $0xb8;
	[tilespmem:$0x10800] =	vst v63  }
0x194: {  	_ =	swait.ge [sflag:s16], $0x4000  }
0x195: {  	[sflag:s16] =	ssyncset.done $0x0  }
0x196: {  	s26 =	rddreg [dreg:$0xf];
	[sflag:s16] =	ssyncadd.s32 $0xFFFFC000  }
0x197: {  	[hbm4b:s26+s2] =	stream.linear.scatter [tilespmem:s15], [sflag:$0x5], $0x4000, $0x38;
	[tilespmem:$0x10800] =	vst v63  }
0x198: {  	_ =	swait.ge [sflag:s3], $0x4000  }
0x199: {  	[sflag:s3] =	ssyncset.done $0x0  }
0x19a: {  	[sflag:s3] =	ssyncadd.s32 $0xFFFFC000  }
0x19b: {  	[tilespmem:s7], [sflag:$0x4] =	stream.indirect.gather [hbm4b:s9+s11], $0x80, s17, s11, $0xb8;
	[tilespmem:$0x10800] =	vst v63  }
0x19c: {  	_ =	swait.ge [sflag:s14], $0x4000  }
0x19d: {  	[sflag:s14] =	ssyncset.done $0x0  }
0x19e: {  	s28 =	rddreg [dreg:$0x10];
	[sflag:s14] =	ssyncadd.s32 $0xFFFFC000  }
0x19f: {  	[hbm4b:s28+s2] =	stream.linear.scatter [tilespmem:s10], [sflag:$0x6], $0x4000, $0x38;
	[tilespmem:$0x10800] =	vst v63  }
0x1a0: {  	_ =	swait.ge [sflag:s13], $0x4000  }
0x1a1: {  	[sflag:s13] =	ssyncset.done $0x0  }
0x1a2: {  	s29 =	rddreg [dreg:$0x11];
	[sflag:s13] =	ssyncadd.s32 $0xFFFFC000  }
0x1a3: {  	[hbm4b:s29+s2] =	stream.linear.scatter [tilespmem:s8], [sflag:$0x7], $0x4000, $0x38;
	[tilespmem:$0x10800] =	vst v63  }
0x1a4: {  	_ =	swait.ge [sflag:s12], $0x4000  }
0x1a5: {  	[sflag:s12] =	ssyncset.done $0x0  }
0x1a6: {  	s30 =	rddreg [dreg:$0x12];
	[sflag:s12] =	ssyncadd.s32 $0xFFFFC000  }
0x1a7: {  	[hbm4b:s30+s2] =	stream.linear.scatter [tilespmem:s7], [sflag:$0x8], $0x4000, $0x38;
	[tilespmem:$0x10800] =	vst v63  }
0x1a8: {  	_ =	swait.ge [sflag:s4], $0x4000  }
0x1a9: {  	[sflag:s4] =	ssyncset.done $0x0  }
0x1aa: {  	[sflag:s4] =	ssyncadd.s32 $0xFFFFC000  }
0x1ab: {  	_ =	swait.ge [sflag:s5], $0x4000  }
0x1ac: {  	[sflag:s5] =	ssyncset.done $0x0  }
0x1ad: {  	[sflag:s5] =	ssyncadd.s32 $0xFFFFC000  }
0x1ae: {  	_ =	swait.ge [sflag:s6], $0x4000  }
0x1af: {  	[sflag:s6] =	ssyncset.done $0x0  }
0x1b0: {  	[sflag:s6] =	ssyncadd.s32 $0xFFFFC000  }
0x1b1: {  	_ =	swait.ge [sflag:s3], $0x4000  }
0x1b2: {  	[sflag:s3] =	ssyncset.done $0x0  }
0x1b3: {  	[sflag:s3] =	ssyncadd.s32 $0xFFFFC000  }
0x1b4: {  	_ =	sfence.sel $0x180000  }
0x1b5: {  	[bflag:$0x0] =	sbarrier.arrive $0xFFFF  }
0x1b6: {  	_ =	strace $0x9000004A  }
0x1b7: {  	s31 =	stileid.u32;
	[bflag:$0x2] =	sbarrier.arrive $0xFFFF  }
0x1b8: {  	p0 =	sne.s32 s31, $0x0;
	s0 =	rddreg [dreg:$0x1]  }
0x1b9: {  	s0 =	sadd.s32 @!p0 $0x100000, s0  }
0x1ba: {  	[sflag:s0] =	ssyncadd.tile.s32 @!p0 $0x1;
	_ =	shalt  }
.Lfunc_end2:
_tile_overlayer_lowered:
.L_overlay_start_2:
0x1bb: {  	(tag) =	ssettag $0x2  }
0x1bc: {  	s0 =	rddreg [dreg:$0x0];
	s2 =	stileid.u32  }
0x1bd: {  	s1 =	rddreg [dreg:$0x1];
	p0 =	sne.s32 s2, $0x0  }
0x1be: {  	s3 =	rddreg [dreg:$0x2];
	[bflag:$0x3] =	sbarrier.arrive $0xFFFF;
	s2 =	simm.s32 @!p0 $0x1C09  }
0x1bf: {  	[timem:s3], [sflag:s2] =	dma.local @!p0 [hbm:s0], s1  }
0x1c0: {  	s0 =	simm.s32 @!p0 $0x9  }
0x1c1: {  	_ =	swait.ge @!p0 [sflag:s0], s1  }
0x1c2: {  	s1 =	ssub.s32 @!p0 $0x0, s1;
	[sflag:s0] =	ssyncset.done @!p0 $0x0  }
0x1c3: {  	[sflag:s0] =	ssyncadd.s32 @!p0 s1  }
0x1c4: {  	[bflag:$0x3] =	sbarrier.arrive $0xFFFF  }
0x1c5: {  	_ =	shalt  }

// kernel: kernel.16.cloned.1.call-start
scs
__scs_entry_jumppad:
0x0: {  	(pc) =	sbr.rel $0x88, $3  }
0x1: {  	(tag) =	ssettag $0x0;
	lr =	simm.s32 $0x1  }
0x2: {  	[smem:$0x3F80] =	sst lr;
	_ =	strace $0xD0000000  }
0x3: {  	_ = 	snop  }
0x4: {  	_ = 	snop  }
0x5: {  	_ = 	snop  }
0x6: {  	_ = 	snop  }
0x7: {  	_ = 	snop  }
__scs_overlays_trampoline_lowered:
0x8: {  	[smem:$0x3F8F] =	sst s0  }
0x9: {  	[smem:$0x3F90] =	sst s1  }
0xa: {  	[smem:$0x3F91] =	sst s2  }
0xb: {  	[smem:$0x3F92] =	sst s3  }
0xc: {  	[smem:$0x3F93] =	sst s4  }
0xd: {  	[smem:$0x3F94] =	sst s5  }
0xe: {  	[smem:$0x3F95] =	sst s6  }
0xf: {  	[smem:$0x3F96] =	sst s7  }
0x10: {  	[smem:$0x3F97] =	sst s8  }
0x11: {  	[smem:$0x3F98] =	sst s9;
	s0 =	simm.s32 @!p0 $0x0  }
0x12: {  	s1 =	sld [smem:$0x3F7E];
	s0 =	simm.s32 @p0 $0x1  }
0x13: {  	[smem:$0x3F99] =	sst s0;
	s0 =	simm.s32 @!p1 $0x0  }
0x14: {  	s2 =	sld [smem:$0x3F7D];
	s0 =	simm.s32 @p1 $0x1  }
0x15: {  	[smem:$0x3F9A] =	sst s0;
	s0 =	simm.s32 @!p2 $0x0  }
0x16: {  	s3 =	sld [smem:$0x3FDB];
	s0 =	simm.s32 @p2 $0x1  }
0x17: {  	s4 =	simm.s32 $0x1BF5;
	[smem:$0x3F9C] =	sst s0  }
0x18: {  	s0 =	sld [smem:$0x3F7F];
	_ =	swait.ge [sflag:s4], $0x0  }
0x19: {  	s7 =	sld [smem:$0x3F80]  }
0x1a: {  	s8 =	sadd.s32 $0xFFFFE003, lr  }
0x1b: {  	s9 =	sadd.s32 $0xFFFFFEF7, lr;
	s5 =	simm.s32 $0xFFFFFFFF;
	p2 =	slt.u32 s8, $0xFFFFF086  }
0x1c: {  	p1 =	slt.u32 s9, $0xF7A;
	s5 =	simm.s32 @!p2 $0x0  }
0x1d: {  	s5 =	simm.s32 @p1 $0x1;
	p0 =	seq.s32 s7, s2  }
0x1e: {  	s7 =	smul.u32 @!p0 $0xF7A, s2;
	p2 =	seq.s32 @!p0 s5, $0x0  }
0x1f: {  	s9 =	smul.u32 $0xF7A, s1;
	s8 =	simm.s32 @!p0 $0x1BF5;
	p2 =	por !p2, p0  }
0x20: {  	[sflag:s8] =	ssyncset.s32 @!p0 $0xFFFFF086;
	s6 =	sadd.s32 @!p0 s3, s7;
	s7 =	simm.s32 @!p0 $0x108  }
0x21: {  	s3 =	sadd.s32 s3, s9;
	s6 =	sadd.s32 @!p0 $0x88, s6;
	s7 =	simm.s32 @p2 $0x1082  }
0x22: {  	[simem:s7], [sflag:s8] =	dma.local @!p0 [hbm:s6], $0xF7A  }
0x23: {  	s9 =	sor.u32 $0xD0000000, s2;
	s6 =	simm.s32 $0x108;
	_ =	swait.ge @!p0 [sflag:s8], $0x0  }
0x24: {  	s3 =	sadd.s32 $0x88, s3;
	s6 =	simm.s32 @!p1 $0x1082;
	[sflag:s4] =	ssyncset.s32 $0xFFFFF086  }
0x25: {  	[simem:s6], [sflag:s4] =	dma.local [hbm:s3], $0xF7A  }
0x26: {  	[smem:$0x3F80] =	sst s1;
	(tag) =	ssettag s2;
	_ =	strace s9  }
0x27: {  	s1 =	sld [smem:$0x3F90]  }
0x28: {  	s2 =	sld [smem:$0x3F91]  }
0x29: {  	s4 =	sld [smem:$0x3F93]  }
0x2a: {  	p0 =	seq.s32 s5, $0x0;
	s5 =	sld [smem:$0x3F94]  }
0x2b: {  	s6 =	sld [smem:$0x3F95]  }
0x2c: {  	s7 =	sld [smem:$0x3F96]  }
0x2d: {  	s3 =	simm.s32 $0x108;
	s8 =	sld [smem:$0x3F97]  }
0x2e: {  	s3 =	simm.s32 @!p0 $0x1082;
	s9 =	sld [smem:$0x3F98]  }
0x2f: {  	lr =	sadd.s32 s0, s3;
	s0 =	sld [smem:$0x3F8F]  }
0x30: {  	s3 =	sld [smem:$0x3F92]  }
0x31: {  	[smem:$0x3F9B] =	sst s10  }
0x32: {  	s10 =	sld [smem:$0x3F99];
	_ =	sdelay $0x3  }
0x33: {  	p0 =	seq.s32 s10, $0x1;
	s10 =	sld [smem:$0x3F9B];
	_ =	sdelay $0x3  }
0x34: {  	[smem:$0x3F9B] =	sst s10  }
0x35: {  	s10 =	sld [smem:$0x3F9A];
	_ =	sdelay $0x3  }
0x36: {  	p1 =	seq.s32 s10, $0x1;
	s10 =	sld [smem:$0x3F9B];
	_ =	sdelay $0x3  }
0x37: {  	[smem:$0x3F9B] =	sst s10  }
0x38: {  	s10 =	sld [smem:$0x3F9C]  }
0x39: {  	_ = 	snop;
	(pc) =	sbr.ind lr, $3  }
0x3a: {  	_ = 	snop  }
0x3b: {  	_ = 	snop  }
0x3c: {  	p2 =	seq.s32 s10, $0x1;
	s10 =	sld [smem:$0x3F9B]  }
0x3d: {  	_ =	shalt  }
0x3e: {  	_ =	shalt  }
0x3f: {  	_ =	shalt  }
0x40: {  	_ =	shalt  }
0x41: {  	_ =	shalt  }
0x42: {  	_ =	shalt  }
0x43: {  	_ =	shalt  }
0x44: {  	_ =	shalt  }
0x45: {  	_ =	shalt  }
0x46: {  	_ =	shalt  }
0x47: {  	_ =	shalt  }
0x48: {  	_ =	shalt  }
0x49: {  	_ =	shalt  }
0x4a: {  	_ =	shalt  }
0x4b: {  	_ =	shalt  }
0x4c: {  	_ =	shalt  }
0x4d: {  	_ =	shalt  }
0x4e: {  	_ =	shalt  }
0x4f: {  	_ =	shalt  }
0x50: {  	_ =	shalt  }
0x51: {  	_ =	shalt  }
0x52: {  	_ =	shalt  }
0x53: {  	_ =	shalt  }
0x54: {  	_ =	shalt  }
0x55: {  	_ =	shalt  }
0x56: {  	_ =	shalt  }
0x57: {  	_ =	shalt  }
0x58: {  	_ =	shalt  }
0x59: {  	_ =	shalt  }
0x5a: {  	_ =	shalt  }
0x5b: {  	_ =	shalt  }
0x5c: {  	_ =	shalt  }
0x5d: {  	_ =	shalt  }
0x5e: {  	_ =	shalt  }
0x5f: {  	_ =	shalt  }
0x60: {  	_ =	shalt  }
0x61: {  	_ =	shalt  }
0x62: {  	_ =	shalt  }
0x63: {  	_ =	shalt  }
0x64: {  	_ =	shalt  }
0x65: {  	_ =	shalt  }
0x66: {  	_ =	shalt  }
0x67: {  	_ =	shalt  }
0x68: {  	_ =	shalt  }
0x69: {  	_ =	shalt  }
0x6a: {  	_ =	shalt  }
0x6b: {  	_ =	shalt  }
0x6c: {  	_ =	shalt  }
0x6d: {  	_ =	shalt  }
0x6e: {  	_ =	shalt  }
0x6f: {  	_ =	shalt  }
0x70: {  	_ =	shalt  }
0x71: {  	_ =	shalt  }
0x72: {  	_ =	shalt  }
0x73: {  	_ =	shalt  }
0x74: {  	_ =	shalt  }
0x75: {  	_ =	shalt  }
0x76: {  	_ =	shalt  }
0x77: {  	_ =	shalt  }
0x78: {  	_ =	shalt  }
0x79: {  	_ =	shalt  }
0x7a: {  	_ =	shalt  }
0x7b: {  	_ =	shalt  }
0x7c: {  	_ =	shalt  }
0x7d: {  	_ =	shalt  }
0x7e: {  	_ =	shalt  }
0x7f: {  	_ =	shalt  }
0x80: {  	_ =	shalt  }
0x81: {  	_ =	shalt  }
0x82: {  	_ =	shalt  }
0x83: {  	_ =	shalt  }
0x84: {  	_ =	shalt  }
0x85: {  	_ =	shalt  }
0x86: {  	_ =	shalt  }
0x87: {  	_ =	shalt  }
.Lfunc_end0:
.L_simem_size_0:
called_computation.2_lowered:
.L_overlay_start_0:
0x88: {  	s2 =	sld [smem:$0x3FD9]  }
0x89: {  	s3 =	sld [smem:$0x3FFE];
	_ =	sdelay $0x1  }
0x8a: {  	s1 =	srdreg.scid  }
0x8b: {  	s0 =	sand.u32 $0x1, s1  }
0x8c: {  	s16 =	sshll.u32 s0, $0xA;
	s2 =	sadd.s32 s3, s2  }
0x8d: {  	s2 =	sadd.s32 s2, s16  }
0x8e: {  	[smem:$0x3FA7] =	sst s2  }
0x8f: {  	_ = 	snop  }
0x90: {  	(tm) =	ssettm $0x1  }
0x91: {  	s17 =	sld [smem:$0x3FFB];
	_ =	sdelay $0x3  }
0x92: {  	_ =	strace s17  }
0x93: {  	s2 =	sld [smem:$0x3FFC];
	_ =	sdelay $0x3  }
0x94: {  	_ =	strace s2  }
0x95: {  	s2 =	sld [smem:$0x3FFD];
	_ =	sdelay $0x3  }
0x96: {  	_ =	strace s2  }
0x97: {  	_ =	strace $0x8FFFFFFF  }
0x98: {  	s18 =	sld [smem:$0x3FDB];
	_ =	sdelay $0x1  }
0x99: {  	s19 =	simm.s32 $_scs_section_size  }
0x9a: {  	s4 =	simm.s32 $_size__tile_overlayer_lowered;
	s5 =	simm.s32 $_tile_overlayer_lowered  }
0x9b: {  	s22 =	simm.s32 $0x1BFF;
	s21 =	sshll.u32 s5, $0x1;
	s2 =	sadd.s32 s19, s18  }
0x9c: {  	s6 =	simm.s32 $0x0;
	s20 =	sshll.u32 s4, $0x1;
	s4 =	sadd.s32 s21, s2  }
0x9d: {  	[timem:s6], [sflag:s22] =	dma.local [hbm:s4], s20  }
0x9e: {  	_ =	swait.ge [sflag:s22], s20  }
0x9f: {  	s3 =	ssub.s32 $0x0, s20;
	[sflag:s22] =	ssyncset.done $0x0  }
0xa0: {  	[sflag:s22] =	ssyncadd.s32 s3;
	_ =	sdelay $0x1  }
0xa1: {  	s23 =	simm.s32 $0x1B8B  }
0xa2: {  	_ =	swait.ge [sflag:s23], $0x1  }
0xa3: {  	[sflag:s23] =	ssyncset.done $0x0  }
0xa4: {  	s25 =	simm.s32 $0x1B8E;
	s24 =	sld [smem:$0x3FFE];
	[sflag:s23] =	ssyncadd.s32 $0xFFFFFFFF  }
0xa5: {  	s26 =	simm.s32 $execute0_lowered;
	[smem:$0x3FD2] =	sst s25  }
0xa6: {  	s4 =	sshll.u32 s26, $0x1;
	_ =	strace $0x8000004C;
	[dreg:$0x1] =	wrdreg $0xFFFFFFFF  }
0xa7: {  	s28 =	simm.s32 $_size_execute0_lowered;
	s2 =	sadd.s32 s2, s4;
	[dreg:$0x0] =	wrdreg $0x0  }
0xa8: {  	s4 =	sshll.u32 s28, $0x1;
	[dreg:$0x2] =	wrdreg s2  }
0xa9: {  	[dreg:$0x3] =	wrdreg s4  }
0xaa: {  	[dreg:$0x4] =	wrdreg $0xC0  }
0xab: {  	_ =	task [dreg:s6], $0x5FFFF  }
0xac: {  	[dreg:$0x1] =	wrdreg $0xFFFFFFFF  }
0xad: {  	[dreg:$0x0] =	wrdreg $0x60  }
0xae: {  	[dreg:$0x2] =	wrdreg s24  }
0xaf: {  	[dreg:$0x3] =	wrdreg $0x9  }
0xb0: {  	_ =	task.clear_ibuf [dreg:s6], $0x4FFFF;
	_ =	strace $0x9000004C  }
0xb1: {  	s29 =	simm.s32 $0x9;
	_ =	strace $0x8000004E  }
0xb2: {  	_ =	swait.ge [sflag:s29], $0x1  }
0xb3: {  	[sflag:s29] =	ssyncadd.s32 $0xFFFFFFFF  }
0xb4: {  	_ =	strace $0x9000004E  }
0xb5: {  	_ =	sfence  }
0xb6: {  	s30 =	sld [smem:$0x0];
	_ =	sdelay $0x2  }
0xb7: {  	s31 =	sshll.u32 s1, $0xD;
	s1 =	sshrl.u32 s1, $0x2  }
0xb8: {  	s3 =	sand.u32 $0x4000, s31;
	s1 =	sadd.s32 s1, s30  }
0xb9: {  	s0 =	sor.u32 s3, s0;
	s1 =	sshll.u32 s1, $0x11  }
0xba: {  	s0 =	sor.u32 s1, s0  }
0xbb: {  	s0 =	sadd.s32 $0x8F2B, s0  }
0xbc: {  	[sflag:s0] =	ssyncadd.remote.s32 $0x1  }
0xbd: {  	_ =	sfence.sel $0xFFFF  }
0xbe: {  	[dreg:$0x0] =	wrdreg $0xFFFFFFFF;
	(pc) =	sbr.abs _section_cstart, $3  }
0xbf: {  	[dreg:$0x1] =	wrdreg $0xFFFFFFFF  }
0xc0: {  	_ =	task.clear_ibuf [dreg:s6], $0x2FFFF;
	_ =	strace $0x9FFFFFFF  }
0xc1: {  	(tm) =	ssettm $0x7FFFFFFF  }
tec
execute0_lowered:
.L_overlay_start_1:
0x0: {  	(tag) =	ssettag $0x1  }
0x1: {  	s0 =	srdreg.scid  }
0x2: {  	s1 =	stileid.u32;
	s0 =	sand.u32 $0x1, s0  }
0x3: {  	s3 =	rddreg [dreg:$0x0];
	s1 =	sshll.u32 s1, $0xC;
	s2 =	sshll.u32 s0, $0xB  }
0x4: {  	s31 =	simm.s32 $0x9;
	s1 =	sor.u32 s2, s1;
	s2 =	simm.s32 $0x0  }
0x5: {  	s26 =	simm.s32 $0x100;
	s4 =	sshrl.u32 s1, $0x3;
	[smem:$0x7FF] =	sst s2  }
0x6: {  	s1 =	sshll.u32 s1, $0x4;
	s4 =	sadd.s32 s4, s3;
	_ =	strace $0x8000004D  }
0x7: {  	s1 =	sadd.s32 s1, s3;
	[dreg:$0x13] =	wrdreg s26;
	s4 =	sadd.s32 $0x5600, s4  }
0x8: {  	s10 =	simm.s32 $0x4800;
	s11 =	sadd.s32 $0x17600, s1;
	[dreg:$0x2] =	wrdreg s4  }
0x9: {  	s8 =	simm.s32 $0x8800;
	s12 =	sadd.s32 $0x17E00, s1;
	[dreg:$0x3] =	wrdreg s11  }
0xa: {  	s30 =	simm.s32 $0x180;
	s13 =	sadd.s32 $0x18600, s1;
	[dreg:$0x4] =	wrdreg s12  }
0xb: {  	s7 =	simm.s32 $0xC800;
	s14 =	sadd.s32 $0x18E00, s1;
	[dreg:$0x5] =	wrdreg s13  }
0xc: {  	s29 =	simm.s32 $0x200;
	s15 =	sadd.s32 $0x19600, s1;
	[dreg:$0x6] =	wrdreg s14  }
0xd: {  	s28 =	simm.s32 $0x280;
	s16 =	sadd.s32 $0x19E00, s1;
	[dreg:$0x7] =	wrdreg s15  }
0xe: {  	s6 =	simm.s32 $0x7;
	s17 =	sadd.s32 $0x1A600, s1;
	[dreg:$0x8] =	wrdreg s16  }
0xf: {  	p0 =	por $0x0, $0x0;
	s18 =	sadd.s32 $0x1AE00, s1;
	[dreg:$0x9] =	wrdreg s17  }
0x10: {  	s9 =	sadd.s32 $0x7600, s3;
	s19 =	sadd.s32 $0x1B600, s1;
	[dreg:$0xa] =	wrdreg s18  }
0x11: {  	s0 =	ssub.s32 $0x2, s0;
	s20 =	sadd.s32 $0x1BE00, s1;
	[dreg:$0xb] =	wrdreg s19  }
0x12: {  	s5 =	sshrl.u32 s0, $0x1;
	s21 =	sadd.s32 $0x1C600, s1;
	[dreg:$0xc] =	wrdreg s20  }
0x13: {  	s0 =	ssub.s32 s0, s5;
	s22 =	sadd.s32 $0x1CE00, s1;
	[dreg:$0xd] =	wrdreg s21  }
0x14: {  	s5 =	simm.s32 $0x6;
	s23 =	sadd.s32 $0x1D600, s1;
	[dreg:$0xe] =	wrdreg s22  }
0x15: {  	s0 =	smax.u32 s0, $0x1;
	s24 =	sadd.s32 $0x1DE00, s1;
	[dreg:$0xf] =	wrdreg s23  }
0x16: {  	s26 =	simm.s32 $0x300;
	s25 =	sadd.s32 $0x1E600, s1;
	[dreg:$0x10] =	wrdreg s24  }
0x17: {  	s3 =	simm.s32 $0x8;
	s1 =	sadd.s32 $0x1EE00, s1;
	[dreg:$0x11] =	wrdreg s25  }
0x18: {  	p1 =	sne.s32 s0, $0x1;
	[dreg:$0x12] =	wrdreg s1;
	s11 =	simm.s32 $0x80  }
0x19: {  	s15 =	simm.s32 $0x800;
	s16 =	simm.s32 $0x1;
	s14 =	simm.s32 $0x2  }
.Ltmp0:
0x1a: {  	s4 =	simm.s32 $0x5;
	s13 =	simm.s32 $0x3;
	(pc) =	sbr.rel @!p1 .LBB2_3-.Ltmp0, $4  }
0x1b: {  	s12 =	simm.s32 $0x4;
	s25 =	simm.s32 $0x380;
	s24 =	simm.s32 $0x400  }
0x1c: {  	s23 =	simm.s32 $0x480;
	s1 =	sadd.s32 $0xFFFFFFFF, s0;
	s22 =	simm.s32 $0x500  }
0x1d: {  	s21 =	simm.s32 $0x580;
	s20 =	simm.s32 $0x600;
	s19 =	simm.s32 $0x680  }
0x1e: {  	s18 =	simm.s32 $0x700;
	s17 =	simm.s32 $0x780;
	s0 =	rddreg [dreg:$0x2]  }
0x1f: {  	[tilespmem:s2], [sflag:$0x9] =	stream.linear.gather [hbm4b:s0+s2], $0x800, $0x38;
	[tilespmem:$0x10800] =	vst v63  }
0x20: {  	_ =	swait.ge [sflag:s31], $0x800  }
0x21: {  	[sflag:s31] =	ssyncset.done $0x0  }
0x22: {  	[sflag:s31] =	ssyncadd.s32 $0xFFFFF800  }
0x23: {  	[tilespmem:s15], [sflag:$0x1] =	stream.indirect.gather [hbm4b:s9+s11], $0x80, s2, s11, $0xb8;
	[tilespmem:$0x10800] =	vst v63  }
0x24: {  	_ = 	snop  }
0x25: {  	[tilespmem:s10], [sflag:$0x2] =	stream.indirect.gather [hbm4b:s9+s11], $0x80, s11, s11, $0xb8;
	[tilespmem:$0x10800] =	vst v63  }
0x26: {  	s0 =	rddreg [dreg:$0x13]  }
0x27: {  	[tilespmem:s8], [sflag:$0x3] =	stream.indirect.gather [hbm4b:s9+s11], $0x80, s0, s11, $0xb8;
	[tilespmem:$0x10800] =	vst v63  }
0x28: {  	_ =	swait.ge [sflag:s16], $0x4000  }
0x29: {  	[sflag:s16] =	ssyncset.done $0x0  }
0x2a: {  	s0 =	rddreg [dreg:$0x3];
	[sflag:s16] =	ssyncadd.s32 $0xFFFFC000  }
0x2b: {  	[hbm4b:s0+s2] =	stream.linear.scatter [tilespmem:s15], [sflag:$0x5], $0x4000, $0x38;
	[tilespmem:$0x10800] =	vst v63  }
0x2c: {  	_ = 	snop  }
0x2d: {  	[tilespmem:s7], [sflag:$0x4] =	stream.indirect.gather [hbm4b:s9+s11], $0x80, s30, s11, $0xb8;
	[tilespmem:$0x10800] =	vst v63  }
0x2e: {  	_ =	swait.ge [sflag:s14], $0x4000  }
0x2f: {  	[sflag:s14] =	ssyncset.done $0x0  }
0x30: {  	s0 =	rddreg [dreg:$0x4];
	[sflag:s14] =	ssyncadd.s32 $0xFFFFC000  }
0x31: {  	[hbm4b:s0+s2] =	stream.linear.scatter [tilespmem:s10], [sflag:$0x6], $0x4000, $0x38;
	[tilespmem:$0x10800] =	vst v63  }
0x32: {  	_ =	swait.ge [sflag:s4], $0x4000  }
0x33: {  	[sflag:s4] =	ssyncset.done $0x0  }
0x34: {  	[sflag:s4] =	ssyncadd.s32 $0xFFFFC000  }
0x35: {  	[tilespmem:s15], [sflag:$0x1] =	stream.indirect.gather [hbm4b:s9+s11], $0x80, s29, s11, $0xb8;
	[tilespmem:$0x10800] =	vst v63  }
0x36: {  	_ =	swait.ge [sflag:s13], $0x4000  }
0x37: {  	[sflag:s13] =	ssyncset.done $0x0  }
0x38: {  	s0 =	rddreg [dreg:$0x5];
	[sflag:s13] =	ssyncadd.s32 $0xFFFFC000  }
0x39: {  	[hbm4b:s0+s2] =	stream.linear.scatter [tilespmem:s8], [sflag:$0x7], $0x4000, $0x38;
	[tilespmem:$0x10800] =	vst v63  }
0x3a: {  	_ =	swait.ge [sflag:s5], $0x4000  }
0x3b: {  	[sflag:s5] =	ssyncset.done $0x0  }
0x3c: {  	[sflag:s5] =	ssyncadd.s32 $0xFFFFC000  }
0x3d: {  	[tilespmem:s10], [sflag:$0x2] =	stream.indirect.gather [hbm4b:s9+s11], $0x80, s28, s11, $0xb8;
	[tilespmem:$0x10800] =	vst v63  }
0x3e: {  	_ =	swait.ge [sflag:s12], $0x4000  }
0x3f: {  	[sflag:s12] =	ssyncset.done $0x0  }
0x40: {  	s0 =	rddreg [dreg:$0x6];
	[sflag:s12] =	ssyncadd.s32 $0xFFFFC000  }
0x41: {  	[hbm4b:s0+s2] =	stream.linear.scatter [tilespmem:s7], [sflag:$0x8], $0x4000, $0x38;
	[tilespmem:$0x10800] =	vst v63  }
0x42: {  	_ =	swait.ge [sflag:s6], $0x4000  }
0x43: {  	[sflag:s6] =	ssyncset.done $0x0  }
0x44: {  	[sflag:s6] =	ssyncadd.s32 $0xFFFFC000  }
0x45: {  	[tilespmem:s8], [sflag:$0x3] =	stream.indirect.gather [hbm4b:s9+s11], $0x80, s26, s11, $0xb8;
	[tilespmem:$0x10800] =	vst v63  }
0x46: {  	_ =	swait.ge [sflag:s16], $0x4000  }
0x47: {  	[sflag:s16] =	ssyncset.done $0x0  }
0x48: {  	s0 =	rddreg [dreg:$0x7];
	[sflag:s16] =	ssyncadd.s32 $0xFFFFC000  }
0x49: {  	[hbm4b:s0+s2] =	stream.linear.scatter [tilespmem:s15], [sflag:$0x5], $0x4000, $0x38;
	[tilespmem:$0x10800] =	vst v63  }
0x4a: {  	_ =	swait.ge [sflag:s3], $0x4000  }
0x4b: {  	[sflag:s3] =	ssyncset.done $0x0  }
0x4c: {  	[sflag:s3] =	ssyncadd.s32 $0xFFFFC000  }
0x4d: {  	[tilespmem:s7], [sflag:$0x4] =	stream.indirect.gather [hbm4b:s9+s11], $0x80, s25, s11, $0xb8;
	[tilespmem:$0x10800] =	vst v63  }
0x4e: {  	_ =	swait.ge [sflag:s14], $0x4000  }
0x4f: {  	[sflag:s14] =	ssyncset.done $0x0  }
0x50: {  	s0 =	rddreg [dreg:$0x8];
	[sflag:s14] =	ssyncadd.s32 $0xFFFFC000  }
0x51: {  	[hbm4b:s0+s2] =	stream.linear.scatter [tilespmem:s10], [sflag:$0x6], $0x4000, $0x38;
	[tilespmem:$0x10800] =	vst v63  }
0x52: {  	_ =	swait.ge [sflag:s4], $0x4000  }
0x53: {  	[sflag:s4] =	ssyncset.done $0x0  }
0x54: {  	[sflag:s4] =	ssyncadd.s32 $0xFFFFC000  }
0x55: {  	[tilespmem:s15], [sflag:$0x1] =	stream.indirect.gather [hbm4b:s9+s11], $0x80, s24, s11, $0xb8;
	[tilespmem:$0x10800] =	vst v63  }
0x56: {  	_ =	swait.ge [sflag:s13], $0x4000  }
0x57: {  	[sflag:s13] =	ssyncset.done $0x0  }
0x58: {  	s0 =	rddreg [dreg:$0x9];
	[sflag:s13] =	ssyncadd.s32 $0xFFFFC000  }
0x59: {  	[hbm4b:s0+s2] =	stream.linear.scatter [tilespmem:s8], [sflag:$0x7], $0x4000, $0x38;
	[tilespmem:$0x10800] =	vst v63  }
0x5a: {  	_ =	swait.ge [sflag:s5], $0x4000  }
0x5b: {  	[sflag:s5] =	ssyncset.done $0x0  }
0x5c: {  	[sflag:s5] =	ssyncadd.s32 $0xFFFFC000  }
0x5d: {  	[tilespmem:s10], [sflag:$0x2] =	stream.indirect.gather [hbm4b:s9+s11], $0x80, s23, s11, $0xb8;
	[tilespmem:$0x10800] =	vst v63  }
0x5e: {  	_ =	swait.ge [sflag:s12], $0x4000  }
0x5f: {  	[sflag:s12] =	ssyncset.done $0x0  }
0x60: {  	s0 =	rddreg [dreg:$0xa];
	[sflag:s12] =	ssyncadd.s32 $0xFFFFC000  }
0x61: {  	[hbm4b:s0+s2] =	stream.linear.scatter [tilespmem:s7], [sflag:$0x8], $0x4000, $0x38;
	[tilespmem:$0x10800] =	vst v63  }
0x62: {  	_ =	swait.ge [sflag:s6], $0x4000  }
0x63: {  	[sflag:s6] =	ssyncset.done $0x0  }
0x64: {  	[sflag:s6] =	ssyncadd.s32 $0xFFFFC000  }
0x65: {  	[tilespmem:s8], [sflag:$0x3] =	stream.indirect.gather [hbm4b:s9+s11], $0x80, s22, s11, $0xb8;
	[tilespmem:$0x10800] =	vst v63  }
0x66: {  	_ =	swait.ge [sflag:s16], $0x4000  }
0x67: {  	[sflag:s16] =	ssyncset.done $0x0  }
0x68: {  	s0 =	rddreg [dreg:$0xb];
	[sflag:s16] =	ssyncadd.s32 $0xFFFFC000  }
0x69: {  	[hbm4b:s0+s2] =	stream.linear.scatter [tilespmem:s15], [sflag:$0x5], $0x4000, $0x38;
	[tilespmem:$0x10800] =	vst v63  }
0x6a: {  	_ =	swait.ge [sflag:s3], $0x4000  }
0x6b: {  	[sflag:s3] =	ssyncset.done $0x0  }
0x6c: {  	[sflag:s3] =	ssyncadd.s32 $0xFFFFC000  }
0x6d: {  	[tilespmem:s7], [sflag:$0x4] =	stream.indirect.gather [hbm4b:s9+s11], $0x80, s21, s11, $0xb8;
	[tilespmem:$0x10800] =	vst v63  }
0x6e: {  	_ =	swait.ge [sflag:s14], $0x4000  }
0x6f: {  	[sflag:s14] =	ssyncset.done $0x0  }
0x70: {  	s0 =	rddreg [dreg:$0xc];
	[sflag:s14] =	ssyncadd.s32 $0xFFFFC000  }
0x71: {  	[hbm4b:s0+s2] =	stream.linear.scatter [tilespmem:s10], [sflag:$0x6], $0x4000, $0x38;
	[tilespmem:$0x10800] =	vst v63  }
0x72: {  	_ =	swait.ge [sflag:s4], $0x4000  }
0x73: {  	[sflag:s4] =	ssyncset.done $0x0  }
0x74: {  	[sflag:s4] =	ssyncadd.s32 $0xFFFFC000  }
0x75: {  	[tilespmem:s15], [sflag:$0x1] =	stream.indirect.gather [hbm4b:s9+s11], $0x80, s20, s11, $0xb8;
	[tilespmem:$0x10800] =	vst v63  }
0x76: {  	_ =	swait.ge [sflag:s13], $0x4000  }
0x77: {  	[sflag:s13] =	ssyncset.done $0x0  }
0x78: {  	s0 =	rddreg [dreg:$0xd];
	[sflag:s13] =	ssyncadd.s32 $0xFFFFC000  }
0x79: {  	[hbm4b:s0+s2] =	stream.linear.scatter [tilespmem:s8], [sflag:$0x7], $0x4000, $0x38;
	[tilespmem:$0x10800] =	vst v63  }
0x7a: {  	_ =	swait.ge [sflag:s5], $0x4000  }
0x7b: {  	[sflag:s5] =	ssyncset.done $0x0  }
0x7c: {  	[sflag:s5] =	ssyncadd.s32 $0xFFFFC000  }
0x7d: {  	[tilespmem:s10], [sflag:$0x2] =	stream.indirect.gather [hbm4b:s9+s11], $0x80, s19, s11, $0xb8;
	[tilespmem:$0x10800] =	vst v63  }
0x7e: {  	_ =	swait.ge [sflag:s12], $0x4000  }
0x7f: {  	[sflag:s12] =	ssyncset.done $0x0  }
0x80: {  	s0 =	rddreg [dreg:$0xe];
	[sflag:s12] =	ssyncadd.s32 $0xFFFFC000  }
0x81: {  	[hbm4b:s0+s2] =	stream.linear.scatter [tilespmem:s7], [sflag:$0x8], $0x4000, $0x38;
	[tilespmem:$0x10800] =	vst v63  }
0x82: {  	_ =	swait.ge [sflag:s6], $0x4000  }
0x83: {  	[sflag:s6] =	ssyncset.done $0x0  }
0x84: {  	[sflag:s6] =	ssyncadd.s32 $0xFFFFC000  }
0x85: {  	[tilespmem:s8], [sflag:$0x3] =	stream.indirect.gather [hbm4b:s9+s11], $0x80, s18, s11, $0xb8;
	[tilespmem:$0x10800] =	vst v63  }
0x86: {  	_ =	swait.ge [sflag:s16], $0x4000  }
0x87: {  	[sflag:s16] =	ssyncset.done $0x0  }
0x88: {  	s0 =	rddreg [dreg:$0xf];
	[sflag:s16] =	ssyncadd.s32 $0xFFFFC000  }
0x89: {  	[hbm4b:s0+s2] =	stream.linear.scatter [tilespmem:s15], [sflag:$0x5], $0x4000, $0x38;
	[tilespmem:$0x10800] =	vst v63  }
0x8a: {  	_ =	swait.ge [sflag:s3], $0x4000  }
0x8b: {  	[sflag:s3] =	ssyncset.done $0x0  }
0x8c: {  	[sflag:s3] =	ssyncadd.s32 $0xFFFFC000  }
0x8d: {  	[tilespmem:s7], [sflag:$0x4] =	stream.indirect.gather [hbm4b:s9+s11], $0x80, s17, s11, $0xb8;
	[tilespmem:$0x10800] =	vst v63  }
0x8e: {  	_ =	swait.ge [sflag:s14], $0x4000  }
0x8f: {  	[sflag:s14] =	ssyncset.done $0x0  }
0x90: {  	s0 =	rddreg [dreg:$0x10];
	[sflag:s14] =	ssyncadd.s32 $0xFFFFC000  }
0x91: {  	[hbm4b:s0+s2] =	stream.linear.scatter [tilespmem:s10], [sflag:$0x6], $0x4000, $0x38;
	[tilespmem:$0x10800] =	vst v63  }
0x92: {  	_ =	swait.ge [sflag:s13], $0x4000  }
0x93: {  	[sflag:s13] =	ssyncset.done $0x0  }
0x94: {  	s0 =	rddreg [dreg:$0x11];
	[sflag:s13] =	ssyncadd.s32 $0xFFFFC000  }
0x95: {  	[hbm4b:s0+s2] =	stream.linear.scatter [tilespmem:s8], [sflag:$0x7], $0x4000, $0x38;
	[tilespmem:$0x10800] =	vst v63  }
0x96: {  	_ =	swait.ge [sflag:s12], $0x4000  }
0x97: {  	[sflag:s12] =	ssyncset.done $0x0  }
0x98: {  	s0 =	rddreg [dreg:$0x12];
	[sflag:s12] =	ssyncadd.s32 $0xFFFFC000  }
0x99: {  	[hbm4b:s0+s2] =	stream.linear.scatter [tilespmem:s7], [sflag:$0x8], $0x4000, $0x38;
	[tilespmem:$0x10800] =	vst v63  }
0x9a: {  	_ =	swait.ge [sflag:s4], $0x4000  }
0x9b: {  	[sflag:s4] =	ssyncset.done $0x0  }
0x9c: {  	[sflag:s4] =	ssyncadd.s32 $0xFFFFC000  }
0x9d: {  	_ =	swait.ge [sflag:s5], $0x4000  }
0x9e: {  	[sflag:s5] =	ssyncset.done $0x0  }
0x9f: {  	p1 =	sne.s32 s1, $0x1;
	[sflag:s5] =	ssyncadd.s32 $0xFFFFC000  }
.Ltmp1:
0xa0: {  	_ =	swait.ge [sflag:s6], $0x4000;
	(pc) =	sbr.rel @!p1 .LBB2_3-.Ltmp1, $4  }
0xa1: {  	[sflag:s6] =	ssyncset.done $0x0  }
0xa2: {  	[sflag:s6] =	ssyncadd.s32 $0xFFFFC000  }
0xa3: {  	s1 =	sadd.s32 $0xFFFFFFFF, s1;
	_ =	swait.ge [sflag:s3], $0x4000  }
0xa4: {  	p0 =	por $0x1, $0x1;
	s0 =	rddreg [dreg:$0x2];
	[sflag:s3] =	ssyncset.done $0x0  }
.LBB2_2:
0xa5: {  	[sflag:s3] =	ssyncadd.s32 $0xFFFFC000  }
0xa6: {  	[tilespmem:s2], [sflag:$0x9] =	stream.linear.gather [hbm4b:s0+s2], $0x800, $0x38;
	[tilespmem:$0x10800] =	vst v63  }
0xa7: {  	_ =	swait.ge [sflag:s31], $0x800  }
0xa8: {  	[sflag:s31] =	ssyncset.done $0x0  }
0xa9: {  	[sflag:s31] =	ssyncadd.s32 $0xFFFFF800  }
0xaa: {  	[tilespmem:s15], [sflag:$0x1] =	stream.indirect.gather [hbm4b:s9+s11], $0x80, s2, s11, $0xb8;
	[tilespmem:$0x10800] =	vst v63  }
0xab: {  	_ = 	snop  }
0xac: {  	[tilespmem:s10], [sflag:$0x2] =	stream.indirect.gather [hbm4b:s9+s11], $0x80, s11, s11, $0xb8;
	[tilespmem:$0x10800] =	vst v63  }
0xad: {  	s0 =	rddreg [dreg:$0x13]  }
0xae: {  	[tilespmem:s8], [sflag:$0x3] =	stream.indirect.gather [hbm4b:s9+s11], $0x80, s0, s11, $0xb8;
	[tilespmem:$0x10800] =	vst v63  }
0xaf: {  	_ =	swait.ge [sflag:s16], $0x4000  }
0xb0: {  	[sflag:s16] =	ssyncset.done $0x0  }
0xb1: {  	s0 =	rddreg [dreg:$0x3];
	[sflag:s16] =	ssyncadd.s32 $0xFFFFC000  }
0xb2: {  	[hbm4b:s0+s2] =	stream.linear.scatter [tilespmem:s15], [sflag:$0x5], $0x4000, $0x38;
	[tilespmem:$0x10800] =	vst v63  }
0xb3: {  	_ = 	snop  }
0xb4: {  	[tilespmem:s7], [sflag:$0x4] =	stream.indirect.gather [hbm4b:s9+s11], $0x80, s30, s11, $0xb8;
	[tilespmem:$0x10800] =	vst v63  }
0xb5: {  	_ =	swait.ge [sflag:s14], $0x4000  }
0xb6: {  	[sflag:s14] =	ssyncset.done $0x0  }
0xb7: {  	s0 =	rddreg [dreg:$0x4];
	[sflag:s14] =	ssyncadd.s32 $0xFFFFC000  }
0xb8: {  	[hbm4b:s0+s2] =	stream.linear.scatter [tilespmem:s10], [sflag:$0x6], $0x4000, $0x38;
	[tilespmem:$0x10800] =	vst v63  }
0xb9: {  	_ =	swait.ge [sflag:s4], $0x4000  }
0xba: {  	[sflag:s4] =	ssyncset.done $0x0  }
0xbb: {  	[sflag:s4] =	ssyncadd.s32 $0xFFFFC000  }
0xbc: {  	[tilespmem:s15], [sflag:$0x1] =	stream.indirect.gather [hbm4b:s9+s11], $0x80, s29, s11, $0xb8;
	[tilespmem:$0x10800] =	vst v63  }
0xbd: {  	_ =	swait.ge [sflag:s13], $0x4000  }
0xbe: {  	[sflag:s13] =	ssyncset.done $0x0  }
0xbf: {  	s0 =	rddreg [dreg:$0x5];
	[sflag:s13] =	ssyncadd.s32 $0xFFFFC000  }
0xc0: {  	[hbm4b:s0+s2] =	stream.linear.scatter [tilespmem:s8], [sflag:$0x7], $0x4000, $0x38;
	[tilespmem:$0x10800] =	vst v63  }
0xc1: {  	_ =	swait.ge [sflag:s5], $0x4000  }
0xc2: {  	[sflag:s5] =	ssyncset.done $0x0  }
0xc3: {  	[sflag:s5] =	ssyncadd.s32 $0xFFFFC000  }
0xc4: {  	[tilespmem:s10], [sflag:$0x2] =	stream.indirect.gather [hbm4b:s9+s11], $0x80, s28, s11, $0xb8;
	[tilespmem:$0x10800] =	vst v63  }
0xc5: {  	_ =	swait.ge [sflag:s12], $0x4000  }
0xc6: {  	[sflag:s12] =	ssyncset.done $0x0  }
0xc7: {  	s0 =	rddreg [dreg:$0x6];
	[sflag:s12] =	ssyncadd.s32 $0xFFFFC000  }
0xc8: {  	[hbm4b:s0+s2] =	stream.linear.scatter [tilespmem:s7], [sflag:$0x8], $0x4000, $0x38;
	[tilespmem:$0x10800] =	vst v63  }
0xc9: {  	_ =	swait.ge [sflag:s6], $0x4000  }
0xca: {  	[sflag:s6] =	ssyncset.done $0x0  }
0xcb: {  	[sflag:s6] =	ssyncadd.s32 $0xFFFFC000  }
0xcc: {  	[tilespmem:s8], [sflag:$0x3] =	stream.indirect.gather [hbm4b:s9+s11], $0x80, s26, s11, $0xb8;
	[tilespmem:$0x10800] =	vst v63  }
0xcd: {  	_ =	swait.ge [sflag:s16], $0x4000  }
0xce: {  	[sflag:s16] =	ssyncset.done $0x0  }
0xcf: {  	s0 =	rddreg [dreg:$0x7];
	[sflag:s16] =	ssyncadd.s32 $0xFFFFC000  }
0xd0: {  	[hbm4b:s0+s2] =	stream.linear.scatter [tilespmem:s15], [sflag:$0x5], $0x4000, $0x38;
	[tilespmem:$0x10800] =	vst v63  }
0xd1: {  	_ =	swait.ge [sflag:s3], $0x4000  }
0xd2: {  	[sflag:s3] =	ssyncset.done $0x0  }
0xd3: {  	[sflag:s3] =	ssyncadd.s32 $0xFFFFC000  }
0xd4: {  	[tilespmem:s7], [sflag:$0x4] =	stream.indirect.gather [hbm4b:s9+s11], $0x80, s25, s11, $0xb8;
	[tilespmem:$0x10800] =	vst v63  }
0xd5: {  	_ =	swait.ge [sflag:s14], $0x4000  }
0xd6: {  	[sflag:s14] =	ssyncset.done $0x0  }
0xd7: {  	s0 =	rddreg [dreg:$0x8];
	[sflag:s14] =	ssyncadd.s32 $0xFFFFC000  }
0xd8: {  	[hbm4b:s0+s2] =	stream.linear.scatter [tilespmem:s10], [sflag:$0x6], $0x4000, $0x38;
	[tilespmem:$0x10800] =	vst v63  }
0xd9: {  	_ =	swait.ge [sflag:s4], $0x4000  }
0xda: {  	[sflag:s4] =	ssyncset.done $0x0  }
0xdb: {  	[sflag:s4] =	ssyncadd.s32 $0xFFFFC000  }
0xdc: {  	[tilespmem:s15], [sflag:$0x1] =	stream.indirect.gather [hbm4b:s9+s11], $0x80, s24, s11, $0xb8;
	[tilespmem:$0x10800] =	vst v63  }
0xdd: {  	_ =	swait.ge [sflag:s13], $0x4000  }
0xde: {  	[sflag:s13] =	ssyncset.done $0x0  }
0xdf: {  	s0 =	rddreg [dreg:$0x9];
	[sflag:s13] =	ssyncadd.s32 $0xFFFFC000  }
0xe0: {  	[hbm4b:s0+s2] =	stream.linear.scatter [tilespmem:s8], [sflag:$0x7], $0x4000, $0x38;
	[tilespmem:$0x10800] =	vst v63  }
0xe1: {  	_ =	swait.ge [sflag:s5], $0x4000  }
0xe2: {  	[sflag:s5] =	ssyncset.done $0x0  }
0xe3: {  	[sflag:s5] =	ssyncadd.s32 $0xFFFFC000  }
0xe4: {  	[tilespmem:s10], [sflag:$0x2] =	stream.indirect.gather [hbm4b:s9+s11], $0x80, s23, s11, $0xb8;
	[tilespmem:$0x10800] =	vst v63  }
0xe5: {  	_ =	swait.ge [sflag:s12], $0x4000  }
0xe6: {  	[sflag:s12] =	ssyncset.done $0x0  }
0xe7: {  	s0 =	rddreg [dreg:$0xa];
	[sflag:s12] =	ssyncadd.s32 $0xFFFFC000  }
0xe8: {  	[hbm4b:s0+s2] =	stream.linear.scatter [tilespmem:s7], [sflag:$0x8], $0x4000, $0x38;
	[tilespmem:$0x10800] =	vst v63  }
0xe9: {  	_ =	swait.ge [sflag:s6], $0x4000  }
0xea: {  	[sflag:s6] =	ssyncset.done $0x0  }
0xeb: {  	[sflag:s6] =	ssyncadd.s32 $0xFFFFC000  }
0xec: {  	[tilespmem:s8], [sflag:$0x3] =	stream.indirect.gather [hbm4b:s9+s11], $0x80, s22, s11, $0xb8;
	[tilespmem:$0x10800] =	vst v63  }
0xed: {  	_ =	swait.ge [sflag:s16], $0x4000  }
0xee: {  	[sflag:s16] =	ssyncset.done $0x0  }
0xef: {  	s0 =	rddreg [dreg:$0xb];
	[sflag:s16] =	ssyncadd.s32 $0xFFFFC000  }
0xf0: {  	[hbm4b:s0+s2] =	stream.linear.scatter [tilespmem:s15], [sflag:$0x5], $0x4000, $0x38;
	[tilespmem:$0x10800] =	vst v63  }
0xf1: {  	_ =	swait.ge [sflag:s3], $0x4000  }
0xf2: {  	[sflag:s3] =	ssyncset.done $0x0  }
0xf3: {  	[sflag:s3] =	ssyncadd.s32 $0xFFFFC000  }
0xf4: {  	[tilespmem:s7], [sflag:$0x4] =	stream.indirect.gather [hbm4b:s9+s11], $0x80, s21, s11, $0xb8;
	[tilespmem:$0x10800] =	vst v63  }
0xf5: {  	_ =	swait.ge [sflag:s14], $0x4000  }
0xf6: {  	[sflag:s14] =	ssyncset.done $0x0  }
0xf7: {  	s0 =	rddreg [dreg:$0xc];
	[sflag:s14] =	ssyncadd.s32 $0xFFFFC000  }
0xf8: {  	[hbm4b:s0+s2] =	stream.linear.scatter [tilespmem:s10], [sflag:$0x6], $0x4000, $0x38;
	[tilespmem:$0x10800] =	vst v63  }
0xf9: {  	_ =	swait.ge [sflag:s4], $0x4000  }
0xfa: {  	[sflag:s4] =	ssyncset.done $0x0  }
0xfb: {  	[sflag:s4] =	ssyncadd.s32 $0xFFFFC000  }
0xfc: {  	[tilespmem:s15], [sflag:$0x1] =	stream.indirect.gather [hbm4b:s9+s11], $0x80, s20, s11, $0xb8;
	[tilespmem:$0x10800] =	vst v63  }
0xfd: {  	_ =	swait.ge [sflag:s13], $0x4000  }
0xfe: {  	[sflag:s13] =	ssyncset.done $0x0  }
0xff: {  	s0 =	rddreg [dreg:$0xd];
	[sflag:s13] =	ssyncadd.s32 $0xFFFFC000  }
0x100: {  	[hbm4b:s0+s2] =	stream.linear.scatter [tilespmem:s8], [sflag:$0x7], $0x4000, $0x38;
	[tilespmem:$0x10800] =	vst v63  }
0x101: {  	_ =	swait.ge [sflag:s5], $0x4000  }
0x102: {  	[sflag:s5] =	ssyncset.done $0x0  }
0x103: {  	[sflag:s5] =	ssyncadd.s32 $0xFFFFC000  }
0x104: {  	[tilespmem:s10], [sflag:$0x2] =	stream.indirect.gather [hbm4b:s9+s11], $0x80, s19, s11, $0xb8;
	[tilespmem:$0x10800] =	vst v63  }
0x105: {  	_ =	swait.ge [sflag:s12], $0x4000  }
0x106: {  	[sflag:s12] =	ssyncset.done $0x0  }
0x107: {  	s0 =	rddreg [dreg:$0xe];
	[sflag:s12] =	ssyncadd.s32 $0xFFFFC000  }
0x108: {  	[hbm4b:s0+s2] =	stream.linear.scatter [tilespmem:s7], [sflag:$0x8], $0x4000, $0x38;
	[tilespmem:$0x10800] =	vst v63  }
0x109: {  	_ =	swait.ge [sflag:s6], $0x4000  }
0x10a: {  	[sflag:s6] =	ssyncset.done $0x0  }
0x10b: {  	[sflag:s6] =	ssyncadd.s32 $0xFFFFC000  }
0x10c: {  	[tilespmem:s8], [sflag:$0x3] =	stream.indirect.gather [hbm4b:s9+s11], $0x80, s18, s11, $0xb8;
	[tilespmem:$0x10800] =	vst v63  }
0x10d: {  	_ =	swait.ge [sflag:s16], $0x4000  }
0x10e: {  	[sflag:s16] =	ssyncset.done $0x0  }
0x10f: {  	s0 =	rddreg [dreg:$0xf];
	[sflag:s16] =	ssyncadd.s32 $0xFFFFC000  }
0x110: {  	[hbm4b:s0+s2] =	stream.linear.scatter [tilespmem:s15], [sflag:$0x5], $0x4000, $0x38;
	[tilespmem:$0x10800] =	vst v63  }
0x111: {  	_ =	swait.ge [sflag:s3], $0x4000  }
0x112: {  	[sflag:s3] =	ssyncset.done $0x0  }
0x113: {  	[sflag:s3] =	ssyncadd.s32 $0xFFFFC000  }
0x114: {  	[tilespmem:s7], [sflag:$0x4] =	stream.indirect.gather [hbm4b:s9+s11], $0x80, s17, s11, $0xb8;
	[tilespmem:$0x10800] =	vst v63  }
0x115: {  	_ =	swait.ge [sflag:s14], $0x4000  }
0x116: {  	[sflag:s14] =	ssyncset.done $0x0  }
0x117: {  	s0 =	rddreg [dreg:$0x10];
	[sflag:s14] =	ssyncadd.s32 $0xFFFFC000  }
0x118: {  	[hbm4b:s0+s2] =	stream.linear.scatter [tilespmem:s10], [sflag:$0x6], $0x4000, $0x38;
	[tilespmem:$0x10800] =	vst v63  }
0x119: {  	_ =	swait.ge [sflag:s13], $0x4000  }
0x11a: {  	[sflag:s13] =	ssyncset.done $0x0  }
0x11b: {  	s0 =	rddreg [dreg:$0x11];
	[sflag:s13] =	ssyncadd.s32 $0xFFFFC000  }
0x11c: {  	[hbm4b:s0+s2] =	stream.linear.scatter [tilespmem:s8], [sflag:$0x7], $0x4000, $0x38;
	[tilespmem:$0x10800] =	vst v63  }
0x11d: {  	_ =	swait.ge [sflag:s12], $0x4000  }
0x11e: {  	[sflag:s12] =	ssyncset.done $0x0  }
0x11f: {  	s0 =	rddreg [dreg:$0x12];
	[sflag:s12] =	ssyncadd.s32 $0xFFFFC000  }
0x120: {  	[hbm4b:s0+s2] =	stream.linear.scatter [tilespmem:s7], [sflag:$0x8], $0x4000, $0x38;
	[tilespmem:$0x10800] =	vst v63  }
0x121: {  	_ =	swait.ge [sflag:s4], $0x4000  }
0x122: {  	[sflag:s4] =	ssyncset.done $0x0  }
0x123: {  	[sflag:s4] =	ssyncadd.s32 $0xFFFFC000  }
0x124: {  	_ =	swait.ge [sflag:s5], $0x4000  }
0x125: {  	[sflag:s5] =	ssyncset.done $0x0  }
0x126: {  	p1 =	sne.s32 s1, $0x1;
	[sflag:s5] =	ssyncadd.s32 $0xFFFFC000  }
.Ltmp2:
0x127: {  	_ =	swait.ge [sflag:s6], $0x4000;
	(pc) =	sbr.rel @p1 .LBB2_2-.Ltmp2, $4  }
0x128: {  	[sflag:s6] =	ssyncset.done $0x0  }
0x129: {  	[sflag:s6] =	ssyncadd.s32 $0xFFFFC000  }
0x12a: {  	_ =	swait.ge [sflag:s3], $0x4000  }
0x12b: {  	s1 =	sadd.s32 $0xFFFFFFFF, s1;
	s0 =	rddreg [dreg:$0x2];
	[sflag:s3] =	ssyncset.done $0x0  }
.LBB2_3:
0x12c: {  	[sflag:s3] =	ssyncadd.s32 @p0 $0xFFFFC000  }
0x12d: {  	[tilespmem:s2], [sflag:$0x9] =	stream.linear.gather [hbm4b:s0+s2], $0x800, $0x38;
	[tilespmem:$0x10800] =	vst v63  }
0x12e: {  	_ =	swait.ge [sflag:s31], $0x800  }
0x12f: {  	[sflag:s31] =	ssyncset.done $0x0  }
0x130: {  	[sflag:s31] =	ssyncadd.s32 $0xFFFFF800  }
0x131: {  	[tilespmem:s15], [sflag:$0x1] =	stream.indirect.gather [hbm4b:s9+s11], $0x80, s2, s11, $0xb8;
	[tilespmem:$0x10800] =	vst v63  }
0x132: {  	_ = 	snop  }
0x133: {  	[tilespmem:s10], [sflag:$0x2] =	stream.indirect.gather [hbm4b:s9+s11], $0x80, s11, s11, $0xb8;
	[tilespmem:$0x10800] =	vst v63  }
0x134: {  	s31 =	rddreg [dreg:$0x13]  }
0x135: {  	[tilespmem:s8], [sflag:$0x3] =	stream.indirect.gather [hbm4b:s9+s11], $0x80, s31, s11, $0xb8;
	[tilespmem:$0x10800] =	vst v63  }
0x136: {  	_ =	swait.ge [sflag:s16], $0x4000  }
0x137: {  	[sflag:s16] =	ssyncset.done $0x0  }
0x138: {  	s1 =	rddreg [dreg:$0x3];
	[sflag:s16] =	ssyncadd.s32 $0xFFFFC000  }
0x139: {  	[hbm4b:s1+s2] =	stream.linear.scatter [tilespmem:s15], [sflag:$0x5], $0x4000, $0x38;
	[tilespmem:$0x10800] =	vst v63  }
0x13a: {  	_ = 	snop  }
0x13b: {  	[tilespmem:s7], [sflag:$0x4] =	stream.indirect.gather [hbm4b:s9+s11], $0x80, s30, s11, $0xb8;
	[tilespmem:$0x10800] =	vst v63  }
0x13c: {  	_ =	swait.ge [sflag:s14], $0x4000  }
0x13d: {  	[sflag:s14] =	ssyncset.done $0x0  }
0x13e: {  	s31 =	rddreg [dreg:$0x4];
	[sflag:s14] =	ssyncadd.s32 $0xFFFFC000  }
0x13f: {  	[hbm4b:s31+s2] =	stream.linear.scatter [tilespmem:s10], [sflag:$0x6], $0x4000, $0x38;
	[tilespmem:$0x10800] =	vst v63  }
0x140: {  	_ =	swait.ge [sflag:s4], $0x4000  }
0x141: {  	[sflag:s4] =	ssyncset.done $0x0  }
0x142: {  	[sflag:s4] =	ssyncadd.s32 $0xFFFFC000  }
0x143: {  	[tilespmem:s15], [sflag:$0x1] =	stream.indirect.gather [hbm4b:s9+s11], $0x80, s29, s11, $0xb8;
	[tilespmem:$0x10800] =	vst v63  }
0x144: {  	_ =	swait.ge [sflag:s13], $0x4000  }
0x145: {  	[sflag:s13] =	ssyncset.done $0x0  }
0x146: {  	s1 =	rddreg [dreg:$0x5];
	[sflag:s13] =	ssyncadd.s32 $0xFFFFC000  }
0x147: {  	[hbm4b:s1+s2] =	stream.linear.scatter [tilespmem:s8], [sflag:$0x7], $0x4000, $0x38;
	[tilespmem:$0x10800] =	vst v63  }
0x148: {  	_ =	swait.ge [sflag:s5], $0x4000  }
0x149: {  	[sflag:s5] =	ssyncset.done $0x0  }
0x14a: {  	[sflag:s5] =	ssyncadd.s32 $0xFFFFC000  }
0x14b: {  	[tilespmem:s10], [sflag:$0x2] =	stream.indirect.gather [hbm4b:s9+s11], $0x80, s28, s11, $0xb8;
	[tilespmem:$0x10800] =	vst v63  }
0x14c: {  	_ =	swait.ge [sflag:s12], $0x4000  }
0x14d: {  	[sflag:s12] =	ssyncset.done $0x0  }
0x14e: {  	s28 =	rddreg [dreg:$0x6];
	[sflag:s12] =	ssyncadd.s32 $0xFFFFC000  }
0x14f: {  	[hbm4b:s28+s2] =	stream.linear.scatter [tilespmem:s7], [sflag:$0x8], $0x4000, $0x38;
	[tilespmem:$0x10800] =	vst v63  }
0x150: {  	_ =	swait.ge [sflag:s6], $0x4000  }
0x151: {  	[sflag:s6] =	ssyncset.done $0x0  }
0x152: {  	[sflag:s6] =	ssyncadd.s32 $0xFFFFC000  }
0x153: {  	[tilespmem:s8], [sflag:$0x3] =	stream.indirect.gather [hbm4b:s9+s11], $0x80, s26, s11, $0xb8;
	[tilespmem:$0x10800] =	vst v63  }
0x154: {  	_ =	swait.ge [sflag:s16], $0x4000  }
0x155: {  	[sflag:s16] =	ssyncset.done $0x0  }
0x156: {  	s29 =	rddreg [dreg:$0x7];
	[sflag:s16] =	ssyncadd.s32 $0xFFFFC000  }
0x157: {  	[hbm4b:s29+s2] =	stream.linear.scatter [tilespmem:s15], [sflag:$0x5], $0x4000, $0x38;
	[tilespmem:$0x10800] =	vst v63  }
0x158: {  	_ =	swait.ge [sflag:s3], $0x4000  }
0x159: {  	[sflag:s3] =	ssyncset.done $0x0  }
0x15a: {  	[sflag:s3] =	ssyncadd.s32 $0xFFFFC000  }
0x15b: {  	[tilespmem:s7], [sflag:$0x4] =	stream.indirect.gather [hbm4b:s9+s11], $0x80, s25, s11, $0xb8;
	[tilespmem:$0x10800] =	vst v63  }
0x15c: {  	_ =	swait.ge [sflag:s14], $0x4000  }
0x15d: {  	[sflag:s14] =	ssyncset.done $0x0  }
0x15e: {  	s30 =	rddreg [dreg:$0x8];
	[sflag:s14] =	ssyncadd.s32 $0xFFFFC000  }
0x15f: {  	[hbm4b:s30+s2] =	stream.linear.scatter [tilespmem:s10], [sflag:$0x6], $0x4000, $0x38;
	[tilespmem:$0x10800] =	vst v63  }
0x160: {  	_ =	swait.ge [sflag:s4], $0x4000  }
0x161: {  	[sflag:s4] =	ssyncset.done $0x0  }
0x162: {  	[sflag:s4] =	ssyncadd.s32 $0xFFFFC000  }
0x163: {  	[tilespmem:s15], [sflag:$0x1] =	stream.indirect.gather [hbm4b:s9+s11], $0x80, s24, s11, $0xb8;
	[tilespmem:$0x10800] =	vst v63  }
0x164: {  	_ =	swait.ge [sflag:s13], $0x4000  }
0x165: {  	[sflag:s13] =	ssyncset.done $0x0  }
0x166: {  	s31 =	rddreg [dreg:$0x9];
	[sflag:s13] =	ssyncadd.s32 $0xFFFFC000  }
0x167: {  	[hbm4b:s31+s2] =	stream.linear.scatter [tilespmem:s8], [sflag:$0x7], $0x4000, $0x38;
	[tilespmem:$0x10800] =	vst v63  }
0x168: {  	_ =	swait.ge [sflag:s5], $0x4000  }
0x169: {  	[sflag:s5] =	ssyncset.done $0x0  }
0x16a: {  	[sflag:s5] =	ssyncadd.s32 $0xFFFFC000  }
0x16b: {  	[tilespmem:s10], [sflag:$0x2] =	stream.indirect.gather [hbm4b:s9+s11], $0x80, s23, s11, $0xb8;
	[tilespmem:$0x10800] =	vst v63  }
0x16c: {  	_ =	swait.ge [sflag:s12], $0x4000  }
0x16d: {  	[sflag:s12] =	ssyncset.done $0x0  }
0x16e: {  	s1 =	rddreg [dreg:$0xa];
	[sflag:s12] =	ssyncadd.s32 $0xFFFFC000  }
0x16f: {  	[hbm4b:s1+s2] =	stream.linear.scatter [tilespmem:s7], [sflag:$0x8], $0x4000, $0x38;
	[tilespmem:$0x10800] =	vst v63  }
0x170: {  	_ =	swait.ge [sflag:s6], $0x4000  }
0x171: {  	[sflag:s6] =	ssyncset.done $0x0  }
0x172: {  	[sflag:s6] =	ssyncadd.s32 $0xFFFFC000  }
0x173: {  	[tilespmem:s8], [sflag:$0x3] =	stream.indirect.gather [hbm4b:s9+s11], $0x80, s22, s11, $0xb8;
	[tilespmem:$0x10800] =	vst v63  }
0x174: {  	_ =	swait.ge [sflag:s16], $0x4000  }
0x175: {  	[sflag:s16] =	ssyncset.done $0x0  }
0x176: {  	s22 =	rddreg [dreg:$0xb];
	[sflag:s16] =	ssyncadd.s32 $0xFFFFC000  }
0x177: {  	[hbm4b:s22+s2] =	stream.linear.scatter [tilespmem:s15], [sflag:$0x5], $0x4000, $0x38;
	[tilespmem:$0x10800] =	vst v63  }
0x178: {  	_ =	swait.ge [sflag:s3], $0x4000  }
0x179: {  	[sflag:s3] =	ssyncset.done $0x0  }
0x17a: {  	[sflag:s3] =	ssyncadd.s32 $0xFFFFC000  }
0x17b: {  	[tilespmem:s7], [sflag:$0x4] =	stream.indirect.gather [hbm4b:s9+s11], $0x80, s21, s11, $0xb8;
	[tilespmem:$0x10800] =	vst v63  }
0x17c: {  	_ =	swait.ge [sflag:s14], $0x4000  }
0x17d: {  	[sflag:s14] =	ssyncset.done $0x0  }
0x17e: {  	s23 =	rddreg [dreg:$0xc];
	[sflag:s14] =	ssyncadd.s32 $0xFFFFC000  }
0x17f: {  	[hbm4b:s23+s2] =	stream.linear.scatter [tilespmem:s10], [sflag:$0x6], $0x4000, $0x38;
	[tilespmem:$0x10800] =	vst v63  }
0x180: {  	_ =	swait.ge [sflag:s4], $0x4000  }
0x181: {  	[sflag:s4] =	ssyncset.done $0x0  }
0x182: {  	[sflag:s4] =	ssyncadd.s32 $0xFFFFC000  }
0x183: {  	[tilespmem:s15], [sflag:$0x1] =	stream.indirect.gather [hbm4b:s9+s11], $0x80, s20, s11, $0xb8;
	[tilespmem:$0x10800] =	vst v63  }
0x184: {  	_ =	swait.ge [sflag:s13], $0x4000  }
0x185: {  	[sflag:s13] =	ssyncset.done $0x0  }
0x186: {  	s24 =	rddreg [dreg:$0xd];
	[sflag:s13] =	ssyncadd.s32 $0xFFFFC000  }
0x187: {  	[hbm4b:s24+s2] =	stream.linear.scatter [tilespmem:s8], [sflag:$0x7], $0x4000, $0x38;
	[tilespmem:$0x10800] =	vst v63  }
0x188: {  	_ =	swait.ge [sflag:s5], $0x4000  }
0x189: {  	[sflag:s5] =	ssyncset.done $0x0  }
0x18a: {  	[sflag:s5] =	ssyncadd.s32 $0xFFFFC000  }
0x18b: {  	[tilespmem:s10], [sflag:$0x2] =	stream.indirect.gather [hbm4b:s9+s11], $0x80, s19, s11, $0xb8;
	[tilespmem:$0x10800] =	vst v63  }
0x18c: {  	_ =	swait.ge [sflag:s12], $0x4000  }
0x18d: {  	[sflag:s12] =	ssyncset.done $0x0  }
0x18e: {  	s25 =	rddreg [dreg:$0xe];
	[sflag:s12] =	ssyncadd.s32 $0xFFFFC000  }
0x18f: {  	[hbm4b:s25+s2] =	stream.linear.scatter [tilespmem:s7], [sflag:$0x8], $0x4000, $0x38;
	[tilespmem:$0x10800] =	vst v63  }
0x190: {  	_ =	swait.ge [sflag:s6], $0x4000  }
0x191: {  	[sflag:s6] =	ssyncset.done $0x0  }
0x192: {  	[sflag:s6] =	ssyncadd.s32 $0xFFFFC000  }
0x193: {  	[tilespmem:s8], [sflag:$0x3] =	stream.indirect.gather [hbm4b:s9+s11], $0x80, s18, s11, $0xb8;
	[tilespmem:$0x10800] =	vst v63  }
0x194: {  	_ =	swait.ge [sflag:s16], $0x4000  }
0x195: {  	[sflag:s16] =	ssyncset.done $0x0  }
0x196: {  	s26 =	rddreg [dreg:$0xf];
	[sflag:s16] =	ssyncadd.s32 $0xFFFFC000  }
0x197: {  	[hbm4b:s26+s2] =	stream.linear.scatter [tilespmem:s15], [sflag:$0x5], $0x4000, $0x38;
	[tilespmem:$0x10800] =	vst v63  }
0x198: {  	_ =	swait.ge [sflag:s3], $0x4000  }
0x199: {  	[sflag:s3] =	ssyncset.done $0x0  }
0x19a: {  	[sflag:s3] =	ssyncadd.s32 $0xFFFFC000  }
0x19b: {  	[tilespmem:s7], [sflag:$0x4] =	stream.indirect.gather [hbm4b:s9+s11], $0x80, s17, s11, $0xb8;
	[tilespmem:$0x10800] =	vst v63  }
0x19c: {  	_ =	swait.ge [sflag:s14], $0x4000  }
0x19d: {  	[sflag:s14] =	ssyncset.done $0x0  }
0x19e: {  	s28 =	rddreg [dreg:$0x10];
	[sflag:s14] =	ssyncadd.s32 $0xFFFFC000  }
0x19f: {  	[hbm4b:s28+s2] =	stream.linear.scatter [tilespmem:s10], [sflag:$0x6], $0x4000, $0x38;
	[tilespmem:$0x10800] =	vst v63  }
0x1a0: {  	_ =	swait.ge [sflag:s13], $0x4000  }
0x1a1: {  	[sflag:s13] =	ssyncset.done $0x0  }
0x1a2: {  	s29 =	rddreg [dreg:$0x11];
	[sflag:s13] =	ssyncadd.s32 $0xFFFFC000  }
0x1a3: {  	[hbm4b:s29+s2] =	stream.linear.scatter [tilespmem:s8], [sflag:$0x7], $0x4000, $0x38;
	[tilespmem:$0x10800] =	vst v63  }
0x1a4: {  	_ =	swait.ge [sflag:s12], $0x4000  }
0x1a5: {  	[sflag:s12] =	ssyncset.done $0x0  }
0x1a6: {  	s30 =	rddreg [dreg:$0x12];
	[sflag:s12] =	ssyncadd.s32 $0xFFFFC000  }
0x1a7: {  	[hbm4b:s30+s2] =	stream.linear.scatter [tilespmem:s7], [sflag:$0x8], $0x4000, $0x38;
	[tilespmem:$0x10800] =	vst v63  }
0x1a8: {  	_ =	swait.ge [sflag:s4], $0x4000  }
0x1a9: {  	[sflag:s4] =	ssyncset.done $0x0  }
0x1aa: {  	[sflag:s4] =	ssyncadd.s32 $0xFFFFC000  }
0x1ab: {  	_ =	swait.ge [sflag:s5], $0x4000  }
0x1ac: {  	[sflag:s5] =	ssyncset.done $0x0  }
0x1ad: {  	[sflag:s5] =	ssyncadd.s32 $0xFFFFC000  }
0x1ae: {  	_ =	swait.ge [sflag:s6], $0x4000  }
0x1af: {  	[sflag:s6] =	ssyncset.done $0x0  }
0x1b0: {  	[sflag:s6] =	ssyncadd.s32 $0xFFFFC000  }
0x1b1: {  	_ =	swait.ge [sflag:s3], $0x4000  }
0x1b2: {  	[sflag:s3] =	ssyncset.done $0x0  }
0x1b3: {  	[sflag:s3] =	ssyncadd.s32 $0xFFFFC000  }
0x1b4: {  	_ =	sfence.sel $0x180000  }
0x1b5: {  	[bflag:$0x0] =	sbarrier.arrive $0xFFFF  }
0x1b6: {  	_ =	strace $0x9000004D  }
0x1b7: {  	s31 =	stileid.u32;
	[bflag:$0x2] =	sbarrier.arrive $0xFFFF  }
0x1b8: {  	p0 =	sne.s32 s31, $0x0;
	s0 =	rddreg [dreg:$0x1]  }
0x1b9: {  	s0 =	sadd.s32 @!p0 $0x100000, s0  }
0x1ba: {  	[sflag:s0] =	ssyncadd.tile.s32 @!p0 $0x1;
	_ =	shalt  }
.Lfunc_end2:
_tile_overlayer_lowered:
.L_overlay_start_2:
0x1bb: {  	(tag) =	ssettag $0x2  }
0x1bc: {  	s0 =	rddreg [dreg:$0x0];
	s2 =	stileid.u32  }
0x1bd: {  	s1 =	rddreg [dreg:$0x1];
	p0 =	sne.s32 s2, $0x0  }
0x1be: {  	s3 =	rddreg [dreg:$0x2];
	[bflag:$0x3] =	sbarrier.arrive $0xFFFF;
	s2 =	simm.s32 @!p0 $0x1C09  }
0x1bf: {  	[timem:s3], [sflag:s2] =	dma.local @!p0 [hbm:s0], s1  }
0x1c0: {  	s0 =	simm.s32 @!p0 $0x9  }
0x1c1: {  	_ =	swait.ge @!p0 [sflag:s0], s1  }
0x1c2: {  	s1 =	ssub.s32 @!p0 $0x0, s1;
	[sflag:s0] =	ssyncset.done @!p0 $0x0  }
0x1c3: {  	[sflag:s0] =	ssyncadd.s32 @!p0 s1  }
0x1c4: {  	[bflag:$0x3] =	sbarrier.arrive $0xFFFF  }
0x1c5: {  	_ =	shalt  }

</sc_bundles>
